<compile_context>
chip_gen: v7x
topology: tpu7x:2x2x1
jax: 0.10.2.dev20260603
libtpu: 0.0.44.dev20260713+nightly
codegen_flags: <defaults>
</compile_context>

<pallas_src>
import functools

import jax
import jax.numpy as jnp
from jax import lax
from jax.experimental import pallas as pl
from jax.experimental.pallas import tpu as pltpu
from jax.experimental.pallas import tpu_sc as plsc

_TPB = 96
_NSUB = 16


@functools.lru_cache(maxsize=None)
def _make_segsum(n, nch, nb, ncall=None, chunk0=0):
    if ncall is None:
        ncall = nch
    r_slab = n + 112
    rpt = n // _NSUB
    n_it = ncall // 2
    mesh = plsc.VectorSubcoreMesh(core_axis_name="c", subcore_axis_name="s")

    nb2 = nb // 2
    assert nb2 * 2 == nb

    def body(h3, zeros, srcp, dstp, out, src_v, gidx_v, rows_a, rows_b,
             slab, sema, semb):
        cid = lax.axis_index("c")
        sid = lax.axis_index("s")
        pltpu.sync_copy(srcp.at[sid], src_v)
        pltpu.sync_copy(dstp.at[sid], gidx_v)

        def mk0(j, carry):
            for k in range(_TPB // 16):
                sl = pl.ds(k * 16, 16)
                gidx_v[j, sl] = gidx_v[j, sl] * nch + (chunk0 + cid * n_it)
            return carry

        lax.fori_loop(0, nb, mk0, 0)
        for it in range(n_it):
            if it > 0:
                def mk1(j, carry):
                    for k in range(_TPB // 16):
                        sl = pl.ds(k * 16, 16)
                        gidx_v[j, sl] = gidx_v[j, sl] + 1
                    return carry

                lax.fori_loop(0, nb, mk1, 0)
            chunk = cid * n_it + it
            pltpu.sync_copy(zeros, slab.at[pl.ds(sid * rpt, rpt)])
            plsc.subcore_barrier()

            pltpu.async_copy(h3.at[gidx_v.at[0]], rows_a, sema)

            def batch2(jj, carry):
                j0 = jj * 2
                j1 = j0 + 1
                pltpu.make_async_copy(h3.at[gidx_v.at[j0]], rows_a,
                                      sema).wait()
                pltpu.async_copy(h3.at[gidx_v.at[j1]], rows_b, semb)
                pltpu.sync_copy(rows_a, slab.at[src_v.at[j0]], add=True)
                pltpu.make_async_copy(h3.at[gidx_v.at[j1]], rows_b,
                                      semb).wait()

                @pl.when(jj + 1 < nb2)
                def _():
                    pltpu.async_copy(h3.at[gidx_v.at[j0 + 2]], rows_a, sema)

                pltpu.sync_copy(rows_b, slab.at[src_v.at[j1]], add=True)
                return carry

            lax.fori_loop(0, nb2, batch2, 0)
            plsc.subcore_barrier()
            pltpu.sync_copy(slab.at[pl.ds(sid * rpt, rpt)],
                            out.at[chunk, pl.ds(sid * rpt, rpt)])

    return pl.kernel(
        body,
        out_type=jax.ShapeDtypeStruct((ncall, n, 128), jnp.float32),
        mesh=mesh,
        compiler_params=pltpu.CompilerParams(use_tc_tiling_on_sc=False),
        scratch_types=[
            pltpu.VMEM((nb, _TPB), jnp.int32),
            pltpu.VMEM((nb, _TPB), jnp.int32),
            pltpu.VMEM((_TPB, 128), jnp.float32),
            pltpu.VMEM((_TPB, 128), jnp.float32),
            pltpu.VMEM_SHARED((r_slab, 128), jnp.float32),
            pltpu.SemaphoreType.DMA,
            pltpu.SemaphoreType.DMA,
        ],
    )


def _dot(a, b):
    return lax.dot_general(a, b, (((1,), (0,)), ((), ())),
                           preferred_element_type=jnp.float32)


@functools.lru_cache(maxsize=None)
def _make_mm_stats(nch, n, hid, rb):

    def kern(p_ref, h_ref, w_ref, b_ref, m_ref, st_ref):
        i = pl.program_id(0)
        acc = jnp.zeros((rb, hid), jnp.float32)
        for c in range(nch):
            acc = acc + _dot(p_ref[c] + h_ref[:, c * 128:(c + 1) * 128],
                             w_ref[c])
        m = acc + b_ref[...]
        m_ref[...] = m

        @pl.when(i == 0)
        def _():
            st_ref[...] = jnp.zeros_like(st_ref)

        st_ref[...] += jnp.concatenate(
            [jnp.sum(m, 0, keepdims=True), jnp.sum(m * m, 0, keepdims=True)], 0)

    return pl.pallas_call(
        kern,
        grid=(n // rb,),
        in_specs=[
            pl.BlockSpec((nch, rb, 128), lambda i: (0, i, 0)),
            pl.BlockSpec((rb, nch * 128), lambda i: (i, 0)),
            pl.BlockSpec((nch, 128, hid), lambda i: (0, 0, 0)),
            pl.BlockSpec((1, hid), lambda i: (0, 0)),
        ],
        out_specs=[
            pl.BlockSpec((rb, hid), lambda i: (i, 0)),
            pl.BlockSpec((2, hid), lambda i: (0, 0)),
        ],
        out_shape=[
            jax.ShapeDtypeStruct((n, hid), jnp.float32),
            jax.ShapeDtypeStruct((2, hid), jnp.float32),
        ],
    )


@functools.lru_cache(maxsize=None)
def _make_bn_mm(n, hid, rb):

    def kern(m_ref, st_ref, g_ref, bb_ref, w_ref, b2_ref, y_ref, yst_ref):
        i = pl.program_id(0)
        mean = st_ref[0:1] * (1.0 / n)
        var = st_ref[1:2] * (1.0 / n) - mean * mean
        scale = g_ref[...] * lax.rsqrt(var + 1e-5)
        t = jnp.maximum((m_ref[...] - mean) * scale + bb_ref[...], 0.0)
        y = _dot(t, w_ref[...]) + b2_ref[...]
        y_ref[...] = y

        @pl.when(i == 0)
        def _():
            yst_ref[...] = jnp.zeros_like(yst_ref)

        yst_ref[...] += jnp.concatenate(
            [jnp.sum(y, 0, keepdims=True), jnp.sum(y * y, 0, keepdims=True)], 0)

    return pl.pallas_call(
        kern,
        grid=(n // rb,),
        in_specs=[
            pl.BlockSpec((rb, hid), lambda i: (i, 0)),
            pl.BlockSpec((2, hid), lambda i: (0, 0)),
            pl.BlockSpec((1, hid), lambda i: (0, 0)),
            pl.BlockSpec((1, hid), lambda i: (0, 0)),
            pl.BlockSpec((hid, hid), lambda i: (0, 0)),
            pl.BlockSpec((1, hid), lambda i: (0, 0)),
        ],
        out_specs=[
            pl.BlockSpec((rb, hid), lambda i: (i, 0)),
            pl.BlockSpec((2, hid), lambda i: (0, 0)),
        ],
        out_shape=[
            jax.ShapeDtypeStruct((n, hid), jnp.float32),
            jax.ShapeDtypeStruct((2, hid), jnp.float32),
        ],
    )


@functools.lru_cache(maxsize=None)
def _make_bn_relu(n, hid, rb):

    def kern(y_ref, st_ref, g_ref, bb_ref, h_ref, hs_ref):
        i = pl.program_id(0)
        mean = st_ref[0:1] * (1.0 / n)
        var = st_ref[1:2] * (1.0 / n) - mean * mean
        scale = g_ref[...] * lax.rsqrt(var + 1e-5)
        h = jnp.maximum((y_ref[...] - mean) * scale + bb_ref[...], 0.0)
        h_ref[...] = h

        @pl.when(i == 0)
        def _():
            hs_ref[...] = jnp.zeros_like(hs_ref)

        hs_ref[...] += jnp.sum(h, 0, keepdims=True)

    return pl.pallas_call(
        kern,
        grid=(n // rb,),
        in_specs=[
            pl.BlockSpec((rb, hid), lambda i: (i, 0)),
            pl.BlockSpec((2, hid), lambda i: (0, 0)),
            pl.BlockSpec((1, hid), lambda i: (0, 0)),
            pl.BlockSpec((1, hid), lambda i: (0, 0)),
        ],
        out_specs=[
            pl.BlockSpec((rb, hid), lambda i: (i, 0)),
            pl.BlockSpec((1, hid), lambda i: (0, 0)),
        ],
        out_shape=[
            jax.ShapeDtypeStruct((n, hid), jnp.float32),
            jax.ShapeDtypeStruct((1, hid), jnp.float32),
        ],
    )


@functools.lru_cache(maxsize=None)
def _make_bn_sum(n, hid, rb):

    def kern(y_ref, st_ref, g_ref, bb_ref, hs_ref):
        i = pl.program_id(0)
        mean = st_ref[0:1] * (1.0 / n)
        var = st_ref[1:2] * (1.0 / n) - mean * mean
        scale = g_ref[...] * lax.rsqrt(var + 1e-5)
        h = jnp.maximum((y_ref[...] - mean) * scale + bb_ref[...], 0.0)

        @pl.when(i == 0)
        def _():
            hs_ref[...] = jnp.zeros_like(hs_ref)

        hs_ref[...] += jnp.sum(h, 0, keepdims=True)

    return pl.pallas_call(
        kern,
        grid=(n // rb,),
        in_specs=[
            pl.BlockSpec((rb, hid), lambda i: (i, 0)),
            pl.BlockSpec((2, hid), lambda i: (0, 0)),
            pl.BlockSpec((1, hid), lambda i: (0, 0)),
            pl.BlockSpec((1, hid), lambda i: (0, 0)),
        ],
        out_specs=pl.BlockSpec((1, hid), lambda i: (0, 0)),
        out_shape=jax.ShapeDtypeStruct((1, hid), jnp.float32),
    )


@functools.lru_cache(maxsize=None)
def _make_colsum(n, d, rb):
    def kern(x_ref, s_ref):
        i = pl.program_id(0)

        @pl.when(i == 0)
        def _():
            s_ref[...] = jnp.zeros_like(s_ref)

        s_ref[...] += jnp.sum(x_ref[...], 0, keepdims=True)

    return pl.pallas_call(
        kern,
        grid=(n // rb,),
        in_specs=[pl.BlockSpec((rb, d), lambda i: (i, 0))],
        out_specs=pl.BlockSpec((1, d), lambda i: (0, 0)),
        out_shape=jax.ShapeDtypeStruct((1, d), jnp.float32),
    )


@functools.lru_cache(maxsize=None)
def _make_final(din, hid, odim, nl):

    def kern(xs_ref, p0_ref, hs_ref, pw_ref, pb_ref, o_ref):
        acc = _dot(xs_ref[...], p0_ref[...])
        for l in range(nl):
            acc = acc + _dot(hs_ref[l:l + 1], pw_ref[l])
        o_ref[...] = acc + jnp.sum(pb_ref[...], 0, keepdims=True)

    return pl.pallas_call(
        kern,
        out_shape=jax.ShapeDtypeStruct((1, odim), jnp.float32),
    )


def kernel(x, edge_index, batch, params):
    n, din = x.shape
    hid = params['convs'][0]['W1'].shape[1]
    odim = params['preds'][0]['W'].shape[1]
    e = edge_index.shape[1]
    nl = len(params['convs'])
    rb = 2000

    nb = -(-e // (_NSUB * _TPB))
    nb += nb & 1
    pad = _NSUB * _TPB * nb - e
    ar = jnp.arange(pad, dtype=jnp.int32)
    src = jnp.concatenate([edge_index[0], n + ar % 96])
    dst = jnp.concatenate([edge_index[1], (ar * 37) % n])
    srcp = src.reshape(_NSUB, nb, _TPB)
    dstp = dst.reshape(_NSUB, nb, _TPB)
    zeros = jnp.zeros((n // _NSUB, 128), jnp.float32)

    hs_list = []
    h = x
    for l in range(nl):
        c = params['convs'][l]
        nch = h.shape[1] // 128
        h3 = h.reshape(n * nch, 128)
        w1r = c['W1'].reshape(nch, 128, hid)
        b1 = c['b1'].reshape(1, hid)
        pooled = _make_segsum(n, nch, nb)(h3, zeros, srcp, dstp)
        m, mst = _make_mm_stats(nch, n, hid, rb)(pooled, h, w1r, b1)
        y, yst = _make_bn_mm(n, hid, rb)(
            m, mst, c['bn1_g'].reshape(1, hid), c['bn1_b'].reshape(1, hid),
            c['W2'], c['b2'].reshape(1, hid))
        if l + 1 < nl:
            h, hsum = _make_bn_relu(n, hid, rb)(
                y, yst, c['bn_g'].reshape(1, hid), c['bn_b'].reshape(1, hid))
        else:
            hsum = _make_bn_sum(n, hid, rb)(
                y, yst, c['bn_g'].reshape(1, hid), c['bn_b'].reshape(1, hid))
        hs_list.append(hsum)

    xsum = _make_colsum(n, din, rb)(x)
    hs = jnp.concatenate(hs_list, 0)
    pw = jnp.stack([params['preds'][l + 1]['W'] for l in range(nl)])
    pb = jnp.stack([params['preds'][l]['b'].reshape(1, odim)
                    for l in range(nl + 1)]).reshape(nl + 1, odim)
    return _make_final(din, hid, odim, nl)(
        xsum, params['preds'][0]['W'], hs, pw, pb)

# --- scband reference (transcript-rebuilt; emitter-appended) ---
"""Pipeline reference for scband-graph-cnn-17695265259558 (READ-ONLY COPY).

The authoritative reference and input builder live on the scoring server;
editing this copy changes nothing except your own understanding.
"""

import jax, jax.numpy as jnp
import numpy as np

N = 10000
E = 160000
IN_DIM = 256
HID = 512
OUT_DIM = 128
NUM_LAYERS = 5


def _bn(h, g, b):
    m = jnp.mean(h, axis=0)
    v = jnp.var(h, axis=0)
    return g * (h - m) / jnp.sqrt(v + 1e-5) + b


def setup_inputs(seed: int = 0) -> dict:
    key = jax.random.key(seed)
    ks = jax.random.split(key, 40)
    x = jax.random.normal(ks[0], (N, IN_DIM), dtype=jnp.float32)
    edge_index = jax.random.randint(ks[1], (2, E), 0, N, dtype=jnp.int32)
    batch = jnp.zeros((N,), dtype=jnp.int32)
    convs = []
    ki = 2
    for l in range(NUM_LAYERS - 1):
        din = IN_DIM if l == 0 else HID
        convs.append({
            'W1': jax.random.normal(ks[ki], (din, HID), dtype=jnp.float32) * (1.0 / np.sqrt(din)),
            'b1': jnp.zeros((HID,), jnp.float32),
            'bn1_g': jnp.ones((HID,), jnp.float32),
            'bn1_b': jnp.zeros((HID,), jnp.float32),
            'W2': jax.random.normal(ks[ki + 1], (HID, HID), dtype=jnp.float32) * (1.0 / np.sqrt(HID)),
            'b2': jnp.zeros((HID,), jnp.float32),
            'bn_g': jnp.ones((HID,), jnp.float32),
            'bn_b': jnp.zeros((HID,), jnp.float32),
        })
        ki += 2
    preds = []
    for l in range(NUM_LAYERS):
        din = IN_DIM if l == 0 else HID
        preds.append({
            'W': jax.random.normal(ks[ki], (din, OUT_DIM), dtype=jnp.float32) * (1.0 / np.sqrt(din)),
            'b': jnp.zeros((OUT_DIM,), jnp.float32),
        })
        ki += 1
    params = {'eps': jnp.zeros((NUM_LAYERS - 1,), jnp.float32), 'convs': convs, 'preds': preds}
    return {'x': x, 'edge_index': edge_index, 'batch': batch, 'params': params}


def _forward(x, params, edge_index, batch):
    # GIN-style forward: learn_eps=False -> Adj block has explicit self-loops,
    # neighbor_pooling_type='sum' -> pooled = Adj @ h = scatter-add over edges + self
    src = edge_index[0]
    dst = edge_index[1]
    hidden_rep = [x]
    h = x
    for l in range(NUM_LAYERS - 1):
        pooled = jax.ops.segment_sum(h[dst], src, num_segments=N) + h
        c = params['convs'][l]
        m = pooled @ c['W1'] + c['b1']
        m = jax.nn.relu(_bn(m, c['bn1_g'], c['bn1_b']))
        m = m @ c['W2'] + c['b2']
        h = jax.nn.relu(_bn(m, c['bn_g'], c['bn_b']))
        hidden_rep.append(h)
    # graph_pooling_type='sum': single graph (batch all zeros) -> segment_sum over nodes
    score = jnp.zeros((1, OUT_DIM), jnp.float32)
    for l, hl in enumerate(hidden_rep):
        gp = jax.ops.segment_sum(hl, batch, num_segments=1)
        p = params['preds'][l]
        score = score + gp @ p['W'] + p['b']
    # final_dropout skipped (eval mode)
    return score


def reference(x, edge_index, batch, params):
    return _forward(x, params, edge_index, batch)

if __name__ == "__main__":
    import jax
    _d = setup_inputs()
    print(jax.jit(kernel)(*tuple(_d.values())))

</pallas_src>

<mosaic_0001>
#map = affine_map<(d0, d1) -> (0, 0)>
#map1 = affine_map<(d0, d1) -> (0, 0, 0)>
module attributes {stable_mosaic.version = 14 : i64} {
  func.func @body(%arg0: i32, %arg1: i32, %arg2: memref<40000x128xf32, #tpu.memory_space<hbm>>, %arg3: memref<625x128xf32, #tpu.memory_space<hbm>>, %arg4: memref<16x106x96xi32, #tpu.memory_space<hbm>>, %arg5: memref<16x106x96xi32, #tpu.memory_space<hbm>>, %arg6: memref<4x10000x128xf32, #tpu.memory_space<hbm>>, %arg7: memref<106x96xi32, #tpu.memory_space<vmem>>, %arg8: memref<106x96xi32, #tpu.memory_space<vmem>>, %arg9: memref<96x128xf32, #tpu.memory_space<vmem>>, %arg10: memref<96x128xf32, #tpu.memory_space<vmem>>, %arg11: memref<10112x128xf32, #tpu.memory_space<vmem_shared>>, %arg12: memref<!tpu.dma_semaphore, #tpu.memory_space<semaphore_mem>>, %arg13: memref<!tpu.dma_semaphore, #tpu.memory_space<semaphore_mem>>) attributes {dimension_semantics = [#tpu.dimension_semantics<core_parallel>, #tpu.dimension_semantics<subcore_parallel>], iteration_bounds = array<i64: 2, 16>, scalar_prefetch = 0 : i64, scratch_operands = 7 : i64, tpu.core_type = #tpu.core_type<sc_vector_subcore>, window_params = [{transform_indices = #map}, {transform_indices = #map}, {transform_indices = #map1}, {transform_indices = #map1}, {transform_indices = #map1}]} {
    "tpu.region"() ({
      %run_scoped3A = tpu.sem_alloc : memref<!tpu.dma_semaphore, #tpu.memory_space<semaphore_mem>>
      %dma_start3A_57 = arith.constant 0 : i32
      %dma_start3A_58 = arith.constant 0 : i32
      %dma_start3A_59 = tpu.memref_slice %arg4[%arg1, %dma_start3A_57, %dma_start3A_58] : memref<16x106x96xi32, #tpu.memory_space<hbm>> -> memref<1x106x96xi32, #tpu.memory_space<hbm>>
      %dma_start3A_60 = tpu.memref_squeeze %dma_start3A_59 : memref<1x106x96xi32, #tpu.memory_space<hbm>> -> memref<106x96xi32, #tpu.memory_space<hbm>>
      %dma_start3A_61 = arith.constant 0 : i32
      %dma_start3A_62 = arith.constant 0 : i32
      %dma_start3A_63 = tpu.memref_slice %arg4[%arg1, %dma_start3A_61, %dma_start3A_62] : memref<16x106x96xi32, #tpu.memory_space<hbm>> -> memref<1x106x96xi32, #tpu.memory_space<hbm>>
      %dma_start3A_64 = tpu.memref_squeeze %dma_start3A_63 : memref<1x106x96xi32, #tpu.memory_space<hbm>> -> memref<106x96xi32, #tpu.memory_space<hbm>>
      tpu.enqueue_dma source(%dma_start3A_64 : memref<106x96xi32, #tpu.memory_space<hbm>>) target(%arg7 : memref<106x96xi32, #tpu.memory_space<vmem>>) target_semaphore(%run_scoped3A : memref<!tpu.dma_semaphore, #tpu.memory_space<semaphore_mem>>)
      %dma_wait3A = arith.constant 0 : i32
      %dma_wait3A_65 = arith.constant 0 : i32
      %dma_wait3A_66 = tpu.memref_slice %arg4[%arg1, %dma_wait3A, %dma_wait3A_65] : memref<16x106x96xi32, #tpu.memory_space<hbm>> -> memref<1x106x96xi32, #tpu.memory_space<hbm>>
      %dma_wait3A_67 = tpu.memref_squeeze %dma_wait3A_66 : memref<1x106x96xi32, #tpu.memory_space<hbm>> -> memref<106x96xi32, #tpu.memory_space<hbm>>
      %dma_wait3A_68 = arith.constant 0 : i32
      %dma_wait3A_69 = arith.constant 0 : i32
      %dma_wait3A_70 = tpu.memref_slice %arg4[%arg1, %dma_wait3A_68, %dma_wait3A_69] : memref<16x106x96xi32, #tpu.memory_space<hbm>> -> memref<1x106x96xi32, #tpu.memory_space<hbm>>
      %dma_wait3A_71 = tpu.memref_squeeze %dma_wait3A_70 : memref<1x106x96xi32, #tpu.memory_space<hbm>> -> memref<106x96xi32, #tpu.memory_space<hbm>>
      tpu.wait_dma2 semaphore(%run_scoped3A : memref<!tpu.dma_semaphore, #tpu.memory_space<semaphore_mem>>) src(%dma_wait3A_71 : memref<106x96xi32, #tpu.memory_space<hbm>>) dst(%arg7 : memref<106x96xi32, #tpu.memory_space<vmem>>)
      tpu.yield
    }) : () -> ()
    "tpu.region"() ({
      %run_scoped3A = tpu.sem_alloc : memref<!tpu.dma_semaphore, #tpu.memory_space<semaphore_mem>>
      %dma_start3A_57 = arith.constant 0 : i32
      %dma_start3A_58 = arith.constant 0 : i32
      %dma_start3A_59 = tpu.memref_slice %arg5[%arg1, %dma_start3A_57, %dma_start3A_58] : memref<16x106x96xi32, #tpu.memory_space<hbm>> -> memref<1x106x96xi32, #tpu.memory_space<hbm>>
      %dma_start3A_60 = tpu.memref_squeeze %dma_start3A_59 : memref<1x106x96xi32, #tpu.memory_space<hbm>> -> memref<106x96xi32, #tpu.memory_space<hbm>>
      %dma_start3A_61 = arith.constant 0 : i32
      %dma_start3A_62 = arith.constant 0 : i32
      %dma_start3A_63 = tpu.memref_slice %arg5[%arg1, %dma_start3A_61, %dma_start3A_62] : memref<16x106x96xi32, #tpu.memory_space<hbm>> -> memref<1x106x96xi32, #tpu.memory_space<hbm>>
      %dma_start3A_64 = tpu.memref_squeeze %dma_start3A_63 : memref<1x106x96xi32, #tpu.memory_space<hbm>> -> memref<106x96xi32, #tpu.memory_space<hbm>>
      tpu.enqueue_dma source(%dma_start3A_64 : memref<106x96xi32, #tpu.memory_space<hbm>>) target(%arg8 : memref<106x96xi32, #tpu.memory_space<vmem>>) target_semaphore(%run_scoped3A : memref<!tpu.dma_semaphore, #tpu.memory_space<semaphore_mem>>)
      %dma_wait3A = arith.constant 0 : i32
      %dma_wait3A_65 = arith.constant 0 : i32
      %dma_wait3A_66 = tpu.memref_slice %arg5[%arg1, %dma_wait3A, %dma_wait3A_65] : memref<16x106x96xi32, #tpu.memory_space<hbm>> -> memref<1x106x96xi32, #tpu.memory_space<hbm>>
      %dma_wait3A_67 = tpu.memref_squeeze %dma_wait3A_66 : memref<1x106x96xi32, #tpu.memory_space<hbm>> -> memref<106x96xi32, #tpu.memory_space<hbm>>
      %dma_wait3A_68 = arith.constant 0 : i32
      %dma_wait3A_69 = arith.constant 0 : i32
      %dma_wait3A_70 = tpu.memref_slice %arg5[%arg1, %dma_wait3A_68, %dma_wait3A_69] : memref<16x106x96xi32, #tpu.memory_space<hbm>> -> memref<1x106x96xi32, #tpu.memory_space<hbm>>
      %dma_wait3A_71 = tpu.memref_squeeze %dma_wait3A_70 : memref<1x106x96xi32, #tpu.memory_space<hbm>> -> memref<106x96xi32, #tpu.memory_space<hbm>>
      tpu.wait_dma2 semaphore(%run_scoped3A : memref<!tpu.dma_semaphore, #tpu.memory_space<semaphore_mem>>) src(%dma_wait3A_71 : memref<106x96xi32, #tpu.memory_space<hbm>>) dst(%arg8 : memref<106x96xi32, #tpu.memory_space<vmem>>)
      tpu.yield
    }) : () -> ()
    %scan3A = arith.constant 0 : i32
    %scan3A_0 = arith.constant 0 : i32
    %scan3A_1 = arith.constant 106 : i32
    %scan3A_2 = arith.addi %scan3A_0, %scan3A_1 : i32
    %scan3A_3 = arith.constant 1 : i32
    scf.for %scan3A_57 = %scan3A_0 to %scan3A_2 step %scan3A_3  : i32 {
      %get3A = arith.index_cast %scan3A_57 : i32 to index
      %get3A_58 = arith.constant 0 : index
      %get3A_59 = tpu.vector_load %arg8[%get3A, %get3A_58] {strides = array<i32>} : memref<106x96xi32, #tpu.memory_space<vmem>>, vector<1x16xi32>,
      %get3A_60 = vector.shape_cast %get3A_59 : vector<1x16xi32> to vector<16xi32>
      %mul3A_61 = arith.constant 4 : i32
      %mul3A_62 = vector.broadcast %mul3A_61 : i32 to vector<16xi32>
      %mul3A_63 = arith.muli %get3A_60, %mul3A_62 : vector<16xi32>
      %mul3A_64 = arith.constant 2 : i32
      %mul3A_65 = arith.muli %arg0, %mul3A_64 : i32
      %add3A_66 = arith.constant 0 : i32
      %add3A_67 = arith.addi %add3A_66, %mul3A_65 : i32
      %add3A_68 = vector.broadcast %add3A_67 : i32 to vector<16xi32>
      %add3A_69 = arith.addi %mul3A_63, %add3A_68 : vector<16xi32>
      %swap3A = arith.index_cast %scan3A_57 : i32 to index
      %swap3A_70 = arith.constant 0 : index
      %swap3A_71 = tpu.vector_load %arg8[%swap3A, %swap3A_70] {strides = array<i32>} : memref<106x96xi32, #tpu.memory_space<vmem>>, vector<1x16xi32>,
      %swap3A_72 = vector.shape_cast %swap3A_71 : vector<1x16xi32> to vector<16xi32>
      %swap3A_73 = vector.shape_cast %add3A_69 : vector<16xi32> to vector<1x16xi32>
      tpu.vector_store %arg8[%swap3A, %swap3A_70], %swap3A_73 {strides = array<i32>} : memref<106x96xi32, #tpu.memory_space<vmem>>, vector<1x16xi32>,
      %get3A_74 = arith.index_cast %scan3A_57 : i32 to index
      %get3A_75 = arith.constant 16 : index
      %get3A_76 = tpu.vector_load %arg8[%get3A_74, %get3A_75] {strides = array<i32>} : memref<106x96xi32, #tpu.memory_space<vmem>>, vector<1x16xi32>,
      %get3A_77 = vector.shape_cast %get3A_76 : vector<1x16xi32> to vector<16xi32>
      %mul3A_78 = arith.constant 4 : i32
      %mul3A_79 = vector.broadcast %mul3A_78 : i32 to vector<16xi32>
      %mul3A_80 = arith.muli %get3A_77, %mul3A_79 : vector<16xi32>
      %mul3A_81 = arith.constant 2 : i32
      %mul3A_82 = arith.muli %arg0, %mul3A_81 : i32
      %add3A_83 = arith.constant 0 : i32
      %add3A_84 = arith.addi %add3A_83, %mul3A_82 : i32
      %add3A_85 = vector.broadcast %add3A_84 : i32 to vector<16xi32>
      %add3A_86 = arith.addi %mul3A_80, %add3A_85 : vector<16xi32>
      %swap3A_87 = arith.index_cast %scan3A_57 : i32 to index
      %swap3A_88 = arith.constant 16 : index
      %swap3A_89 = tpu.vector_load %arg8[%swap3A_87, %swap3A_88] {strides = array<i32>} : memref<106x96xi32, #tpu.memory_space<vmem>>, vector<1x16xi32>,
      %swap3A_90 = vector.shape_cast %swap3A_89 : vector<1x16xi32> to vector<16xi32>
      %swap3A_91 = vector.shape_cast %add3A_86 : vector<16xi32> to vector<1x16xi32>
      tpu.vector_store %arg8[%swap3A_87, %swap3A_88], %swap3A_91 {strides = array<i32>} : memref<106x96xi32, #tpu.memory_space<vmem>>, vector<1x16xi32>,
      %get3A_92 = arith.index_cast %scan3A_57 : i32 to index
      %get3A_93 = arith.constant 32 : index
      %get3A_94 = tpu.vector_load %arg8[%get3A_92, %get3A_93] {strides = array<i32>} : memref<106x96xi32, #tpu.memory_space<vmem>>, vector<1x16xi32>,
      %get3A_95 = vector.shape_cast %get3A_94 : vector<1x16xi32> to vector<16xi32>
      %mul3A_96 = arith.constant 4 : i32
      %mul3A_97 = vector.broadcast %mul3A_96 : i32 to vector<16xi32>
      %mul3A_98 = arith.muli %get3A_95, %mul3A_97 : vector<16xi32>
      %mul3A_99 = arith.constant 2 : i32
      %mul3A_100 = arith.muli %arg0, %mul3A_99 : i32
      %add3A_101 = arith.constant 0 : i32
      %add3A_102 = arith.addi %add3A_101, %mul3A_100 : i32
      %add3A_103 = vector.broadcast %add3A_102 : i32 to vector<16xi32>
      %add3A_104 = arith.addi %mul3A_98, %add3A_103 : vector<16xi32>
      %swap3A_105 = arith.index_cast %scan3A_57 : i32 to index
      %swap3A_106 = arith.constant 32 : index
      %swap3A_107 = tpu.vector_load %arg8[%swap3A_105, %swap3A_106] {strides = array<i32>} : memref<106x96xi32, #tpu.memory_space<vmem>>, vector<1x16xi32>,
      %swap3A_108 = vector.shape_cast %swap3A_107 : vector<1x16xi32> to vector<16xi32>
      %swap3A_109 = vector.shape_cast %add3A_104 : vector<16xi32> to vector<1x16xi32>
      tpu.vector_store %arg8[%swap3A_105, %swap3A_106], %swap3A_109 {strides = array<i32>} : memref<106x96xi32, #tpu.memory_space<vmem>>, vector<1x16xi32>,
      %get3A_110 = arith.index_cast %scan3A_57 : i32 to index
      %get3A_111 = arith.constant 48 : index
      %get3A_112 = tpu.vector_load %arg8[%get3A_110, %get3A_111] {strides = array<i32>} : memref<106x96xi32, #tpu.memory_space<vmem>>, vector<1x16xi32>,
      %get3A_113 = vector.shape_cast %get3A_112 : vector<1x16xi32> to vector<16xi32>
      %mul3A_114 = arith.constant 4 : i32
      %mul3A_115 = vector.broadcast %mul3A_114 : i32 to vector<16xi32>
      %mul3A_116 = arith.muli %get3A_113, %mul3A_115 : vector<16xi32>
      %mul3A_117 = arith.constant 2 : i32
      %mul3A_118 = arith.muli %arg0, %mul3A_117 : i32
      %add3A_119 = arith.constant 0 : i32
      %add3A_120 = arith.addi %add3A_119, %mul3A_118 : i32
      %add3A_121 = vector.broadcast %add3A_120 : i32 to vector<16xi32>
      %add3A_122 = arith.addi %mul3A_116, %add3A_121 : vector<16xi32>
      %swap3A_123 = arith.index_cast %scan3A_57 : i32 to index
      %swap3A_124 = arith.constant 48 : index
      %swap3A_125 = tpu.vector_load %arg8[%swap3A_123, %swap3A_124] {strides = array<i32>} : memref<106x96xi32, #tpu.memory_space<vmem>>, vector<1x16xi32>,
      %swap3A_126 = vector.shape_cast %swap3A_125 : vector<1x16xi32> to vector<16xi32>
      %swap3A_127 = vector.shape_cast %add3A_122 : vector<16xi32> to vector<1x16xi32>
      tpu.vector_store %arg8[%swap3A_123, %swap3A_124], %swap3A_127 {strides = array<i32>} : memref<106x96xi32, #tpu.memory_space<vmem>>, vector<1x16xi32>,
      %get3A_128 = arith.index_cast %scan3A_57 : i32 to index
      %get3A_129 = arith.constant 64 : index
      %get3A_130 = tpu.vector_load %arg8[%get3A_128, %get3A_129] {strides = array<i32>} : memref<106x96xi32, #tpu.memory_space<vmem>>, vector<1x16xi32>,
      %get3A_131 = vector.shape_cast %get3A_130 : vector<1x16xi32> to vector<16xi32>
      %mul3A_132 = arith.constant 4 : i32
      %mul3A_133 = vector.broadcast %mul3A_132 : i32 to vector<16xi32>
      %mul3A_134 = arith.muli %get3A_131, %mul3A_133 : vector<16xi32>
      %mul3A_135 = arith.constant 2 : i32
      %mul3A_136 = arith.muli %arg0, %mul3A_135 : i32
      %add3A_137 = arith.constant 0 : i32
      %add3A_138 = arith.addi %add3A_137, %mul3A_136 : i32
      %add3A_139 = vector.broadcast %add3A_138 : i32 to vector<16xi32>
      %add3A_140 = arith.addi %mul3A_134, %add3A_139 : vector<16xi32>
      %swap3A_141 = arith.index_cast %scan3A_57 : i32 to index
      %swap3A_142 = arith.constant 64 : index
      %swap3A_143 = tpu.vector_load %arg8[%swap3A_141, %swap3A_142] {strides = array<i32>} : memref<106x96xi32, #tpu.memory_space<vmem>>, vector<1x16xi32>,
      %swap3A_144 = vector.shape_cast %swap3A_143 : vector<1x16xi32> to vector<16xi32>
      %swap3A_145 = vector.shape_cast %add3A_140 : vector<16xi32> to vector<1x16xi32>
      tpu.vector_store %arg8[%swap3A_141, %swap3A_142], %swap3A_145 {strides = array<i32>} : memref<106x96xi32, #tpu.memory_space<vmem>>, vector<1x16xi32>,
      %get3A_146 = arith.index_cast %scan3A_57 : i32 to index
      %get3A_147 = arith.constant 80 : index
      %get3A_148 = tpu.vector_load %arg8[%get3A_146, %get3A_147] {strides = array<i32>} : memref<106x96xi32, #tpu.memory_space<vmem>>, vector<1x16xi32>,
      %get3A_149 = vector.shape_cast %get3A_148 : vector<1x16xi32> to vector<16xi32>
      %mul3A_150 = arith.constant 4 : i32
      %mul3A_151 = vector.broadcast %mul3A_150 : i32 to vector<16xi32>
      %mul3A_152 = arith.muli %get3A_149, %mul3A_151 : vector<16xi32>
      %mul3A_153 = arith.constant 2 : i32
      %mul3A_154 = arith.muli %arg0, %mul3A_153 : i32
      %add3A_155 = arith.constant 0 : i32
      %add3A_156 = arith.addi %add3A_155, %mul3A_154 : i32
      %add3A_157 = vector.broadcast %add3A_156 : i32 to vector<16xi32>
      %add3A_158 = arith.addi %mul3A_152, %add3A_157 : vector<16xi32>
      %swap3A_159 = arith.index_cast %scan3A_57 : i32 to index
      %swap3A_160 = arith.constant 80 : index
      %swap3A_161 = tpu.vector_load %arg8[%swap3A_159, %swap3A_160] {strides = array<i32>} : memref<106x96xi32, #tpu.memory_space<vmem>>, vector<1x16xi32>,
      %swap3A_162 = vector.shape_cast %swap3A_161 : vector<1x16xi32> to vector<16xi32>
      %swap3A_163 = vector.shape_cast %add3A_158 : vector<16xi32> to vector<1x16xi32>
      tpu.vector_store %arg8[%swap3A_159, %swap3A_160], %swap3A_163 {strides = array<i32>} : memref<106x96xi32, #tpu.memory_space<vmem>>, vector<1x16xi32>,
    }
    %scan3A_4 = arith.constant 106 : i32
    %mul3A = arith.constant 2 : i32
    %mul3A_5 = arith.muli %arg0, %mul3A : i32
    %add3A = arith.constant 0 : i32
    %add3A_6 = arith.addi %mul3A_5, %add3A : i32
    %mul3A_7 = arith.constant 625 : i32
    %mul3A_8 = arith.muli %arg1, %mul3A_7 : i32
    "tpu.region"() ({
      %run_scoped3A = tpu.sem_alloc : memref<!tpu.dma_semaphore, #tpu.memory_space<semaphore_mem>>
      %dma_start3A_57 = arith.constant 0 : i32
      %dma_start3A_58 = tpu.memref_slice %arg11[%mul3A_8, %dma_start3A_57] : memref<10112x128xf32, #tpu.memory_space<vmem_shared>> -> memref<625x128xf32, #tpu.memory_space<vmem_shared>>
      tpu.enqueue_dma source(%arg3 : memref<625x128xf32, #tpu.memory_space<hbm>>) target(%dma_start3A_58 : memref<625x128xf32, #tpu.memory_space<vmem_shared>>) target_semaphore(%run_scoped3A : memref<!tpu.dma_semaphore, #tpu.memory_space<semaphore_mem>>)
      %dma_wait3A = arith.constant 0 : i32
      %dma_wait3A_59 = tpu.memref_slice %arg11[%mul3A_8, %dma_wait3A] : memref<10112x128xf32, #tpu.memory_space<vmem_shared>> -> memref<625x128xf32, #tpu.memory_space<vmem_shared>>
      tpu.wait_dma2 semaphore(%run_scoped3A : memref<!tpu.dma_semaphore, #tpu.memory_space<semaphore_mem>>) src(%arg3 : memref<625x128xf32, #tpu.memory_space<hbm>>) dst(%dma_wait3A_59 : memref<625x128xf32, #tpu.memory_space<vmem_shared>>)
      tpu.yield
    }) : () -> ()
    %barrier3A = arith.constant 0 : index
    tpu.barrier barrier_id(%barrier3A)
    %dma_start3A = arith.constant 0 : i32
    %dma_start3A_9 = arith.constant 0 : i32
    %dma_start3A_10 = tpu.memref_slice %arg8[%dma_start3A, %dma_start3A_9] : memref<106x96xi32, #tpu.memory_space<vmem>> -> memref<1x96xi32, #tpu.memory_space<vmem>>
    %dma_start3A_11 = tpu.memref_squeeze %dma_start3A_10 : memref<1x96xi32, #tpu.memory_space<vmem>> -> memref<96xi32, #tpu.memory_space<vmem>>
    %dma_start3A_12 = arith.constant 0 : i32
    %dma_start3A_13 = arith.constant 0 : i32
    %dma_start3A_14 = tpu.memref_slice %arg2[%dma_start3A_12, %dma_start3A_13] : memref<40000x128xf32, #tpu.memory_space<hbm>> -> memref<40000x128xf32, #tpu.memory_space<hbm>>
    tpu.enqueue_indirect_dma source(%dma_start3A_14 : memref<40000x128xf32, #tpu.memory_space<hbm>>) target(%arg9 : memref<96x128xf32, #tpu.memory_space<vmem>>) offsets(%dma_start3A_11 : memref<96xi32, #tpu.memory_space<vmem>>) semaphore(%arg12 : memref<!tpu.dma_semaphore, #tpu.memory_space<semaphore_mem>>)
    %scan3A_15 = arith.constant 0 : i32
    %scan3A_16 = arith.constant 0 : i32
    %scan3A_17 = arith.constant 53 : i32
    %scan3A_18 = arith.addi %scan3A_16, %scan3A_17 : i32
    %scan3A_19 = arith.constant 1 : i32
    scf.for %scan3A_57 = %scan3A_16 to %scan3A_18 step %scan3A_19  : i32 {
      %mul3A_58 = arith.constant 2 : i32
      %mul3A_59 = arith.muli %scan3A_57, %mul3A_58 : i32
      %add3A_60 = arith.constant 1 : i32
      %add3A_61 = arith.addi %mul3A_59, %add3A_60 : i32
      %dma_wait3A = arith.constant 0 : i32
      %dma_wait3A_62 = tpu.memref_slice %arg8[%mul3A_59, %dma_wait3A] : memref<106x96xi32, #tpu.memory_space<vmem>> -> memref<1x96xi32, #tpu.memory_space<vmem>>
      %dma_wait3A_63 = tpu.memref_squeeze %dma_wait3A_62 : memref<1x96xi32, #tpu.memory_space<vmem>> -> memref<96xi32, #tpu.memory_space<vmem>>
      %dma_wait3A_64 = arith.constant 0 : i32
      %dma_wait3A_65 = arith.constant 0 : i32
      %dma_wait3A_66 = tpu.memref_slice %arg2[%dma_wait3A_64, %dma_wait3A_65] : memref<40000x128xf32, #tpu.memory_space<hbm>> -> memref<40000x128xf32, #tpu.memory_space<hbm>>
      tpu.wait_indirect_dma semaphore(%arg12 : memref<!tpu.dma_semaphore, #tpu.memory_space<semaphore_mem>>) src(%dma_wait3A_66 : memref<40000x128xf32, #tpu.memory_space<hbm>>) dst(%arg9 : memref<96x128xf32, #tpu.memory_space<vmem>>)
      %dma_start3A_67 = arith.constant 0 : i32
      %dma_start3A_68 = tpu.memref_slice %arg8[%add3A_61, %dma_start3A_67] : memref<106x96xi32, #tpu.memory_space<vmem>> -> memref<1x96xi32, #tpu.memory_space<vmem>>
      %dma_start3A_69 = tpu.memref_squeeze %dma_start3A_68 : memref<1x96xi32, #tpu.memory_space<vmem>> -> memref<96xi32, #tpu.memory_space<vmem>>
      %dma_start3A_70 = arith.constant 0 : i32
      %dma_start3A_71 = arith.constant 0 : i32
      %dma_start3A_72 = tpu.memref_slice %arg2[%dma_start3A_70, %dma_start3A_71] : memref<40000x128xf32, #tpu.memory_space<hbm>> -> memref<40000x128xf32, #tpu.memory_space<hbm>>
      tpu.enqueue_indirect_dma source(%dma_start3A_72 : memref<40000x128xf32, #tpu.memory_space<hbm>>) target(%arg10 : memref<96x128xf32, #tpu.memory_space<vmem>>) offsets(%dma_start3A_69 : memref<96xi32, #tpu.memory_space<vmem>>) semaphore(%arg13 : memref<!tpu.dma_semaphore, #tpu.memory_space<semaphore_mem>>)
      "tpu.region"() ({
        %run_scoped3A = tpu.sem_alloc : memref<!tpu.dma_semaphore, #tpu.memory_space<semaphore_mem>>
        %dma_start3A_83 = arith.constant 0 : i32
        %dma_start3A_84 = tpu.memref_slice %arg7[%mul3A_59, %dma_start3A_83] : memref<106x96xi32, #tpu.memory_space<vmem>> -> memref<1x96xi32, #tpu.memory_space<vmem>>
        %dma_start3A_85 = tpu.memref_squeeze %dma_start3A_84 : memref<1x96xi32, #tpu.memory_space<vmem>> -> memref<96xi32, #tpu.memory_space<vmem>>
        %dma_start3A_86 = arith.constant 0 : i32
        %dma_start3A_87 = arith.constant 0 : i32
        %dma_start3A_88 = tpu.memref_slice %arg11[%dma_start3A_86, %dma_start3A_87] : memref<10112x128xf32, #tpu.memory_space<vmem_shared>> -> memref<10112x128xf32, #tpu.memory_space<vmem_shared>>
        tpu.enqueue_indirect_dma source(%arg9 : memref<96x128xf32, #tpu.memory_space<vmem>>) target(%dma_start3A_88 : memref<10112x128xf32, #tpu.memory_space<vmem_shared>>) offsets(%dma_start3A_85 : memref<96xi32, #tpu.memory_space<vmem>>) semaphore(%run_scoped3A : memref<!tpu.dma_semaphore, #tpu.memory_space<semaphore_mem>>) {add = true}
        %dma_wait3A_89 = arith.constant 0 : i32
        %dma_wait3A_90 = tpu.memref_slice %arg7[%mul3A_59, %dma_wait3A_89] : memref<106x96xi32, #tpu.memory_space<vmem>> -> memref<1x96xi32, #tpu.memory_space<vmem>>
        %dma_wait3A_91 = tpu.memref_squeeze %dma_wait3A_90 : memref<1x96xi32, #tpu.memory_space<vmem>> -> memref<96xi32, #tpu.memory_space<vmem>>
        %dma_wait3A_92 = arith.constant 0 : i32
        %dma_wait3A_93 = arith.constant 0 : i32
        %dma_wait3A_94 = tpu.memref_slice %arg11[%dma_wait3A_92, %dma_wait3A_93] : memref<10112x128xf32, #tpu.memory_space<vmem_shared>> -> memref<10112x128xf32, #tpu.memory_space<vmem_shared>>
        tpu.wait_indirect_dma semaphore(%run_scoped3A : memref<!tpu.dma_semaphore, #tpu.memory_space<semaphore_mem>>) src(%arg9 : memref<96x128xf32, #tpu.memory_space<vmem>>) dst(%dma_wait3A_94 : memref<10112x128xf32, #tpu.memory_space<vmem_shared>>)
        tpu.yield
      }) : () -> ()
      %dma_wait3A_73 = arith.constant 0 : i32
      %dma_wait3A_74 = tpu.memref_slice %arg8[%add3A_61, %dma_wait3A_73] : memref<106x96xi32, #tpu.memory_space<vmem>> -> memref<1x96xi32, #tpu.memory_space<vmem>>
      %dma_wait3A_75 = tpu.memref_squeeze %dma_wait3A_74 : memref<1x96xi32, #tpu.memory_space<vmem>> -> memref<96xi32, #tpu.memory_space<vmem>>
      %dma_wait3A_76 = arith.constant 0 : i32
      %dma_wait3A_77 = arith.constant 0 : i32
      %dma_wait3A_78 = tpu.memref_slice %arg2[%dma_wait3A_76, %dma_wait3A_77] : memref<40000x128xf32, #tpu.memory_space<hbm>> -> memref<40000x128xf32, #tpu.memory_space<hbm>>
      tpu.wait_indirect_dma semaphore(%arg13 : memref<!tpu.dma_semaphore, #tpu.memory_space<semaphore_mem>>) src(%dma_wait3A_78 : memref<40000x128xf32, #tpu.memory_space<hbm>>) dst(%arg10 : memref<96x128xf32, #tpu.memory_space<vmem>>)
      %add3A_79 = arith.constant 1 : i32
      %add3A_80 = arith.addi %scan3A_57, %add3A_79 : i32
      %lt3A = arith.constant 53 : i32
      %lt3A_81 = arith.cmpi slt, %add3A_80, %lt3A : i32
      %convert_element_type3A = arith.extui %lt3A_81 : i1 to i32
      %cond3A = arith.constant 0 : i32
      %cond3A_82 = arith.cmpi ne, %convert_element_type3A, %cond3A : i32
      scf.if %cond3A_82 {
        %add3A_83 = arith.constant 2 : i32
        %add3A_84 = arith.addi %mul3A_59, %add3A_83 : i32
        %dma_start3A_85 = arith.constant 0 : i32
        %dma_start3A_86 = tpu.memref_slice %arg8[%add3A_84, %dma_start3A_85] : memref<106x96xi32, #tpu.memory_space<vmem>> -> memref<1x96xi32, #tpu.memory_space<vmem>>
        %dma_start3A_87 = tpu.memref_squeeze %dma_start3A_86 : memref<1x96xi32, #tpu.memory_space<vmem>> -> memref<96xi32, #tpu.memory_space<vmem>>
        %dma_start3A_88 = arith.constant 0 : i32
        %dma_start3A_89 = arith.constant 0 : i32
        %dma_start3A_90 = tpu.memref_slice %arg2[%dma_start3A_88, %dma_start3A_89] : memref<40000x128xf32, #tpu.memory_space<hbm>> -> memref<40000x128xf32, #tpu.memory_space<hbm>>
        tpu.enqueue_indirect_dma source(%dma_start3A_90 : memref<40000x128xf32, #tpu.memory_space<hbm>>) target(%arg9 : memref<96x128xf32, #tpu.memory_space<vmem>>) offsets(%dma_start3A_87 : memref<96xi32, #tpu.memory_space<vmem>>) semaphore(%arg12 : memref<!tpu.dma_semaphore, #tpu.memory_space<semaphore_mem>>)
      } else {
      }
      "tpu.region"() ({
        %run_scoped3A = tpu.sem_alloc : memref<!tpu.dma_semaphore, #tpu.memory_space<semaphore_mem>>
        %dma_start3A_83 = arith.constant 0 : i32
        %dma_start3A_84 = tpu.memref_slice %arg7[%add3A_61, %dma_start3A_83] : memref<106x96xi32, #tpu.memory_space<vmem>> -> memref<1x96xi32, #tpu.memory_space<vmem>>
        %dma_start3A_85 = tpu.memref_squeeze %dma_start3A_84 : memref<1x96xi32, #tpu.memory_space<vmem>> -> memref<96xi32, #tpu.memory_space<vmem>>
        %dma_start3A_86 = arith.constant 0 : i32
        %dma_start3A_87 = arith.constant 0 : i32
        %dma_start3A_88 = tpu.memref_slice %arg11[%dma_start3A_86, %dma_start3A_87] : memref<10112x128xf32, #tpu.memory_space<vmem_shared>> -> memref<10112x128xf32, #tpu.memory_space<vmem_shared>>
        tpu.enqueue_indirect_dma source(%arg10 : memref<96x128xf32, #tpu.memory_space<vmem>>) target(%dma_start3A_88 : memref<10112x128xf32, #tpu.memory_space<vmem_shared>>) offsets(%dma_start3A_85 : memref<96xi32, #tpu.memory_space<vmem>>) semaphore(%run_scoped3A : memref<!tpu.dma_semaphore, #tpu.memory_space<semaphore_mem>>) {add = true}
        %dma_wait3A_89 = arith.constant 0 : i32
        %dma_wait3A_90 = tpu.memref_slice %arg7[%add3A_61, %dma_wait3A_89] : memref<106x96xi32, #tpu.memory_space<vmem>> -> memref<1x96xi32, #tpu.memory_space<vmem>>
        %dma_wait3A_91 = tpu.memref_squeeze %dma_wait3A_90 : memref<1x96xi32, #tpu.memory_space<vmem>> -> memref<96xi32, #tpu.memory_space<vmem>>
        %dma_wait3A_92 = arith.constant 0 : i32
        %dma_wait3A_93 = arith.constant 0 : i32
        %dma_wait3A_94 = tpu.memref_slice %arg11[%dma_wait3A_92, %dma_wait3A_93] : memref<10112x128xf32, #tpu.memory_space<vmem_shared>> -> memref<10112x128xf32, #tpu.memory_space<vmem_shared>>
        tpu.wait_indirect_dma semaphore(%run_scoped3A : memref<!tpu.dma_semaphore, #tpu.memory_space<semaphore_mem>>) src(%arg10 : memref<96x128xf32, #tpu.memory_space<vmem>>) dst(%dma_wait3A_94 : memref<10112x128xf32, #tpu.memory_space<vmem_shared>>)
        tpu.yield
      }) : () -> ()
    }
    %scan3A_20 = arith.constant 53 : i32
    %barrier3A_21 = arith.constant 0 : index
    tpu.barrier barrier_id(%barrier3A_21)
    %mul3A_22 = arith.constant 625 : i32
    %mul3A_23 = arith.muli %arg1, %mul3A_22 : i32
    %mul3A_24 = arith.constant 625 : i32
    %mul3A_25 = arith.muli %arg1, %mul3A_24 : i32
    "tpu.region"() ({
      %run_scoped3A = tpu.sem_alloc : memref<!tpu.dma_semaphore, #tpu.memory_space<semaphore_mem>>
      %dma_start3A_57 = arith.constant 0 : i32
      %dma_start3A_58 = tpu.memref_slice %arg6[%add3A_6, %mul3A_25, %dma_start3A_57] : memref<4x10000x128xf32, #tpu.memory_space<hbm>> -> memref<1x625x128xf32, #tpu.memory_space<hbm>>
      %dma_start3A_59 = tpu.memref_squeeze %dma_start3A_58 : memref<1x625x128xf32, #tpu.memory_space<hbm>> -> memref<625x128xf32, #tpu.memory_space<hbm>>
      %dma_start3A_60 = arith.constant 0 : i32
      %dma_start3A_61 = tpu.memref_slice %arg11[%mul3A_23, %dma_start3A_60] : memref<10112x128xf32, #tpu.memory_space<vmem_shared>> -> memref<625x128xf32, #tpu.memory_space<vmem_shared>>
      tpu.enqueue_dma source(%dma_start3A_61 : memref<625x128xf32, #tpu.memory_space<vmem_shared>>) target(%dma_start3A_59 : memref<625x128xf32, #tpu.memory_space<hbm>>) target_semaphore(%run_scoped3A : memref<!tpu.dma_semaphore, #tpu.memory_space<semaphore_mem>>)
      %dma_wait3A = arith.constant 0 : i32
      %dma_wait3A_62 = tpu.memref_slice %arg6[%add3A_6, %mul3A_25, %dma_wait3A] : memref<4x10000x128xf32, #tpu.memory_space<hbm>> -> memref<1x625x128xf32, #tpu.memory_space<hbm>>
      %dma_wait3A_63 = tpu.memref_squeeze %dma_wait3A_62 : memref<1x625x128xf32, #tpu.memory_space<hbm>> -> memref<625x128xf32, #tpu.memory_space<hbm>>
      %dma_wait3A_64 = arith.constant 0 : i32
      %dma_wait3A_65 = tpu.memref_slice %arg11[%mul3A_23, %dma_wait3A_64] : memref<10112x128xf32, #tpu.memory_space<vmem_shared>> -> memref<625x128xf32, #tpu.memory_space<vmem_shared>>
      tpu.wait_dma2 semaphore(%run_scoped3A : memref<!tpu.dma_semaphore, #tpu.memory_space<semaphore_mem>>) src(%dma_wait3A_65 : memref<625x128xf32, #tpu.memory_space<vmem_shared>>) dst(%dma_wait3A_63 : memref<625x128xf32, #tpu.memory_space<hbm>>)
      tpu.yield
    }) : () -> ()
    %scan3A_26 = arith.constant 0 : i32
    %scan3A_27 = arith.constant 0 : i32
    %scan3A_28 = arith.constant 106 : i32
    %scan3A_29 = arith.addi %scan3A_27, %scan3A_28 : i32
    %scan3A_30 = arith.constant 1 : i32
    scf.for %scan3A_57 = %scan3A_27 to %scan3A_29 step %scan3A_30  : i32 {
      %get3A = arith.index_cast %scan3A_57 : i32 to index
      %get3A_58 = arith.constant 0 : index
      %get3A_59 = tpu.vector_load %arg8[%get3A, %get3A_58] {strides = array<i32>} : memref<106x96xi32, #tpu.memory_space<vmem>>, vector<1x16xi32>,
      %get3A_60 = vector.shape_cast %get3A_59 : vector<1x16xi32> to vector<16xi32>
      %add3A_61 = arith.constant 1 : i32
      %add3A_62 = vector.broadcast %add3A_61 : i32 to vector<16xi32>
      %add3A_63 = arith.addi %get3A_60, %add3A_62 : vector<16xi32>
      %swap3A = arith.index_cast %scan3A_57 : i32 to index
      %swap3A_64 = arith.constant 0 : index
      %swap3A_65 = tpu.vector_load %arg8[%swap3A, %swap3A_64] {strides = array<i32>} : memref<106x96xi32, #tpu.memory_space<vmem>>, vector<1x16xi32>,
      %swap3A_66 = vector.shape_cast %swap3A_65 : vector<1x16xi32> to vector<16xi32>
      %swap3A_67 = vector.shape_cast %add3A_63 : vector<16xi32> to vector<1x16xi32>
      tpu.vector_store %arg8[%swap3A, %swap3A_64], %swap3A_67 {strides = array<i32>} : memref<106x96xi32, #tpu.memory_space<vmem>>, vector<1x16xi32>,
      %get3A_68 = arith.index_cast %scan3A_57 : i32 to index
      %get3A_69 = arith.constant 16 : index
      %get3A_70 = tpu.vector_load %arg8[%get3A_68, %get3A_69] {strides = array<i32>} : memref<106x96xi32, #tpu.memory_space<vmem>>, vector<1x16xi32>,
      %get3A_71 = vector.shape_cast %get3A_70 : vector<1x16xi32> to vector<16xi32>
      %add3A_72 = arith.constant 1 : i32
      %add3A_73 = vector.broadcast %add3A_72 : i32 to vector<16xi32>
      %add3A_74 = arith.addi %get3A_71, %add3A_73 : vector<16xi32>
      %swap3A_75 = arith.index_cast %scan3A_57 : i32 to index
      %swap3A_76 = arith.constant 16 : index
      %swap3A_77 = tpu.vector_load %arg8[%swap3A_75, %swap3A_76] {strides = array<i32>} : memref<106x96xi32, #tpu.memory_space<vmem>>, vector<1x16xi32>,
      %swap3A_78 = vector.shape_cast %swap3A_77 : vector<1x16xi32> to vector<16xi32>
      %swap3A_79 = vector.shape_cast %add3A_74 : vector<16xi32> to vector<1x16xi32>
      tpu.vector_store %arg8[%swap3A_75, %swap3A_76], %swap3A_79 {strides = array<i32>} : memref<106x96xi32, #tpu.memory_space<vmem>>, vector<1x16xi32>,
      %get3A_80 = arith.index_cast %scan3A_57 : i32 to index
      %get3A_81 = arith.constant 32 : index
      %get3A_82 = tpu.vector_load %arg8[%get3A_80, %get3A_81] {strides = array<i32>} : memref<106x96xi32, #tpu.memory_space<vmem>>, vector<1x16xi32>,
      %get3A_83 = vector.shape_cast %get3A_82 : vector<1x16xi32> to vector<16xi32>
      %add3A_84 = arith.constant 1 : i32
      %add3A_85 = vector.broadcast %add3A_84 : i32 to vector<16xi32>
      %add3A_86 = arith.addi %get3A_83, %add3A_85 : vector<16xi32>
      %swap3A_87 = arith.index_cast %scan3A_57 : i32 to index
      %swap3A_88 = arith.constant 32 : index
      %swap3A_89 = tpu.vector_load %arg8[%swap3A_87, %swap3A_88] {strides = array<i32>} : memref<106x96xi32, #tpu.memory_space<vmem>>, vector<1x16xi32>,
      %swap3A_90 = vector.shape_cast %swap3A_89 : vector<1x16xi32> to vector<16xi32>
      %swap3A_91 = vector.shape_cast %add3A_86 : vector<16xi32> to vector<1x16xi32>
      tpu.vector_store %arg8[%swap3A_87, %swap3A_88], %swap3A_91 {strides = array<i32>} : memref<106x96xi32, #tpu.memory_space<vmem>>, vector<1x16xi32>,
      %get3A_92 = arith.index_cast %scan3A_57 : i32 to index
      %get3A_93 = arith.constant 48 : index
      %get3A_94 = tpu.vector_load %arg8[%get3A_92, %get3A_93] {strides = array<i32>} : memref<106x96xi32, #tpu.memory_space<vmem>>, vector<1x16xi32>,
      %get3A_95 = vector.shape_cast %get3A_94 : vector<1x16xi32> to vector<16xi32>
      %add3A_96 = arith.constant 1 : i32
      %add3A_97 = vector.broadcast %add3A_96 : i32 to vector<16xi32>
      %add3A_98 = arith.addi %get3A_95, %add3A_97 : vector<16xi32>
      %swap3A_99 = arith.index_cast %scan3A_57 : i32 to index
      %swap3A_100 = arith.constant 48 : index
      %swap3A_101 = tpu.vector_load %arg8[%swap3A_99, %swap3A_100] {strides = array<i32>} : memref<106x96xi32, #tpu.memory_space<vmem>>, vector<1x16xi32>,
      %swap3A_102 = vector.shape_cast %swap3A_101 : vector<1x16xi32> to vector<16xi32>
      %swap3A_103 = vector.shape_cast %add3A_98 : vector<16xi32> to vector<1x16xi32>
      tpu.vector_store %arg8[%swap3A_99, %swap3A_100], %swap3A_103 {strides = array<i32>} : memref<106x96xi32, #tpu.memory_space<vmem>>, vector<1x16xi32>,
      %get3A_104 = arith.index_cast %scan3A_57 : i32 to index
      %get3A_105 = arith.constant 64 : index
      %get3A_106 = tpu.vector_load %arg8[%get3A_104, %get3A_105] {strides = array<i32>} : memref<106x96xi32, #tpu.memory_space<vmem>>, vector<1x16xi32>,
      %get3A_107 = vector.shape_cast %get3A_106 : vector<1x16xi32> to vector<16xi32>
      %add3A_108 = arith.constant 1 : i32
      %add3A_109 = vector.broadcast %add3A_108 : i32 to vector<16xi32>
      %add3A_110 = arith.addi %get3A_107, %add3A_109 : vector<16xi32>
      %swap3A_111 = arith.index_cast %scan3A_57 : i32 to index
      %swap3A_112 = arith.constant 64 : index
      %swap3A_113 = tpu.vector_load %arg8[%swap3A_111, %swap3A_112] {strides = array<i32>} : memref<106x96xi32, #tpu.memory_space<vmem>>, vector<1x16xi32>,
      %swap3A_114 = vector.shape_cast %swap3A_113 : vector<1x16xi32> to vector<16xi32>
      %swap3A_115 = vector.shape_cast %add3A_110 : vector<16xi32> to vector<1x16xi32>
      tpu.vector_store %arg8[%swap3A_111, %swap3A_112], %swap3A_115 {strides = array<i32>} : memref<106x96xi32, #tpu.memory_space<vmem>>, vector<1x16xi32>,
      %get3A_116 = arith.index_cast %scan3A_57 : i32 to index
      %get3A_117 = arith.constant 80 : index
      %get3A_118 = tpu.vector_load %arg8[%get3A_116, %get3A_117] {strides = array<i32>} : memref<106x96xi32, #tpu.memory_space<vmem>>, vector<1x16xi32>,
      %get3A_119 = vector.shape_cast %get3A_118 : vector<1x16xi32> to vector<16xi32>
      %add3A_120 = arith.constant 1 : i32
      %add3A_121 = vector.broadcast %add3A_120 : i32 to vector<16xi32>
      %add3A_122 = arith.addi %get3A_119, %add3A_121 : vector<16xi32>
      %swap3A_123 = arith.index_cast %scan3A_57 : i32 to index
      %swap3A_124 = arith.constant 80 : index
      %swap3A_125 = tpu.vector_load %arg8[%swap3A_123, %swap3A_124] {strides = array<i32>} : memref<106x96xi32, #tpu.memory_space<vmem>>, vector<1x16xi32>,
      %swap3A_126 = vector.shape_cast %swap3A_125 : vector<1x16xi32> to vector<16xi32>
      %swap3A_127 = vector.shape_cast %add3A_122 : vector<16xi32> to vector<1x16xi32>
      tpu.vector_store %arg8[%swap3A_123, %swap3A_124], %swap3A_127 {strides = array<i32>} : memref<106x96xi32, #tpu.memory_space<vmem>>, vector<1x16xi32>,
    }
    %scan3A_31 = arith.constant 106 : i32
    %mul3A_32 = arith.constant 2 : i32
    %mul3A_33 = arith.muli %arg0, %mul3A_32 : i32
    %add3A_34 = arith.constant 1 : i32
    %add3A_35 = arith.addi %mul3A_33, %add3A_34 : i32
    %mul3A_36 = arith.constant 625 : i32
    %mul3A_37 = arith.muli %arg1, %mul3A_36 : i32
    "tpu.region"() ({
      %run_scoped3A = tpu.sem_alloc : memref<!tpu.dma_semaphore, #tpu.memory_space<semaphore_mem>>
      %dma_start3A_57 = arith.constant 0 : i32
      %dma_start3A_58 = tpu.memref_slice %arg11[%mul3A_37, %dma_start3A_57] : memref<10112x128xf32, #tpu.memory_space<vmem_shared>> -> memref<625x128xf32, #tpu.memory_space<vmem_shared>>
      tpu.enqueue_dma source(%arg3 : memref<625x128xf32, #tpu.memory_space<hbm>>) target(%dma_start3A_58 : memref<625x128xf32, #tpu.memory_space<vmem_shared>>) target_semaphore(%run_scoped3A : memref<!tpu.dma_semaphore, #tpu.memory_space<semaphore_mem>>)
      %dma_wait3A = arith.constant 0 : i32
      %dma_wait3A_59 = tpu.memref_slice %arg11[%mul3A_37, %dma_wait3A] : memref<10112x128xf32, #tpu.memory_space<vmem_shared>> -> memref<625x128xf32, #tpu.memory_space<vmem_shared>>
      tpu.wait_dma2 semaphore(%run_scoped3A : memref<!tpu.dma_semaphore, #tpu.memory_space<semaphore_mem>>) src(%arg3 : memref<625x128xf32, #tpu.memory_space<hbm>>) dst(%dma_wait3A_59 : memref<625x128xf32, #tpu.memory_space<vmem_shared>>)
      tpu.yield
    }) : () -> ()
    %barrier3A_38 = arith.constant 0 : index
    tpu.barrier barrier_id(%barrier3A_38)
    %dma_start3A_39 = arith.constant 0 : i32
    %dma_start3A_40 = arith.constant 0 : i32
    %dma_start3A_41 = tpu.memref_slice %arg8[%dma_start3A_39, %dma_start3A_40] : memref<106x96xi32, #tpu.memory_space<vmem>> -> memref<1x96xi32, #tpu.memory_space<vmem>>
    %dma_start3A_42 = tpu.memref_squeeze %dma_start3A_41 : memref<1x96xi32, #tpu.memory_space<vmem>> -> memref<96xi32, #tpu.memory_space<vmem>>
    %dma_start3A_43 = arith.constant 0 : i32
    %dma_start3A_44 = arith.constant 0 : i32
    %dma_start3A_45 = tpu.memref_slice %arg2[%dma_start3A_43, %dma_start3A_44] : memref<40000x128xf32, #tpu.memory_space<hbm>> -> memref<40000x128xf32, #tpu.memory_space<hbm>>
    tpu.enqueue_indirect_dma source(%dma_start3A_45 : memref<40000x128xf32, #tpu.memory_space<hbm>>) target(%arg9 : memref<96x128xf32, #tpu.memory_space<vmem>>) offsets(%dma_start3A_42 : memref<96xi32, #tpu.memory_space<vmem>>) semaphore(%arg12 : memref<!tpu.dma_semaphore, #tpu.memory_space<semaphore_mem>>)
    %scan3A_46 = arith.constant 0 : i32
    %scan3A_47 = arith.constant 0 : i32
    %scan3A_48 = arith.constant 53 : i32
    %scan3A_49 = arith.addi %scan3A_47, %scan3A_48 : i32
    %scan3A_50 = arith.constant 1 : i32
    scf.for %scan3A_57 = %scan3A_47 to %scan3A_49 step %scan3A_50  : i32 {
      %mul3A_58 = arith.constant 2 : i32
      %mul3A_59 = arith.muli %scan3A_57, %mul3A_58 : i32
      %add3A_60 = arith.constant 1 : i32
      %add3A_61 = arith.addi %mul3A_59, %add3A_60 : i32
      %dma_wait3A = arith.constant 0 : i32
      %dma_wait3A_62 = tpu.memref_slice %arg8[%mul3A_59, %dma_wait3A] : memref<106x96xi32, #tpu.memory_space<vmem>> -> memref<1x96xi32, #tpu.memory_space<vmem>>
      %dma_wait3A_63 = tpu.memref_squeeze %dma_wait3A_62 : memref<1x96xi32, #tpu.memory_space<vmem>> -> memref<96xi32, #tpu.memory_space<vmem>>
      %dma_wait3A_64 = arith.constant 0 : i32
      %dma_wait3A_65 = arith.constant 0 : i32
      %dma_wait3A_66 = tpu.memref_slice %arg2[%dma_wait3A_64, %dma_wait3A_65] : memref<40000x128xf32, #tpu.memory_space<hbm>> -> memref<40000x128xf32, #tpu.memory_space<hbm>>
      tpu.wait_indirect_dma semaphore(%arg12 : memref<!tpu.dma_semaphore, #tpu.memory_space<semaphore_mem>>) src(%dma_wait3A_66 : memref<40000x128xf32, #tpu.memory_space<hbm>>) dst(%arg9 : memref<96x128xf32, #tpu.memory_space<vmem>>)
      %dma_start3A_67 = arith.constant 0 : i32
      %dma_start3A_68 = tpu.memref_slice %arg8[%add3A_61, %dma_start3A_67] : memref<106x96xi32, #tpu.memory_space<vmem>> -> memref<1x96xi32, #tpu.memory_space<vmem>>
      %dma_start3A_69 = tpu.memref_squeeze %dma_start3A_68 : memref<1x96xi32, #tpu.memory_space<vmem>> -> memref<96xi32, #tpu.memory_space<vmem>>
      %dma_start3A_70 = arith.constant 0 : i32
      %dma_start3A_71 = arith.constant 0 : i32
      %dma_start3A_72 = tpu.memref_slice %arg2[%dma_start3A_70, %dma_start3A_71] : memref<40000x128xf32, #tpu.memory_space<hbm>> -> memref<40000x128xf32, #tpu.memory_space<hbm>>
      tpu.enqueue_indirect_dma source(%dma_start3A_72 : memref<40000x128xf32, #tpu.memory_space<hbm>>) target(%arg10 : memref<96x128xf32, #tpu.memory_space<vmem>>) offsets(%dma_start3A_69 : memref<96xi32, #tpu.memory_space<vmem>>) semaphore(%arg13 : memref<!tpu.dma_semaphore, #tpu.memory_space<semaphore_mem>>)
      "tpu.region"() ({
        %run_scoped3A = tpu.sem_alloc : memref<!tpu.dma_semaphore, #tpu.memory_space<semaphore_mem>>
        %dma_start3A_83 = arith.constant 0 : i32
        %dma_start3A_84 = tpu.memref_slice %arg7[%mul3A_59, %dma_start3A_83] : memref<106x96xi32, #tpu.memory_space<vmem>> -> memref<1x96xi32, #tpu.memory_space<vmem>>
        %dma_start3A_85 = tpu.memref_squeeze %dma_start3A_84 : memref<1x96xi32, #tpu.memory_space<vmem>> -> memref<96xi32, #tpu.memory_space<vmem>>
        %dma_start3A_86 = arith.constant 0 : i32
        %dma_start3A_87 = arith.constant 0 : i32
        %dma_start3A_88 = tpu.memref_slice %arg11[%dma_start3A_86, %dma_start3A_87] : memref<10112x128xf32, #tpu.memory_space<vmem_shared>> -> memref<10112x128xf32, #tpu.memory_space<vmem_shared>>
        tpu.enqueue_indirect_dma source(%arg9 : memref<96x128xf32, #tpu.memory_space<vmem>>) target(%dma_start3A_88 : memref<10112x128xf32, #tpu.memory_space<vmem_shared>>) offsets(%dma_start3A_85 : memref<96xi32, #tpu.memory_space<vmem>>) semaphore(%run_scoped3A : memref<!tpu.dma_semaphore, #tpu.memory_space<semaphore_mem>>) {add = true}
        %dma_wait3A_89 = arith.constant 0 : i32
        %dma_wait3A_90 = tpu.memref_slice %arg7[%mul3A_59, %dma_wait3A_89] : memref<106x96xi32, #tpu.memory_space<vmem>> -> memref<1x96xi32, #tpu.memory_space<vmem>>
        %dma_wait3A_91 = tpu.memref_squeeze %dma_wait3A_90 : memref<1x96xi32, #tpu.memory_space<vmem>> -> memref<96xi32, #tpu.memory_space<vmem>>
        %dma_wait3A_92 = arith.constant 0 : i32
        %dma_wait3A_93 = arith.constant 0 : i32
        %dma_wait3A_94 = tpu.memref_slice %arg11[%dma_wait3A_92, %dma_wait3A_93] : memref<10112x128xf32, #tpu.memory_space<vmem_shared>> -> memref<10112x128xf32, #tpu.memory_space<vmem_shared>>
        tpu.wait_indirect_dma semaphore(%run_scoped3A : memref<!tpu.dma_semaphore, #tpu.memory_space<semaphore_mem>>) src(%arg9 : memref<96x128xf32, #tpu.memory_space<vmem>>) dst(%dma_wait3A_94 : memref<10112x128xf32, #tpu.memory_space<vmem_shared>>)
        tpu.yield
      }) : () -> ()
      %dma_wait3A_73 = arith.constant 0 : i32
      %dma_wait3A_74 = tpu.memref_slice %arg8[%add3A_61, %dma_wait3A_73] : memref<106x96xi32, #tpu.memory_space<vmem>> -> memref<1x96xi32, #tpu.memory_space<vmem>>
      %dma_wait3A_75 = tpu.memref_squeeze %dma_wait3A_74 : memref<1x96xi32, #tpu.memory_space<vmem>> -> memref<96xi32, #tpu.memory_space<vmem>>
      %dma_wait3A_76 = arith.constant 0 : i32
      %dma_wait3A_77 = arith.constant 0 : i32
      %dma_wait3A_78 = tpu.memref_slice %arg2[%dma_wait3A_76, %dma_wait3A_77] : memref<40000x128xf32, #tpu.memory_space<hbm>> -> memref<40000x128xf32, #tpu.memory_space<hbm>>
      tpu.wait_indirect_dma semaphore(%arg13 : memref<!tpu.dma_semaphore, #tpu.memory_space<semaphore_mem>>) src(%dma_wait3A_78 : memref<40000x128xf32, #tpu.memory_space<hbm>>) dst(%arg10 : memref<96x128xf32, #tpu.memory_space<vmem>>)
      %add3A_79 = arith.constant 1 : i32
      %add3A_80 = arith.addi %scan3A_57, %add3A_79 : i32
      %lt3A = arith.constant 53 : i32
      %lt3A_81 = arith.cmpi slt, %add3A_80, %lt3A : i32
      %convert_element_type3A = arith.extui %lt3A_81 : i1 to i32
      %cond3A = arith.constant 0 : i32
      %cond3A_82 = arith.cmpi ne, %convert_element_type3A, %cond3A : i32
      scf.if %cond3A_82 {
        %add3A_83 = arith.constant 2 : i32
        %add3A_84 = arith.addi %mul3A_59, %add3A_83 : i32
        %dma_start3A_85 = arith.constant 0 : i32
        %dma_start3A_86 = tpu.memref_slice %arg8[%add3A_84, %dma_start3A_85] : memref<106x96xi32, #tpu.memory_space<vmem>> -> memref<1x96xi32, #tpu.memory_space<vmem>>
        %dma_start3A_87 = tpu.memref_squeeze %dma_start3A_86 : memref<1x96xi32, #tpu.memory_space<vmem>> -> memref<96xi32, #tpu.memory_space<vmem>>
        %dma_start3A_88 = arith.constant 0 : i32
        %dma_start3A_89 = arith.constant 0 : i32
        %dma_start3A_90 = tpu.memref_slice %arg2[%dma_start3A_88, %dma_start3A_89] : memref<40000x128xf32, #tpu.memory_space<hbm>> -> memref<40000x128xf32, #tpu.memory_space<hbm>>
        tpu.enqueue_indirect_dma source(%dma_start3A_90 : memref<40000x128xf32, #tpu.memory_space<hbm>>) target(%arg9 : memref<96x128xf32, #tpu.memory_space<vmem>>) offsets(%dma_start3A_87 : memref<96xi32, #tpu.memory_space<vmem>>) semaphore(%arg12 : memref<!tpu.dma_semaphore, #tpu.memory_space<semaphore_mem>>)
      } else {
      }
      "tpu.region"() ({
        %run_scoped3A = tpu.sem_alloc : memref<!tpu.dma_semaphore, #tpu.memory_space<semaphore_mem>>
        %dma_start3A_83 = arith.constant 0 : i32
        %dma_start3A_84 = tpu.memref_slice %arg7[%add3A_61, %dma_start3A_83] : memref<106x96xi32, #tpu.memory_space<vmem>> -> memref<1x96xi32, #tpu.memory_space<vmem>>
        %dma_start3A_85 = tpu.memref_squeeze %dma_start3A_84 : memref<1x96xi32, #tpu.memory_space<vmem>> -> memref<96xi32, #tpu.memory_space<vmem>>
        %dma_start3A_86 = arith.constant 0 : i32
        %dma_start3A_87 = arith.constant 0 : i32
        %dma_start3A_88 = tpu.memref_slice %arg11[%dma_start3A_86, %dma_start3A_87] : memref<10112x128xf32, #tpu.memory_space<vmem_shared>> -> memref<10112x128xf32, #tpu.memory_space<vmem_shared>>
        tpu.enqueue_indirect_dma source(%arg10 : memref<96x128xf32, #tpu.memory_space<vmem>>) target(%dma_start3A_88 : memref<10112x128xf32, #tpu.memory_space<vmem_shared>>) offsets(%dma_start3A_85 : memref<96xi32, #tpu.memory_space<vmem>>) semaphore(%run_scoped3A : memref<!tpu.dma_semaphore, #tpu.memory_space<semaphore_mem>>) {add = true}
        %dma_wait3A_89 = arith.constant 0 : i32
        %dma_wait3A_90 = tpu.memref_slice %arg7[%add3A_61, %dma_wait3A_89] : memref<106x96xi32, #tpu.memory_space<vmem>> -> memref<1x96xi32, #tpu.memory_space<vmem>>
        %dma_wait3A_91 = tpu.memref_squeeze %dma_wait3A_90 : memref<1x96xi32, #tpu.memory_space<vmem>> -> memref<96xi32, #tpu.memory_space<vmem>>
        %dma_wait3A_92 = arith.constant 0 : i32
        %dma_wait3A_93 = arith.constant 0 : i32
        %dma_wait3A_94 = tpu.memref_slice %arg11[%dma_wait3A_92, %dma_wait3A_93] : memref<10112x128xf32, #tpu.memory_space<vmem_shared>> -> memref<10112x128xf32, #tpu.memory_space<vmem_shared>>
        tpu.wait_indirect_dma semaphore(%run_scoped3A : memref<!tpu.dma_semaphore, #tpu.memory_space<semaphore_mem>>) src(%arg10 : memref<96x128xf32, #tpu.memory_space<vmem>>) dst(%dma_wait3A_94 : memref<10112x128xf32, #tpu.memory_space<vmem_shared>>)
        tpu.yield
      }) : () -> ()
    }
    %scan3A_51 = arith.constant 53 : i32
    %barrier3A_52 = arith.constant 0 : index
    tpu.barrier barrier_id(%barrier3A_52)
    %mul3A_53 = arith.constant 625 : i32
    %mul3A_54 = arith.muli %arg1, %mul3A_53 : i32
    %mul3A_55 = arith.constant 625 : i32
    %mul3A_56 = arith.muli %arg1, %mul3A_55 : i32
    "tpu.region"() ({
      %run_scoped3A = tpu.sem_alloc : memref<!tpu.dma_semaphore, #tpu.memory_space<semaphore_mem>>
      %dma_start3A_57 = arith.constant 0 : i32
      %dma_start3A_58 = tpu.memref_slice %arg6[%add3A_35, %mul3A_56, %dma_start3A_57] : memref<4x10000x128xf32, #tpu.memory_space<hbm>> -> memref<1x625x128xf32, #tpu.memory_space<hbm>>
      %dma_start3A_59 = tpu.memref_squeeze %dma_start3A_58 : memref<1x625x128xf32, #tpu.memory_space<hbm>> -> memref<625x128xf32, #tpu.memory_space<hbm>>
      %dma_start3A_60 = arith.constant 0 : i32
      %dma_start3A_61 = tpu.memref_slice %arg11[%mul3A_54, %dma_start3A_60] : memref<10112x128xf32, #tpu.memory_space<vmem_shared>> -> memref<625x128xf32, #tpu.memory_space<vmem_shared>>
      tpu.enqueue_dma source(%dma_start3A_61 : memref<625x128xf32, #tpu.memory_space<vmem_shared>>) target(%dma_start3A_59 : memref<625x128xf32, #tpu.memory_space<hbm>>) target_semaphore(%run_scoped3A : memref<!tpu.dma_semaphore, #tpu.memory_space<semaphore_mem>>)
      %dma_wait3A = arith.constant 0 : i32
      %dma_wait3A_62 = tpu.memref_slice %arg6[%add3A_35, %mul3A_56, %dma_wait3A] : memref<4x10000x128xf32, #tpu.memory_space<hbm>> -> memref<1x625x128xf32, #tpu.memory_space<hbm>>
      %dma_wait3A_63 = tpu.memref_squeeze %dma_wait3A_62 : memref<1x625x128xf32, #tpu.memory_space<hbm>> -> memref<625x128xf32, #tpu.memory_space<hbm>>
      %dma_wait3A_64 = arith.constant 0 : i32
      %dma_wait3A_65 = tpu.memref_slice %arg11[%mul3A_54, %dma_wait3A_64] : memref<10112x128xf32, #tpu.memory_space<vmem_shared>> -> memref<625x128xf32, #tpu.memory_space<vmem_shared>>
      tpu.wait_dma2 semaphore(%run_scoped3A : memref<!tpu.dma_semaphore, #tpu.memory_space<semaphore_mem>>) src(%dma_wait3A_65 : memref<625x128xf32, #tpu.memory_space<vmem_shared>>) dst(%dma_wait3A_63 : memref<625x128xf32, #tpu.memory_space<hbm>>)
      tpu.yield
    }) : () -> ()
    return
  }
}

#map = affine_map<(d0, d1) -> (0, 0)>
#map1 = affine_map<(d0, d1) -> (0, 0, 0)>
module attributes {stable_mosaic.version = 14 : i64} {
  func.func @body(%arg0: i32, %arg1: i32, %arg2: memref<20000x128xf32, #tpu.memory_space<hbm>>, %arg3: memref<625x128xf32, #tpu.memory_space<hbm>>, %arg4: memref<16x106x96xi32, #tpu.memory_space<hbm>>, %arg5: memref<16x106x96xi32, #tpu.memory_space<hbm>>, %arg6: memref<2x10000x128xf32, #tpu.memory_space<hbm>>, %arg7: memref<106x96xi32, #tpu.memory_space<vmem>>, %arg8: memref<106x96xi32, #tpu.memory_space<vmem>>, %arg9: memref<96x128xf32, #tpu.memory_space<vmem>>, %arg10: memref<96x128xf32, #tpu.memory_space<vmem>>, %arg11: memref<10112x128xf32, #tpu.memory_space<vmem_shared>>, %arg12: memref<!tpu.dma_semaphore, #tpu.memory_space<semaphore_mem>>, %arg13: memref<!tpu.dma_semaphore, #tpu.memory_space<semaphore_mem>>) attributes {dimension_semantics = [#tpu.dimension_semantics<core_parallel>, #tpu.dimension_semantics<subcore_parallel>], iteration_bounds = array<i64: 2, 16>, scalar_prefetch = 0 : i64, scratch_operands = 7 : i64, tpu.core_type = #tpu.core_type<sc_vector_subcore>, window_params = [{transform_indices = #map}, {transform_indices = #map}, {transform_indices = #map1}, {transform_indices = #map1}, {transform_indices = #map1}]} {
    "tpu.region"() ({
      %run_scoped3A = tpu.sem_alloc : memref<!tpu.dma_semaphore, #tpu.memory_space<semaphore_mem>>
      %dma_start3A_26 = arith.constant 0 : i32
      %dma_start3A_27 = arith.constant 0 : i32
      %dma_start3A_28 = tpu.memref_slice %arg4[%arg1, %dma_start3A_26, %dma_start3A_27] : memref<16x106x96xi32, #tpu.memory_space<hbm>> -> memref<1x106x96xi32, #tpu.memory_space<hbm>>
      %dma_start3A_29 = tpu.memref_squeeze %dma_start3A_28 : memref<1x106x96xi32, #tpu.memory_space<hbm>> -> memref<106x96xi32, #tpu.memory_space<hbm>>
      %dma_start3A_30 = arith.constant 0 : i32
      %dma_start3A_31 = arith.constant 0 : i32
      %dma_start3A_32 = tpu.memref_slice %arg4[%arg1, %dma_start3A_30, %dma_start3A_31] : memref<16x106x96xi32, #tpu.memory_space<hbm>> -> memref<1x106x96xi32, #tpu.memory_space<hbm>>
      %dma_start3A_33 = tpu.memref_squeeze %dma_start3A_32 : memref<1x106x96xi32, #tpu.memory_space<hbm>> -> memref<106x96xi32, #tpu.memory_space<hbm>>
      tpu.enqueue_dma source(%dma_start3A_33 : memref<106x96xi32, #tpu.memory_space<hbm>>) target(%arg7 : memref<106x96xi32, #tpu.memory_space<vmem>>) target_semaphore(%run_scoped3A : memref<!tpu.dma_semaphore, #tpu.memory_space<semaphore_mem>>)
      %dma_wait3A = arith.constant 0 : i32
      %dma_wait3A_34 = arith.constant 0 : i32
      %dma_wait3A_35 = tpu.memref_slice %arg4[%arg1, %dma_wait3A, %dma_wait3A_34] : memref<16x106x96xi32, #tpu.memory_space<hbm>> -> memref<1x106x96xi32, #tpu.memory_space<hbm>>
      %dma_wait3A_36 = tpu.memref_squeeze %dma_wait3A_35 : memref<1x106x96xi32, #tpu.memory_space<hbm>> -> memref<106x96xi32, #tpu.memory_space<hbm>>
      %dma_wait3A_37 = arith.constant 0 : i32
      %dma_wait3A_38 = arith.constant 0 : i32
      %dma_wait3A_39 = tpu.memref_slice %arg4[%arg1, %dma_wait3A_37, %dma_wait3A_38] : memref<16x106x96xi32, #tpu.memory_space<hbm>> -> memref<1x106x96xi32, #tpu.memory_space<hbm>>
      %dma_wait3A_40 = tpu.memref_squeeze %dma_wait3A_39 : memref<1x106x96xi32, #tpu.memory_space<hbm>> -> memref<106x96xi32, #tpu.memory_space<hbm>>
      tpu.wait_dma2 semaphore(%run_scoped3A : memref<!tpu.dma_semaphore, #tpu.memory_space<semaphore_mem>>) src(%dma_wait3A_40 : memref<106x96xi32, #tpu.memory_space<hbm>>) dst(%arg7 : memref<106x96xi32, #tpu.memory_space<vmem>>)
      tpu.yield
    }) : () -> ()
    "tpu.region"() ({
      %run_scoped3A = tpu.sem_alloc : memref<!tpu.dma_semaphore, #tpu.memory_space<semaphore_mem>>
      %dma_start3A_26 = arith.constant 0 : i32
      %dma_start3A_27 = arith.constant 0 : i32
      %dma_start3A_28 = tpu.memref_slice %arg5[%arg1, %dma_start3A_26, %dma_start3A_27] : memref<16x106x96xi32, #tpu.memory_space<hbm>> -> memref<1x106x96xi32, #tpu.memory_space<hbm>>
      %dma_start3A_29 = tpu.memref_squeeze %dma_start3A_28 : memref<1x106x96xi32, #tpu.memory_space<hbm>> -> memref<106x96xi32, #tpu.memory_space<hbm>>
      %dma_start3A_30 = arith.constant 0 : i32
      %dma_start3A_31 = arith.constant 0 : i32
      %dma_start3A_32 = tpu.memref_slice %arg5[%arg1, %dma_start3A_30, %dma_start3A_31] : memref<16x106x96xi32, #tpu.memory_space<hbm>> -> memref<1x106x96xi32, #tpu.memory_space<hbm>>
      %dma_start3A_33 = tpu.memref_squeeze %dma_start3A_32 : memref<1x106x96xi32, #tpu.memory_space<hbm>> -> memref<106x96xi32, #tpu.memory_space<hbm>>
      tpu.enqueue_dma source(%dma_start3A_33 : memref<106x96xi32, #tpu.memory_space<hbm>>) target(%arg8 : memref<106x96xi32, #tpu.memory_space<vmem>>) target_semaphore(%run_scoped3A : memref<!tpu.dma_semaphore, #tpu.memory_space<semaphore_mem>>)
      %dma_wait3A = arith.constant 0 : i32
      %dma_wait3A_34 = arith.constant 0 : i32
      %dma_wait3A_35 = tpu.memref_slice %arg5[%arg1, %dma_wait3A, %dma_wait3A_34] : memref<16x106x96xi32, #tpu.memory_space<hbm>> -> memref<1x106x96xi32, #tpu.memory_space<hbm>>
      %dma_wait3A_36 = tpu.memref_squeeze %dma_wait3A_35 : memref<1x106x96xi32, #tpu.memory_space<hbm>> -> memref<106x96xi32, #tpu.memory_space<hbm>>
      %dma_wait3A_37 = arith.constant 0 : i32
      %dma_wait3A_38 = arith.constant 0 : i32
      %dma_wait3A_39 = tpu.memref_slice %arg5[%arg1, %dma_wait3A_37, %dma_wait3A_38] : memref<16x106x96xi32, #tpu.memory_space<hbm>> -> memref<1x106x96xi32, #tpu.memory_space<hbm>>
      %dma_wait3A_40 = tpu.memref_squeeze %dma_wait3A_39 : memref<1x106x96xi32, #tpu.memory_space<hbm>> -> memref<106x96xi32, #tpu.memory_space<hbm>>
      tpu.wait_dma2 semaphore(%run_scoped3A : memref<!tpu.dma_semaphore, #tpu.memory_space<semaphore_mem>>) src(%dma_wait3A_40 : memref<106x96xi32, #tpu.memory_space<hbm>>) dst(%arg8 : memref<106x96xi32, #tpu.memory_space<vmem>>)
      tpu.yield
    }) : () -> ()
    %scan3A = arith.constant 0 : i32
    %scan3A_0 = arith.constant 0 : i32
    %scan3A_1 = arith.constant 106 : i32
    %scan3A_2 = arith.addi %scan3A_0, %scan3A_1 : i32
    %scan3A_3 = arith.constant 1 : i32
    scf.for %scan3A_26 = %scan3A_0 to %scan3A_2 step %scan3A_3  : i32 {
      %get3A = arith.index_cast %scan3A_26 : i32 to index
      %get3A_27 = arith.constant 0 : index
      %get3A_28 = tpu.vector_load %arg8[%get3A, %get3A_27] {strides = array<i32>} : memref<106x96xi32, #tpu.memory_space<vmem>>, vector<1x16xi32>,
      %get3A_29 = vector.shape_cast %get3A_28 : vector<1x16xi32> to vector<16xi32>
      %mul3A_30 = arith.constant 2 : i32
      %mul3A_31 = vector.broadcast %mul3A_30 : i32 to vector<16xi32>
      %mul3A_32 = arith.muli %get3A_29, %mul3A_31 : vector<16xi32>
      %mul3A_33 = arith.constant 1 : i32
      %mul3A_34 = arith.muli %arg0, %mul3A_33 : i32
      %add3A_35 = arith.constant 0 : i32
      %add3A_36 = arith.addi %add3A_35, %mul3A_34 : i32
      %add3A_37 = vector.broadcast %add3A_36 : i32 to vector<16xi32>
      %add3A_38 = arith.addi %mul3A_32, %add3A_37 : vector<16xi32>
      %swap3A = arith.index_cast %scan3A_26 : i32 to index
      %swap3A_39 = arith.constant 0 : index
      %swap3A_40 = tpu.vector_load %arg8[%swap3A, %swap3A_39] {strides = array<i32>} : memref<106x96xi32, #tpu.memory_space<vmem>>, vector<1x16xi32>,
      %swap3A_41 = vector.shape_cast %swap3A_40 : vector<1x16xi32> to vector<16xi32>
      %swap3A_42 = vector.shape_cast %add3A_38 : vector<16xi32> to vector<1x16xi32>
      tpu.vector_store %arg8[%swap3A, %swap3A_39], %swap3A_42 {strides = array<i32>} : memref<106x96xi32, #tpu.memory_space<vmem>>, vector<1x16xi32>,
      %get3A_43 = arith.index_cast %scan3A_26 : i32 to index
      %get3A_44 = arith.constant 16 : index
      %get3A_45 = tpu.vector_load %arg8[%get3A_43, %get3A_44] {strides = array<i32>} : memref<106x96xi32, #tpu.memory_space<vmem>>, vector<1x16xi32>,
      %get3A_46 = vector.shape_cast %get3A_45 : vector<1x16xi32> to vector<16xi32>
      %mul3A_47 = arith.constant 2 : i32
      %mul3A_48 = vector.broadcast %mul3A_47 : i32 to vector<16xi32>
      %mul3A_49 = arith.muli %get3A_46, %mul3A_48 : vector<16xi32>
      %mul3A_50 = arith.constant 1 : i32
      %mul3A_51 = arith.muli %arg0, %mul3A_50 : i32
      %add3A_52 = arith.constant 0 : i32
      %add3A_53 = arith.addi %add3A_52, %mul3A_51 : i32
      %add3A_54 = vector.broadcast %add3A_53 : i32 to vector<16xi32>
      %add3A_55 = arith.addi %mul3A_49, %add3A_54 : vector<16xi32>
      %swap3A_56 = arith.index_cast %scan3A_26 : i32 to index
      %swap3A_57 = arith.constant 16 : index
      %swap3A_58 = tpu.vector_load %arg8[%swap3A_56, %swap3A_57] {strides = array<i32>} : memref<106x96xi32, #tpu.memory_space<vmem>>, vector<1x16xi32>,
      %swap3A_59 = vector.shape_cast %swap3A_58 : vector<1x16xi32> to vector<16xi32>
      %swap3A_60 = vector.shape_cast %add3A_55 : vector<16xi32> to vector<1x16xi32>
      tpu.vector_store %arg8[%swap3A_56, %swap3A_57], %swap3A_60 {strides = array<i32>} : memref<106x96xi32, #tpu.memory_space<vmem>>, vector<1x16xi32>,
      %get3A_61 = arith.index_cast %scan3A_26 : i32 to index
      %get3A_62 = arith.constant 32 : index
      %get3A_63 = tpu.vector_load %arg8[%get3A_61, %get3A_62] {strides = array<i32>} : memref<106x96xi32, #tpu.memory_space<vmem>>, vector<1x16xi32>,
      %get3A_64 = vector.shape_cast %get3A_63 : vector<1x16xi32> to vector<16xi32>
      %mul3A_65 = arith.constant 2 : i32
      %mul3A_66 = vector.broadcast %mul3A_65 : i32 to vector<16xi32>
      %mul3A_67 = arith.muli %get3A_64, %mul3A_66 : vector<16xi32>
      %mul3A_68 = arith.constant 1 : i32
      %mul3A_69 = arith.muli %arg0, %mul3A_68 : i32
      %add3A_70 = arith.constant 0 : i32
      %add3A_71 = arith.addi %add3A_70, %mul3A_69 : i32
      %add3A_72 = vector.broadcast %add3A_71 : i32 to vector<16xi32>
      %add3A_73 = arith.addi %mul3A_67, %add3A_72 : vector<16xi32>
      %swap3A_74 = arith.index_cast %scan3A_26 : i32 to index
      %swap3A_75 = arith.constant 32 : index
      %swap3A_76 = tpu.vector_load %arg8[%swap3A_74, %swap3A_75] {strides = array<i32>} : memref<106x96xi32, #tpu.memory_space<vmem>>, vector<1x16xi32>,
      %swap3A_77 = vector.shape_cast %swap3A_76 : vector<1x16xi32> to vector<16xi32>
      %swap3A_78 = vector.shape_cast %add3A_73 : vector<16xi32> to vector<1x16xi32>
      tpu.vector_store %arg8[%swap3A_74, %swap3A_75], %swap3A_78 {strides = array<i32>} : memref<106x96xi32, #tpu.memory_space<vmem>>, vector<1x16xi32>,
      %get3A_79 = arith.index_cast %scan3A_26 : i32 to index
      %get3A_80 = arith.constant 48 : index
      %get3A_81 = tpu.vector_load %arg8[%get3A_79, %get3A_80] {strides = array<i32>} : memref<106x96xi32, #tpu.memory_space<vmem>>, vector<1x16xi32>,
      %get3A_82 = vector.shape_cast %get3A_81 : vector<1x16xi32> to vector<16xi32>
      %mul3A_83 = arith.constant 2 : i32
      %mul3A_84 = vector.broadcast %mul3A_83 : i32 to vector<16xi32>
      %mul3A_85 = arith.muli %get3A_82, %mul3A_84 : vector<16xi32>
      %mul3A_86 = arith.constant 1 : i32
      %mul3A_87 = arith.muli %arg0, %mul3A_86 : i32
      %add3A_88 = arith.constant 0 : i32
      %add3A_89 = arith.addi %add3A_88, %mul3A_87 : i32
      %add3A_90 = vector.broadcast %add3A_89 : i32 to vector<16xi32>
      %add3A_91 = arith.addi %mul3A_85, %add3A_90 : vector<16xi32>
      %swap3A_92 = arith.index_cast %scan3A_26 : i32 to index
      %swap3A_93 = arith.constant 48 : index
      %swap3A_94 = tpu.vector_load %arg8[%swap3A_92, %swap3A_93] {strides = array<i32>} : memref<106x96xi32, #tpu.memory_space<vmem>>, vector<1x16xi32>,
      %swap3A_95 = vector.shape_cast %swap3A_94 : vector<1x16xi32> to vector<16xi32>
      %swap3A_96 = vector.shape_cast %add3A_91 : vector<16xi32> to vector<1x16xi32>
      tpu.vector_store %arg8[%swap3A_92, %swap3A_93], %swap3A_96 {strides = array<i32>} : memref<106x96xi32, #tpu.memory_space<vmem>>, vector<1x16xi32>,
      %get3A_97 = arith.index_cast %scan3A_26 : i32 to index
      %get3A_98 = arith.constant 64 : index
      %get3A_99 = tpu.vector_load %arg8[%get3A_97, %get3A_98] {strides = array<i32>} : memref<106x96xi32, #tpu.memory_space<vmem>>, vector<1x16xi32>,
      %get3A_100 = vector.shape_cast %get3A_99 : vector<1x16xi32> to vector<16xi32>
      %mul3A_101 = arith.constant 2 : i32
      %mul3A_102 = vector.broadcast %mul3A_101 : i32 to vector<16xi32>
      %mul3A_103 = arith.muli %get3A_100, %mul3A_102 : vector<16xi32>
      %mul3A_104 = arith.constant 1 : i32
      %mul3A_105 = arith.muli %arg0, %mul3A_104 : i32
      %add3A_106 = arith.constant 0 : i32
      %add3A_107 = arith.addi %add3A_106, %mul3A_105 : i32
      %add3A_108 = vector.broadcast %add3A_107 : i32 to vector<16xi32>
      %add3A_109 = arith.addi %mul3A_103, %add3A_108 : vector<16xi32>
      %swap3A_110 = arith.index_cast %scan3A_26 : i32 to index
      %swap3A_111 = arith.constant 64 : index
      %swap3A_112 = tpu.vector_load %arg8[%swap3A_110, %swap3A_111] {strides = array<i32>} : memref<106x96xi32, #tpu.memory_space<vmem>>, vector<1x16xi32>,
      %swap3A_113 = vector.shape_cast %swap3A_112 : vector<1x16xi32> to vector<16xi32>
      %swap3A_114 = vector.shape_cast %add3A_109 : vector<16xi32> to vector<1x16xi32>
      tpu.vector_store %arg8[%swap3A_110, %swap3A_111], %swap3A_114 {strides = array<i32>} : memref<106x96xi32, #tpu.memory_space<vmem>>, vector<1x16xi32>,
      %get3A_115 = arith.index_cast %scan3A_26 : i32 to index
      %get3A_116 = arith.constant 80 : index
      %get3A_117 = tpu.vector_load %arg8[%get3A_115, %get3A_116] {strides = array<i32>} : memref<106x96xi32, #tpu.memory_space<vmem>>, vector<1x16xi32>,
      %get3A_118 = vector.shape_cast %get3A_117 : vector<1x16xi32> to vector<16xi32>
      %mul3A_119 = arith.constant 2 : i32
      %mul3A_120 = vector.broadcast %mul3A_119 : i32 to vector<16xi32>
      %mul3A_121 = arith.muli %get3A_118, %mul3A_120 : vector<16xi32>
      %mul3A_122 = arith.constant 1 : i32
      %mul3A_123 = arith.muli %arg0, %mul3A_122 : i32
      %add3A_124 = arith.constant 0 : i32
      %add3A_125 = arith.addi %add3A_124, %mul3A_123 : i32
      %add3A_126 = vector.broadcast %add3A_125 : i32 to vector<16xi32>
      %add3A_127 = arith.addi %mul3A_121, %add3A_126 : vector<16xi32>
      %swap3A_128 = arith.index_cast %scan3A_26 : i32 to index
      %swap3A_129 = arith.constant 80 : index
      %swap3A_130 = tpu.vector_load %arg8[%swap3A_128, %swap3A_129] {strides = array<i32>} : memref<106x96xi32, #tpu.memory_space<vmem>>, vector<1x16xi32>,
      %swap3A_131 = vector.shape_cast %swap3A_130 : vector<1x16xi32> to vector<16xi32>
      %swap3A_132 = vector.shape_cast %add3A_127 : vector<16xi32> to vector<1x16xi32>
      tpu.vector_store %arg8[%swap3A_128, %swap3A_129], %swap3A_132 {strides = array<i32>} : memref<106x96xi32, #tpu.memory_space<vmem>>, vector<1x16xi32>,
    }
    %scan3A_4 = arith.constant 106 : i32
    %mul3A = arith.constant 1 : i32
    %mul3A_5 = arith.muli %arg0, %mul3A : i32
    %add3A = arith.constant 0 : i32
    %add3A_6 = arith.addi %mul3A_5, %add3A : i32
    %mul3A_7 = arith.constant 625 : i32
    %mul3A_8 = arith.muli %arg1, %mul3A_7 : i32
    "tpu.region"() ({
      %run_scoped3A = tpu.sem_alloc : memref<!tpu.dma_semaphore, #tpu.memory_space<semaphore_mem>>
      %dma_start3A_26 = arith.constant 0 : i32
      %dma_start3A_27 = tpu.memref_slice %arg11[%mul3A_8, %dma_start3A_26] : memref<10112x128xf32, #tpu.memory_space<vmem_shared>> -> memref<625x128xf32, #tpu.memory_space<vmem_shared>>
      tpu.enqueue_dma source(%arg3 : memref<625x128xf32, #tpu.memory_space<hbm>>) target(%dma_start3A_27 : memref<625x128xf32, #tpu.memory_space<vmem_shared>>) target_semaphore(%run_scoped3A : memref<!tpu.dma_semaphore, #tpu.memory_space<semaphore_mem>>)
      %dma_wait3A = arith.constant 0 : i32
      %dma_wait3A_28 = tpu.memref_slice %arg11[%mul3A_8, %dma_wait3A] : memref<10112x128xf32, #tpu.memory_space<vmem_shared>> -> memref<625x128xf32, #tpu.memory_space<vmem_shared>>
      tpu.wait_dma2 semaphore(%run_scoped3A : memref<!tpu.dma_semaphore, #tpu.memory_space<semaphore_mem>>) src(%arg3 : memref<625x128xf32, #tpu.memory_space<hbm>>) dst(%dma_wait3A_28 : memref<625x128xf32, #tpu.memory_space<vmem_shared>>)
      tpu.yield
    }) : () -> ()
    %barrier3A = arith.constant 0 : index
    tpu.barrier barrier_id(%barrier3A)
    %dma_start3A = arith.constant 0 : i32
    %dma_start3A_9 = arith.constant 0 : i32
    %dma_start3A_10 = tpu.memref_slice %arg8[%dma_start3A, %dma_start3A_9] : memref<106x96xi32, #tpu.memory_space<vmem>> -> memref<1x96xi32, #tpu.memory_space<vmem>>
    %dma_start3A_11 = tpu.memref_squeeze %dma_start3A_10 : memref<1x96xi32, #tpu.memory_space<vmem>> -> memref<96xi32, #tpu.memory_space<vmem>>
    %dma_start3A_12 = arith.constant 0 : i32
    %dma_start3A_13 = arith.constant 0 : i32
    %dma_start3A_14 = tpu.memref_slice %arg2[%dma_start3A_12, %dma_start3A_13] : memref<20000x128xf32, #tpu.memory_space<hbm>> -> memref<20000x128xf32, #tpu.memory_space<hbm>>
    tpu.enqueue_indirect_dma source(%dma_start3A_14 : memref<20000x128xf32, #tpu.memory_space<hbm>>) target(%arg9 : memref<96x128xf32, #tpu.memory_space<vmem>>) offsets(%dma_start3A_11 : memref<96xi32, #tpu.memory_space<vmem>>) semaphore(%arg12 : memref<!tpu.dma_semaphore, #tpu.memory_space<semaphore_mem>>)
    %scan3A_15 = arith.constant 0 : i32
    %scan3A_16 = arith.constant 0 : i32
    %scan3A_17 = arith.constant 53 : i32
    %scan3A_18 = arith.addi %scan3A_16, %scan3A_17 : i32
    %scan3A_19 = arith.constant 1 : i32
    scf.for %scan3A_26 = %scan3A_16 to %scan3A_18 step %scan3A_19  : i32 {
      %mul3A_27 = arith.constant 2 : i32
      %mul3A_28 = arith.muli %scan3A_26, %mul3A_27 : i32
      %add3A_29 = arith.constant 1 : i32
      %add3A_30 = arith.addi %mul3A_28, %add3A_29 : i32
      %dma_wait3A = arith.constant 0 : i32
      %dma_wait3A_31 = tpu.memref_slice %arg8[%mul3A_28, %dma_wait3A] : memref<106x96xi32, #tpu.memory_space<vmem>> -> memref<1x96xi32, #tpu.memory_space<vmem>>
      %dma_wait3A_32 = tpu.memref_squeeze %dma_wait3A_31 : memref<1x96xi32, #tpu.memory_space<vmem>> -> memref<96xi32, #tpu.memory_space<vmem>>
      %dma_wait3A_33 = arith.constant 0 : i32
      %dma_wait3A_34 = arith.constant 0 : i32
      %dma_wait3A_35 = tpu.memref_slice %arg2[%dma_wait3A_33, %dma_wait3A_34] : memref<20000x128xf32, #tpu.memory_space<hbm>> -> memref<20000x128xf32, #tpu.memory_space<hbm>>
      tpu.wait_indirect_dma semaphore(%arg12 : memref<!tpu.dma_semaphore, #tpu.memory_space<semaphore_mem>>) src(%dma_wait3A_35 : memref<20000x128xf32, #tpu.memory_space<hbm>>) dst(%arg9 : memref<96x128xf32, #tpu.memory_space<vmem>>)
      %dma_start3A_36 = arith.constant 0 : i32
      %dma_start3A_37 = tpu.memref_slice %arg8[%add3A_30, %dma_start3A_36] : memref<106x96xi32, #tpu.memory_space<vmem>> -> memref<1x96xi32, #tpu.memory_space<vmem>>
      %dma_start3A_38 = tpu.memref_squeeze %dma_start3A_37 : memref<1x96xi32, #tpu.memory_space<vmem>> -> memref<96xi32, #tpu.memory_space<vmem>>
      %dma_start3A_39 = arith.constant 0 : i32
      %dma_start3A_40 = arith.constant 0 : i32
      %dma_start3A_41 = tpu.memref_slice %arg2[%dma_start3A_39, %dma_start3A_40] : memref<20000x128xf32, #tpu.memory_space<hbm>> -> memref<20000x128xf32, #tpu.memory_space<hbm>>
      tpu.enqueue_indirect_dma source(%dma_start3A_41 : memref<20000x128xf32, #tpu.memory_space<hbm>>) target(%arg10 : memref<96x128xf32, #tpu.memory_space<vmem>>) offsets(%dma_start3A_38 : memref<96xi32, #tpu.memory_space<vmem>>) semaphore(%arg13 : memref<!tpu.dma_semaphore, #tpu.memory_space<semaphore_mem>>)
      "tpu.region"() ({
        %run_scoped3A = tpu.sem_alloc : memref<!tpu.dma_semaphore, #tpu.memory_space<semaphore_mem>>
        %dma_start3A_52 = arith.constant 0 : i32
        %dma_start3A_53 = tpu.memref_slice %arg7[%mul3A_28, %dma_start3A_52] : memref<106x96xi32, #tpu.memory_space<vmem>> -> memref<1x96xi32, #tpu.memory_space<vmem>>
        %dma_start3A_54 = tpu.memref_squeeze %dma_start3A_53 : memref<1x96xi32, #tpu.memory_space<vmem>> -> memref<96xi32, #tpu.memory_space<vmem>>
        %dma_start3A_55 = arith.constant 0 : i32
        %dma_start3A_56 = arith.constant 0 : i32
        %dma_start3A_57 = tpu.memref_slice %arg11[%dma_start3A_55, %dma_start3A_56] : memref<10112x128xf32, #tpu.memory_space<vmem_shared>> -> memref<10112x128xf32, #tpu.memory_space<vmem_shared>>
        tpu.enqueue_indirect_dma source(%arg9 : memref<96x128xf32, #tpu.memory_space<vmem>>) target(%dma_start3A_57 : memref<10112x128xf32, #tpu.memory_space<vmem_shared>>) offsets(%dma_start3A_54 : memref<96xi32, #tpu.memory_space<vmem>>) semaphore(%run_scoped3A : memref<!tpu.dma_semaphore, #tpu.memory_space<semaphore_mem>>) {add = true}
        %dma_wait3A_58 = arith.constant 0 : i32
        %dma_wait3A_59 = tpu.memref_slice %arg7[%mul3A_28, %dma_wait3A_58] : memref<106x96xi32, #tpu.memory_space<vmem>> -> memref<1x96xi32, #tpu.memory_space<vmem>>
        %dma_wait3A_60 = tpu.memref_squeeze %dma_wait3A_59 : memref<1x96xi32, #tpu.memory_space<vmem>> -> memref<96xi32, #tpu.memory_space<vmem>>
        %dma_wait3A_61 = arith.constant 0 : i32
        %dma_wait3A_62 = arith.constant 0 : i32
        %dma_wait3A_63 = tpu.memref_slice %arg11[%dma_wait3A_61, %dma_wait3A_62] : memref<10112x128xf32, #tpu.memory_space<vmem_shared>> -> memref<10112x128xf32, #tpu.memory_space<vmem_shared>>
        tpu.wait_indirect_dma semaphore(%run_scoped3A : memref<!tpu.dma_semaphore, #tpu.memory_space<semaphore_mem>>) src(%arg9 : memref<96x128xf32, #tpu.memory_space<vmem>>) dst(%dma_wait3A_63 : memref<10112x128xf32, #tpu.memory_space<vmem_shared>>)
        tpu.yield
      }) : () -> ()
      %dma_wait3A_42 = arith.constant 0 : i32
      %dma_wait3A_43 = tpu.memref_slice %arg8[%add3A_30, %dma_wait3A_42] : memref<106x96xi32, #tpu.memory_space<vmem>> -> memref<1x96xi32, #tpu.memory_space<vmem>>
      %dma_wait3A_44 = tpu.memref_squeeze %dma_wait3A_43 : memref<1x96xi32, #tpu.memory_space<vmem>> -> memref<96xi32, #tpu.memory_space<vmem>>
      %dma_wait3A_45 = arith.constant 0 : i32
      %dma_wait3A_46 = arith.constant 0 : i32
      %dma_wait3A_47 = tpu.memref_slice %arg2[%dma_wait3A_45, %dma_wait3A_46] : memref<20000x128xf32, #tpu.memory_space<hbm>> -> memref<20000x128xf32, #tpu.memory_space<hbm>>
      tpu.wait_indirect_dma semaphore(%arg13 : memref<!tpu.dma_semaphore, #tpu.memory_space<semaphore_mem>>) src(%dma_wait3A_47 : memref<20000x128xf32, #tpu.memory_space<hbm>>) dst(%arg10 : memref<96x128xf32, #tpu.memory_space<vmem>>)
      %add3A_48 = arith.constant 1 : i32
      %add3A_49 = arith.addi %scan3A_26, %add3A_48 : i32
      %lt3A = arith.constant 53 : i32
      %lt3A_50 = arith.cmpi slt, %add3A_49, %lt3A : i32
      %convert_element_type3A = arith.extui %lt3A_50 : i1 to i32
      %cond3A = arith.constant 0 : i32
      %cond3A_51 = arith.cmpi ne, %convert_element_type3A, %cond3A : i32
      scf.if %cond3A_51 {
        %add3A_52 = arith.constant 2 : i32
        %add3A_53 = arith.addi %mul3A_28, %add3A_52 : i32
        %dma_start3A_54 = arith.constant 0 : i32
        %dma_start3A_55 = tpu.memref_slice %arg8[%add3A_53, %dma_start3A_54] : memref<106x96xi32, #tpu.memory_space<vmem>> -> memref<1x96xi32, #tpu.memory_space<vmem>>
        %dma_start3A_56 = tpu.memref_squeeze %dma_start3A_55 : memref<1x96xi32, #tpu.memory_space<vmem>> -> memref<96xi32, #tpu.memory_space<vmem>>
        %dma_start3A_57 = arith.constant 0 : i32
        %dma_start3A_58 = arith.constant 0 : i32
        %dma_start3A_59 = tpu.memref_slice %arg2[%dma_start3A_57, %dma_start3A_58] : memref<20000x128xf32, #tpu.memory_space<hbm>> -> memref<20000x128xf32, #tpu.memory_space<hbm>>
        tpu.enqueue_indirect_dma source(%dma_start3A_59 : memref<20000x128xf32, #tpu.memory_space<hbm>>) target(%arg9 : memref<96x128xf32, #tpu.memory_space<vmem>>) offsets(%dma_start3A_56 : memref<96xi32, #tpu.memory_space<vmem>>) semaphore(%arg12 : memref<!tpu.dma_semaphore, #tpu.memory_space<semaphore_mem>>)
      } else {
      }
      "tpu.region"() ({
        %run_scoped3A = tpu.sem_alloc : memref<!tpu.dma_semaphore, #tpu.memory_space<semaphore_mem>>
        %dma_start3A_52 = arith.constant 0 : i32
        %dma_start3A_53 = tpu.memref_slice %arg7[%add3A_30, %dma_start3A_52] : memref<106x96xi32, #tpu.memory_space<vmem>> -> memref<1x96xi32, #tpu.memory_space<vmem>>
        %dma_start3A_54 = tpu.memref_squeeze %dma_start3A_53 : memref<1x96xi32, #tpu.memory_space<vmem>> -> memref<96xi32, #tpu.memory_space<vmem>>
        %dma_start3A_55 = arith.constant 0 : i32
        %dma_start3A_56 = arith.constant 0 : i32
        %dma_start3A_57 = tpu.memref_slice %arg11[%dma_start3A_55, %dma_start3A_56] : memref<10112x128xf32, #tpu.memory_space<vmem_shared>> -> memref<10112x128xf32, #tpu.memory_space<vmem_shared>>
        tpu.enqueue_indirect_dma source(%arg10 : memref<96x128xf32, #tpu.memory_space<vmem>>) target(%dma_start3A_57 : memref<10112x128xf32, #tpu.memory_space<vmem_shared>>) offsets(%dma_start3A_54 : memref<96xi32, #tpu.memory_space<vmem>>) semaphore(%run_scoped3A : memref<!tpu.dma_semaphore, #tpu.memory_space<semaphore_mem>>) {add = true}
        %dma_wait3A_58 = arith.constant 0 : i32
        %dma_wait3A_59 = tpu.memref_slice %arg7[%add3A_30, %dma_wait3A_58] : memref<106x96xi32, #tpu.memory_space<vmem>> -> memref<1x96xi32, #tpu.memory_space<vmem>>
        %dma_wait3A_60 = tpu.memref_squeeze %dma_wait3A_59 : memref<1x96xi32, #tpu.memory_space<vmem>> -> memref<96xi32, #tpu.memory_space<vmem>>
        %dma_wait3A_61 = arith.constant 0 : i32
        %dma_wait3A_62 = arith.constant 0 : i32
        %dma_wait3A_63 = tpu.memref_slice %arg11[%dma_wait3A_61, %dma_wait3A_62] : memref<10112x128xf32, #tpu.memory_space<vmem_shared>> -> memref<10112x128xf32, #tpu.memory_space<vmem_shared>>
        tpu.wait_indirect_dma semaphore(%run_scoped3A : memref<!tpu.dma_semaphore, #tpu.memory_space<semaphore_mem>>) src(%arg10 : memref<96x128xf32, #tpu.memory_space<vmem>>) dst(%dma_wait3A_63 : memref<10112x128xf32, #tpu.memory_space<vmem_shared>>)
        tpu.yield
      }) : () -> ()
    }
    %scan3A_20 = arith.constant 53 : i32
    %barrier3A_21 = arith.constant 0 : index
    tpu.barrier barrier_id(%barrier3A_21)
    %mul3A_22 = arith.constant 625 : i32
    %mul3A_23 = arith.muli %arg1, %mul3A_22 : i32
    %mul3A_24 = arith.constant 625 : i32
    %mul3A_25 = arith.muli %arg1, %mul3A_24 : i32
    "tpu.region"() ({
      %run_scoped3A = tpu.sem_alloc : memref<!tpu.dma_semaphore, #tpu.memory_space<semaphore_mem>>
      %dma_start3A_26 = arith.constant 0 : i32
      %dma_start3A_27 = tpu.memref_slice %arg6[%add3A_6, %mul3A_25, %dma_start3A_26] : memref<2x10000x128xf32, #tpu.memory_space<hbm>> -> memref<1x625x128xf32, #tpu.memory_space<hbm>>
      %dma_start3A_28 = tpu.memref_squeeze %dma_start3A_27 : memref<1x625x128xf32, #tpu.memory_space<hbm>> -> memref<625x128xf32, #tpu.memory_space<hbm>>
      %dma_start3A_29 = arith.constant 0 : i32
      %dma_start3A_30 = tpu.memref_slice %arg11[%mul3A_23, %dma_start3A_29] : memref<10112x128xf32, #tpu.memory_space<vmem_shared>> -> memref<625x128xf32, #tpu.memory_space<vmem_shared>>
      tpu.enqueue_dma source(%dma_start3A_30 : memref<625x128xf32, #tpu.memory_space<vmem_shared>>) target(%dma_start3A_28 : memref<625x128xf32, #tpu.memory_space<hbm>>) target_semaphore(%run_scoped3A : memref<!tpu.dma_semaphore, #tpu.memory_space<semaphore_mem>>)
      %dma_wait3A = arith.constant 0 : i32
      %dma_wait3A_31 = tpu.memref_slice %arg6[%add3A_6, %mul3A_25, %dma_wait3A] : memref<2x10000x128xf32, #tpu.memory_space<hbm>> -> memref<1x625x128xf32, #tpu.memory_space<hbm>>
      %dma_wait3A_32 = tpu.memref_squeeze %dma_wait3A_31 : memref<1x625x128xf32, #tpu.memory_space<hbm>> -> memref<625x128xf32, #tpu.memory_space<hbm>>
      %dma_wait3A_33 = arith.constant 0 : i32
      %dma_wait3A_34 = tpu.memref_slice %arg11[%mul3A_23, %dma_wait3A_33] : memref<10112x128xf32, #tpu.memory_space<vmem_shared>> -> memref<625x128xf32, #tpu.memory_space<vmem_shared>>
      tpu.wait_dma2 semaphore(%run_scoped3A : memref<!tpu.dma_semaphore, #tpu.memory_space<semaphore_mem>>) src(%dma_wait3A_34 : memref<625x128xf32, #tpu.memory_space<vmem_shared>>) dst(%dma_wait3A_32 : memref<625x128xf32, #tpu.memory_space<hbm>>)
      tpu.yield
    }) : () -> ()
    return
  }
}

#map = affine_map<(d0, d1) -> (0, 0)>
#map1 = affine_map<(d0, d1) -> (0, 0, 0)>
module attributes {stable_mosaic.version = 14 : i64} {
  func.func @body(%arg0: i32, %arg1: i32, %arg2: memref<40000x128xf32, #tpu.memory_space<hbm>>, %arg3: memref<625x128xf32, #tpu.memory_space<hbm>>, %arg4: memref<16x106x96xi32, #tpu.memory_space<hbm>>, %arg5: memref<16x106x96xi32, #tpu.memory_space<hbm>>, %arg6: memref<4x10000x128xf32, #tpu.memory_space<hbm>>, %arg7: memref<106x96xi32, #tpu.memory_space<vmem>>, %arg8: memref<106x96xi32, #tpu.memory_space<vmem>>, %arg9: memref<96x128xf32, #tpu.memory_space<vmem>>, %arg10: memref<96x128xf32, #tpu.memory_space<vmem>>, %arg11: memref<10112x128xf32, #tpu.memory_space<vmem_shared>>, %arg12: memref<!tpu.dma_semaphore, #tpu.memory_space<semaphore_mem>>, %arg13: memref<!tpu.dma_semaphore, #tpu.memory_space<semaphore_mem>>) attributes {dimension_semantics = [#tpu.dimension_semantics<core_parallel>, #tpu.dimension_semantics<subcore_parallel>], iteration_bounds = array<i64: 2, 16>, scalar_prefetch = 0 : i64, scratch_operands = 7 : i64, tpu.core_type = #tpu.core_type<sc_vector_subcore>, window_params = [{transform_indices = #map}, {transform_indices = #map}, {transform_indices = #map1}, {transform_indices = #map1}, {transform_indices = #map1}]} {
    "tpu.region"() ({
      %run_scoped3A = tpu.sem_alloc : memref<!tpu.dma_semaphore, #tpu.memory_space<semaphore_mem>>
      %dma_start3A_57 = arith.constant 0 : i32
      %dma_start3A_58 = arith.constant 0 : i32
      %dma_start3A_59 = tpu.memref_slice %arg4[%arg1, %dma_start3A_57, %dma_start3A_58] : memref<16x106x96xi32, #tpu.memory_space<hbm>> -> memref<1x106x96xi32, #tpu.memory_space<hbm>>
      %dma_start3A_60 = tpu.memref_squeeze %dma_start3A_59 : memref<1x106x96xi32, #tpu.memory_space<hbm>> -> memref<106x96xi32, #tpu.memory_space<hbm>>
      %dma_start3A_61 = arith.constant 0 : i32
      %dma_start3A_62 = arith.constant 0 : i32
      %dma_start3A_63 = tpu.memref_slice %arg4[%arg1, %dma_start3A_61, %dma_start3A_62] : memref<16x106x96xi32, #tpu.memory_space<hbm>> -> memref<1x106x96xi32, #tpu.memory_space<hbm>>
      %dma_start3A_64 = tpu.memref_squeeze %dma_start3A_63 : memref<1x106x96xi32, #tpu.memory_space<hbm>> -> memref<106x96xi32, #tpu.memory_space<hbm>>
      tpu.enqueue_dma source(%dma_start3A_64 : memref<106x96xi32, #tpu.memory_space<hbm>>) target(%arg7 : memref<106x96xi32, #tpu.memory_space<vmem>>) target_semaphore(%run_scoped3A : memref<!tpu.dma_semaphore, #tpu.memory_space<semaphore_mem>>)
      %dma_wait3A = arith.constant 0 : i32
      %dma_wait3A_65 = arith.constant 0 : i32
      %dma_wait3A_66 = tpu.memref_slice %arg4[%arg1, %dma_wait3A, %dma_wait3A_65] : memref<16x106x96xi32, #tpu.memory_space<hbm>> -> memref<1x106x96xi32, #tpu.memory_space<hbm>>
      %dma_wait3A_67 = tpu.memref_squeeze %dma_wait3A_66 : memref<1x106x96xi32, #tpu.memory_space<hbm>> -> memref<106x96xi32, #tpu.memory_space<hbm>>
      %dma_wait3A_68 = arith.constant 0 : i32
      %dma_wait3A_69 = arith.constant 0 : i32
      %dma_wait3A_70 = tpu.memref_slice %arg4[%arg1, %dma_wait3A_68, %dma_wait3A_69] : memref<16x106x96xi32, #tpu.memory_space<hbm>> -> memref<1x106x96xi32, #tpu.memory_space<hbm>>
      %dma_wait3A_71 = tpu.memref_squeeze %dma_wait3A_70 : memref<1x106x96xi32, #tpu.memory_space<hbm>> -> memref<106x96xi32, #tpu.memory_space<hbm>>
      tpu.wait_dma2 semaphore(%run_scoped3A : memref<!tpu.dma_semaphore, #tpu.memory_space<semaphore_mem>>) src(%dma_wait3A_71 : memref<106x96xi32, #tpu.memory_space<hbm>>) dst(%arg7 : memref<106x96xi32, #tpu.memory_space<vmem>>)
      tpu.yield
    }) : () -> ()
    "tpu.region"() ({
      %run_scoped3A = tpu.sem_alloc : memref<!tpu.dma_semaphore, #tpu.memory_space<semaphore_mem>>
      %dma_start3A_57 = arith.constant 0 : i32
      %dma_start3A_58 = arith.constant 0 : i32
      %dma_start3A_59 = tpu.memref_slice %arg5[%arg1, %dma_start3A_57, %dma_start3A_58] : memref<16x106x96xi32, #tpu.memory_space<hbm>> -> memref<1x106x96xi32, #tpu.memory_space<hbm>>
      %dma_start3A_60 = tpu.memref_squeeze %dma_start3A_59 : memref<1x106x96xi32, #tpu.memory_space<hbm>> -> memref<106x96xi32, #tpu.memory_space<hbm>>
      %dma_start3A_61 = arith.constant 0 : i32
      %dma_start3A_62 = arith.constant 0 : i32
      %dma_start3A_63 = tpu.memref_slice %arg5[%arg1, %dma_start3A_61, %dma_start3A_62] : memref<16x106x96xi32, #tpu.memory_space<hbm>> -> memref<1x106x96xi32, #tpu.memory_space<hbm>>
      %dma_start3A_64 = tpu.memref_squeeze %dma_start3A_63 : memref<1x106x96xi32, #tpu.memory_space<hbm>> -> memref<106x96xi32, #tpu.memory_space<hbm>>
      tpu.enqueue_dma source(%dma_start3A_64 : memref<106x96xi32, #tpu.memory_space<hbm>>) target(%arg8 : memref<106x96xi32, #tpu.memory_space<vmem>>) target_semaphore(%run_scoped3A : memref<!tpu.dma_semaphore, #tpu.memory_space<semaphore_mem>>)
      %dma_wait3A = arith.constant 0 : i32
      %dma_wait3A_65 = arith.constant 0 : i32
      %dma_wait3A_66 = tpu.memref_slice %arg5[%arg1, %dma_wait3A, %dma_wait3A_65] : memref<16x106x96xi32, #tpu.memory_space<hbm>> -> memref<1x106x96xi32, #tpu.memory_space<hbm>>
      %dma_wait3A_67 = tpu.memref_squeeze %dma_wait3A_66 : memref<1x106x96xi32, #tpu.memory_space<hbm>> -> memref<106x96xi32, #tpu.memory_space<hbm>>
      %dma_wait3A_68 = arith.constant 0 : i32
      %dma_wait3A_69 = arith.constant 0 : i32
      %dma_wait3A_70 = tpu.memref_slice %arg5[%arg1, %dma_wait3A_68, %dma_wait3A_69] : memref<16x106x96xi32, #tpu.memory_space<hbm>> -> memref<1x106x96xi32, #tpu.memory_space<hbm>>
      %dma_wait3A_71 = tpu.memref_squeeze %dma_wait3A_70 : memref<1x106x96xi32, #tpu.memory_space<hbm>> -> memref<106x96xi32, #tpu.memory_space<hbm>>
      tpu.wait_dma2 semaphore(%run_scoped3A : memref<!tpu.dma_semaphore, #tpu.memory_space<semaphore_mem>>) src(%dma_wait3A_71 : memref<106x96xi32, #tpu.memory_space<hbm>>) dst(%arg8 : memref<106x96xi32, #tpu.memory_space<vmem>>)
      tpu.yield
    }) : () -> ()
    %scan3A = arith.constant 0 : i32
    %scan3A_0 = arith.constant 0 : i32
    %scan3A_1 = arith.constant 106 : i32
    %scan3A_2 = arith.addi %scan3A_0, %scan3A_1 : i32
    %scan3A_3 = arith.constant 1 : i32
    scf.for %scan3A_57 = %scan3A_0 to %scan3A_2 step %scan3A_3  : i32 {
      %get3A = arith.index_cast %scan3A_57 : i32 to index
      %get3A_58 = arith.constant 0 : index
      %get3A_59 = tpu.vector_load %arg8[%get3A, %get3A_58] {strides = array<i32>} : memref<106x96xi32, #tpu.memory_space<vmem>>, vector<1x16xi32>,
      %get3A_60 = vector.shape_cast %get3A_59 : vector<1x16xi32> to vector<16xi32>
      %mul3A_61 = arith.constant 4 : i32
      %mul3A_62 = vector.broadcast %mul3A_61 : i32 to vector<16xi32>
      %mul3A_63 = arith.muli %get3A_60, %mul3A_62 : vector<16xi32>
      %mul3A_64 = arith.constant 2 : i32
      %mul3A_65 = arith.muli %arg0, %mul3A_64 : i32
      %add3A_66 = arith.constant 0 : i32
      %add3A_67 = arith.addi %add3A_66, %mul3A_65 : i32
      %add3A_68 = vector.broadcast %add3A_67 : i32 to vector<16xi32>
      %add3A_69 = arith.addi %mul3A_63, %add3A_68 : vector<16xi32>
      %swap3A = arith.index_cast %scan3A_57 : i32 to index
      %swap3A_70 = arith.constant 0 : index
      %swap3A_71 = tpu.vector_load %arg8[%swap3A, %swap3A_70] {strides = array<i32>} : memref<106x96xi32, #tpu.memory_space<vmem>>, vector<1x16xi32>,
      %swap3A_72 = vector.shape_cast %swap3A_71 : vector<1x16xi32> to vector<16xi32>
      %swap3A_73 = vector.shape_cast %add3A_69 : vector<16xi32> to vector<1x16xi32>
      tpu.vector_store %arg8[%swap3A, %swap3A_70], %swap3A_73 {strides = array<i32>} : memref<106x96xi32, #tpu.memory_space<vmem>>, vector<1x16xi32>,
      %get3A_74 = arith.index_cast %scan3A_57 : i32 to index
      %get3A_75 = arith.constant 16 : index
      %get3A_76 = tpu.vector_load %arg8[%get3A_74, %get3A_75] {strides = array<i32>} : memref<106x96xi32, #tpu.memory_space<vmem>>, vector<1x16xi32>,
      %get3A_77 = vector.shape_cast %get3A_76 : vector<1x16xi32> to vector<16xi32>
      %mul3A_78 = arith.constant 4 : i32
      %mul3A_79 = vector.broadcast %mul3A_78 : i32 to vector<16xi32>
      %mul3A_80 = arith.muli %get3A_77, %mul3A_79 : vector<16xi32>
      %mul3A_81 = arith.constant 2 : i32
      %mul3A_82 = arith.muli %arg0, %mul3A_81 : i32
      %add3A_83 = arith.constant 0 : i32
      %add3A_84 = arith.addi %add3A_83, %mul3A_82 : i32
      %add3A_85 = vector.broadcast %add3A_84 : i32 to vector<16xi32>
      %add3A_86 = arith.addi %mul3A_80, %add3A_85 : vector<16xi32>
      %swap3A_87 = arith.index_cast %scan3A_57 : i32 to index
      %swap3A_88 = arith.constant 16 : index
      %swap3A_89 = tpu.vector_load %arg8[%swap3A_87, %swap3A_88] {strides = array<i32>} : memref<106x96xi32, #tpu.memory_space<vmem>>, vector<1x16xi32>,
      %swap3A_90 = vector.shape_cast %swap3A_89 : vector<1x16xi32> to vector<16xi32>
      %swap3A_91 = vector.shape_cast %add3A_86 : vector<16xi32> to vector<1x16xi32>
      tpu.vector_store %arg8[%swap3A_87, %swap3A_88], %swap3A_91 {strides = array<i32>} : memref<106x96xi32, #tpu.memory_space<vmem>>, vector<1x16xi32>,
      %get3A_92 = arith.index_cast %scan3A_57 : i32 to index
      %get3A_93 = arith.constant 32 : index
      %get3A_94 = tpu.vector_load %arg8[%get3A_92, %get3A_93] {strides = array<i32>} : memref<106x96xi32, #tpu.memory_space<vmem>>, vector<1x16xi32>,
      %get3A_95 = vector.shape_cast %get3A_94 : vector<1x16xi32> to vector<16xi32>
      %mul3A_96 = arith.constant 4 : i32
      %mul3A_97 = vector.broadcast %mul3A_96 : i32 to vector<16xi32>
      %mul3A_98 = arith.muli %get3A_95, %mul3A_97 : vector<16xi32>
      %mul3A_99 = arith.constant 2 : i32
      %mul3A_100 = arith.muli %arg0, %mul3A_99 : i32
      %add3A_101 = arith.constant 0 : i32
      %add3A_102 = arith.addi %add3A_101, %mul3A_100 : i32
      %add3A_103 = vector.broadcast %add3A_102 : i32 to vector<16xi32>
      %add3A_104 = arith.addi %mul3A_98, %add3A_103 : vector<16xi32>
      %swap3A_105 = arith.index_cast %scan3A_57 : i32 to index
      %swap3A_106 = arith.constant 32 : index
      %swap3A_107 = tpu.vector_load %arg8[%swap3A_105, %swap3A_106] {strides = array<i32>} : memref<106x96xi32, #tpu.memory_space<vmem>>, vector<1x16xi32>,
      %swap3A_108 = vector.shape_cast %swap3A_107 : vector<1x16xi32> to vector<16xi32>
      %swap3A_109 = vector.shape_cast %add3A_104 : vector<16xi32> to vector<1x16xi32>
      tpu.vector_store %arg8[%swap3A_105, %swap3A_106], %swap3A_109 {strides = array<i32>} : memref<106x96xi32, #tpu.memory_space<vmem>>, vector<1x16xi32>,
      %get3A_110 = arith.index_cast %scan3A_57 : i32 to index
      %get3A_111 = arith.constant 48 : index
      %get3A_112 = tpu.vector_load %arg8[%get3A_110, %get3A_111] {strides = array<i32>} : memref<106x96xi32, #tpu.memory_space<vmem>>, vector<1x16xi32>,
      %get3A_113 = vector.shape_cast %get3A_112 : vector<1x16xi32> to vector<16xi32>
      %mul3A_114 = arith.constant 4 : i32
      %mul3A_115 = vector.broadcast %mul3A_114 : i32 to vector<16xi32>
      %mul3A_116 = arith.muli %get3A_113, %mul3A_115 : vector<16xi32>
      %mul3A_117 = arith.constant 2 : i32
      %mul3A_118 = arith.muli %arg0, %mul3A_117 : i32
      %add3A_119 = arith.constant 0 : i32
      %add3A_120 = arith.addi %add3A_119, %mul3A_118 : i32
      %add3A_121 = vector.broadcast %add3A_120 : i32 to vector<16xi32>
      %add3A_122 = arith.addi %mul3A_116, %add3A_121 : vector<16xi32>
      %swap3A_123 = arith.index_cast %scan3A_57 : i32 to index
      %swap3A_124 = arith.constant 48 : index
      %swap3A_125 = tpu.vector_load %arg8[%swap3A_123, %swap3A_124] {strides = array<i32>} : memref<106x96xi32, #tpu.memory_space<vmem>>, vector<1x16xi32>,
      %swap3A_126 = vector.shape_cast %swap3A_125 : vector<1x16xi32> to vector<16xi32>
      %swap3A_127 = vector.shape_cast %add3A_122 : vector<16xi32> to vector<1x16xi32>
      tpu.vector_store %arg8[%swap3A_123, %swap3A_124], %swap3A_127 {strides = array<i32>} : memref<106x96xi32, #tpu.memory_space<vmem>>, vector<1x16xi32>,
      %get3A_128 = arith.index_cast %scan3A_57 : i32 to index
      %get3A_129 = arith.constant 64 : index
      %get3A_130 = tpu.vector_load %arg8[%get3A_128, %get3A_129] {strides = array<i32>} : memref<106x96xi32, #tpu.memory_space<vmem>>, vector<1x16xi32>,
      %get3A_131 = vector.shape_cast %get3A_130 : vector<1x16xi32> to vector<16xi32>
      %mul3A_132 = arith.constant 4 : i32
      %mul3A_133 = vector.broadcast %mul3A_132 : i32 to vector<16xi32>
      %mul3A_134 = arith.muli %get3A_131, %mul3A_133 : vector<16xi32>
      %mul3A_135 = arith.constant 2 : i32
      %mul3A_136 = arith.muli %arg0, %mul3A_135 : i32
      %add3A_137 = arith.constant 0 : i32
      %add3A_138 = arith.addi %add3A_137, %mul3A_136 : i32
      %add3A_139 = vector.broadcast %add3A_138 : i32 to vector<16xi32>
      %add3A_140 = arith.addi %mul3A_134, %add3A_139 : vector<16xi32>
      %swap3A_141 = arith.index_cast %scan3A_57 : i32 to index
      %swap3A_142 = arith.constant 64 : index
      %swap3A_143 = tpu.vector_load %arg8[%swap3A_141, %swap3A_142] {strides = array<i32>} : memref<106x96xi32, #tpu.memory_space<vmem>>, vector<1x16xi32>,
      %swap3A_144 = vector.shape_cast %swap3A_143 : vector<1x16xi32> to vector<16xi32>
      %swap3A_145 = vector.shape_cast %add3A_140 : vector<16xi32> to vector<1x16xi32>
      tpu.vector_store %arg8[%swap3A_141, %swap3A_142], %swap3A_145 {strides = array<i32>} : memref<106x96xi32, #tpu.memory_space<vmem>>, vector<1x16xi32>,
      %get3A_146 = arith.index_cast %scan3A_57 : i32 to index
      %get3A_147 = arith.constant 80 : index
      %get3A_148 = tpu.vector_load %arg8[%get3A_146, %get3A_147] {strides = array<i32>} : memref<106x96xi32, #tpu.memory_space<vmem>>, vector<1x16xi32>,
      %get3A_149 = vector.shape_cast %get3A_148 : vector<1x16xi32> to vector<16xi32>
      %mul3A_150 = arith.constant 4 : i32
      %mul3A_151 = vector.broadcast %mul3A_150 : i32 to vector<16xi32>
      %mul3A_152 = arith.muli %get3A_149, %mul3A_151 : vector<16xi32>
      %mul3A_153 = arith.constant 2 : i32
      %mul3A_154 = arith.muli %arg0, %mul3A_153 : i32
      %add3A_155 = arith.constant 0 : i32
      %add3A_156 = arith.addi %add3A_155, %mul3A_154 : i32
      %add3A_157 = vector.broadcast %add3A_156 : i32 to vector<16xi32>
      %add3A_158 = arith.addi %mul3A_152, %add3A_157 : vector<16xi32>
      %swap3A_159 = arith.index_cast %scan3A_57 : i32 to index
      %swap3A_160 = arith.constant 80 : index
      %swap3A_161 = tpu.vector_load %arg8[%swap3A_159, %swap3A_160] {strides = array<i32>} : memref<106x96xi32, #tpu.memory_space<vmem>>, vector<1x16xi32>,
      %swap3A_162 = vector.shape_cast %swap3A_161 : vector<1x16xi32> to vector<16xi32>
      %swap3A_163 = vector.shape_cast %add3A_158 : vector<16xi32> to vector<1x16xi32>
      tpu.vector_store %arg8[%swap3A_159, %swap3A_160], %swap3A_163 {strides = array<i32>} : memref<106x96xi32, #tpu.memory_space<vmem>>, vector<1x16xi32>,
    }
    %scan3A_4 = arith.constant 106 : i32
    %mul3A = arith.constant 2 : i32
    %mul3A_5 = arith.muli %arg0, %mul3A : i32
    %add3A = arith.constant 0 : i32
    %add3A_6 = arith.addi %mul3A_5, %add3A : i32
    %mul3A_7 = arith.constant 625 : i32
    %mul3A_8 = arith.muli %arg1, %mul3A_7 : i32
    "tpu.region"() ({
      %run_scoped3A = tpu.sem_alloc : memref<!tpu.dma_semaphore, #tpu.memory_space<semaphore_mem>>
      %dma_start3A_57 = arith.constant 0 : i32
      %dma_start3A_58 = tpu.memref_slice %arg11[%mul3A_8, %dma_start3A_57] : memref<10112x128xf32, #tpu.memory_space<vmem_shared>> -> memref<625x128xf32, #tpu.memory_space<vmem_shared>>
      tpu.enqueue_dma source(%arg3 : memref<625x128xf32, #tpu.memory_space<hbm>>) target(%dma_start3A_58 : memref<625x128xf32, #tpu.memory_space<vmem_shared>>) target_semaphore(%run_scoped3A : memref<!tpu.dma_semaphore, #tpu.memory_space<semaphore_mem>>)
      %dma_wait3A = arith.constant 0 : i32
      %dma_wait3A_59 = tpu.memref_slice %arg11[%mul3A_8, %dma_wait3A] : memref<10112x128xf32, #tpu.memory_space<vmem_shared>> -> memref<625x128xf32, #tpu.memory_space<vmem_shared>>
      tpu.wait_dma2 semaphore(%run_scoped3A : memref<!tpu.dma_semaphore, #tpu.memory_space<semaphore_mem>>) src(%arg3 : memref<625x128xf32, #tpu.memory_space<hbm>>) dst(%dma_wait3A_59 : memref<625x128xf32, #tpu.memory_space<vmem_shared>>)
      tpu.yield
    }) : () -> ()
    %barrier3A = arith.constant 0 : index
    tpu.barrier barrier_id(%barrier3A)
    %dma_start3A = arith.constant 0 : i32
    %dma_start3A_9 = arith.constant 0 : i32
    %dma_start3A_10 = tpu.memref_slice %arg8[%dma_start3A, %dma_start3A_9] : memref<106x96xi32, #tpu.memory_space<vmem>> -> memref<1x96xi32, #tpu.memory_space<vmem>>
    %dma_start3A_11 = tpu.memref_squeeze %dma_start3A_10 : memref<1x96xi32, #tpu.memory_space<vmem>> -> memref<96xi32, #tpu.memory_space<vmem>>
    %dma_start3A_12 = arith.constant 0 : i32
    %dma_start3A_13 = arith.constant 0 : i32
    %dma_start3A_14 = tpu.memref_slice %arg2[%dma_start3A_12, %dma_start3A_13] : memref<40000x128xf32, #tpu.memory_space<hbm>> -> memref<40000x128xf32, #tpu.memory_space<hbm>>
    tpu.enqueue_indirect_dma source(%dma_start3A_14 : memref<40000x128xf32, #tpu.memory_space<hbm>>) target(%arg9 : memref<96x128xf32, #tpu.memory_space<vmem>>) offsets(%dma_start3A_11 : memref<96xi32, #tpu.memory_space<vmem>>) semaphore(%arg12 : memref<!tpu.dma_semaphore, #tpu.memory_space<semaphore_mem>>)
    %scan3A_15 = arith.constant 0 : i32
    %scan3A_16 = arith.constant 0 : i32
    %scan3A_17 = arith.constant 53 : i32
    %scan3A_18 = arith.addi %scan3A_16, %scan3A_17 : i32
    %scan3A_19 = arith.constant 1 : i32
    scf.for %scan3A_57 = %scan3A_16 to %scan3A_18 step %scan3A_19  : i32 {
      %mul3A_58 = arith.constant 2 : i32
      %mul3A_59 = arith.muli %scan3A_57, %mul3A_58 : i32
      %add3A_60 = arith.constant 1 : i32
      %add3A_61 = arith.addi %mul3A_59, %add3A_60 : i32
      %dma_wait3A = arith.constant 0 : i32
      %dma_wait3A_62 = tpu.memref_slice %arg8[%mul3A_59, %dma_wait3A] : memref<106x96xi32, #tpu.memory_space<vmem>> -> memref<1x96xi32, #tpu.memory_space<vmem>>
      %dma_wait3A_63 = tpu.memref_squeeze %dma_wait3A_62 : memref<1x96xi32, #tpu.memory_space<vmem>> -> memref<96xi32, #tpu.memory_space<vmem>>
      %dma_wait3A_64 = arith.constant 0 : i32
      %dma_wait3A_65 = arith.constant 0 : i32
      %dma_wait3A_66 = tpu.memref_slice %arg2[%dma_wait3A_64, %dma_wait3A_65] : memref<40000x128xf32, #tpu.memory_space<hbm>> -> memref<40000x128xf32, #tpu.memory_space<hbm>>
      tpu.wait_indirect_dma semaphore(%arg12 : memref<!tpu.dma_semaphore, #tpu.memory_space<semaphore_mem>>) src(%dma_wait3A_66 : memref<40000x128xf32, #tpu.memory_space<hbm>>) dst(%arg9 : memref<96x128xf32, #tpu.memory_space<vmem>>)
      %dma_start3A_67 = arith.constant 0 : i32
      %dma_start3A_68 = tpu.memref_slice %arg8[%add3A_61, %dma_start3A_67] : memref<106x96xi32, #tpu.memory_space<vmem>> -> memref<1x96xi32, #tpu.memory_space<vmem>>
      %dma_start3A_69 = tpu.memref_squeeze %dma_start3A_68 : memref<1x96xi32, #tpu.memory_space<vmem>> -> memref<96xi32, #tpu.memory_space<vmem>>
      %dma_start3A_70 = arith.constant 0 : i32
      %dma_start3A_71 = arith.constant 0 : i32
      %dma_start3A_72 = tpu.memref_slice %arg2[%dma_start3A_70, %dma_start3A_71] : memref<40000x128xf32, #tpu.memory_space<hbm>> -> memref<40000x128xf32, #tpu.memory_space<hbm>>
      tpu.enqueue_indirect_dma source(%dma_start3A_72 : memref<40000x128xf32, #tpu.memory_space<hbm>>) target(%arg10 : memref<96x128xf32, #tpu.memory_space<vmem>>) offsets(%dma_start3A_69 : memref<96xi32, #tpu.memory_space<vmem>>) semaphore(%arg13 : memref<!tpu.dma_semaphore, #tpu.memory_space<semaphore_mem>>)
      "tpu.region"() ({
        %run_scoped3A = tpu.sem_alloc : memref<!tpu.dma_semaphore, #tpu.memory_space<semaphore_mem>>
        %dma_start3A_83 = arith.constant 0 : i32
        %dma_start3A_84 = tpu.memref_slice %arg7[%mul3A_59, %dma_start3A_83] : memref<106x96xi32, #tpu.memory_space<vmem>> -> memref<1x96xi32, #tpu.memory_space<vmem>>
        %dma_start3A_85 = tpu.memref_squeeze %dma_start3A_84 : memref<1x96xi32, #tpu.memory_space<vmem>> -> memref<96xi32, #tpu.memory_space<vmem>>
        %dma_start3A_86 = arith.constant 0 : i32
        %dma_start3A_87 = arith.constant 0 : i32
        %dma_start3A_88 = tpu.memref_slice %arg11[%dma_start3A_86, %dma_start3A_87] : memref<10112x128xf32, #tpu.memory_space<vmem_shared>> -> memref<10112x128xf32, #tpu.memory_space<vmem_shared>>
        tpu.enqueue_indirect_dma source(%arg9 : memref<96x128xf32, #tpu.memory_space<vmem>>) target(%dma_start3A_88 : memref<10112x128xf32, #tpu.memory_space<vmem_shared>>) offsets(%dma_start3A_85 : memref<96xi32, #tpu.memory_space<vmem>>) semaphore(%run_scoped3A : memref<!tpu.dma_semaphore, #tpu.memory_space<semaphore_mem>>) {add = true}
        %dma_wait3A_89 = arith.constant 0 : i32
        %dma_wait3A_90 = tpu.memref_slice %arg7[%mul3A_59, %dma_wait3A_89] : memref<106x96xi32, #tpu.memory_space<vmem>> -> memref<1x96xi32, #tpu.memory_space<vmem>>
        %dma_wait3A_91 = tpu.memref_squeeze %dma_wait3A_90 : memref<1x96xi32, #tpu.memory_space<vmem>> -> memref<96xi32, #tpu.memory_space<vmem>>
        %dma_wait3A_92 = arith.constant 0 : i32
        %dma_wait3A_93 = arith.constant 0 : i32
        %dma_wait3A_94 = tpu.memref_slice %arg11[%dma_wait3A_92, %dma_wait3A_93] : memref<10112x128xf32, #tpu.memory_space<vmem_shared>> -> memref<10112x128xf32, #tpu.memory_space<vmem_shared>>
        tpu.wait_indirect_dma semaphore(%run_scoped3A : memref<!tpu.dma_semaphore, #tpu.memory_space<semaphore_mem>>) src(%arg9 : memref<96x128xf32, #tpu.memory_space<vmem>>) dst(%dma_wait3A_94 : memref<10112x128xf32, #tpu.memory_space<vmem_shared>>)
        tpu.yield
      }) : () -> ()
      %dma_wait3A_73 = arith.constant 0 : i32
      %dma_wait3A_74 = tpu.memref_slice %arg8[%add3A_61, %dma_wait3A_73] : memref<106x96xi32, #tpu.memory_space<vmem>> -> memref<1x96xi32, #tpu.memory_space<vmem>>
      %dma_wait3A_75 = tpu.memref_squeeze %dma_wait3A_74 : memref<1x96xi32, #tpu.memory_space<vmem>> -> memref<96xi32, #tpu.memory_space<vmem>>
      %dma_wait3A_76 = arith.constant 0 : i32
      %dma_wait3A_77 = arith.constant 0 : i32
      %dma_wait3A_78 = tpu.memref_slice %arg2[%dma_wait3A_76, %dma_wait3A_77] : memref<40000x128xf32, #tpu.memory_space<hbm>> -> memref<40000x128xf32, #tpu.memory_space<hbm>>
      tpu.wait_indirect_dma semaphore(%arg13 : memref<!tpu.dma_semaphore, #tpu.memory_space<semaphore_mem>>) src(%dma_wait3A_78 : memref<40000x128xf32, #tpu.memory_space<hbm>>) dst(%arg10 : memref<96x128xf32, #tpu.memory_space<vmem>>)
      %add3A_79 = arith.constant 1 : i32
      %add3A_80 = arith.addi %scan3A_57, %add3A_79 : i32
      %lt3A = arith.constant 53 : i32
      %lt3A_81 = arith.cmpi slt, %add3A_80, %lt3A : i32
      %convert_element_type3A = arith.extui %lt3A_81 : i1 to i32
      %cond3A = arith.constant 0 : i32
      %cond3A_82 = arith.cmpi ne, %convert_element_type3A, %cond3A : i32
      scf.if %cond3A_82 {
        %add3A_83 = arith.constant 2 : i32
        %add3A_84 = arith.addi %mul3A_59, %add3A_83 : i32
        %dma_start3A_85 = arith.constant 0 : i32
        %dma_start3A_86 = tpu.memref_slice %arg8[%add3A_84, %dma_start3A_85] : memref<106x96xi32, #tpu.memory_space<vmem>> -> memref<1x96xi32, #tpu.memory_space<vmem>>
        %dma_start3A_87 = tpu.memref_squeeze %dma_start3A_86 : memref<1x96xi32, #tpu.memory_space<vmem>> -> memref<96xi32, #tpu.memory_space<vmem>>
        %dma_start3A_88 = arith.constant 0 : i32
        %dma_start3A_89 = arith.constant 0 : i32
        %dma_start3A_90 = tpu.memref_slice %arg2[%dma_start3A_88, %dma_start3A_89] : memref<40000x128xf32, #tpu.memory_space<hbm>> -> memref<40000x128xf32, #tpu.memory_space<hbm>>
        tpu.enqueue_indirect_dma source(%dma_start3A_90 : memref<40000x128xf32, #tpu.memory_space<hbm>>) target(%arg9 : memref<96x128xf32, #tpu.memory_space<vmem>>) offsets(%dma_start3A_87 : memref<96xi32, #tpu.memory_space<vmem>>) semaphore(%arg12 : memref<!tpu.dma_semaphore, #tpu.memory_space<semaphore_mem>>)
      } else {
      }
      "tpu.region"() ({
        %run_scoped3A = tpu.sem_alloc : memref<!tpu.dma_semaphore, #tpu.memory_space<semaphore_mem>>
        %dma_start3A_83 = arith.constant 0 : i32
        %dma_start3A_84 = tpu.memref_slice %arg7[%add3A_61, %dma_start3A_83] : memref<106x96xi32, #tpu.memory_space<vmem>> -> memref<1x96xi32, #tpu.memory_space<vmem>>
        %dma_start3A_85 = tpu.memref_squeeze %dma_start3A_84 : memref<1x96xi32, #tpu.memory_space<vmem>> -> memref<96xi32, #tpu.memory_space<vmem>>
        %dma_start3A_86 = arith.constant 0 : i32
        %dma_start3A_87 = arith.constant 0 : i32
        %dma_start3A_88 = tpu.memref_slice %arg11[%dma_start3A_86, %dma_start3A_87] : memref<10112x128xf32, #tpu.memory_space<vmem_shared>> -> memref<10112x128xf32, #tpu.memory_space<vmem_shared>>
        tpu.enqueue_indirect_dma source(%arg10 : memref<96x128xf32, #tpu.memory_space<vmem>>) target(%dma_start3A_88 : memref<10112x128xf32, #tpu.memory_space<vmem_shared>>) offsets(%dma_start3A_85 : memref<96xi32, #tpu.memory_space<vmem>>) semaphore(%run_scoped3A : memref<!tpu.dma_semaphore, #tpu.memory_space<semaphore_mem>>) {add = true}
        %dma_wait3A_89 = arith.constant 0 : i32
        %dma_wait3A_90 = tpu.memref_slice %arg7[%add3A_61, %dma_wait3A_89] : memref<106x96xi32, #tpu.memory_space<vmem>> -> memref<1x96xi32, #tpu.memory_space<vmem>>
        %dma_wait3A_91 = tpu.memref_squeeze %dma_wait3A_90 : memref<1x96xi32, #tpu.memory_space<vmem>> -> memref<96xi32, #tpu.memory_space<vmem>>
        %dma_wait3A_92 = arith.constant 0 : i32
        %dma_wait3A_93 = arith.constant 0 : i32
        %dma_wait3A_94 = tpu.memref_slice %arg11[%dma_wait3A_92, %dma_wait3A_93] : memref<10112x128xf32, #tpu.memory_space<vmem_shared>> -> memref<10112x128xf32, #tpu.memory_space<vmem_shared>>
        tpu.wait_indirect_dma semaphore(%run_scoped3A : memref<!tpu.dma_semaphore, #tpu.memory_space<semaphore_mem>>) src(%arg10 : memref<96x128xf32, #tpu.memory_space<vmem>>) dst(%dma_wait3A_94 : memref<10112x128xf32, #tpu.memory_space<vmem_shared>>)
        tpu.yield
      }) : () -> ()
    }
    %scan3A_20 = arith.constant 53 : i32
    %barrier3A_21 = arith.constant 0 : index
    tpu.barrier barrier_id(%barrier3A_21)
    %mul3A_22 = arith.constant 625 : i32
    %mul3A_23 = arith.muli %arg1, %mul3A_22 : i32
    %mul3A_24 = arith.constant 625 : i32
    %mul3A_25 = arith.muli %arg1, %mul3A_24 : i32
    "tpu.region"() ({
      %run_scoped3A = tpu.sem_alloc : memref<!tpu.dma_semaphore, #tpu.memory_space<semaphore_mem>>
      %dma_start3A_57 = arith.constant 0 : i32
      %dma_start3A_58 = tpu.memref_slice %arg6[%add3A_6, %mul3A_25, %dma_start3A_57] : memref<4x10000x128xf32, #tpu.memory_space<hbm>> -> memref<1x625x128xf32, #tpu.memory_space<hbm>>
      %dma_start3A_59 = tpu.memref_squeeze %dma_start3A_58 : memref<1x625x128xf32, #tpu.memory_space<hbm>> -> memref<625x128xf32, #tpu.memory_space<hbm>>
      %dma_start3A_60 = arith.constant 0 : i32
      %dma_start3A_61 = tpu.memref_slice %arg11[%mul3A_23, %dma_start3A_60] : memref<10112x128xf32, #tpu.memory_space<vmem_shared>> -> memref<625x128xf32, #tpu.memory_space<vmem_shared>>
      tpu.enqueue_dma source(%dma_start3A_61 : memref<625x128xf32, #tpu.memory_space<vmem_shared>>) target(%dma_start3A_59 : memref<625x128xf32, #tpu.memory_space<hbm>>) target_semaphore(%run_scoped3A : memref<!tpu.dma_semaphore, #tpu.memory_space<semaphore_mem>>)
      %dma_wait3A = arith.constant 0 : i32
      %dma_wait3A_62 = tpu.memref_slice %arg6[%add3A_6, %mul3A_25, %dma_wait3A] : memref<4x10000x128xf32, #tpu.memory_space<hbm>> -> memref<1x625x128xf32, #tpu.memory_space<hbm>>
      %dma_wait3A_63 = tpu.memref_squeeze %dma_wait3A_62 : memref<1x625x128xf32, #tpu.memory_space<hbm>> -> memref<625x128xf32, #tpu.memory_space<hbm>>
      %dma_wait3A_64 = arith.constant 0 : i32
      %dma_wait3A_65 = tpu.memref_slice %arg11[%mul3A_23, %dma_wait3A_64] : memref<10112x128xf32, #tpu.memory_space<vmem_shared>> -> memref<625x128xf32, #tpu.memory_space<vmem_shared>>
      tpu.wait_dma2 semaphore(%run_scoped3A : memref<!tpu.dma_semaphore, #tpu.memory_space<semaphore_mem>>) src(%dma_wait3A_65 : memref<625x128xf32, #tpu.memory_space<vmem_shared>>) dst(%dma_wait3A_63 : memref<625x128xf32, #tpu.memory_space<hbm>>)
      tpu.yield
    }) : () -> ()
    %scan3A_26 = arith.constant 0 : i32
    %scan3A_27 = arith.constant 0 : i32
    %scan3A_28 = arith.constant 106 : i32
    %scan3A_29 = arith.addi %scan3A_27, %scan3A_28 : i32
    %scan3A_30 = arith.constant 1 : i32
    scf.for %scan3A_57 = %scan3A_27 to %scan3A_29 step %scan3A_30  : i32 {
      %get3A = arith.index_cast %scan3A_57 : i32 to index
      %get3A_58 = arith.constant 0 : index
      %get3A_59 = tpu.vector_load %arg8[%get3A, %get3A_58] {strides = array<i32>} : memref<106x96xi32, #tpu.memory_space<vmem>>, vector<1x16xi32>,
      %get3A_60 = vector.shape_cast %get3A_59 : vector<1x16xi32> to vector<16xi32>
      %add3A_61 = arith.constant 1 : i32
      %add3A_62 = vector.broadcast %add3A_61 : i32 to vector<16xi32>
      %add3A_63 = arith.addi %get3A_60, %add3A_62 : vector<16xi32>
      %swap3A = arith.index_cast %scan3A_57 : i32 to index
      %swap3A_64 = arith.constant 0 : index
      %swap3A_65 = tpu.vector_load %arg8[%swap3A, %swap3A_64] {strides = array<i32>} : memref<106x96xi32, #tpu.memory_space<vmem>>, vector<1x16xi32>,
      %swap3A_66 = vector.shape_cast %swap3A_65 : vector<1x16xi32> to vector<16xi32>
      %swap3A_67 = vector.shape_cast %add3A_63 : vector<16xi32> to vector<1x16xi32>
      tpu.vector_store %arg8[%swap3A, %swap3A_64], %swap3A_67 {strides = array<i32>} : memref<106x96xi32, #tpu.memory_space<vmem>>, vector<1x16xi32>,
      %get3A_68 = arith.index_cast %scan3A_57 : i32 to index
      %get3A_69 = arith.constant 16 : index
      %get3A_70 = tpu.vector_load %arg8[%get3A_68, %get3A_69] {strides = array<i32>} : memref<106x96xi32, #tpu.memory_space<vmem>>, vector<1x16xi32>,
      %get3A_71 = vector.shape_cast %get3A_70 : vector<1x16xi32> to vector<16xi32>
      %add3A_72 = arith.constant 1 : i32
      %add3A_73 = vector.broadcast %add3A_72 : i32 to vector<16xi32>
      %add3A_74 = arith.addi %get3A_71, %add3A_73 : vector<16xi32>
      %swap3A_75 = arith.index_cast %scan3A_57 : i32 to index
      %swap3A_76 = arith.constant 16 : index
      %swap3A_77 = tpu.vector_load %arg8[%swap3A_75, %swap3A_76] {strides = array<i32>} : memref<106x96xi32, #tpu.memory_space<vmem>>, vector<1x16xi32>,
      %swap3A_78 = vector.shape_cast %swap3A_77 : vector<1x16xi32> to vector<16xi32>
      %swap3A_79 = vector.shape_cast %add3A_74 : vector<16xi32> to vector<1x16xi32>
      tpu.vector_store %arg8[%swap3A_75, %swap3A_76], %swap3A_79 {strides = array<i32>} : memref<106x96xi32, #tpu.memory_space<vmem>>, vector<1x16xi32>,
      %get3A_80 = arith.index_cast %scan3A_57 : i32 to index
      %get3A_81 = arith.constant 32 : index
      %get3A_82 = tpu.vector_load %arg8[%get3A_80, %get3A_81] {strides = array<i32>} : memref<106x96xi32, #tpu.memory_space<vmem>>, vector<1x16xi32>,
      %get3A_83 = vector.shape_cast %get3A_82 : vector<1x16xi32> to vector<16xi32>
      %add3A_84 = arith.constant 1 : i32
      %add3A_85 = vector.broadcast %add3A_84 : i32 to vector<16xi32>
      %add3A_86 = arith.addi %get3A_83, %add3A_85 : vector<16xi32>
      %swap3A_87 = arith.index_cast %scan3A_57 : i32 to index
      %swap3A_88 = arith.constant 32 : index
      %swap3A_89 = tpu.vector_load %arg8[%swap3A_87, %swap3A_88] {strides = array<i32>} : memref<106x96xi32, #tpu.memory_space<vmem>>, vector<1x16xi32>,
      %swap3A_90 = vector.shape_cast %swap3A_89 : vector<1x16xi32> to vector<16xi32>
      %swap3A_91 = vector.shape_cast %add3A_86 : vector<16xi32> to vector<1x16xi32>
      tpu.vector_store %arg8[%swap3A_87, %swap3A_88], %swap3A_91 {strides = array<i32>} : memref<106x96xi32, #tpu.memory_space<vmem>>, vector<1x16xi32>,
      %get3A_92 = arith.index_cast %scan3A_57 : i32 to index
      %get3A_93 = arith.constant 48 : index
      %get3A_94 = tpu.vector_load %arg8[%get3A_92, %get3A_93] {strides = array<i32>} : memref<106x96xi32, #tpu.memory_space<vmem>>, vector<1x16xi32>,
      %get3A_95 = vector.shape_cast %get3A_94 : vector<1x16xi32> to vector<16xi32>
      %add3A_96 = arith.constant 1 : i32
      %add3A_97 = vector.broadcast %add3A_96 : i32 to vector<16xi32>
      %add3A_98 = arith.addi %get3A_95, %add3A_97 : vector<16xi32>
      %swap3A_99 = arith.index_cast %scan3A_57 : i32 to index
      %swap3A_100 = arith.constant 48 : index
      %swap3A_101 = tpu.vector_load %arg8[%swap3A_99, %swap3A_100] {strides = array<i32>} : memref<106x96xi32, #tpu.memory_space<vmem>>, vector<1x16xi32>,
      %swap3A_102 = vector.shape_cast %swap3A_101 : vector<1x16xi32> to vector<16xi32>
      %swap3A_103 = vector.shape_cast %add3A_98 : vector<16xi32> to vector<1x16xi32>
      tpu.vector_store %arg8[%swap3A_99, %swap3A_100], %swap3A_103 {strides = array<i32>} : memref<106x96xi32, #tpu.memory_space<vmem>>, vector<1x16xi32>,
      %get3A_104 = arith.index_cast %scan3A_57 : i32 to index
      %get3A_105 = arith.constant 64 : index
      %get3A_106 = tpu.vector_load %arg8[%get3A_104, %get3A_105] {strides = array<i32>} : memref<106x96xi32, #tpu.memory_space<vmem>>, vector<1x16xi32>,
      %get3A_107 = vector.shape_cast %get3A_106 : vector<1x16xi32> to vector<16xi32>
      %add3A_108 = arith.constant 1 : i32
      %add3A_109 = vector.broadcast %add3A_108 : i32 to vector<16xi32>
      %add3A_110 = arith.addi %get3A_107, %add3A_109 : vector<16xi32>
      %swap3A_111 = arith.index_cast %scan3A_57 : i32 to index
      %swap3A_112 = arith.constant 64 : index
      %swap3A_113 = tpu.vector_load %arg8[%swap3A_111, %swap3A_112] {strides = array<i32>} : memref<106x96xi32, #tpu.memory_space<vmem>>, vector<1x16xi32>,
      %swap3A_114 = vector.shape_cast %swap3A_113 : vector<1x16xi32> to vector<16xi32>
      %swap3A_115 = vector.shape_cast %add3A_110 : vector<16xi32> to vector<1x16xi32>
      tpu.vector_store %arg8[%swap3A_111, %swap3A_112], %swap3A_115 {strides = array<i32>} : memref<106x96xi32, #tpu.memory_space<vmem>>, vector<1x16xi32>,
      %get3A_116 = arith.index_cast %scan3A_57 : i32 to index
      %get3A_117 = arith.constant 80 : index
      %get3A_118 = tpu.vector_load %arg8[%get3A_116, %get3A_117] {strides = array<i32>} : memref<106x96xi32, #tpu.memory_space<vmem>>, vector<1x16xi32>,
      %get3A_119 = vector.shape_cast %get3A_118 : vector<1x16xi32> to vector<16xi32>
      %add3A_120 = arith.constant 1 : i32
      %add3A_121 = vector.broadcast %add3A_120 : i32 to vector<16xi32>
      %add3A_122 = arith.addi %get3A_119, %add3A_121 : vector<16xi32>
      %swap3A_123 = arith.index_cast %scan3A_57 : i32 to index
      %swap3A_124 = arith.constant 80 : index
      %swap3A_125 = tpu.vector_load %arg8[%swap3A_123, %swap3A_124] {strides = array<i32>} : memref<106x96xi32, #tpu.memory_space<vmem>>, vector<1x16xi32>,
      %swap3A_126 = vector.shape_cast %swap3A_125 : vector<1x16xi32> to vector<16xi32>
      %swap3A_127 = vector.shape_cast %add3A_122 : vector<16xi32> to vector<1x16xi32>
      tpu.vector_store %arg8[%swap3A_123, %swap3A_124], %swap3A_127 {strides = array<i32>} : memref<106x96xi32, #tpu.memory_space<vmem>>, vector<1x16xi32>,
    }
    %scan3A_31 = arith.constant 106 : i32
    %mul3A_32 = arith.constant 2 : i32
    %mul3A_33 = arith.muli %arg0, %mul3A_32 : i32
    %add3A_34 = arith.constant 1 : i32
    %add3A_35 = arith.addi %mul3A_33, %add3A_34 : i32
    %mul3A_36 = arith.constant 625 : i32
    %mul3A_37 = arith.muli %arg1, %mul3A_36 : i32
    "tpu.region"() ({
      %run_scoped3A = tpu.sem_alloc : memref<!tpu.dma_semaphore, #tpu.memory_space<semaphore_mem>>
      %dma_start3A_57 = arith.constant 0 : i32
      %dma_start3A_58 = tpu.memref_slice %arg11[%mul3A_37, %dma_start3A_57] : memref<10112x128xf32, #tpu.memory_space<vmem_shared>> -> memref<625x128xf32, #tpu.memory_space<vmem_shared>>
      tpu.enqueue_dma source(%arg3 : memref<625x128xf32, #tpu.memory_space<hbm>>) target(%dma_start3A_58 : memref<625x128xf32, #tpu.memory_space<vmem_shared>>) target_semaphore(%run_scoped3A : memref<!tpu.dma_semaphore, #tpu.memory_space<semaphore_mem>>)
      %dma_wait3A = arith.constant 0 : i32
      %dma_wait3A_59 = tpu.memref_slice %arg11[%mul3A_37, %dma_wait3A] : memref<10112x128xf32, #tpu.memory_space<vmem_shared>> -> memref<625x128xf32, #tpu.memory_space<vmem_shared>>
      tpu.wait_dma2 semaphore(%run_scoped3A : memref<!tpu.dma_semaphore, #tpu.memory_space<semaphore_mem>>) src(%arg3 : memref<625x128xf32, #tpu.memory_space<hbm>>) dst(%dma_wait3A_59 : memref<625x128xf32, #tpu.memory_space<vmem_shared>>)
      tpu.yield
    }) : () -> ()
    %barrier3A_38 = arith.constant 0 : index
    tpu.barrier barrier_id(%barrier3A_38)
    %dma_start3A_39 = arith.constant 0 : i32
    %dma_start3A_40 = arith.constant 0 : i32
    %dma_start3A_41 = tpu.memref_slice %arg8[%dma_start3A_39, %dma_start3A_40] : memref<106x96xi32, #tpu.memory_space<vmem>> -> memref<1x96xi32, #tpu.memory_space<vmem>>
    %dma_start3A_42 = tpu.memref_squeeze %dma_start3A_41 : memref<1x96xi32, #tpu.memory_space<vmem>> -> memref<96xi32, #tpu.memory_space<vmem>>
    %dma_start3A_43 = arith.constant 0 : i32
    %dma_start3A_44 = arith.constant 0 : i32
    %dma_start3A_45 = tpu.memref_slice %arg2[%dma_start3A_43, %dma_start3A_44] : memref<40000x128xf32, #tpu.memory_space<hbm>> -> memref<40000x128xf32, #tpu.memory_space<hbm>>
    tpu.enqueue_indirect_dma source(%dma_start3A_45 : memref<40000x128xf32, #tpu.memory_space<hbm>>) target(%arg9 : memref<96x128xf32, #tpu.memory_space<vmem>>) offsets(%dma_start3A_42 : memref<96xi32, #tpu.memory_space<vmem>>) semaphore(%arg12 : memref<!tpu.dma_semaphore, #tpu.memory_space<semaphore_mem>>)
    %scan3A_46 = arith.constant 0 : i32
    %scan3A_47 = arith.constant 0 : i32
    %scan3A_48 = arith.constant 53 : i32
    %scan3A_49 = arith.addi %scan3A_47, %scan3A_48 : i32
    %scan3A_50 = arith.constant 1 : i32
    scf.for %scan3A_57 = %scan3A_47 to %scan3A_49 step %scan3A_50  : i32 {
      %mul3A_58 = arith.constant 2 : i32
      %mul3A_59 = arith.muli %scan3A_57, %mul3A_58 : i32
      %add3A_60 = arith.constant 1 : i32
      %add3A_61 = arith.addi %mul3A_59, %add3A_60 : i32
      %dma_wait3A = arith.constant 0 : i32
      %dma_wait3A_62 = tpu.memref_slice %arg8[%mul3A_59, %dma_wait3A] : memref<106x96xi32, #tpu.memory_space<vmem>> -> memref<1x96xi32, #tpu.memory_space<vmem>>
      %dma_wait3A_63 = tpu.memref_squeeze %dma_wait3A_62 : memref<1x96xi32, #tpu.memory_space<vmem>> -> memref<96xi32, #tpu.memory_space<vmem>>
      %dma_wait3A_64 = arith.constant 0 : i32
      %dma_wait3A_65 = arith.constant 0 : i32
      %dma_wait3A_66 = tpu.memref_slice %arg2[%dma_wait3A_64, %dma_wait3A_65] : memref<40000x128xf32, #tpu.memory_space<hbm>> -> memref<40000x128xf32, #tpu.memory_space<hbm>>
      tpu.wait_indirect_dma semaphore(%arg12 : memref<!tpu.dma_semaphore, #tpu.memory_space<semaphore_mem>>) src(%dma_wait3A_66 : memref<40000x128xf32, #tpu.memory_space<hbm>>) dst(%arg9 : memref<96x128xf32, #tpu.memory_space<vmem>>)
      %dma_start3A_67 = arith.constant 0 : i32
      %dma_start3A_68 = tpu.memref_slice %arg8[%add3A_61, %dma_start3A_67] : memref<106x96xi32, #tpu.memory_space<vmem>> -> memref<1x96xi32, #tpu.memory_space<vmem>>
      %dma_start3A_69 = tpu.memref_squeeze %dma_start3A_68 : memref<1x96xi32, #tpu.memory_space<vmem>> -> memref<96xi32, #tpu.memory_space<vmem>>
      %dma_start3A_70 = arith.constant 0 : i32
      %dma_start3A_71 = arith.constant 0 : i32
      %dma_start3A_72 = tpu.memref_slice %arg2[%dma_start3A_70, %dma_start3A_71] : memref<40000x128xf32, #tpu.memory_space<hbm>> -> memref<40000x128xf32, #tpu.memory_space<hbm>>
      tpu.enqueue_indirect_dma source(%dma_start3A_72 : memref<40000x128xf32, #tpu.memory_space<hbm>>) target(%arg10 : memref<96x128xf32, #tpu.memory_space<vmem>>) offsets(%dma_start3A_69 : memref<96xi32, #tpu.memory_space<vmem>>) semaphore(%arg13 : memref<!tpu.dma_semaphore, #tpu.memory_space<semaphore_mem>>)
      "tpu.region"() ({
        %run_scoped3A = tpu.sem_alloc : memref<!tpu.dma_semaphore, #tpu.memory_space<semaphore_mem>>
        %dma_start3A_83 = arith.constant 0 : i32
        %dma_start3A_84 = tpu.memref_slice %arg7[%mul3A_59, %dma_start3A_83] : memref<106x96xi32, #tpu.memory_space<vmem>> -> memref<1x96xi32, #tpu.memory_space<vmem>>
        %dma_start3A_85 = tpu.memref_squeeze %dma_start3A_84 : memref<1x96xi32, #tpu.memory_space<vmem>> -> memref<96xi32, #tpu.memory_space<vmem>>
        %dma_start3A_86 = arith.constant 0 : i32
        %dma_start3A_87 = arith.constant 0 : i32
        %dma_start3A_88 = tpu.memref_slice %arg11[%dma_start3A_86, %dma_start3A_87] : memref<10112x128xf32, #tpu.memory_space<vmem_shared>> -> memref<10112x128xf32, #tpu.memory_space<vmem_shared>>
        tpu.enqueue_indirect_dma source(%arg9 : memref<96x128xf32, #tpu.memory_space<vmem>>) target(%dma_start3A_88 : memref<10112x128xf32, #tpu.memory_space<vmem_shared>>) offsets(%dma_start3A_85 : memref<96xi32, #tpu.memory_space<vmem>>) semaphore(%run_scoped3A : memref<!tpu.dma_semaphore, #tpu.memory_space<semaphore_mem>>) {add = true}
        %dma_wait3A_89 = arith.constant 0 : i32
        %dma_wait3A_90 = tpu.memref_slice %arg7[%mul3A_59, %dma_wait3A_89] : memref<106x96xi32, #tpu.memory_space<vmem>> -> memref<1x96xi32, #tpu.memory_space<vmem>>
        %dma_wait3A_91 = tpu.memref_squeeze %dma_wait3A_90 : memref<1x96xi32, #tpu.memory_space<vmem>> -> memref<96xi32, #tpu.memory_space<vmem>>
        %dma_wait3A_92 = arith.constant 0 : i32
        %dma_wait3A_93 = arith.constant 0 : i32
        %dma_wait3A_94 = tpu.memref_slice %arg11[%dma_wait3A_92, %dma_wait3A_93] : memref<10112x128xf32, #tpu.memory_space<vmem_shared>> -> memref<10112x128xf32, #tpu.memory_space<vmem_shared>>
        tpu.wait_indirect_dma semaphore(%run_scoped3A : memref<!tpu.dma_semaphore, #tpu.memory_space<semaphore_mem>>) src(%arg9 : memref<96x128xf32, #tpu.memory_space<vmem>>) dst(%dma_wait3A_94 : memref<10112x128xf32, #tpu.memory_space<vmem_shared>>)
        tpu.yield
      }) : () -> ()
      %dma_wait3A_73 = arith.constant 0 : i32
      %dma_wait3A_74 = tpu.memref_slice %arg8[%add3A_61, %dma_wait3A_73] : memref<106x96xi32, #tpu.memory_space<vmem>> -> memref<1x96xi32, #tpu.memory_space<vmem>>
      %dma_wait3A_75 = tpu.memref_squeeze %dma_wait3A_74 : memref<1x96xi32, #tpu.memory_space<vmem>> -> memref<96xi32, #tpu.memory_space<vmem>>
      %dma_wait3A_76 = arith.constant 0 : i32
      %dma_wait3A_77 = arith.constant 0 : i32
      %dma_wait3A_78 = tpu.memref_slice %arg2[%dma_wait3A_76, %dma_wait3A_77] : memref<40000x128xf32, #tpu.memory_space<hbm>> -> memref<40000x128xf32, #tpu.memory_space<hbm>>
      tpu.wait_indirect_dma semaphore(%arg13 : memref<!tpu.dma_semaphore, #tpu.memory_space<semaphore_mem>>) src(%dma_wait3A_78 : memref<40000x128xf32, #tpu.memory_space<hbm>>) dst(%arg10 : memref<96x128xf32, #tpu.memory_space<vmem>>)
      %add3A_79 = arith.constant 1 : i32
      %add3A_80 = arith.addi %scan3A_57, %add3A_79 : i32
      %lt3A = arith.constant 53 : i32
      %lt3A_81 = arith.cmpi slt, %add3A_80, %lt3A : i32
      %convert_element_type3A = arith.extui %lt3A_81 : i1 to i32
      %cond3A = arith.constant 0 : i32
      %cond3A_82 = arith.cmpi ne, %convert_element_type3A, %cond3A : i32
      scf.if %cond3A_82 {
        %add3A_83 = arith.constant 2 : i32
        %add3A_84 = arith.addi %mul3A_59, %add3A_83 : i32
        %dma_start3A_85 = arith.constant 0 : i32
        %dma_start3A_86 = tpu.memref_slice %arg8[%add3A_84, %dma_start3A_85] : memref<106x96xi32, #tpu.memory_space<vmem>> -> memref<1x96xi32, #tpu.memory_space<vmem>>
        %dma_start3A_87 = tpu.memref_squeeze %dma_start3A_86 : memref<1x96xi32, #tpu.memory_space<vmem>> -> memref<96xi32, #tpu.memory_space<vmem>>
        %dma_start3A_88 = arith.constant 0 : i32
        %dma_start3A_89 = arith.constant 0 : i32
        %dma_start3A_90 = tpu.memref_slice %arg2[%dma_start3A_88, %dma_start3A_89] : memref<40000x128xf32, #tpu.memory_space<hbm>> -> memref<40000x128xf32, #tpu.memory_space<hbm>>
        tpu.enqueue_indirect_dma source(%dma_start3A_90 : memref<40000x128xf32, #tpu.memory_space<hbm>>) target(%arg9 : memref<96x128xf32, #tpu.memory_space<vmem>>) offsets(%dma_start3A_87 : memref<96xi32, #tpu.memory_space<vmem>>) semaphore(%arg12 : memref<!tpu.dma_semaphore, #tpu.memory_space<semaphore_mem>>)
      } else {
      }
      "tpu.region"() ({
        %run_scoped3A = tpu.sem_alloc : memref<!tpu.dma_semaphore, #tpu.memory_space<semaphore_mem>>
        %dma_start3A_83 = arith.constant 0 : i32
        %dma_start3A_84 = tpu.memref_slice %arg7[%add3A_61, %dma_start3A_83] : memref<106x96xi32, #tpu.memory_space<vmem>> -> memref<1x96xi32, #tpu.memory_space<vmem>>
        %dma_start3A_85 = tpu.memref_squeeze %dma_start3A_84 : memref<1x96xi32, #tpu.memory_space<vmem>> -> memref<96xi32, #tpu.memory_space<vmem>>
        %dma_start3A_86 = arith.constant 0 : i32
        %dma_start3A_87 = arith.constant 0 : i32
        %dma_start3A_88 = tpu.memref_slice %arg11[%dma_start3A_86, %dma_start3A_87] : memref<10112x128xf32, #tpu.memory_space<vmem_shared>> -> memref<10112x128xf32, #tpu.memory_space<vmem_shared>>
        tpu.enqueue_indirect_dma source(%arg10 : memref<96x128xf32, #tpu.memory_space<vmem>>) target(%dma_start3A_88 : memref<10112x128xf32, #tpu.memory_space<vmem_shared>>) offsets(%dma_start3A_85 : memref<96xi32, #tpu.memory_space<vmem>>) semaphore(%run_scoped3A : memref<!tpu.dma_semaphore, #tpu.memory_space<semaphore_mem>>) {add = true}
        %dma_wait3A_89 = arith.constant 0 : i32
        %dma_wait3A_90 = tpu.memref_slice %arg7[%add3A_61, %dma_wait3A_89] : memref<106x96xi32, #tpu.memory_space<vmem>> -> memref<1x96xi32, #tpu.memory_space<vmem>>
        %dma_wait3A_91 = tpu.memref_squeeze %dma_wait3A_90 : memref<1x96xi32, #tpu.memory_space<vmem>> -> memref<96xi32, #tpu.memory_space<vmem>>
        %dma_wait3A_92 = arith.constant 0 : i32
        %dma_wait3A_93 = arith.constant 0 : i32
        %dma_wait3A_94 = tpu.memref_slice %arg11[%dma_wait3A_92, %dma_wait3A_93] : memref<10112x128xf32, #tpu.memory_space<vmem_shared>> -> memref<10112x128xf32, #tpu.memory_space<vmem_shared>>
        tpu.wait_indirect_dma semaphore(%run_scoped3A : memref<!tpu.dma_semaphore, #tpu.memory_space<semaphore_mem>>) src(%arg10 : memref<96x128xf32, #tpu.memory_space<vmem>>) dst(%dma_wait3A_94 : memref<10112x128xf32, #tpu.memory_space<vmem_shared>>)
        tpu.yield
      }) : () -> ()
    }
    %scan3A_51 = arith.constant 53 : i32
    %barrier3A_52 = arith.constant 0 : index
    tpu.barrier barrier_id(%barrier3A_52)
    %mul3A_53 = arith.constant 625 : i32
    %mul3A_54 = arith.muli %arg1, %mul3A_53 : i32
    %mul3A_55 = arith.constant 625 : i32
    %mul3A_56 = arith.muli %arg1, %mul3A_55 : i32
    "tpu.region"() ({
      %run_scoped3A = tpu.sem_alloc : memref<!tpu.dma_semaphore, #tpu.memory_space<semaphore_mem>>
      %dma_start3A_57 = arith.constant 0 : i32
      %dma_start3A_58 = tpu.memref_slice %arg6[%add3A_35, %mul3A_56, %dma_start3A_57] : memref<4x10000x128xf32, #tpu.memory_space<hbm>> -> memref<1x625x128xf32, #tpu.memory_space<hbm>>
      %dma_start3A_59 = tpu.memref_squeeze %dma_start3A_58 : memref<1x625x128xf32, #tpu.memory_space<hbm>> -> memref<625x128xf32, #tpu.memory_space<hbm>>
      %dma_start3A_60 = arith.constant 0 : i32
      %dma_start3A_61 = tpu.memref_slice %arg11[%mul3A_54, %dma_start3A_60] : memref<10112x128xf32, #tpu.memory_space<vmem_shared>> -> memref<625x128xf32, #tpu.memory_space<vmem_shared>>
      tpu.enqueue_dma source(%dma_start3A_61 : memref<625x128xf32, #tpu.memory_space<vmem_shared>>) target(%dma_start3A_59 : memref<625x128xf32, #tpu.memory_space<hbm>>) target_semaphore(%run_scoped3A : memref<!tpu.dma_semaphore, #tpu.memory_space<semaphore_mem>>)
      %dma_wait3A = arith.constant 0 : i32
      %dma_wait3A_62 = tpu.memref_slice %arg6[%add3A_35, %mul3A_56, %dma_wait3A] : memref<4x10000x128xf32, #tpu.memory_space<hbm>> -> memref<1x625x128xf32, #tpu.memory_space<hbm>>
      %dma_wait3A_63 = tpu.memref_squeeze %dma_wait3A_62 : memref<1x625x128xf32, #tpu.memory_space<hbm>> -> memref<625x128xf32, #tpu.memory_space<hbm>>
      %dma_wait3A_64 = arith.constant 0 : i32
      %dma_wait3A_65 = tpu.memref_slice %arg11[%mul3A_54, %dma_wait3A_64] : memref<10112x128xf32, #tpu.memory_space<vmem_shared>> -> memref<625x128xf32, #tpu.memory_space<vmem_shared>>
      tpu.wait_dma2 semaphore(%run_scoped3A : memref<!tpu.dma_semaphore, #tpu.memory_space<semaphore_mem>>) src(%dma_wait3A_65 : memref<625x128xf32, #tpu.memory_space<vmem_shared>>) dst(%dma_wait3A_63 : memref<625x128xf32, #tpu.memory_space<hbm>>)
      tpu.yield
    }) : () -> ()
    return
  }
}

#map = affine_map<(d0, d1) -> (0, 0)>
#map1 = affine_map<(d0, d1) -> (0, 0, 0)>
module attributes {stable_mosaic.version = 14 : i64} {
  func.func @body(%arg0: i32, %arg1: i32, %arg2: memref<40000x128xf32, #tpu.memory_space<hbm>>, %arg3: memref<625x128xf32, #tpu.memory_space<hbm>>, %arg4: memref<16x106x96xi32, #tpu.memory_space<hbm>>, %arg5: memref<16x106x96xi32, #tpu.memory_space<hbm>>, %arg6: memref<4x10000x128xf32, #tpu.memory_space<hbm>>, %arg7: memref<106x96xi32, #tpu.memory_space<vmem>>, %arg8: memref<106x96xi32, #tpu.memory_space<vmem>>, %arg9: memref<96x128xf32, #tpu.memory_space<vmem>>, %arg10: memref<96x128xf32, #tpu.memory_space<vmem>>, %arg11: memref<10112x128xf32, #tpu.memory_space<vmem_shared>>, %arg12: memref<!tpu.dma_semaphore, #tpu.memory_space<semaphore_mem>>, %arg13: memref<!tpu.dma_semaphore, #tpu.memory_space<semaphore_mem>>) attributes {dimension_semantics = [#tpu.dimension_semantics<core_parallel>, #tpu.dimension_semantics<subcore_parallel>], iteration_bounds = array<i64: 2, 16>, scalar_prefetch = 0 : i64, scratch_operands = 7 : i64, tpu.core_type = #tpu.core_type<sc_vector_subcore>, window_params = [{transform_indices = #map}, {transform_indices = #map}, {transform_indices = #map1}, {transform_indices = #map1}, {transform_indices = #map1}]} {
    "tpu.region"() ({
      %run_scoped3A = tpu.sem_alloc : memref<!tpu.dma_semaphore, #tpu.memory_space<semaphore_mem>>
      %dma_start3A_57 = arith.constant 0 : i32
      %dma_start3A_58 = arith.constant 0 : i32
      %dma_start3A_59 = tpu.memref_slice %arg4[%arg1, %dma_start3A_57, %dma_start3A_58] : memref<16x106x96xi32, #tpu.memory_space<hbm>> -> memref<1x106x96xi32, #tpu.memory_space<hbm>>
      %dma_start3A_60 = tpu.memref_squeeze %dma_start3A_59 : memref<1x106x96xi32, #tpu.memory_space<hbm>> -> memref<106x96xi32, #tpu.memory_space<hbm>>
      %dma_start3A_61 = arith.constant 0 : i32
      %dma_start3A_62 = arith.constant 0 : i32
      %dma_start3A_63 = tpu.memref_slice %arg4[%arg1, %dma_start3A_61, %dma_start3A_62] : memref<16x106x96xi32, #tpu.memory_space<hbm>> -> memref<1x106x96xi32, #tpu.memory_space<hbm>>
      %dma_start3A_64 = tpu.memref_squeeze %dma_start3A_63 : memref<1x106x96xi32, #tpu.memory_space<hbm>> -> memref<106x96xi32, #tpu.memory_space<hbm>>
      tpu.enqueue_dma source(%dma_start3A_64 : memref<106x96xi32, #tpu.memory_space<hbm>>) target(%arg7 : memref<106x96xi32, #tpu.memory_space<vmem>>) target_semaphore(%run_scoped3A : memref<!tpu.dma_semaphore, #tpu.memory_space<semaphore_mem>>)
      %dma_wait3A = arith.constant 0 : i32
      %dma_wait3A_65 = arith.constant 0 : i32
      %dma_wait3A_66 = tpu.memref_slice %arg4[%arg1, %dma_wait3A, %dma_wait3A_65] : memref<16x106x96xi32, #tpu.memory_space<hbm>> -> memref<1x106x96xi32, #tpu.memory_space<hbm>>
      %dma_wait3A_67 = tpu.memref_squeeze %dma_wait3A_66 : memref<1x106x96xi32, #tpu.memory_space<hbm>> -> memref<106x96xi32, #tpu.memory_space<hbm>>
      %dma_wait3A_68 = arith.constant 0 : i32
      %dma_wait3A_69 = arith.constant 0 : i32
      %dma_wait3A_70 = tpu.memref_slice %arg4[%arg1, %dma_wait3A_68, %dma_wait3A_69] : memref<16x106x96xi32, #tpu.memory_space<hbm>> -> memref<1x106x96xi32, #tpu.memory_space<hbm>>
      %dma_wait3A_71 = tpu.memref_squeeze %dma_wait3A_70 : memref<1x106x96xi32, #tpu.memory_space<hbm>> -> memref<106x96xi32, #tpu.memory_space<hbm>>
      tpu.wait_dma2 semaphore(%run_scoped3A : memref<!tpu.dma_semaphore, #tpu.memory_space<semaphore_mem>>) src(%dma_wait3A_71 : memref<106x96xi32, #tpu.memory_space<hbm>>) dst(%arg7 : memref<106x96xi32, #tpu.memory_space<vmem>>)
      tpu.yield
    }) : () -> ()
    "tpu.region"() ({
      %run_scoped3A = tpu.sem_alloc : memref<!tpu.dma_semaphore, #tpu.memory_space<semaphore_mem>>
      %dma_start3A_57 = arith.constant 0 : i32
      %dma_start3A_58 = arith.constant 0 : i32
      %dma_start3A_59 = tpu.memref_slice %arg5[%arg1, %dma_start3A_57, %dma_start3A_58] : memref<16x106x96xi32, #tpu.memory_space<hbm>> -> memref<1x106x96xi32, #tpu.memory_space<hbm>>
      %dma_start3A_60 = tpu.memref_squeeze %dma_start3A_59 : memref<1x106x96xi32, #tpu.memory_space<hbm>> -> memref<106x96xi32, #tpu.memory_space<hbm>>
      %dma_start3A_61 = arith.constant 0 : i32
      %dma_start3A_62 = arith.constant 0 : i32
      %dma_start3A_63 = tpu.memref_slice %arg5[%arg1, %dma_start3A_61, %dma_start3A_62] : memref<16x106x96xi32, #tpu.memory_space<hbm>> -> memref<1x106x96xi32, #tpu.memory_space<hbm>>
      %dma_start3A_64 = tpu.memref_squeeze %dma_start3A_63 : memref<1x106x96xi32, #tpu.memory_space<hbm>> -> memref<106x96xi32, #tpu.memory_space<hbm>>
      tpu.enqueue_dma source(%dma_start3A_64 : memref<106x96xi32, #tpu.memory_space<hbm>>) target(%arg8 : memref<106x96xi32, #tpu.memory_space<vmem>>) target_semaphore(%run_scoped3A : memref<!tpu.dma_semaphore, #tpu.memory_space<semaphore_mem>>)
      %dma_wait3A = arith.constant 0 : i32
      %dma_wait3A_65 = arith.constant 0 : i32
      %dma_wait3A_66 = tpu.memref_slice %arg5[%arg1, %dma_wait3A, %dma_wait3A_65] : memref<16x106x96xi32, #tpu.memory_space<hbm>> -> memref<1x106x96xi32, #tpu.memory_space<hbm>>
      %dma_wait3A_67 = tpu.memref_squeeze %dma_wait3A_66 : memref<1x106x96xi32, #tpu.memory_space<hbm>> -> memref<106x96xi32, #tpu.memory_space<hbm>>
      %dma_wait3A_68 = arith.constant 0 : i32
      %dma_wait3A_69 = arith.constant 0 : i32
      %dma_wait3A_70 = tpu.memref_slice %arg5[%arg1, %dma_wait3A_68, %dma_wait3A_69] : memref<16x106x96xi32, #tpu.memory_space<hbm>> -> memref<1x106x96xi32, #tpu.memory_space<hbm>>
      %dma_wait3A_71 = tpu.memref_squeeze %dma_wait3A_70 : memref<1x106x96xi32, #tpu.memory_space<hbm>> -> memref<106x96xi32, #tpu.memory_space<hbm>>
      tpu.wait_dma2 semaphore(%run_scoped3A : memref<!tpu.dma_semaphore, #tpu.memory_space<semaphore_mem>>) src(%dma_wait3A_71 : memref<106x96xi32, #tpu.memory_space<hbm>>) dst(%arg8 : memref<106x96xi32, #tpu.memory_space<vmem>>)
      tpu.yield
    }) : () -> ()
    %scan3A = arith.constant 0 : i32
    %scan3A_0 = arith.constant 0 : i32
    %scan3A_1 = arith.constant 106 : i32
    %scan3A_2 = arith.addi %scan3A_0, %scan3A_1 : i32
    %scan3A_3 = arith.constant 1 : i32
    scf.for %scan3A_57 = %scan3A_0 to %scan3A_2 step %scan3A_3  : i32 {
      %get3A = arith.index_cast %scan3A_57 : i32 to index
      %get3A_58 = arith.constant 0 : index
      %get3A_59 = tpu.vector_load %arg8[%get3A, %get3A_58] {strides = array<i32>} : memref<106x96xi32, #tpu.memory_space<vmem>>, vector<1x16xi32>,
      %get3A_60 = vector.shape_cast %get3A_59 : vector<1x16xi32> to vector<16xi32>
      %mul3A_61 = arith.constant 4 : i32
      %mul3A_62 = vector.broadcast %mul3A_61 : i32 to vector<16xi32>
      %mul3A_63 = arith.muli %get3A_60, %mul3A_62 : vector<16xi32>
      %mul3A_64 = arith.constant 2 : i32
      %mul3A_65 = arith.muli %arg0, %mul3A_64 : i32
      %add3A_66 = arith.constant 0 : i32
      %add3A_67 = arith.addi %add3A_66, %mul3A_65 : i32
      %add3A_68 = vector.broadcast %add3A_67 : i32 to vector<16xi32>
      %add3A_69 = arith.addi %mul3A_63, %add3A_68 : vector<16xi32>
      %swap3A = arith.index_cast %scan3A_57 : i32 to index
      %swap3A_70 = arith.constant 0 : index
      %swap3A_71 = tpu.vector_load %arg8[%swap3A, %swap3A_70] {strides = array<i32>} : memref<106x96xi32, #tpu.memory_space<vmem>>, vector<1x16xi32>,
      %swap3A_72 = vector.shape_cast %swap3A_71 : vector<1x16xi32> to vector<16xi32>
      %swap3A_73 = vector.shape_cast %add3A_69 : vector<16xi32> to vector<1x16xi32>
      tpu.vector_store %arg8[%swap3A, %swap3A_70], %swap3A_73 {strides = array<i32>} : memref<106x96xi32, #tpu.memory_space<vmem>>, vector<1x16xi32>,
      %get3A_74 = arith.index_cast %scan3A_57 : i32 to index
      %get3A_75 = arith.constant 16 : index
      %get3A_76 = tpu.vector_load %arg8[%get3A_74, %get3A_75] {strides = array<i32>} : memref<106x96xi32, #tpu.memory_space<vmem>>, vector<1x16xi32>,
      %get3A_77 = vector.shape_cast %get3A_76 : vector<1x16xi32> to vector<16xi32>
      %mul3A_78 = arith.constant 4 : i32
      %mul3A_79 = vector.broadcast %mul3A_78 : i32 to vector<16xi32>
      %mul3A_80 = arith.muli %get3A_77, %mul3A_79 : vector<16xi32>
      %mul3A_81 = arith.constant 2 : i32
      %mul3A_82 = arith.muli %arg0, %mul3A_81 : i32
      %add3A_83 = arith.constant 0 : i32
      %add3A_84 = arith.addi %add3A_83, %mul3A_82 : i32
      %add3A_85 = vector.broadcast %add3A_84 : i32 to vector<16xi32>
      %add3A_86 = arith.addi %mul3A_80, %add3A_85 : vector<16xi32>
      %swap3A_87 = arith.index_cast %scan3A_57 : i32 to index
      %swap3A_88 = arith.constant 16 : index
      %swap3A_89 = tpu.vector_load %arg8[%swap3A_87, %swap3A_88] {strides = array<i32>} : memref<106x96xi32, #tpu.memory_space<vmem>>, vector<1x16xi32>,
      %swap3A_90 = vector.shape_cast %swap3A_89 : vector<1x16xi32> to vector<16xi32>
      %swap3A_91 = vector.shape_cast %add3A_86 : vector<16xi32> to vector<1x16xi32>
      tpu.vector_store %arg8[%swap3A_87, %swap3A_88], %swap3A_91 {strides = array<i32>} : memref<106x96xi32, #tpu.memory_space<vmem>>, vector<1x16xi32>,
      %get3A_92 = arith.index_cast %scan3A_57 : i32 to index
      %get3A_93 = arith.constant 32 : index
      %get3A_94 = tpu.vector_load %arg8[%get3A_92, %get3A_93] {strides = array<i32>} : memref<106x96xi32, #tpu.memory_space<vmem>>, vector<1x16xi32>,
      %get3A_95 = vector.shape_cast %get3A_94 : vector<1x16xi32> to vector<16xi32>
      %mul3A_96 = arith.constant 4 : i32
      %mul3A_97 = vector.broadcast %mul3A_96 : i32 to vector<16xi32>
      %mul3A_98 = arith.muli %get3A_95, %mul3A_97 : vector<16xi32>
      %mul3A_99 = arith.constant 2 : i32
      %mul3A_100 = arith.muli %arg0, %mul3A_99 : i32
      %add3A_101 = arith.constant 0 : i32
      %add3A_102 = arith.addi %add3A_101, %mul3A_100 : i32
      %add3A_103 = vector.broadcast %add3A_102 : i32 to vector<16xi32>
      %add3A_104 = arith.addi %mul3A_98, %add3A_103 : vector<16xi32>
      %swap3A_105 = arith.index_cast %scan3A_57 : i32 to index
      %swap3A_106 = arith.constant 32 : index
      %swap3A_107 = tpu.vector_load %arg8[%swap3A_105, %swap3A_106] {strides = array<i32>} : memref<106x96xi32, #tpu.memory_space<vmem>>, vector<1x16xi32>,
      %swap3A_108 = vector.shape_cast %swap3A_107 : vector<1x16xi32> to vector<16xi32>
      %swap3A_109 = vector.shape_cast %add3A_104 : vector<16xi32> to vector<1x16xi32>
      tpu.vector_store %arg8[%swap3A_105, %swap3A_106], %swap3A_109 {strides = array<i32>} : memref<106x96xi32, #tpu.memory_space<vmem>>, vector<1x16xi32>,
      %get3A_110 = arith.index_cast %scan3A_57 : i32 to index
      %get3A_111 = arith.constant 48 : index
      %get3A_112 = tpu.vector_load %arg8[%get3A_110, %get3A_111] {strides = array<i32>} : memref<106x96xi32, #tpu.memory_space<vmem>>, vector<1x16xi32>,
      %get3A_113 = vector.shape_cast %get3A_112 : vector<1x16xi32> to vector<16xi32>
      %mul3A_114 = arith.constant 4 : i32
      %mul3A_115 = vector.broadcast %mul3A_114 : i32 to vector<16xi32>
      %mul3A_116 = arith.muli %get3A_113, %mul3A_115 : vector<16xi32>
      %mul3A_117 = arith.constant 2 : i32
      %mul3A_118 = arith.muli %arg0, %mul3A_117 : i32
      %add3A_119 = arith.constant 0 : i32
      %add3A_120 = arith.addi %add3A_119, %mul3A_118 : i32
      %add3A_121 = vector.broadcast %add3A_120 : i32 to vector<16xi32>
      %add3A_122 = arith.addi %mul3A_116, %add3A_121 : vector<16xi32>
      %swap3A_123 = arith.index_cast %scan3A_57 : i32 to index
      %swap3A_124 = arith.constant 48 : index
      %swap3A_125 = tpu.vector_load %arg8[%swap3A_123, %swap3A_124] {strides = array<i32>} : memref<106x96xi32, #tpu.memory_space<vmem>>, vector<1x16xi32>,
      %swap3A_126 = vector.shape_cast %swap3A_125 : vector<1x16xi32> to vector<16xi32>
      %swap3A_127 = vector.shape_cast %add3A_122 : vector<16xi32> to vector<1x16xi32>
      tpu.vector_store %arg8[%swap3A_123, %swap3A_124], %swap3A_127 {strides = array<i32>} : memref<106x96xi32, #tpu.memory_space<vmem>>, vector<1x16xi32>,
      %get3A_128 = arith.index_cast %scan3A_57 : i32 to index
      %get3A_129 = arith.constant 64 : index
      %get3A_130 = tpu.vector_load %arg8[%get3A_128, %get3A_129] {strides = array<i32>} : memref<106x96xi32, #tpu.memory_space<vmem>>, vector<1x16xi32>,
      %get3A_131 = vector.shape_cast %get3A_130 : vector<1x16xi32> to vector<16xi32>
      %mul3A_132 = arith.constant 4 : i32
      %mul3A_133 = vector.broadcast %mul3A_132 : i32 to vector<16xi32>
      %mul3A_134 = arith.muli %get3A_131, %mul3A_133 : vector<16xi32>
      %mul3A_135 = arith.constant 2 : i32
      %mul3A_136 = arith.muli %arg0, %mul3A_135 : i32
      %add3A_137 = arith.constant 0 : i32
      %add3A_138 = arith.addi %add3A_137, %mul3A_136 : i32
      %add3A_139 = vector.broadcast %add3A_138 : i32 to vector<16xi32>
      %add3A_140 = arith.addi %mul3A_134, %add3A_139 : vector<16xi32>
      %swap3A_141 = arith.index_cast %scan3A_57 : i32 to index
      %swap3A_142 = arith.constant 64 : index
      %swap3A_143 = tpu.vector_load %arg8[%swap3A_141, %swap3A_142] {strides = array<i32>} : memref<106x96xi32, #tpu.memory_space<vmem>>, vector<1x16xi32>,
      %swap3A_144 = vector.shape_cast %swap3A_143 : vector<1x16xi32> to vector<16xi32>
      %swap3A_145 = vector.shape_cast %add3A_140 : vector<16xi32> to vector<1x16xi32>
      tpu.vector_store %arg8[%swap3A_141, %swap3A_142], %swap3A_145 {strides = array<i32>} : memref<106x96xi32, #tpu.memory_space<vmem>>, vector<1x16xi32>,
      %get3A_146 = arith.index_cast %scan3A_57 : i32 to index
      %get3A_147 = arith.constant 80 : index
      %get3A_148 = tpu.vector_load %arg8[%get3A_146, %get3A_147] {strides = array<i32>} : memref<106x96xi32, #tpu.memory_space<vmem>>, vector<1x16xi32>,
      %get3A_149 = vector.shape_cast %get3A_148 : vector<1x16xi32> to vector<16xi32>
      %mul3A_150 = arith.constant 4 : i32
      %mul3A_151 = vector.broadcast %mul3A_150 : i32 to vector<16xi32>
      %mul3A_152 = arith.muli %get3A_149, %mul3A_151 : vector<16xi32>
      %mul3A_153 = arith.constant 2 : i32
      %mul3A_154 = arith.muli %arg0, %mul3A_153 : i32
      %add3A_155 = arith.constant 0 : i32
      %add3A_156 = arith.addi %add3A_155, %mul3A_154 : i32
      %add3A_157 = vector.broadcast %add3A_156 : i32 to vector<16xi32>
      %add3A_158 = arith.addi %mul3A_152, %add3A_157 : vector<16xi32>
      %swap3A_159 = arith.index_cast %scan3A_57 : i32 to index
      %swap3A_160 = arith.constant 80 : index
      %swap3A_161 = tpu.vector_load %arg8[%swap3A_159, %swap3A_160] {strides = array<i32>} : memref<106x96xi32, #tpu.memory_space<vmem>>, vector<1x16xi32>,
      %swap3A_162 = vector.shape_cast %swap3A_161 : vector<1x16xi32> to vector<16xi32>
      %swap3A_163 = vector.shape_cast %add3A_158 : vector<16xi32> to vector<1x16xi32>
      tpu.vector_store %arg8[%swap3A_159, %swap3A_160], %swap3A_163 {strides = array<i32>} : memref<106x96xi32, #tpu.memory_space<vmem>>, vector<1x16xi32>,
    }
    %scan3A_4 = arith.constant 106 : i32
    %mul3A = arith.constant 2 : i32
    %mul3A_5 = arith.muli %arg0, %mul3A : i32
    %add3A = arith.constant 0 : i32
    %add3A_6 = arith.addi %mul3A_5, %add3A : i32
    %mul3A_7 = arith.constant 625 : i32
    %mul3A_8 = arith.muli %arg1, %mul3A_7 : i32
    "tpu.region"() ({
      %run_scoped3A = tpu.sem_alloc : memref<!tpu.dma_semaphore, #tpu.memory_space<semaphore_mem>>
      %dma_start3A_57 = arith.constant 0 : i32
      %dma_start3A_58 = tpu.memref_slice %arg11[%mul3A_8, %dma_start3A_57] : memref<10112x128xf32, #tpu.memory_space<vmem_shared>> -> memref<625x128xf32, #tpu.memory_space<vmem_shared>>
      tpu.enqueue_dma source(%arg3 : memref<625x128xf32, #tpu.memory_space<hbm>>) target(%dma_start3A_58 : memref<625x128xf32, #tpu.memory_space<vmem_shared>>) target_semaphore(%run_scoped3A : memref<!tpu.dma_semaphore, #tpu.memory_space<semaphore_mem>>)
      %dma_wait3A = arith.constant 0 : i32
      %dma_wait3A_59 = tpu.memref_slice %arg11[%mul3A_8, %dma_wait3A] : memref<10112x128xf32, #tpu.memory_space<vmem_shared>> -> memref<625x128xf32, #tpu.memory_space<vmem_shared>>
      tpu.wait_dma2 semaphore(%run_scoped3A : memref<!tpu.dma_semaphore, #tpu.memory_space<semaphore_mem>>) src(%arg3 : memref<625x128xf32, #tpu.memory_space<hbm>>) dst(%dma_wait3A_59 : memref<625x128xf32, #tpu.memory_space<vmem_shared>>)
      tpu.yield
    }) : () -> ()
    %barrier3A = arith.constant 0 : index
    tpu.barrier barrier_id(%barrier3A)
    %dma_start3A = arith.constant 0 : i32
    %dma_start3A_9 = arith.constant 0 : i32
    %dma_start3A_10 = tpu.memref_slice %arg8[%dma_start3A, %dma_start3A_9] : memref<106x96xi32, #tpu.memory_space<vmem>> -> memref<1x96xi32, #tpu.memory_space<vmem>>
    %dma_start3A_11 = tpu.memref_squeeze %dma_start3A_10 : memref<1x96xi32, #tpu.memory_space<vmem>> -> memref<96xi32, #tpu.memory_space<vmem>>
    %dma_start3A_12 = arith.constant 0 : i32
    %dma_start3A_13 = arith.constant 0 : i32
    %dma_start3A_14 = tpu.memref_slice %arg2[%dma_start3A_12, %dma_start3A_13] : memref<40000x128xf32, #tpu.memory_space<hbm>> -> memref<40000x128xf32, #tpu.memory_space<hbm>>
    tpu.enqueue_indirect_dma source(%dma_start3A_14 : memref<40000x128xf32, #tpu.memory_space<hbm>>) target(%arg9 : memref<96x128xf32, #tpu.memory_space<vmem>>) offsets(%dma_start3A_11 : memref<96xi32, #tpu.memory_space<vmem>>) semaphore(%arg12 : memref<!tpu.dma_semaphore, #tpu.memory_space<semaphore_mem>>)
    %scan3A_15 = arith.constant 0 : i32
    %scan3A_16 = arith.constant 0 : i32
    %scan3A_17 = arith.constant 53 : i32
    %scan3A_18 = arith.addi %scan3A_16, %scan3A_17 : i32
    %scan3A_19 = arith.constant 1 : i32
    scf.for %scan3A_57 = %scan3A_16 to %scan3A_18 step %scan3A_19  : i32 {
      %mul3A_58 = arith.constant 2 : i32
      %mul3A_59 = arith.muli %scan3A_57, %mul3A_58 : i32
      %add3A_60 = arith.constant 1 : i32
      %add3A_61 = arith.addi %mul3A_59, %add3A_60 : i32
      %dma_wait3A = arith.constant 0 : i32
      %dma_wait3A_62 = tpu.memref_slice %arg8[%mul3A_59, %dma_wait3A] : memref<106x96xi32, #tpu.memory_space<vmem>> -> memref<1x96xi32, #tpu.memory_space<vmem>>
      %dma_wait3A_63 = tpu.memref_squeeze %dma_wait3A_62 : memref<1x96xi32, #tpu.memory_space<vmem>> -> memref<96xi32, #tpu.memory_space<vmem>>
      %dma_wait3A_64 = arith.constant 0 : i32
      %dma_wait3A_65 = arith.constant 0 : i32
      %dma_wait3A_66 = tpu.memref_slice %arg2[%dma_wait3A_64, %dma_wait3A_65] : memref<40000x128xf32, #tpu.memory_space<hbm>> -> memref<40000x128xf32, #tpu.memory_space<hbm>>
      tpu.wait_indirect_dma semaphore(%arg12 : memref<!tpu.dma_semaphore, #tpu.memory_space<semaphore_mem>>) src(%dma_wait3A_66 : memref<40000x128xf32, #tpu.memory_space<hbm>>) dst(%arg9 : memref<96x128xf32, #tpu.memory_space<vmem>>)
      %dma_start3A_67 = arith.constant 0 : i32
      %dma_start3A_68 = tpu.memref_slice %arg8[%add3A_61, %dma_start3A_67] : memref<106x96xi32, #tpu.memory_space<vmem>> -> memref<1x96xi32, #tpu.memory_space<vmem>>
      %dma_start3A_69 = tpu.memref_squeeze %dma_start3A_68 : memref<1x96xi32, #tpu.memory_space<vmem>> -> memref<96xi32, #tpu.memory_space<vmem>>
      %dma_start3A_70 = arith.constant 0 : i32
      %dma_start3A_71 = arith.constant 0 : i32
      %dma_start3A_72 = tpu.memref_slice %arg2[%dma_start3A_70, %dma_start3A_71] : memref<40000x128xf32, #tpu.memory_space<hbm>> -> memref<40000x128xf32, #tpu.memory_space<hbm>>
      tpu.enqueue_indirect_dma source(%dma_start3A_72 : memref<40000x128xf32, #tpu.memory_space<hbm>>) target(%arg10 : memref<96x128xf32, #tpu.memory_space<vmem>>) offsets(%dma_start3A_69 : memref<96xi32, #tpu.memory_space<vmem>>) semaphore(%arg13 : memref<!tpu.dma_semaphore, #tpu.memory_space<semaphore_mem>>)
      "tpu.region"() ({
        %run_scoped3A = tpu.sem_alloc : memref<!tpu.dma_semaphore, #tpu.memory_space<semaphore_mem>>
        %dma_start3A_83 = arith.constant 0 : i32
        %dma_start3A_84 = tpu.memref_slice %arg7[%mul3A_59, %dma_start3A_83] : memref<106x96xi32, #tpu.memory_space<vmem>> -> memref<1x96xi32, #tpu.memory_space<vmem>>
        %dma_start3A_85 = tpu.memref_squeeze %dma_start3A_84 : memref<1x96xi32, #tpu.memory_space<vmem>> -> memref<96xi32, #tpu.memory_space<vmem>>
        %dma_start3A_86 = arith.constant 0 : i32
        %dma_start3A_87 = arith.constant 0 : i32
        %dma_start3A_88 = tpu.memref_slice %arg11[%dma_start3A_86, %dma_start3A_87] : memref<10112x128xf32, #tpu.memory_space<vmem_shared>> -> memref<10112x128xf32, #tpu.memory_space<vmem_shared>>
        tpu.enqueue_indirect_dma source(%arg9 : memref<96x128xf32, #tpu.memory_space<vmem>>) target(%dma_start3A_88 : memref<10112x128xf32, #tpu.memory_space<vmem_shared>>) offsets(%dma_start3A_85 : memref<96xi32, #tpu.memory_space<vmem>>) semaphore(%run_scoped3A : memref<!tpu.dma_semaphore, #tpu.memory_space<semaphore_mem>>) {add = true}
        %dma_wait3A_89 = arith.constant 0 : i32
        %dma_wait3A_90 = tpu.memref_slice %arg7[%mul3A_59, %dma_wait3A_89] : memref<106x96xi32, #tpu.memory_space<vmem>> -> memref<1x96xi32, #tpu.memory_space<vmem>>
        %dma_wait3A_91 = tpu.memref_squeeze %dma_wait3A_90 : memref<1x96xi32, #tpu.memory_space<vmem>> -> memref<96xi32, #tpu.memory_space<vmem>>
        %dma_wait3A_92 = arith.constant 0 : i32
        %dma_wait3A_93 = arith.constant 0 : i32
        %dma_wait3A_94 = tpu.memref_slice %arg11[%dma_wait3A_92, %dma_wait3A_93] : memref<10112x128xf32, #tpu.memory_space<vmem_shared>> -> memref<10112x128xf32, #tpu.memory_space<vmem_shared>>
        tpu.wait_indirect_dma semaphore(%run_scoped3A : memref<!tpu.dma_semaphore, #tpu.memory_space<semaphore_mem>>) src(%arg9 : memref<96x128xf32, #tpu.memory_space<vmem>>) dst(%dma_wait3A_94 : memref<10112x128xf32, #tpu.memory_space<vmem_shared>>)
        tpu.yield
      }) : () -> ()
      %dma_wait3A_73 = arith.constant 0 : i32
      %dma_wait3A_74 = tpu.memref_slice %arg8[%add3A_61, %dma_wait3A_73] : memref<106x96xi32, #tpu.memory_space<vmem>> -> memref<1x96xi32, #tpu.memory_space<vmem>>
      %dma_wait3A_75 = tpu.memref_squeeze %dma_wait3A_74 : memref<1x96xi32, #tpu.memory_space<vmem>> -> memref<96xi32, #tpu.memory_space<vmem>>
      %dma_wait3A_76 = arith.constant 0 : i32
      %dma_wait3A_77 = arith.constant 0 : i32
      %dma_wait3A_78 = tpu.memref_slice %arg2[%dma_wait3A_76, %dma_wait3A_77] : memref<40000x128xf32, #tpu.memory_space<hbm>> -> memref<40000x128xf32, #tpu.memory_space<hbm>>
      tpu.wait_indirect_dma semaphore(%arg13 : memref<!tpu.dma_semaphore, #tpu.memory_space<semaphore_mem>>) src(%dma_wait3A_78 : memref<40000x128xf32, #tpu.memory_space<hbm>>) dst(%arg10 : memref<96x128xf32, #tpu.memory_space<vmem>>)
      %add3A_79 = arith.constant 1 : i32
      %add3A_80 = arith.addi %scan3A_57, %add3A_79 : i32
      %lt3A = arith.constant 53 : i32
      %lt3A_81 = arith.cmpi slt, %add3A_80, %lt3A : i32
      %convert_element_type3A = arith.extui %lt3A_81 : i1 to i32
      %cond3A = arith.constant 0 : i32
      %cond3A_82 = arith.cmpi ne, %convert_element_type3A, %cond3A : i32
      scf.if %cond3A_82 {
        %add3A_83 = arith.constant 2 : i32
        %add3A_84 = arith.addi %mul3A_59, %add3A_83 : i32
        %dma_start3A_85 = arith.constant 0 : i32
        %dma_start3A_86 = tpu.memref_slice %arg8[%add3A_84, %dma_start3A_85] : memref<106x96xi32, #tpu.memory_space<vmem>> -> memref<1x96xi32, #tpu.memory_space<vmem>>
        %dma_start3A_87 = tpu.memref_squeeze %dma_start3A_86 : memref<1x96xi32, #tpu.memory_space<vmem>> -> memref<96xi32, #tpu.memory_space<vmem>>
        %dma_start3A_88 = arith.constant 0 : i32
        %dma_start3A_89 = arith.constant 0 : i32
        %dma_start3A_90 = tpu.memref_slice %arg2[%dma_start3A_88, %dma_start3A_89] : memref<40000x128xf32, #tpu.memory_space<hbm>> -> memref<40000x128xf32, #tpu.memory_space<hbm>>
        tpu.enqueue_indirect_dma source(%dma_start3A_90 : memref<40000x128xf32, #tpu.memory_space<hbm>>) target(%arg9 : memref<96x128xf32, #tpu.memory_space<vmem>>) offsets(%dma_start3A_87 : memref<96xi32, #tpu.memory_space<vmem>>) semaphore(%arg12 : memref<!tpu.dma_semaphore, #tpu.memory_space<semaphore_mem>>)
      } else {
      }
      "tpu.region"() ({
        %run_scoped3A = tpu.sem_alloc : memref<!tpu.dma_semaphore, #tpu.memory_space<semaphore_mem>>
        %dma_start3A_83 = arith.constant 0 : i32
        %dma_start3A_84 = tpu.memref_slice %arg7[%add3A_61, %dma_start3A_83] : memref<106x96xi32, #tpu.memory_space<vmem>> -> memref<1x96xi32, #tpu.memory_space<vmem>>
        %dma_start3A_85 = tpu.memref_squeeze %dma_start3A_84 : memref<1x96xi32, #tpu.memory_space<vmem>> -> memref<96xi32, #tpu.memory_space<vmem>>
        %dma_start3A_86 = arith.constant 0 : i32
        %dma_start3A_87 = arith.constant 0 : i32
        %dma_start3A_88 = tpu.memref_slice %arg11[%dma_start3A_86, %dma_start3A_87] : memref<10112x128xf32, #tpu.memory_space<vmem_shared>> -> memref<10112x128xf32, #tpu.memory_space<vmem_shared>>
        tpu.enqueue_indirect_dma source(%arg10 : memref<96x128xf32, #tpu.memory_space<vmem>>) target(%dma_start3A_88 : memref<10112x128xf32, #tpu.memory_space<vmem_shared>>) offsets(%dma_start3A_85 : memref<96xi32, #tpu.memory_space<vmem>>) semaphore(%run_scoped3A : memref<!tpu.dma_semaphore, #tpu.memory_space<semaphore_mem>>) {add = true}
        %dma_wait3A_89 = arith.constant 0 : i32
        %dma_wait3A_90 = tpu.memref_slice %arg7[%add3A_61, %dma_wait3A_89] : memref<106x96xi32, #tpu.memory_space<vmem>> -> memref<1x96xi32, #tpu.memory_space<vmem>>
        %dma_wait3A_91 = tpu.memref_squeeze %dma_wait3A_90 : memref<1x96xi32, #tpu.memory_space<vmem>> -> memref<96xi32, #tpu.memory_space<vmem>>
        %dma_wait3A_92 = arith.constant 0 : i32
        %dma_wait3A_93 = arith.constant 0 : i32
        %dma_wait3A_94 = tpu.memref_slice %arg11[%dma_wait3A_92, %dma_wait3A_93] : memref<10112x128xf32, #tpu.memory_space<vmem_shared>> -> memref<10112x128xf32, #tpu.memory_space<vmem_shared>>
        tpu.wait_indirect_dma semaphore(%run_scoped3A : memref<!tpu.dma_semaphore, #tpu.memory_space<semaphore_mem>>) src(%arg10 : memref<96x128xf32, #tpu.memory_space<vmem>>) dst(%dma_wait3A_94 : memref<10112x128xf32, #tpu.memory_space<vmem_shared>>)
        tpu.yield
      }) : () -> ()
    }
    %scan3A_20 = arith.constant 53 : i32
    %barrier3A_21 = arith.constant 0 : index
    tpu.barrier barrier_id(%barrier3A_21)
    %mul3A_22 = arith.constant 625 : i32
    %mul3A_23 = arith.muli %arg1, %mul3A_22 : i32
    %mul3A_24 = arith.constant 625 : i32
    %mul3A_25 = arith.muli %arg1, %mul3A_24 : i32
    "tpu.region"() ({
      %run_scoped3A = tpu.sem_alloc : memref<!tpu.dma_semaphore, #tpu.memory_space<semaphore_mem>>
      %dma_start3A_57 = arith.constant 0 : i32
      %dma_start3A_58 = tpu.memref_slice %arg6[%add3A_6, %mul3A_25, %dma_start3A_57] : memref<4x10000x128xf32, #tpu.memory_space<hbm>> -> memref<1x625x128xf32, #tpu.memory_space<hbm>>
      %dma_start3A_59 = tpu.memref_squeeze %dma_start3A_58 : memref<1x625x128xf32, #tpu.memory_space<hbm>> -> memref<625x128xf32, #tpu.memory_space<hbm>>
      %dma_start3A_60 = arith.constant 0 : i32
      %dma_start3A_61 = tpu.memref_slice %arg11[%mul3A_23, %dma_start3A_60] : memref<10112x128xf32, #tpu.memory_space<vmem_shared>> -> memref<625x128xf32, #tpu.memory_space<vmem_shared>>
      tpu.enqueue_dma source(%dma_start3A_61 : memref<625x128xf32, #tpu.memory_space<vmem_shared>>) target(%dma_start3A_59 : memref<625x128xf32, #tpu.memory_space<hbm>>) target_semaphore(%run_scoped3A : memref<!tpu.dma_semaphore, #tpu.memory_space<semaphore_mem>>)
      %dma_wait3A = arith.constant 0 : i32
      %dma_wait3A_62 = tpu.memref_slice %arg6[%add3A_6, %mul3A_25, %dma_wait3A] : memref<4x10000x128xf32, #tpu.memory_space<hbm>> -> memref<1x625x128xf32, #tpu.memory_space<hbm>>
      %dma_wait3A_63 = tpu.memref_squeeze %dma_wait3A_62 : memref<1x625x128xf32, #tpu.memory_space<hbm>> -> memref<625x128xf32, #tpu.memory_space<hbm>>
      %dma_wait3A_64 = arith.constant 0 : i32
      %dma_wait3A_65 = tpu.memref_slice %arg11[%mul3A_23, %dma_wait3A_64] : memref<10112x128xf32, #tpu.memory_space<vmem_shared>> -> memref<625x128xf32, #tpu.memory_space<vmem_shared>>
      tpu.wait_dma2 semaphore(%run_scoped3A : memref<!tpu.dma_semaphore, #tpu.memory_space<semaphore_mem>>) src(%dma_wait3A_65 : memref<625x128xf32, #tpu.memory_space<vmem_shared>>) dst(%dma_wait3A_63 : memref<625x128xf32, #tpu.memory_space<hbm>>)
      tpu.yield
    }) : () -> ()
    %scan3A_26 = arith.constant 0 : i32
    %scan3A_27 = arith.constant 0 : i32
    %scan3A_28 = arith.constant 106 : i32
    %scan3A_29 = arith.addi %scan3A_27, %scan3A_28 : i32
    %scan3A_30 = arith.constant 1 : i32
    scf.for %scan3A_57 = %scan3A_27 to %scan3A_29 step %scan3A_30  : i32 {
      %get3A = arith.index_cast %scan3A_57 : i32 to index
      %get3A_58 = arith.constant 0 : index
      %get3A_59 = tpu.vector_load %arg8[%get3A, %get3A_58] {strides = array<i32>} : memref<106x96xi32, #tpu.memory_space<vmem>>, vector<1x16xi32>,
      %get3A_60 = vector.shape_cast %get3A_59 : vector<1x16xi32> to vector<16xi32>
      %add3A_61 = arith.constant 1 : i32
      %add3A_62 = vector.broadcast %add3A_61 : i32 to vector<16xi32>
      %add3A_63 = arith.addi %get3A_60, %add3A_62 : vector<16xi32>
      %swap3A = arith.index_cast %scan3A_57 : i32 to index
      %swap3A_64 = arith.constant 0 : index
      %swap3A_65 = tpu.vector_load %arg8[%swap3A, %swap3A_64] {strides = array<i32>} : memref<106x96xi32, #tpu.memory_space<vmem>>, vector<1x16xi32>,
      %swap3A_66 = vector.shape_cast %swap3A_65 : vector<1x16xi32> to vector<16xi32>
      %swap3A_67 = vector.shape_cast %add3A_63 : vector<16xi32> to vector<1x16xi32>
      tpu.vector_store %arg8[%swap3A, %swap3A_64], %swap3A_67 {strides = array<i32>} : memref<106x96xi32, #tpu.memory_space<vmem>>, vector<1x16xi32>,
      %get3A_68 = arith.index_cast %scan3A_57 : i32 to index
      %get3A_69 = arith.constant 16 : index
      %get3A_70 = tpu.vector_load %arg8[%get3A_68, %get3A_69] {strides = array<i32>} : memref<106x96xi32, #tpu.memory_space<vmem>>, vector<1x16xi32>,
      %get3A_71 = vector.shape_cast %get3A_70 : vector<1x16xi32> to vector<16xi32>
      %add3A_72 = arith.constant 1 : i32
      %add3A_73 = vector.broadcast %add3A_72 : i32 to vector<16xi32>
      %add3A_74 = arith.addi %get3A_71, %add3A_73 : vector<16xi32>
      %swap3A_75 = arith.index_cast %scan3A_57 : i32 to index
      %swap3A_76 = arith.constant 16 : index
      %swap3A_77 = tpu.vector_load %arg8[%swap3A_75, %swap3A_76] {strides = array<i32>} : memref<106x96xi32, #tpu.memory_space<vmem>>, vector<1x16xi32>,
      %swap3A_78 = vector.shape_cast %swap3A_77 : vector<1x16xi32> to vector<16xi32>
      %swap3A_79 = vector.shape_cast %add3A_74 : vector<16xi32> to vector<1x16xi32>
      tpu.vector_store %arg8[%swap3A_75, %swap3A_76], %swap3A_79 {strides = array<i32>} : memref<106x96xi32, #tpu.memory_space<vmem>>, vector<1x16xi32>,
      %get3A_80 = arith.index_cast %scan3A_57 : i32 to index
      %get3A_81 = arith.constant 32 : index
      %get3A_82 = tpu.vector_load %arg8[%get3A_80, %get3A_81] {strides = array<i32>} : memref<106x96xi32, #tpu.memory_space<vmem>>, vector<1x16xi32>,
      %get3A_83 = vector.shape_cast %get3A_82 : vector<1x16xi32> to vector<16xi32>
      %add3A_84 = arith.constant 1 : i32
      %add3A_85 = vector.broadcast %add3A_84 : i32 to vector<16xi32>
      %add3A_86 = arith.addi %get3A_83, %add3A_85 : vector<16xi32>
      %swap3A_87 = arith.index_cast %scan3A_57 : i32 to index
      %swap3A_88 = arith.constant 32 : index
      %swap3A_89 = tpu.vector_load %arg8[%swap3A_87, %swap3A_88] {strides = array<i32>} : memref<106x96xi32, #tpu.memory_space<vmem>>, vector<1x16xi32>,
      %swap3A_90 = vector.shape_cast %swap3A_89 : vector<1x16xi32> to vector<16xi32>
      %swap3A_91 = vector.shape_cast %add3A_86 : vector<16xi32> to vector<1x16xi32>
      tpu.vector_store %arg8[%swap3A_87, %swap3A_88], %swap3A_91 {strides = array<i32>} : memref<106x96xi32, #tpu.memory_space<vmem>>, vector<1x16xi32>,
      %get3A_92 = arith.index_cast %scan3A_57 : i32 to index
      %get3A_93 = arith.constant 48 : index
      %get3A_94 = tpu.vector_load %arg8[%get3A_92, %get3A_93] {strides = array<i32>} : memref<106x96xi32, #tpu.memory_space<vmem>>, vector<1x16xi32>,
      %get3A_95 = vector.shape_cast %get3A_94 : vector<1x16xi32> to vector<16xi32>
      %add3A_96 = arith.constant 1 : i32
      %add3A_97 = vector.broadcast %add3A_96 : i32 to vector<16xi32>
      %add3A_98 = arith.addi %get3A_95, %add3A_97 : vector<16xi32>
      %swap3A_99 = arith.index_cast %scan3A_57 : i32 to index
      %swap3A_100 = arith.constant 48 : index
      %swap3A_101 = tpu.vector_load %arg8[%swap3A_99, %swap3A_100] {strides = array<i32>} : memref<106x96xi32, #tpu.memory_space<vmem>>, vector<1x16xi32>,
      %swap3A_102 = vector.shape_cast %swap3A_101 : vector<1x16xi32> to vector<16xi32>
      %swap3A_103 = vector.shape_cast %add3A_98 : vector<16xi32> to vector<1x16xi32>
      tpu.vector_store %arg8[%swap3A_99, %swap3A_100], %swap3A_103 {strides = array<i32>} : memref<106x96xi32, #tpu.memory_space<vmem>>, vector<1x16xi32>,
      %get3A_104 = arith.index_cast %scan3A_57 : i32 to index
      %get3A_105 = arith.constant 64 : index
      %get3A_106 = tpu.vector_load %arg8[%get3A_104, %get3A_105] {strides = array<i32>} : memref<106x96xi32, #tpu.memory_space<vmem>>, vector<1x16xi32>,
      %get3A_107 = vector.shape_cast %get3A_106 : vector<1x16xi32> to vector<16xi32>
      %add3A_108 = arith.constant 1 : i32
      %add3A_109 = vector.broadcast %add3A_108 : i32 to vector<16xi32>
      %add3A_110 = arith.addi %get3A_107, %add3A_109 : vector<16xi32>
      %swap3A_111 = arith.index_cast %scan3A_57 : i32 to index
      %swap3A_112 = arith.constant 64 : index
      %swap3A_113 = tpu.vector_load %arg8[%swap3A_111, %swap3A_112] {strides = array<i32>} : memref<106x96xi32, #tpu.memory_space<vmem>>, vector<1x16xi32>,
      %swap3A_114 = vector.shape_cast %swap3A_113 : vector<1x16xi32> to vector<16xi32>
      %swap3A_115 = vector.shape_cast %add3A_110 : vector<16xi32> to vector<1x16xi32>
      tpu.vector_store %arg8[%swap3A_111, %swap3A_112], %swap3A_115 {strides = array<i32>} : memref<106x96xi32, #tpu.memory_space<vmem>>, vector<1x16xi32>,
      %get3A_116 = arith.index_cast %scan3A_57 : i32 to index
      %get3A_117 = arith.constant 80 : index
      %get3A_118 = tpu.vector_load %arg8[%get3A_116, %get3A_117] {strides = array<i32>} : memref<106x96xi32, #tpu.memory_space<vmem>>, vector<1x16xi32>,
      %get3A_119 = vector.shape_cast %get3A_118 : vector<1x16xi32> to vector<16xi32>
      %add3A_120 = arith.constant 1 : i32
      %add3A_121 = vector.broadcast %add3A_120 : i32 to vector<16xi32>
      %add3A_122 = arith.addi %get3A_119, %add3A_121 : vector<16xi32>
      %swap3A_123 = arith.index_cast %scan3A_57 : i32 to index
      %swap3A_124 = arith.constant 80 : index
      %swap3A_125 = tpu.vector_load %arg8[%swap3A_123, %swap3A_124] {strides = array<i32>} : memref<106x96xi32, #tpu.memory_space<vmem>>, vector<1x16xi32>,
      %swap3A_126 = vector.shape_cast %swap3A_125 : vector<1x16xi32> to vector<16xi32>
      %swap3A_127 = vector.shape_cast %add3A_122 : vector<16xi32> to vector<1x16xi32>
      tpu.vector_store %arg8[%swap3A_123, %swap3A_124], %swap3A_127 {strides = array<i32>} : memref<106x96xi32, #tpu.memory_space<vmem>>, vector<1x16xi32>,
    }
    %scan3A_31 = arith.constant 106 : i32
    %mul3A_32 = arith.constant 2 : i32
    %mul3A_33 = arith.muli %arg0, %mul3A_32 : i32
    %add3A_34 = arith.constant 1 : i32
    %add3A_35 = arith.addi %mul3A_33, %add3A_34 : i32
    %mul3A_36 = arith.constant 625 : i32
    %mul3A_37 = arith.muli %arg1, %mul3A_36 : i32
    "tpu.region"() ({
      %run_scoped3A = tpu.sem_alloc : memref<!tpu.dma_semaphore, #tpu.memory_space<semaphore_mem>>
      %dma_start3A_57 = arith.constant 0 : i32
      %dma_start3A_58 = tpu.memref_slice %arg11[%mul3A_37, %dma_start3A_57] : memref<10112x128xf32, #tpu.memory_space<vmem_shared>> -> memref<625x128xf32, #tpu.memory_space<vmem_shared>>
      tpu.enqueue_dma source(%arg3 : memref<625x128xf32, #tpu.memory_space<hbm>>) target(%dma_start3A_58 : memref<625x128xf32, #tpu.memory_space<vmem_shared>>) target_semaphore(%run_scoped3A : memref<!tpu.dma_semaphore, #tpu.memory_space<semaphore_mem>>)
      %dma_wait3A = arith.constant 0 : i32
      %dma_wait3A_59 = tpu.memref_slice %arg11[%mul3A_37, %dma_wait3A] : memref<10112x128xf32, #tpu.memory_space<vmem_shared>> -> memref<625x128xf32, #tpu.memory_space<vmem_shared>>
      tpu.wait_dma2 semaphore(%run_scoped3A : memref<!tpu.dma_semaphore, #tpu.memory_space<semaphore_mem>>) src(%arg3 : memref<625x128xf32, #tpu.memory_space<hbm>>) dst(%dma_wait3A_59 : memref<625x128xf32, #tpu.memory_space<vmem_shared>>)
      tpu.yield
    }) : () -> ()
    %barrier3A_38 = arith.constant 0 : index
    tpu.barrier barrier_id(%barrier3A_38)
    %dma_start3A_39 = arith.constant 0 : i32
    %dma_start3A_40 = arith.constant 0 : i32
    %dma_start3A_41 = tpu.memref_slice %arg8[%dma_start3A_39, %dma_start3A_40] : memref<106x96xi32, #tpu.memory_space<vmem>> -> memref<1x96xi32, #tpu.memory_space<vmem>>
    %dma_start3A_42 = tpu.memref_squeeze %dma_start3A_41 : memref<1x96xi32, #tpu.memory_space<vmem>> -> memref<96xi32, #tpu.memory_space<vmem>>
    %dma_start3A_43 = arith.constant 0 : i32
    %dma_start3A_44 = arith.constant 0 : i32
    %dma_start3A_45 = tpu.memref_slice %arg2[%dma_start3A_43, %dma_start3A_44] : memref<40000x128xf32, #tpu.memory_space<hbm>> -> memref<40000x128xf32, #tpu.memory_space<hbm>>
    tpu.enqueue_indirect_dma source(%dma_start3A_45 : memref<40000x128xf32, #tpu.memory_space<hbm>>) target(%arg9 : memref<96x128xf32, #tpu.memory_space<vmem>>) offsets(%dma_start3A_42 : memref<96xi32, #tpu.memory_space<vmem>>) semaphore(%arg12 : memref<!tpu.dma_semaphore, #tpu.memory_space<semaphore_mem>>)
    %scan3A_46 = arith.constant 0 : i32
    %scan3A_47 = arith.constant 0 : i32
    %scan3A_48 = arith.constant 53 : i32
    %scan3A_49 = arith.addi %scan3A_47, %scan3A_48 : i32
    %scan3A_50 = arith.constant 1 : i32
    scf.for %scan3A_57 = %scan3A_47 to %scan3A_49 step %scan3A_50  : i32 {
      %mul3A_58 = arith.constant 2 : i32
      %mul3A_59 = arith.muli %scan3A_57, %mul3A_58 : i32
      %add3A_60 = arith.constant 1 : i32
      %add3A_61 = arith.addi %mul3A_59, %add3A_60 : i32
      %dma_wait3A = arith.constant 0 : i32
      %dma_wait3A_62 = tpu.memref_slice %arg8[%mul3A_59, %dma_wait3A] : memref<106x96xi32, #tpu.memory_space<vmem>> -> memref<1x96xi32, #tpu.memory_space<vmem>>
      %dma_wait3A_63 = tpu.memref_squeeze %dma_wait3A_62 : memref<1x96xi32, #tpu.memory_space<vmem>> -> memref<96xi32, #tpu.memory_space<vmem>>
      %dma_wait3A_64 = arith.constant 0 : i32
      %dma_wait3A_65 = arith.constant 0 : i32
      %dma_wait3A_66 = tpu.memref_slice %arg2[%dma_wait3A_64, %dma_wait3A_65] : memref<40000x128xf32, #tpu.memory_space<hbm>> -> memref<40000x128xf32, #tpu.memory_space<hbm>>
      tpu.wait_indirect_dma semaphore(%arg12 : memref<!tpu.dma_semaphore, #tpu.memory_space<semaphore_mem>>) src(%dma_wait3A_66 : memref<40000x128xf32, #tpu.memory_space<hbm>>) dst(%arg9 : memref<96x128xf32, #tpu.memory_space<vmem>>)
      %dma_start3A_67 = arith.constant 0 : i32
      %dma_start3A_68 = tpu.memref_slice %arg8[%add3A_61, %dma_start3A_67] : memref<106x96xi32, #tpu.memory_space<vmem>> -> memref<1x96xi32, #tpu.memory_space<vmem>>
      %dma_start3A_69 = tpu.memref_squeeze %dma_start3A_68 : memref<1x96xi32, #tpu.memory_space<vmem>> -> memref<96xi32, #tpu.memory_space<vmem>>
      %dma_start3A_70 = arith.constant 0 : i32
      %dma_start3A_71 = arith.constant 0 : i32
      %dma_start3A_72 = tpu.memref_slice %arg2[%dma_start3A_70, %dma_start3A_71] : memref<40000x128xf32, #tpu.memory_space<hbm>> -> memref<40000x128xf32, #tpu.memory_space<hbm>>
      tpu.enqueue_indirect_dma source(%dma_start3A_72 : memref<40000x128xf32, #tpu.memory_space<hbm>>) target(%arg10 : memref<96x128xf32, #tpu.memory_space<vmem>>) offsets(%dma_start3A_69 : memref<96xi32, #tpu.memory_space<vmem>>) semaphore(%arg13 : memref<!tpu.dma_semaphore, #tpu.memory_space<semaphore_mem>>)
      "tpu.region"() ({
        %run_scoped3A = tpu.sem_alloc : memref<!tpu.dma_semaphore, #tpu.memory_space<semaphore_mem>>
        %dma_start3A_83 = arith.constant 0 : i32
        %dma_start3A_84 = tpu.memref_slice %arg7[%mul3A_59, %dma_start3A_83] : memref<106x96xi32, #tpu.memory_space<vmem>> -> memref<1x96xi32, #tpu.memory_space<vmem>>
        %dma_start3A_85 = tpu.memref_squeeze %dma_start3A_84 : memref<1x96xi32, #tpu.memory_space<vmem>> -> memref<96xi32, #tpu.memory_space<vmem>>
        %dma_start3A_86 = arith.constant 0 : i32
        %dma_start3A_87 = arith.constant 0 : i32
        %dma_start3A_88 = tpu.memref_slice %arg11[%dma_start3A_86, %dma_start3A_87] : memref<10112x128xf32, #tpu.memory_space<vmem_shared>> -> memref<10112x128xf32, #tpu.memory_space<vmem_shared>>
        tpu.enqueue_indirect_dma source(%arg9 : memref<96x128xf32, #tpu.memory_space<vmem>>) target(%dma_start3A_88 : memref<10112x128xf32, #tpu.memory_space<vmem_shared>>) offsets(%dma_start3A_85 : memref<96xi32, #tpu.memory_space<vmem>>) semaphore(%run_scoped3A : memref<!tpu.dma_semaphore, #tpu.memory_space<semaphore_mem>>) {add = true}
        %dma_wait3A_89 = arith.constant 0 : i32
        %dma_wait3A_90 = tpu.memref_slice %arg7[%mul3A_59, %dma_wait3A_89] : memref<106x96xi32, #tpu.memory_space<vmem>> -> memref<1x96xi32, #tpu.memory_space<vmem>>
        %dma_wait3A_91 = tpu.memref_squeeze %dma_wait3A_90 : memref<1x96xi32, #tpu.memory_space<vmem>> -> memref<96xi32, #tpu.memory_space<vmem>>
        %dma_wait3A_92 = arith.constant 0 : i32
        %dma_wait3A_93 = arith.constant 0 : i32
        %dma_wait3A_94 = tpu.memref_slice %arg11[%dma_wait3A_92, %dma_wait3A_93] : memref<10112x128xf32, #tpu.memory_space<vmem_shared>> -> memref<10112x128xf32, #tpu.memory_space<vmem_shared>>
        tpu.wait_indirect_dma semaphore(%run_scoped3A : memref<!tpu.dma_semaphore, #tpu.memory_space<semaphore_mem>>) src(%arg9 : memref<96x128xf32, #tpu.memory_space<vmem>>) dst(%dma_wait3A_94 : memref<10112x128xf32, #tpu.memory_space<vmem_shared>>)
        tpu.yield
      }) : () -> ()
      %dma_wait3A_73 = arith.constant 0 : i32
      %dma_wait3A_74 = tpu.memref_slice %arg8[%add3A_61, %dma_wait3A_73] : memref<106x96xi32, #tpu.memory_space<vmem>> -> memref<1x96xi32, #tpu.memory_space<vmem>>
      %dma_wait3A_75 = tpu.memref_squeeze %dma_wait3A_74 : memref<1x96xi32, #tpu.memory_space<vmem>> -> memref<96xi32, #tpu.memory_space<vmem>>
      %dma_wait3A_76 = arith.constant 0 : i32
      %dma_wait3A_77 = arith.constant 0 : i32
      %dma_wait3A_78 = tpu.memref_slice %arg2[%dma_wait3A_76, %dma_wait3A_77] : memref<40000x128xf32, #tpu.memory_space<hbm>> -> memref<40000x128xf32, #tpu.memory_space<hbm>>
      tpu.wait_indirect_dma semaphore(%arg13 : memref<!tpu.dma_semaphore, #tpu.memory_space<semaphore_mem>>) src(%dma_wait3A_78 : memref<40000x128xf32, #tpu.memory_space<hbm>>) dst(%arg10 : memref<96x128xf32, #tpu.memory_space<vmem>>)
      %add3A_79 = arith.constant 1 : i32
      %add3A_80 = arith.addi %scan3A_57, %add3A_79 : i32
      %lt3A = arith.constant 53 : i32
      %lt3A_81 = arith.cmpi slt, %add3A_80, %lt3A : i32
      %convert_element_type3A = arith.extui %lt3A_81 : i1 to i32
      %cond3A = arith.constant 0 : i32
      %cond3A_82 = arith.cmpi ne, %convert_element_type3A, %cond3A : i32
      scf.if %cond3A_82 {
        %add3A_83 = arith.constant 2 : i32
        %add3A_84 = arith.addi %mul3A_59, %add3A_83 : i32
        %dma_start3A_85 = arith.constant 0 : i32
        %dma_start3A_86 = tpu.memref_slice %arg8[%add3A_84, %dma_start3A_85] : memref<106x96xi32, #tpu.memory_space<vmem>> -> memref<1x96xi32, #tpu.memory_space<vmem>>
        %dma_start3A_87 = tpu.memref_squeeze %dma_start3A_86 : memref<1x96xi32, #tpu.memory_space<vmem>> -> memref<96xi32, #tpu.memory_space<vmem>>
        %dma_start3A_88 = arith.constant 0 : i32
        %dma_start3A_89 = arith.constant 0 : i32
        %dma_start3A_90 = tpu.memref_slice %arg2[%dma_start3A_88, %dma_start3A_89] : memref<40000x128xf32, #tpu.memory_space<hbm>> -> memref<40000x128xf32, #tpu.memory_space<hbm>>
        tpu.enqueue_indirect_dma source(%dma_start3A_90 : memref<40000x128xf32, #tpu.memory_space<hbm>>) target(%arg9 : memref<96x128xf32, #tpu.memory_space<vmem>>) offsets(%dma_start3A_87 : memref<96xi32, #tpu.memory_space<vmem>>) semaphore(%arg12 : memref<!tpu.dma_semaphore, #tpu.memory_space<semaphore_mem>>)
      } else {
      }
      "tpu.region"() ({
        %run_scoped3A = tpu.sem_alloc : memref<!tpu.dma_semaphore, #tpu.memory_space<semaphore_mem>>
        %dma_start3A_83 = arith.constant 0 : i32
        %dma_start3A_84 = tpu.memref_slice %arg7[%add3A_61, %dma_start3A_83] : memref<106x96xi32, #tpu.memory_space<vmem>> -> memref<1x96xi32, #tpu.memory_space<vmem>>
        %dma_start3A_85 = tpu.memref_squeeze %dma_start3A_84 : memref<1x96xi32, #tpu.memory_space<vmem>> -> memref<96xi32, #tpu.memory_space<vmem>>
        %dma_start3A_86 = arith.constant 0 : i32
        %dma_start3A_87 = arith.constant 0 : i32
        %dma_start3A_88 = tpu.memref_slice %arg11[%dma_start3A_86, %dma_start3A_87] : memref<10112x128xf32, #tpu.memory_space<vmem_shared>> -> memref<10112x128xf32, #tpu.memory_space<vmem_shared>>
        tpu.enqueue_indirect_dma source(%arg10 : memref<96x128xf32, #tpu.memory_space<vmem>>) target(%dma_start3A_88 : memref<10112x128xf32, #tpu.memory_space<vmem_shared>>) offsets(%dma_start3A_85 : memref<96xi32, #tpu.memory_space<vmem>>) semaphore(%run_scoped3A : memref<!tpu.dma_semaphore, #tpu.memory_space<semaphore_mem>>) {add = true}
        %dma_wait3A_89 = arith.constant 0 : i32
        %dma_wait3A_90 = tpu.memref_slice %arg7[%add3A_61, %dma_wait3A_89] : memref<106x96xi32, #tpu.memory_space<vmem>> -> memref<1x96xi32, #tpu.memory_space<vmem>>
        %dma_wait3A_91 = tpu.memref_squeeze %dma_wait3A_90 : memref<1x96xi32, #tpu.memory_space<vmem>> -> memref<96xi32, #tpu.memory_space<vmem>>
        %dma_wait3A_92 = arith.constant 0 : i32
        %dma_wait3A_93 = arith.constant 0 : i32
        %dma_wait3A_94 = tpu.memref_slice %arg11[%dma_wait3A_92, %dma_wait3A_93] : memref<10112x128xf32, #tpu.memory_space<vmem_shared>> -> memref<10112x128xf32, #tpu.memory_space<vmem_shared>>
        tpu.wait_indirect_dma semaphore(%run_scoped3A : memref<!tpu.dma_semaphore, #tpu.memory_space<semaphore_mem>>) src(%arg10 : memref<96x128xf32, #tpu.memory_space<vmem>>) dst(%dma_wait3A_94 : memref<10112x128xf32, #tpu.memory_space<vmem_shared>>)
        tpu.yield
      }) : () -> ()
    }
    %scan3A_51 = arith.constant 53 : i32
    %barrier3A_52 = arith.constant 0 : index
    tpu.barrier barrier_id(%barrier3A_52)
    %mul3A_53 = arith.constant 625 : i32
    %mul3A_54 = arith.muli %arg1, %mul3A_53 : i32
    %mul3A_55 = arith.constant 625 : i32
    %mul3A_56 = arith.muli %arg1, %mul3A_55 : i32
    "tpu.region"() ({
      %run_scoped3A = tpu.sem_alloc : memref<!tpu.dma_semaphore, #tpu.memory_space<semaphore_mem>>
      %dma_start3A_57 = arith.constant 0 : i32
      %dma_start3A_58 = tpu.memref_slice %arg6[%add3A_35, %mul3A_56, %dma_start3A_57] : memref<4x10000x128xf32, #tpu.memory_space<hbm>> -> memref<1x625x128xf32, #tpu.memory_space<hbm>>
      %dma_start3A_59 = tpu.memref_squeeze %dma_start3A_58 : memref<1x625x128xf32, #tpu.memory_space<hbm>> -> memref<625x128xf32, #tpu.memory_space<hbm>>
      %dma_start3A_60 = arith.constant 0 : i32
      %dma_start3A_61 = tpu.memref_slice %arg11[%mul3A_54, %dma_start3A_60] : memref<10112x128xf32, #tpu.memory_space<vmem_shared>> -> memref<625x128xf32, #tpu.memory_space<vmem_shared>>
      tpu.enqueue_dma source(%dma_start3A_61 : memref<625x128xf32, #tpu.memory_space<vmem_shared>>) target(%dma_start3A_59 : memref<625x128xf32, #tpu.memory_space<hbm>>) target_semaphore(%run_scoped3A : memref<!tpu.dma_semaphore, #tpu.memory_space<semaphore_mem>>)
      %dma_wait3A = arith.constant 0 : i32
      %dma_wait3A_62 = tpu.memref_slice %arg6[%add3A_35, %mul3A_56, %dma_wait3A] : memref<4x10000x128xf32, #tpu.memory_space<hbm>> -> memref<1x625x128xf32, #tpu.memory_space<hbm>>
      %dma_wait3A_63 = tpu.memref_squeeze %dma_wait3A_62 : memref<1x625x128xf32, #tpu.memory_space<hbm>> -> memref<625x128xf32, #tpu.memory_space<hbm>>
      %dma_wait3A_64 = arith.constant 0 : i32
      %dma_wait3A_65 = tpu.memref_slice %arg11[%mul3A_54, %dma_wait3A_64] : memref<10112x128xf32, #tpu.memory_space<vmem_shared>> -> memref<625x128xf32, #tpu.memory_space<vmem_shared>>
      tpu.wait_dma2 semaphore(%run_scoped3A : memref<!tpu.dma_semaphore, #tpu.memory_space<semaphore_mem>>) src(%dma_wait3A_65 : memref<625x128xf32, #tpu.memory_space<vmem_shared>>) dst(%dma_wait3A_63 : memref<625x128xf32, #tpu.memory_space<hbm>>)
      tpu.yield
    }) : () -> ()
    return
  }
}

module attributes {stable_mosaic.version = 14 : i64} {
  func.func @kern(%arg0: i32, %arg1: memref<2x2000x128xf32, #tpu.memory_space<vmem>>, %arg2: memref<2000x256xf32, #tpu.memory_space<vmem>>, %arg3: memref<2x128x512xf32, #tpu.memory_space<vmem>>, %arg4: memref<1x512xf32, #tpu.memory_space<vmem>>, %arg5: memref<2000x512xf32, #tpu.memory_space<vmem>>, %arg6: memref<2x512xf32, #tpu.memory_space<vmem>>) attributes {dimension_semantics = [#tpu.dimension_semantics<arbitrary>], iteration_bounds = array<i64: 5>, scalar_prefetch = 0 : i64, scratch_operands = 0 : i64, tpu.core_type = #tpu.core_type<tc>, window_params = [{transform_indices = @transform_0, window_bounds = array<i64: 2, 2000, 128>}, {transform_indices = @transform_1, window_bounds = array<i64: 2000, 256>}, {pipeline_mode = #tpu.pipeline_mode<synchronous>, transform_indices = @transform_2, window_bounds = array<i64: 2, 128, 512>}, {pipeline_mode = #tpu.pipeline_mode<synchronous>, transform_indices = @transform_3, window_bounds = array<i64: 1, 512>}, {transform_indices = @transform_4, window_bounds = array<i64: 2000, 512>}, {pipeline_mode = #tpu.pipeline_mode<synchronous>, transform_indices = @transform_5, window_bounds = array<i64: 2, 512>}]} {
    %broadcast_in_dim3A = arith.constant 0.000000e+00 : f32
    %broadcast_in_dim3A_0 = vector.broadcast %broadcast_in_dim3A : f32 to vector<2000x512xf32>
    %get3A = arith.constant 0 : index
    %get3A_1 = arith.constant 0 : index
    %get3A_2 = arith.constant 0 : index
    %get3A_3 = vector.load %arg1[%get3A, %get3A_1, %get3A_2] : memref<2x2000x128xf32, #tpu.memory_space<vmem>>, vector<1x2000x128xf32>
    %get3A_4 = vector.shape_cast %get3A_3 : vector<1x2000x128xf32> to vector<2000x128xf32>
    %get3A_5 = arith.constant 0 : index
    %get3A_6 = arith.constant 0 : index
    %get3A_7 = vector.load %arg2[%get3A_5, %get3A_6] : memref<2000x256xf32, #tpu.memory_space<vmem>>, vector<2000x128xf32>
    %add3A = arith.addf %get3A_4, %get3A_7 : vector<2000x128xf32>
    %get3A_8 = arith.constant 0 : index
    %get3A_9 = arith.constant 0 : index
    %get3A_10 = arith.constant 0 : index
    %get3A_11 = vector.load %arg3[%get3A_8, %get3A_9, %get3A_10] : memref<2x128x512xf32, #tpu.memory_space<vmem>>, vector<1x128x512xf32>
    %get3A_12 = vector.shape_cast %get3A_11 : vector<1x128x512xf32> to vector<128x512xf32>
    %dot_general3A = arith.constant dense<0.000000e+00> : vector<2000x512xf32>
    %dot_general3A_13 = tpu.matmul %add3A, %get3A_12, %dot_general3A {dimension_numbers = #tpu.dot_dimension_numbers<[1], [0], [0], [1], [0, 0, 1, 1], [], []>, transpose_lhs_hint = false} : vector<2000x128xf32>, vector<128x512xf32>, vector<2000x512xf32> -> vector<2000x512xf32>
    %add3A_14 = arith.addf %broadcast_in_dim3A_0, %dot_general3A_13 : vector<2000x512xf32>
    %get3A_15 = arith.constant 1 : index
    %get3A_16 = arith.constant 0 : index
    %get3A_17 = arith.constant 0 : index
    %get3A_18 = vector.load %arg1[%get3A_15, %get3A_16, %get3A_17] : memref<2x2000x128xf32, #tpu.memory_space<vmem>>, vector<1x2000x128xf32>
    %get3A_19 = vector.shape_cast %get3A_18 : vector<1x2000x128xf32> to vector<2000x128xf32>
    %get3A_20 = arith.constant 0 : index
    %get3A_21 = arith.constant 128 : index
    %get3A_22 = vector.load %arg2[%get3A_20, %get3A_21] : memref<2000x256xf32, #tpu.memory_space<vmem>>, vector<2000x128xf32>
    %add3A_23 = arith.addf %get3A_19, %get3A_22 : vector<2000x128xf32>
    %get3A_24 = arith.constant 1 : index
    %get3A_25 = arith.constant 0 : index
    %get3A_26 = arith.constant 0 : index
    %get3A_27 = vector.load %arg3[%get3A_24, %get3A_25, %get3A_26] : memref<2x128x512xf32, #tpu.memory_space<vmem>>, vector<1x128x512xf32>
    %get3A_28 = vector.shape_cast %get3A_27 : vector<1x128x512xf32> to vector<128x512xf32>
    %dot_general3A_29 = arith.constant dense<0.000000e+00> : vector<2000x512xf32>
    %dot_general3A_30 = tpu.matmul %add3A_23, %get3A_28, %dot_general3A_29 {dimension_numbers = #tpu.dot_dimension_numbers<[1], [0], [0], [1], [0, 0, 1, 1], [], []>, transpose_lhs_hint = false} : vector<2000x128xf32>, vector<128x512xf32>, vector<2000x512xf32> -> vector<2000x512xf32>
    %add3A_31 = arith.addf %add3A_14, %dot_general3A_30 : vector<2000x512xf32>
    %get3A_32 = arith.constant 0 : index
    %get3A_33 = arith.constant 0 : index
    %get3A_34 = vector.load %arg4[%get3A_32, %get3A_33] : memref<1x512xf32, #tpu.memory_space<vmem>>, vector<1x512xf32>
    %add3A_35 = vector.broadcast %get3A_34 : vector<1x512xf32> to vector<2000x512xf32>
    %add3A_36 = arith.addf %add3A_31, %add3A_35 : vector<2000x512xf32>
    %swap3A = arith.constant 0 : index
    %swap3A_37 = arith.constant 0 : index
    %swap3A_38 = vector.load %arg5[%swap3A, %swap3A_37] : memref<2000x512xf32, #tpu.memory_space<vmem>>, vector<2000x512xf32>
    tpu.vector_store %arg5[%swap3A, %swap3A_37], %add3A_36 {strides = array<i32>} : memref<2000x512xf32, #tpu.memory_space<vmem>>, vector<2000x512xf32>,
    %eq3A = arith.constant 0 : i32
    %eq3A_39 = arith.cmpi eq, %arg0, %eq3A : i32
    %convert_element_type3A = arith.extui %eq3A_39 : i1 to i32
    %cond3A = arith.constant 0 : i32
    %cond3A_40 = arith.cmpi ne, %convert_element_type3A, %cond3A : i32
    scf.if %cond3A_40 {
      %broadcast_in_dim3A_53 = arith.constant 0.000000e+00 : f32
      %broadcast_in_dim3A_54 = vector.broadcast %broadcast_in_dim3A_53 : f32 to vector<2x512xf32>
      %swap3A_55 = arith.constant 0 : index
      %swap3A_56 = arith.constant 0 : index
      %swap3A_57 = vector.load %arg6[%swap3A_55, %swap3A_56] : memref<2x512xf32, #tpu.memory_space<vmem>>, vector<2x512xf32>
      tpu.vector_store %arg6[%swap3A_55, %swap3A_56], %broadcast_in_dim3A_54 {strides = array<i32>} : memref<2x512xf32, #tpu.memory_space<vmem>>, vector<2x512xf32>,
    } else {
    }
    %get3A_41 = arith.constant 0 : index
    %get3A_42 = arith.constant 0 : index
    %get3A_43 = vector.load %arg6[%get3A_41, %get3A_42] : memref<2x512xf32, #tpu.memory_space<vmem>>, vector<2x512xf32>
    %reduce_sum3A = arith.constant dense<0.000000e+00> : vector<512xf32>
    %reduce_sum3A_44 = vector.multi_reduction <add>, %add3A_36, %reduce_sum3A [0] : vector<2000x512xf32> to vector<512xf32>
    %broadcast_in_dim3A_45 = vector.shape_cast %reduce_sum3A_44 : vector<512xf32> to vector<1x512xf32>
    %mul3A = arith.mulf %add3A_36, %add3A_36 : vector<2000x512xf32>
    %reduce_sum3A_46 = arith.constant dense<0.000000e+00> : vector<512xf32>
    %reduce_sum3A_47 = vector.multi_reduction <add>, %mul3A, %reduce_sum3A_46 [0] : vector<2000x512xf32> to vector<512xf32>
    %broadcast_in_dim3A_48 = vector.shape_cast %reduce_sum3A_47 : vector<512xf32> to vector<1x512xf32>
    %concatenate3A = tpu.concatenate %broadcast_in_dim3A_45, %broadcast_in_dim3A_48 in 0 : vector<1x512xf32>, vector<1x512xf32> -> vector<2x512xf32>
    %add3A_49 = arith.addf %get3A_43, %concatenate3A : vector<2x512xf32>
    %swap3A_50 = arith.constant 0 : index
    %swap3A_51 = arith.constant 0 : index
    %swap3A_52 = vector.load %arg6[%swap3A_50, %swap3A_51] : memref<2x512xf32, #tpu.memory_space<vmem>>, vector<2x512xf32>
    tpu.vector_store %arg6[%swap3A_50, %swap3A_51], %add3A_49 {strides = array<i32>} : memref<2x512xf32, #tpu.memory_space<vmem>>, vector<2x512xf32>,
    return
  }
  func.func @transform_0(%arg0: i32) -> (i32, i32, i32) {
    %c0_i32 = arith.constant 0 : i32
    %c0_i32_0 = arith.constant 0 : i32
    %c0_i32_1 = arith.constant 0 : i32
    return %c0_i32, %arg0, %c0_i32_0 : i32, i32, i32
  }
  func.func @transform_1(%arg0: i32) -> (i32, i32) {
    %c0_i32 = arith.constant 0 : i32
    %c0_i32_0 = arith.constant 0 : i32
    return %arg0, %c0_i32 : i32, i32
  }
  func.func @transform_2(%arg0: i32) -> (i32, i32, i32) {
    %c0_i32 = arith.constant 0 : i32
    %c0_i32_0 = arith.constant 0 : i32
    %c0_i32_1 = arith.constant 0 : i32
    %c0_i32_2 = arith.constant 0 : i32
    return %c0_i32, %c0_i32_0, %c0_i32_1 : i32, i32, i32
  }
  func.func @transform_3(%arg0: i32) -> (i32, i32) {
    %c0_i32 = arith.constant 0 : i32
    %c0_i32_0 = arith.constant 0 : i32
    %c0_i32_1 = arith.constant 0 : i32
    return %c0_i32, %c0_i32_0 : i32, i32
  }
  func.func @transform_4(%arg0: i32) -> (i32, i32) {
    %c0_i32 = arith.constant 0 : i32
    %c0_i32_0 = arith.constant 0 : i32
    return %arg0, %c0_i32 : i32, i32
  }
  func.func @transform_5(%arg0: i32) -> (i32, i32) {
    %c0_i32 = arith.constant 0 : i32
    %c0_i32_0 = arith.constant 0 : i32
    %c0_i32_1 = arith.constant 0 : i32
    return %c0_i32, %c0_i32_0 : i32, i32
  }
}

module attributes {stable_mosaic.version = 14 : i64} {
  func.func @kern(%arg0: i32, %arg1: memref<2000x512xf32, #tpu.memory_space<vmem>>, %arg2: memref<2x512xf32, #tpu.memory_space<vmem>>, %arg3: memref<1x512xf32, #tpu.memory_space<vmem>>, %arg4: memref<1x512xf32, #tpu.memory_space<vmem>>, %arg5: memref<512x512xf32, #tpu.memory_space<vmem>>, %arg6: memref<1x512xf32, #tpu.memory_space<vmem>>, %arg7: memref<2000x512xf32, #tpu.memory_space<vmem>>, %arg8: memref<2x512xf32, #tpu.memory_space<vmem>>) attributes {dimension_semantics = [#tpu.dimension_semantics<arbitrary>], iteration_bounds = array<i64: 5>, scalar_prefetch = 0 : i64, scratch_operands = 0 : i64, tpu.core_type = #tpu.core_type<tc>, window_params = [{transform_indices = @transform_0, window_bounds = array<i64: 2000, 512>}, {pipeline_mode = #tpu.pipeline_mode<synchronous>, transform_indices = @transform_1, window_bounds = array<i64: 2, 512>}, {pipeline_mode = #tpu.pipeline_mode<synchronous>, transform_indices = @transform_2, window_bounds = array<i64: 1, 512>}, {pipeline_mode = #tpu.pipeline_mode<synchronous>, transform_indices = @transform_3, window_bounds = array<i64: 1, 512>}, {pipeline_mode = #tpu.pipeline_mode<synchronous>, transform_indices = @transform_4, window_bounds = array<i64: 512, 512>}, {pipeline_mode = #tpu.pipeline_mode<synchronous>, transform_indices = @transform_5, window_bounds = array<i64: 1, 512>}, {transform_indices = @transform_6, window_bounds = array<i64: 2000, 512>}, {pipeline_mode = #tpu.pipeline_mode<synchronous>, transform_indices = @transform_7, window_bounds = array<i64: 2, 512>}]} {
    %get3A = arith.constant 0 : index
    %get3A_0 = arith.constant 0 : index
    %get3A_1 = vector.load %arg2[%get3A, %get3A_0] : memref<2x512xf32, #tpu.memory_space<vmem>>, vector<1x512xf32>
    %mul3A = arith.constant 9.99999974E-5 : f32
    %mul3A_2 = vector.broadcast %mul3A : f32 to vector<1x512xf32>
    %mul3A_3 = arith.mulf %get3A_1, %mul3A_2 : vector<1x512xf32>
    %get3A_4 = arith.constant 1 : index
    %get3A_5 = arith.constant 0 : index
    %get3A_6 = vector.load %arg2[%get3A_4, %get3A_5] : memref<2x512xf32, #tpu.memory_space<vmem>>, vector<1x512xf32>
    %mul3A_7 = arith.constant 9.99999974E-5 : f32
    %mul3A_8 = vector.broadcast %mul3A_7 : f32 to vector<1x512xf32>
    %mul3A_9 = arith.mulf %get3A_6, %mul3A_8 : vector<1x512xf32>
    %mul3A_10 = arith.mulf %mul3A_3, %mul3A_3 : vector<1x512xf32>
    %sub3A = arith.subf %mul3A_9, %mul3A_10 : vector<1x512xf32>
    %get3A_11 = arith.constant 0 : index
    %get3A_12 = arith.constant 0 : index
    %get3A_13 = vector.load %arg3[%get3A_11, %get3A_12] : memref<1x512xf32, #tpu.memory_space<vmem>>, vector<1x512xf32>
    %add3A = arith.constant 9.99999974E-6 : f32
    %add3A_14 = vector.broadcast %add3A : f32 to vector<1x512xf32>
    %add3A_15 = arith.addf %sub3A, %add3A_14 : vector<1x512xf32>
    %rsqrt3A = math.rsqrt %add3A_15 : vector<1x512xf32>
    %mul3A_16 = arith.mulf %get3A_13, %rsqrt3A : vector<1x512xf32>
    %get3A_17 = arith.constant 0 : index
    %get3A_18 = arith.constant 0 : index
    %get3A_19 = vector.load %arg1[%get3A_17, %get3A_18] : memref<2000x512xf32, #tpu.memory_space<vmem>>, vector<2000x512xf32>
    %sub3A_20 = vector.broadcast %mul3A_3 : vector<1x512xf32> to vector<2000x512xf32>
    %sub3A_21 = arith.subf %get3A_19, %sub3A_20 : vector<2000x512xf32>
    %mul3A_22 = vector.broadcast %mul3A_16 : vector<1x512xf32> to vector<2000x512xf32>
    %mul3A_23 = arith.mulf %sub3A_21, %mul3A_22 : vector<2000x512xf32>
    %get3A_24 = arith.constant 0 : index
    %get3A_25 = arith.constant 0 : index
    %get3A_26 = vector.load %arg4[%get3A_24, %get3A_25] : memref<1x512xf32, #tpu.memory_space<vmem>>, vector<1x512xf32>
    %add3A_27 = vector.broadcast %get3A_26 : vector<1x512xf32> to vector<2000x512xf32>
    %add3A_28 = arith.addf %mul3A_23, %add3A_27 : vector<2000x512xf32>
    %max3A = arith.constant 0.000000e+00 : f32
    %max3A_29 = vector.broadcast %max3A : f32 to vector<2000x512xf32>
    %max3A_30 = arith.maximumf %add3A_28, %max3A_29 : vector<2000x512xf32>
    %get3A_31 = arith.constant 0 : index
    %get3A_32 = arith.constant 0 : index
    %get3A_33 = vector.load %arg5[%get3A_31, %get3A_32] : memref<512x512xf32, #tpu.memory_space<vmem>>, vector<512x512xf32>
    %dot_general3A = arith.constant dense<0.000000e+00> : vector<2000x512xf32>
    %dot_general3A_34 = tpu.matmul %max3A_30, %get3A_33, %dot_general3A {dimension_numbers = #tpu.dot_dimension_numbers<[1], [0], [0], [1], [0, 0, 1, 1], [], []>, transpose_lhs_hint = false} : vector<2000x512xf32>, vector<512x512xf32>, vector<2000x512xf32> -> vector<2000x512xf32>
    %get3A_35 = arith.constant 0 : index
    %get3A_36 = arith.constant 0 : index
    %get3A_37 = vector.load %arg6[%get3A_35, %get3A_36] : memref<1x512xf32, #tpu.memory_space<vmem>>, vector<1x512xf32>
    %add3A_38 = vector.broadcast %get3A_37 : vector<1x512xf32> to vector<2000x512xf32>
    %add3A_39 = arith.addf %dot_general3A_34, %add3A_38 : vector<2000x512xf32>
    %swap3A = arith.constant 0 : index
    %swap3A_40 = arith.constant 0 : index
    %swap3A_41 = vector.load %arg7[%swap3A, %swap3A_40] : memref<2000x512xf32, #tpu.memory_space<vmem>>, vector<2000x512xf32>
    tpu.vector_store %arg7[%swap3A, %swap3A_40], %add3A_39 {strides = array<i32>} : memref<2000x512xf32, #tpu.memory_space<vmem>>, vector<2000x512xf32>,
    %eq3A = arith.constant 0 : i32
    %eq3A_42 = arith.cmpi eq, %arg0, %eq3A : i32
    %convert_element_type3A = arith.extui %eq3A_42 : i1 to i32
    %cond3A = arith.constant 0 : i32
    %cond3A_43 = arith.cmpi ne, %convert_element_type3A, %cond3A : i32
    scf.if %cond3A_43 {
      %broadcast_in_dim3A_56 = arith.constant 0.000000e+00 : f32
      %broadcast_in_dim3A_57 = vector.broadcast %broadcast_in_dim3A_56 : f32 to vector<2x512xf32>
      %swap3A_58 = arith.constant 0 : index
      %swap3A_59 = arith.constant 0 : index
      %swap3A_60 = vector.load %arg8[%swap3A_58, %swap3A_59] : memref<2x512xf32, #tpu.memory_space<vmem>>, vector<2x512xf32>
      tpu.vector_store %arg8[%swap3A_58, %swap3A_59], %broadcast_in_dim3A_57 {strides = array<i32>} : memref<2x512xf32, #tpu.memory_space<vmem>>, vector<2x512xf32>,
    } else {
    }
    %get3A_44 = arith.constant 0 : index
    %get3A_45 = arith.constant 0 : index
    %get3A_46 = vector.load %arg8[%get3A_44, %get3A_45] : memref<2x512xf32, #tpu.memory_space<vmem>>, vector<2x512xf32>
    %reduce_sum3A = arith.constant dense<0.000000e+00> : vector<512xf32>
    %reduce_sum3A_47 = vector.multi_reduction <add>, %add3A_39, %reduce_sum3A [0] : vector<2000x512xf32> to vector<512xf32>
    %broadcast_in_dim3A = vector.shape_cast %reduce_sum3A_47 : vector<512xf32> to vector<1x512xf32>
    %mul3A_48 = arith.mulf %add3A_39, %add3A_39 : vector<2000x512xf32>
    %reduce_sum3A_49 = arith.constant dense<0.000000e+00> : vector<512xf32>
    %reduce_sum3A_50 = vector.multi_reduction <add>, %mul3A_48, %reduce_sum3A_49 [0] : vector<2000x512xf32> to vector<512xf32>
    %broadcast_in_dim3A_51 = vector.shape_cast %reduce_sum3A_50 : vector<512xf32> to vector<1x512xf32>
    %concatenate3A = tpu.concatenate %broadcast_in_dim3A, %broadcast_in_dim3A_51 in 0 : vector<1x512xf32>, vector<1x512xf32> -> vector<2x512xf32>
    %add3A_52 = arith.addf %get3A_46, %concatenate3A : vector<2x512xf32>
    %swap3A_53 = arith.constant 0 : index
    %swap3A_54 = arith.constant 0 : index
    %swap3A_55 = vector.load %arg8[%swap3A_53, %swap3A_54] : memref<2x512xf32, #tpu.memory_space<vmem>>, vector<2x512xf32>
    tpu.vector_store %arg8[%swap3A_53, %swap3A_54], %add3A_52 {strides = array<i32>} : memref<2x512xf32, #tpu.memory_space<vmem>>, vector<2x512xf32>,
    return
  }
  func.func @transform_0(%arg0: i32) -> (i32, i32) {
    %c0_i32 = arith.constant 0 : i32
    %c0_i32_0 = arith.constant 0 : i32
    return %arg0, %c0_i32 : i32, i32
  }
  func.func @transform_1(%arg0: i32) -> (i32, i32) {
    %c0_i32 = arith.constant 0 : i32
    %c0_i32_0 = arith.constant 0 : i32
    %c0_i32_1 = arith.constant 0 : i32
    return %c0_i32, %c0_i32_0 : i32, i32
  }
  func.func @transform_2(%arg0: i32) -> (i32, i32) {
    %c0_i32 = arith.constant 0 : i32
    %c0_i32_0 = arith.constant 0 : i32
    %c0_i32_1 = arith.constant 0 : i32
    return %c0_i32, %c0_i32_0 : i32, i32
  }
  func.func @transform_3(%arg0: i32) -> (i32, i32) {
    %c0_i32 = arith.constant 0 : i32
    %c0_i32_0 = arith.constant 0 : i32
    %c0_i32_1 = arith.constant 0 : i32
    return %c0_i32, %c0_i32_0 : i32, i32
  }
  func.func @transform_4(%arg0: i32) -> (i32, i32) {
    %c0_i32 = arith.constant 0 : i32
    %c0_i32_0 = arith.constant 0 : i32
    %c0_i32_1 = arith.constant 0 : i32
    return %c0_i32, %c0_i32_0 : i32, i32
  }
  func.func @transform_5(%arg0: i32) -> (i32, i32) {
    %c0_i32 = arith.constant 0 : i32
    %c0_i32_0 = arith.constant 0 : i32
    %c0_i32_1 = arith.constant 0 : i32
    return %c0_i32, %c0_i32_0 : i32, i32
  }
  func.func @transform_6(%arg0: i32) -> (i32, i32) {
    %c0_i32 = arith.constant 0 : i32
    %c0_i32_0 = arith.constant 0 : i32
    return %arg0, %c0_i32 : i32, i32
  }
  func.func @transform_7(%arg0: i32) -> (i32, i32) {
    %c0_i32 = arith.constant 0 : i32
    %c0_i32_0 = arith.constant 0 : i32
    %c0_i32_1 = arith.constant 0 : i32
    return %c0_i32, %c0_i32_0 : i32, i32
  }
}

module attributes {stable_mosaic.version = 14 : i64} {
  func.func @kern(%arg0: i32, %arg1: memref<2000x512xf32, #tpu.memory_space<vmem>>, %arg2: memref<2x512xf32, #tpu.memory_space<vmem>>, %arg3: memref<1x512xf32, #tpu.memory_space<vmem>>, %arg4: memref<1x512xf32, #tpu.memory_space<vmem>>, %arg5: memref<2000x512xf32, #tpu.memory_space<vmem>>, %arg6: memref<1x512xf32, #tpu.memory_space<vmem>>) attributes {dimension_semantics = [#tpu.dimension_semantics<arbitrary>], iteration_bounds = array<i64: 5>, scalar_prefetch = 0 : i64, scratch_operands = 0 : i64, tpu.core_type = #tpu.core_type<tc>, window_params = [{transform_indices = @transform_0, window_bounds = array<i64: 2000, 512>}, {pipeline_mode = #tpu.pipeline_mode<synchronous>, transform_indices = @transform_1, window_bounds = array<i64: 2, 512>}, {pipeline_mode = #tpu.pipeline_mode<synchronous>, transform_indices = @transform_2, window_bounds = array<i64: 1, 512>}, {pipeline_mode = #tpu.pipeline_mode<synchronous>, transform_indices = @transform_3, window_bounds = array<i64: 1, 512>}, {transform_indices = @transform_4, window_bounds = array<i64: 2000, 512>}, {pipeline_mode = #tpu.pipeline_mode<synchronous>, transform_indices = @transform_5, window_bounds = array<i64: 1, 512>}]} {
    %get3A = arith.constant 0 : index
    %get3A_0 = arith.constant 0 : index
    %get3A_1 = vector.load %arg2[%get3A, %get3A_0] : memref<2x512xf32, #tpu.memory_space<vmem>>, vector<1x512xf32>
    %mul3A = arith.constant 9.99999974E-5 : f32
    %mul3A_2 = vector.broadcast %mul3A : f32 to vector<1x512xf32>
    %mul3A_3 = arith.mulf %get3A_1, %mul3A_2 : vector<1x512xf32>
    %get3A_4 = arith.constant 1 : index
    %get3A_5 = arith.constant 0 : index
    %get3A_6 = vector.load %arg2[%get3A_4, %get3A_5] : memref<2x512xf32, #tpu.memory_space<vmem>>, vector<1x512xf32>
    %mul3A_7 = arith.constant 9.99999974E-5 : f32
    %mul3A_8 = vector.broadcast %mul3A_7 : f32 to vector<1x512xf32>
    %mul3A_9 = arith.mulf %get3A_6, %mul3A_8 : vector<1x512xf32>
    %mul3A_10 = arith.mulf %mul3A_3, %mul3A_3 : vector<1x512xf32>
    %sub3A = arith.subf %mul3A_9, %mul3A_10 : vector<1x512xf32>
    %get3A_11 = arith.constant 0 : index
    %get3A_12 = arith.constant 0 : index
    %get3A_13 = vector.load %arg3[%get3A_11, %get3A_12] : memref<1x512xf32, #tpu.memory_space<vmem>>, vector<1x512xf32>
    %add3A = arith.constant 9.99999974E-6 : f32
    %add3A_14 = vector.broadcast %add3A : f32 to vector<1x512xf32>
    %add3A_15 = arith.addf %sub3A, %add3A_14 : vector<1x512xf32>
    %rsqrt3A = math.rsqrt %add3A_15 : vector<1x512xf32>
    %mul3A_16 = arith.mulf %get3A_13, %rsqrt3A : vector<1x512xf32>
    %get3A_17 = arith.constant 0 : index
    %get3A_18 = arith.constant 0 : index
    %get3A_19 = vector.load %arg1[%get3A_17, %get3A_18] : memref<2000x512xf32, #tpu.memory_space<vmem>>, vector<2000x512xf32>
    %sub3A_20 = vector.broadcast %mul3A_3 : vector<1x512xf32> to vector<2000x512xf32>
    %sub3A_21 = arith.subf %get3A_19, %sub3A_20 : vector<2000x512xf32>
    %mul3A_22 = vector.broadcast %mul3A_16 : vector<1x512xf32> to vector<2000x512xf32>
    %mul3A_23 = arith.mulf %sub3A_21, %mul3A_22 : vector<2000x512xf32>
    %get3A_24 = arith.constant 0 : index
    %get3A_25 = arith.constant 0 : index
    %get3A_26 = vector.load %arg4[%get3A_24, %get3A_25] : memref<1x512xf32, #tpu.memory_space<vmem>>, vector<1x512xf32>
    %add3A_27 = vector.broadcast %get3A_26 : vector<1x512xf32> to vector<2000x512xf32>
    %add3A_28 = arith.addf %mul3A_23, %add3A_27 : vector<2000x512xf32>
    %max3A = arith.constant 0.000000e+00 : f32
    %max3A_29 = vector.broadcast %max3A : f32 to vector<2000x512xf32>
    %max3A_30 = arith.maximumf %add3A_28, %max3A_29 : vector<2000x512xf32>
    %swap3A = arith.constant 0 : index
    %swap3A_31 = arith.constant 0 : index
    %swap3A_32 = vector.load %arg5[%swap3A, %swap3A_31] : memref<2000x512xf32, #tpu.memory_space<vmem>>, vector<2000x512xf32>
    tpu.vector_store %arg5[%swap3A, %swap3A_31], %max3A_30 {strides = array<i32>} : memref<2000x512xf32, #tpu.memory_space<vmem>>, vector<2000x512xf32>,
    %eq3A = arith.constant 0 : i32
    %eq3A_33 = arith.cmpi eq, %arg0, %eq3A : i32
    %convert_element_type3A = arith.extui %eq3A_33 : i1 to i32
    %cond3A = arith.constant 0 : i32
    %cond3A_34 = arith.cmpi ne, %convert_element_type3A, %cond3A : i32
    scf.if %cond3A_34 {
      %broadcast_in_dim3A_43 = arith.constant 0.000000e+00 : f32
      %broadcast_in_dim3A_44 = vector.broadcast %broadcast_in_dim3A_43 : f32 to vector<1x512xf32>
      %swap3A_45 = arith.constant 0 : index
      %swap3A_46 = arith.constant 0 : index
      %swap3A_47 = vector.load %arg6[%swap3A_45, %swap3A_46] : memref<1x512xf32, #tpu.memory_space<vmem>>, vector<1x512xf32>
      tpu.vector_store %arg6[%swap3A_45, %swap3A_46], %broadcast_in_dim3A_44 {strides = array<i32>} : memref<1x512xf32, #tpu.memory_space<vmem>>, vector<1x512xf32>,
    } else {
    }
    %get3A_35 = arith.constant 0 : index
    %get3A_36 = arith.constant 0 : index
    %get3A_37 = vector.load %arg6[%get3A_35, %get3A_36] : memref<1x512xf32, #tpu.memory_space<vmem>>, vector<1x512xf32>
    %reduce_sum3A = arith.constant dense<0.000000e+00> : vector<512xf32>
    %reduce_sum3A_38 = vector.multi_reduction <add>, %max3A_30, %reduce_sum3A [0] : vector<2000x512xf32> to vector<512xf32>
    %broadcast_in_dim3A = vector.shape_cast %reduce_sum3A_38 : vector<512xf32> to vector<1x512xf32>
    %add3A_39 = arith.addf %get3A_37, %broadcast_in_dim3A : vector<1x512xf32>
    %swap3A_40 = arith.constant 0 : index
    %swap3A_41 = arith.constant 0 : index
    %swap3A_42 = vector.load %arg6[%swap3A_40, %swap3A_41] : memref<1x512xf32, #tpu.memory_space<vmem>>, vector<1x512xf32>
    tpu.vector_store %arg6[%swap3A_40, %swap3A_41], %add3A_39 {strides = array<i32>} : memref<1x512xf32, #tpu.memory_space<vmem>>, vector<1x512xf32>,
    return
  }
  func.func @transform_0(%arg0: i32) -> (i32, i32) {
    %c0_i32 = arith.constant 0 : i32
    %c0_i32_0 = arith.constant 0 : i32
    return %arg0, %c0_i32 : i32, i32
  }
  func.func @transform_1(%arg0: i32) -> (i32, i32) {
    %c0_i32 = arith.constant 0 : i32
    %c0_i32_0 = arith.constant 0 : i32
    %c0_i32_1 = arith.constant 0 : i32
    return %c0_i32, %c0_i32_0 : i32, i32
  }
  func.func @transform_2(%arg0: i32) -> (i32, i32) {
    %c0_i32 = arith.constant 0 : i32
    %c0_i32_0 = arith.constant 0 : i32
    %c0_i32_1 = arith.constant 0 : i32
    return %c0_i32, %c0_i32_0 : i32, i32
  }
  func.func @transform_3(%arg0: i32) -> (i32, i32) {
    %c0_i32 = arith.constant 0 : i32
    %c0_i32_0 = arith.constant 0 : i32
    %c0_i32_1 = arith.constant 0 : i32
    return %c0_i32, %c0_i32_0 : i32, i32
  }
  func.func @transform_4(%arg0: i32) -> (i32, i32) {
    %c0_i32 = arith.constant 0 : i32
    %c0_i32_0 = arith.constant 0 : i32
    return %arg0, %c0_i32 : i32, i32
  }
  func.func @transform_5(%arg0: i32) -> (i32, i32) {
    %c0_i32 = arith.constant 0 : i32
    %c0_i32_0 = arith.constant 0 : i32
    %c0_i32_1 = arith.constant 0 : i32
    return %c0_i32, %c0_i32_0 : i32, i32
  }
}

module attributes {stable_mosaic.version = 14 : i64} {
  func.func @kern(%arg0: i32, %arg1: memref<4x2000x128xf32, #tpu.memory_space<vmem>>, %arg2: memref<2000x512xf32, #tpu.memory_space<vmem>>, %arg3: memref<4x128x512xf32, #tpu.memory_space<vmem>>, %arg4: memref<1x512xf32, #tpu.memory_space<vmem>>, %arg5: memref<2000x512xf32, #tpu.memory_space<vmem>>, %arg6: memref<2x512xf32, #tpu.memory_space<vmem>>) attributes {dimension_semantics = [#tpu.dimension_semantics<arbitrary>], iteration_bounds = array<i64: 5>, scalar_prefetch = 0 : i64, scratch_operands = 0 : i64, tpu.core_type = #tpu.core_type<tc>, window_params = [{transform_indices = @transform_0, window_bounds = array<i64: 4, 2000, 128>}, {transform_indices = @transform_1, window_bounds = array<i64: 2000, 512>}, {pipeline_mode = #tpu.pipeline_mode<synchronous>, transform_indices = @transform_2, window_bounds = array<i64: 4, 128, 512>}, {pipeline_mode = #tpu.pipeline_mode<synchronous>, transform_indices = @transform_3, window_bounds = array<i64: 1, 512>}, {transform_indices = @transform_4, window_bounds = array<i64: 2000, 512>}, {pipeline_mode = #tpu.pipeline_mode<synchronous>, transform_indices = @transform_5, window_bounds = array<i64: 2, 512>}]} {
    %broadcast_in_dim3A = arith.constant 0.000000e+00 : f32
    %broadcast_in_dim3A_0 = vector.broadcast %broadcast_in_dim3A : f32 to vector<2000x512xf32>
    %get3A = arith.constant 0 : index
    %get3A_1 = arith.constant 0 : index
    %get3A_2 = arith.constant 0 : index
    %get3A_3 = vector.load %arg1[%get3A, %get3A_1, %get3A_2] : memref<4x2000x128xf32, #tpu.memory_space<vmem>>, vector<1x2000x128xf32>
    %get3A_4 = vector.shape_cast %get3A_3 : vector<1x2000x128xf32> to vector<2000x128xf32>
    %get3A_5 = arith.constant 0 : index
    %get3A_6 = arith.constant 0 : index
    %get3A_7 = vector.load %arg2[%get3A_5, %get3A_6] : memref<2000x512xf32, #tpu.memory_space<vmem>>, vector<2000x128xf32>
    %add3A = arith.addf %get3A_4, %get3A_7 : vector<2000x128xf32>
    %get3A_8 = arith.constant 0 : index
    %get3A_9 = arith.constant 0 : index
    %get3A_10 = arith.constant 0 : index
    %get3A_11 = vector.load %arg3[%get3A_8, %get3A_9, %get3A_10] : memref<4x128x512xf32, #tpu.memory_space<vmem>>, vector<1x128x512xf32>
    %get3A_12 = vector.shape_cast %get3A_11 : vector<1x128x512xf32> to vector<128x512xf32>
    %dot_general3A = arith.constant dense<0.000000e+00> : vector<2000x512xf32>
    %dot_general3A_13 = tpu.matmul %add3A, %get3A_12, %dot_general3A {dimension_numbers = #tpu.dot_dimension_numbers<[1], [0], [0], [1], [0, 0, 1, 1], [], []>, transpose_lhs_hint = false} : vector<2000x128xf32>, vector<128x512xf32>, vector<2000x512xf32> -> vector<2000x512xf32>
    %add3A_14 = arith.addf %broadcast_in_dim3A_0, %dot_general3A_13 : vector<2000x512xf32>
    %get3A_15 = arith.constant 1 : index
    %get3A_16 = arith.constant 0 : index
    %get3A_17 = arith.constant 0 : index
    %get3A_18 = vector.load %arg1[%get3A_15, %get3A_16, %get3A_17] : memref<4x2000x128xf32, #tpu.memory_space<vmem>>, vector<1x2000x128xf32>
    %get3A_19 = vector.shape_cast %get3A_18 : vector<1x2000x128xf32> to vector<2000x128xf32>
    %get3A_20 = arith.constant 0 : index
    %get3A_21 = arith.constant 128 : index
    %get3A_22 = vector.load %arg2[%get3A_20, %get3A_21] : memref<2000x512xf32, #tpu.memory_space<vmem>>, vector<2000x128xf32>
    %add3A_23 = arith.addf %get3A_19, %get3A_22 : vector<2000x128xf32>
    %get3A_24 = arith.constant 1 : index
    %get3A_25 = arith.constant 0 : index
    %get3A_26 = arith.constant 0 : index
    %get3A_27 = vector.load %arg3[%get3A_24, %get3A_25, %get3A_26] : memref<4x128x512xf32, #tpu.memory_space<vmem>>, vector<1x128x512xf32>
    %get3A_28 = vector.shape_cast %get3A_27 : vector<1x128x512xf32> to vector<128x512xf32>
    %dot_general3A_29 = arith.constant dense<0.000000e+00> : vector<2000x512xf32>
    %dot_general3A_30 = tpu.matmul %add3A_23, %get3A_28, %dot_general3A_29 {dimension_numbers = #tpu.dot_dimension_numbers<[1], [0], [0], [1], [0, 0, 1, 1], [], []>, transpose_lhs_hint = false} : vector<2000x128xf32>, vector<128x512xf32>, vector<2000x512xf32> -> vector<2000x512xf32>
    %add3A_31 = arith.addf %add3A_14, %dot_general3A_30 : vector<2000x512xf32>
    %get3A_32 = arith.constant 2 : index
    %get3A_33 = arith.constant 0 : index
    %get3A_34 = arith.constant 0 : index
    %get3A_35 = vector.load %arg1[%get3A_32, %get3A_33, %get3A_34] : memref<4x2000x128xf32, #tpu.memory_space<vmem>>, vector<1x2000x128xf32>
    %get3A_36 = vector.shape_cast %get3A_35 : vector<1x2000x128xf32> to vector<2000x128xf32>
    %get3A_37 = arith.constant 0 : index
    %get3A_38 = arith.constant 256 : index
    %get3A_39 = vector.load %arg2[%get3A_37, %get3A_38] : memref<2000x512xf32, #tpu.memory_space<vmem>>, vector<2000x128xf32>
    %add3A_40 = arith.addf %get3A_36, %get3A_39 : vector<2000x128xf32>
    %get3A_41 = arith.constant 2 : index
    %get3A_42 = arith.constant 0 : index
    %get3A_43 = arith.constant 0 : index
    %get3A_44 = vector.load %arg3[%get3A_41, %get3A_42, %get3A_43] : memref<4x128x512xf32, #tpu.memory_space<vmem>>, vector<1x128x512xf32>
    %get3A_45 = vector.shape_cast %get3A_44 : vector<1x128x512xf32> to vector<128x512xf32>
    %dot_general3A_46 = arith.constant dense<0.000000e+00> : vector<2000x512xf32>
    %dot_general3A_47 = tpu.matmul %add3A_40, %get3A_45, %dot_general3A_46 {dimension_numbers = #tpu.dot_dimension_numbers<[1], [0], [0], [1], [0, 0, 1, 1], [], []>, transpose_lhs_hint = false} : vector<2000x128xf32>, vector<128x512xf32>, vector<2000x512xf32> -> vector<2000x512xf32>
    %add3A_48 = arith.addf %add3A_31, %dot_general3A_47 : vector<2000x512xf32>
    %get3A_49 = arith.constant 3 : index
    %get3A_50 = arith.constant 0 : index
    %get3A_51 = arith.constant 0 : index
    %get3A_52 = vector.load %arg1[%get3A_49, %get3A_50, %get3A_51] : memref<4x2000x128xf32, #tpu.memory_space<vmem>>, vector<1x2000x128xf32>
    %get3A_53 = vector.shape_cast %get3A_52 : vector<1x2000x128xf32> to vector<2000x128xf32>
    %get3A_54 = arith.constant 0 : index
    %get3A_55 = arith.constant 384 : index
    %get3A_56 = vector.load %arg2[%get3A_54, %get3A_55] : memref<2000x512xf32, #tpu.memory_space<vmem>>, vector<2000x128xf32>
    %add3A_57 = arith.addf %get3A_53, %get3A_56 : vector<2000x128xf32>
    %get3A_58 = arith.constant 3 : index
    %get3A_59 = arith.constant 0 : index
    %get3A_60 = arith.constant 0 : index
    %get3A_61 = vector.load %arg3[%get3A_58, %get3A_59, %get3A_60] : memref<4x128x512xf32, #tpu.memory_space<vmem>>, vector<1x128x512xf32>
    %get3A_62 = vector.shape_cast %get3A_61 : vector<1x128x512xf32> to vector<128x512xf32>
    %dot_general3A_63 = arith.constant dense<0.000000e+00> : vector<2000x512xf32>
    %dot_general3A_64 = tpu.matmul %add3A_57, %get3A_62, %dot_general3A_63 {dimension_numbers = #tpu.dot_dimension_numbers<[1], [0], [0], [1], [0, 0, 1, 1], [], []>, transpose_lhs_hint = false} : vector<2000x128xf32>, vector<128x512xf32>, vector<2000x512xf32> -> vector<2000x512xf32>
    %add3A_65 = arith.addf %add3A_48, %dot_general3A_64 : vector<2000x512xf32>
    %get3A_66 = arith.constant 0 : index
    %get3A_67 = arith.constant 0 : index
    %get3A_68 = vector.load %arg4[%get3A_66, %get3A_67] : memref<1x512xf32, #tpu.memory_space<vmem>>, vector<1x512xf32>
    %add3A_69 = vector.broadcast %get3A_68 : vector<1x512xf32> to vector<2000x512xf32>
    %add3A_70 = arith.addf %add3A_65, %add3A_69 : vector<2000x512xf32>
    %swap3A = arith.constant 0 : index
    %swap3A_71 = arith.constant 0 : index
    %swap3A_72 = vector.load %arg5[%swap3A, %swap3A_71] : memref<2000x512xf32, #tpu.memory_space<vmem>>, vector<2000x512xf32>
    tpu.vector_store %arg5[%swap3A, %swap3A_71], %add3A_70 {strides = array<i32>} : memref<2000x512xf32, #tpu.memory_space<vmem>>, vector<2000x512xf32>,
    %eq3A = arith.constant 0 : i32
    %eq3A_73 = arith.cmpi eq, %arg0, %eq3A : i32
    %convert_element_type3A = arith.extui %eq3A_73 : i1 to i32
    %cond3A = arith.constant 0 : i32
    %cond3A_74 = arith.cmpi ne, %convert_element_type3A, %cond3A : i32
    scf.if %cond3A_74 {
      %broadcast_in_dim3A_87 = arith.constant 0.000000e+00 : f32
      %broadcast_in_dim3A_88 = vector.broadcast %broadcast_in_dim3A_87 : f32 to vector<2x512xf32>
      %swap3A_89 = arith.constant 0 : index
      %swap3A_90 = arith.constant 0 : index
      %swap3A_91 = vector.load %arg6[%swap3A_89, %swap3A_90] : memref<2x512xf32, #tpu.memory_space<vmem>>, vector<2x512xf32>
      tpu.vector_store %arg6[%swap3A_89, %swap3A_90], %broadcast_in_dim3A_88 {strides = array<i32>} : memref<2x512xf32, #tpu.memory_space<vmem>>, vector<2x512xf32>,
    } else {
    }
    %get3A_75 = arith.constant 0 : index
    %get3A_76 = arith.constant 0 : index
    %get3A_77 = vector.load %arg6[%get3A_75, %get3A_76] : memref<2x512xf32, #tpu.memory_space<vmem>>, vector<2x512xf32>
    %reduce_sum3A = arith.constant dense<0.000000e+00> : vector<512xf32>
    %reduce_sum3A_78 = vector.multi_reduction <add>, %add3A_70, %reduce_sum3A [0] : vector<2000x512xf32> to vector<512xf32>
    %broadcast_in_dim3A_79 = vector.shape_cast %reduce_sum3A_78 : vector<512xf32> to vector<1x512xf32>
    %mul3A = arith.mulf %add3A_70, %add3A_70 : vector<2000x512xf32>
    %reduce_sum3A_80 = arith.constant dense<0.000000e+00> : vector<512xf32>
    %reduce_sum3A_81 = vector.multi_reduction <add>, %mul3A, %reduce_sum3A_80 [0] : vector<2000x512xf32> to vector<512xf32>
    %broadcast_in_dim3A_82 = vector.shape_cast %reduce_sum3A_81 : vector<512xf32> to vector<1x512xf32>
    %concatenate3A = tpu.concatenate %broadcast_in_dim3A_79, %broadcast_in_dim3A_82 in 0 : vector<1x512xf32>, vector<1x512xf32> -> vector<2x512xf32>
    %add3A_83 = arith.addf %get3A_77, %concatenate3A : vector<2x512xf32>
    %swap3A_84 = arith.constant 0 : index
    %swap3A_85 = arith.constant 0 : index
    %swap3A_86 = vector.load %arg6[%swap3A_84, %swap3A_85] : memref<2x512xf32, #tpu.memory_space<vmem>>, vector<2x512xf32>
    tpu.vector_store %arg6[%swap3A_84, %swap3A_85], %add3A_83 {strides = array<i32>} : memref<2x512xf32, #tpu.memory_space<vmem>>, vector<2x512xf32>,
    return
  }
  func.func @transform_0(%arg0: i32) -> (i32, i32, i32) {
    %c0_i32 = arith.constant 0 : i32
    %c0_i32_0 = arith.constant 0 : i32
    %c0_i32_1 = arith.constant 0 : i32
    return %c0_i32, %arg0, %c0_i32_0 : i32, i32, i32
  }
  func.func @transform_1(%arg0: i32) -> (i32, i32) {
    %c0_i32 = arith.constant 0 : i32
    %c0_i32_0 = arith.constant 0 : i32
    return %arg0, %c0_i32 : i32, i32
  }
  func.func @transform_2(%arg0: i32) -> (i32, i32, i32) {
    %c0_i32 = arith.constant 0 : i32
    %c0_i32_0 = arith.constant 0 : i32
    %c0_i32_1 = arith.constant 0 : i32
    %c0_i32_2 = arith.constant 0 : i32
    return %c0_i32, %c0_i32_0, %c0_i32_1 : i32, i32, i32
  }
  func.func @transform_3(%arg0: i32) -> (i32, i32) {
    %c0_i32 = arith.constant 0 : i32
    %c0_i32_0 = arith.constant 0 : i32
    %c0_i32_1 = arith.constant 0 : i32
    return %c0_i32, %c0_i32_0 : i32, i32
  }
  func.func @transform_4(%arg0: i32) -> (i32, i32) {
    %c0_i32 = arith.constant 0 : i32
    %c0_i32_0 = arith.constant 0 : i32
    return %arg0, %c0_i32 : i32, i32
  }
  func.func @transform_5(%arg0: i32) -> (i32, i32) {
    %c0_i32 = arith.constant 0 : i32
    %c0_i32_0 = arith.constant 0 : i32
    %c0_i32_1 = arith.constant 0 : i32
    return %c0_i32, %c0_i32_0 : i32, i32
  }
}

module attributes {stable_mosaic.version = 14 : i64} {
  func.func @kern(%arg0: i32, %arg1: memref<2000x256xf32, #tpu.memory_space<vmem>>, %arg2: memref<1x256xf32, #tpu.memory_space<vmem>>) attributes {dimension_semantics = [#tpu.dimension_semantics<arbitrary>], iteration_bounds = array<i64: 5>, scalar_prefetch = 0 : i64, scratch_operands = 0 : i64, tpu.core_type = #tpu.core_type<tc>, window_params = [{transform_indices = @transform_0, window_bounds = array<i64: 2000, 256>}, {pipeline_mode = #tpu.pipeline_mode<synchronous>, transform_indices = @transform_1, window_bounds = array<i64: 1, 256>}]} {
    %eq3A = arith.constant 0 : i32
    %eq3A_0 = arith.cmpi eq, %arg0, %eq3A : i32
    %convert_element_type3A = arith.extui %eq3A_0 : i1 to i32
    %cond3A = arith.constant 0 : i32
    %cond3A_1 = arith.cmpi ne, %convert_element_type3A, %cond3A : i32
    scf.if %cond3A_1 {
      %broadcast_in_dim3A_10 = arith.constant 0.000000e+00 : f32
      %broadcast_in_dim3A_11 = vector.broadcast %broadcast_in_dim3A_10 : f32 to vector<1x256xf32>
      %swap3A_12 = arith.constant 0 : index
      %swap3A_13 = arith.constant 0 : index
      %swap3A_14 = vector.load %arg2[%swap3A_12, %swap3A_13] : memref<1x256xf32, #tpu.memory_space<vmem>>, vector<1x256xf32>
      tpu.vector_store %arg2[%swap3A_12, %swap3A_13], %broadcast_in_dim3A_11 {strides = array<i32>} : memref<1x256xf32, #tpu.memory_space<vmem>>, vector<1x256xf32>,
    } else {
    }
    %get3A = arith.constant 0 : index
    %get3A_2 = arith.constant 0 : index
    %get3A_3 = vector.load %arg2[%get3A, %get3A_2] : memref<1x256xf32, #tpu.memory_space<vmem>>, vector<1x256xf32>
    %get3A_4 = arith.constant 0 : index
    %get3A_5 = arith.constant 0 : index
    %get3A_6 = vector.load %arg1[%get3A_4, %get3A_5] : memref<2000x256xf32, #tpu.memory_space<vmem>>, vector<2000x256xf32>
    %reduce_sum3A = arith.constant dense<0.000000e+00> : vector<256xf32>
    %reduce_sum3A_7 = vector.multi_reduction <add>, %get3A_6, %reduce_sum3A [0] : vector<2000x256xf32> to vector<256xf32>
    %broadcast_in_dim3A = vector.shape_cast %reduce_sum3A_7 : vector<256xf32> to vector<1x256xf32>
    %add3A = arith.addf %get3A_3, %broadcast_in_dim3A : vector<1x256xf32>
    %swap3A = arith.constant 0 : index
    %swap3A_8 = arith.constant 0 : index
    %swap3A_9 = vector.load %arg2[%swap3A, %swap3A_8] : memref<1x256xf32, #tpu.memory_space<vmem>>, vector<1x256xf32>
    tpu.vector_store %arg2[%swap3A, %swap3A_8], %add3A {strides = array<i32>} : memref<1x256xf32, #tpu.memory_space<vmem>>, vector<1x256xf32>,
    return
  }
  func.func @transform_0(%arg0: i32) -> (i32, i32) {
    %c0_i32 = arith.constant 0 : i32
    %c0_i32_0 = arith.constant 0 : i32
    return %arg0, %c0_i32 : i32, i32
  }
  func.func @transform_1(%arg0: i32) -> (i32, i32) {
    %c0_i32 = arith.constant 0 : i32
    %c0_i32_0 = arith.constant 0 : i32
    %c0_i32_1 = arith.constant 0 : i32
    return %c0_i32, %c0_i32_0 : i32, i32
  }
}

module attributes {stable_mosaic.version = 14 : i64} {
  func.func @kern(%arg0: i32, %arg1: memref<2000x512xf32, #tpu.memory_space<vmem>>, %arg2: memref<2x512xf32, #tpu.memory_space<vmem>>, %arg3: memref<1x512xf32, #tpu.memory_space<vmem>>, %arg4: memref<1x512xf32, #tpu.memory_space<vmem>>, %arg5: memref<1x512xf32, #tpu.memory_space<vmem>>) attributes {dimension_semantics = [#tpu.dimension_semantics<arbitrary>], iteration_bounds = array<i64: 5>, scalar_prefetch = 0 : i64, scratch_operands = 0 : i64, tpu.core_type = #tpu.core_type<tc>, window_params = [{transform_indices = @transform_0, window_bounds = array<i64: 2000, 512>}, {pipeline_mode = #tpu.pipeline_mode<synchronous>, transform_indices = @transform_1, window_bounds = array<i64: 2, 512>}, {pipeline_mode = #tpu.pipeline_mode<synchronous>, transform_indices = @transform_2, window_bounds = array<i64: 1, 512>}, {pipeline_mode = #tpu.pipeline_mode<synchronous>, transform_indices = @transform_3, window_bounds = array<i64: 1, 512>}, {pipeline_mode = #tpu.pipeline_mode<synchronous>, transform_indices = @transform_4, window_bounds = array<i64: 1, 512>}]} {
    %get3A = arith.constant 0 : index
    %get3A_0 = arith.constant 0 : index
    %get3A_1 = vector.load %arg2[%get3A, %get3A_0] : memref<2x512xf32, #tpu.memory_space<vmem>>, vector<1x512xf32>
    %mul3A = arith.constant 9.99999974E-5 : f32
    %mul3A_2 = vector.broadcast %mul3A : f32 to vector<1x512xf32>
    %mul3A_3 = arith.mulf %get3A_1, %mul3A_2 : vector<1x512xf32>
    %get3A_4 = arith.constant 1 : index
    %get3A_5 = arith.constant 0 : index
    %get3A_6 = vector.load %arg2[%get3A_4, %get3A_5] : memref<2x512xf32, #tpu.memory_space<vmem>>, vector<1x512xf32>
    %mul3A_7 = arith.constant 9.99999974E-5 : f32
    %mul3A_8 = vector.broadcast %mul3A_7 : f32 to vector<1x512xf32>
    %mul3A_9 = arith.mulf %get3A_6, %mul3A_8 : vector<1x512xf32>
    %mul3A_10 = arith.mulf %mul3A_3, %mul3A_3 : vector<1x512xf32>
    %sub3A = arith.subf %mul3A_9, %mul3A_10 : vector<1x512xf32>
    %get3A_11 = arith.constant 0 : index
    %get3A_12 = arith.constant 0 : index
    %get3A_13 = vector.load %arg3[%get3A_11, %get3A_12] : memref<1x512xf32, #tpu.memory_space<vmem>>, vector<1x512xf32>
    %add3A = arith.constant 9.99999974E-6 : f32
    %add3A_14 = vector.broadcast %add3A : f32 to vector<1x512xf32>
    %add3A_15 = arith.addf %sub3A, %add3A_14 : vector<1x512xf32>
    %rsqrt3A = math.rsqrt %add3A_15 : vector<1x512xf32>
    %mul3A_16 = arith.mulf %get3A_13, %rsqrt3A : vector<1x512xf32>
    %get3A_17 = arith.constant 0 : index
    %get3A_18 = arith.constant 0 : index
    %get3A_19 = vector.load %arg1[%get3A_17, %get3A_18] : memref<2000x512xf32, #tpu.memory_space<vmem>>, vector<2000x512xf32>
    %sub3A_20 = vector.broadcast %mul3A_3 : vector<1x512xf32> to vector<2000x512xf32>
    %sub3A_21 = arith.subf %get3A_19, %sub3A_20 : vector<2000x512xf32>
    %mul3A_22 = vector.broadcast %mul3A_16 : vector<1x512xf32> to vector<2000x512xf32>
    %mul3A_23 = arith.mulf %sub3A_21, %mul3A_22 : vector<2000x512xf32>
    %get3A_24 = arith.constant 0 : index
    %get3A_25 = arith.constant 0 : index
    %get3A_26 = vector.load %arg4[%get3A_24, %get3A_25] : memref<1x512xf32, #tpu.memory_space<vmem>>, vector<1x512xf32>
    %add3A_27 = vector.broadcast %get3A_26 : vector<1x512xf32> to vector<2000x512xf32>
    %add3A_28 = arith.addf %mul3A_23, %add3A_27 : vector<2000x512xf32>
    %max3A = arith.constant 0.000000e+00 : f32
    %max3A_29 = vector.broadcast %max3A : f32 to vector<2000x512xf32>
    %max3A_30 = arith.maximumf %add3A_28, %max3A_29 : vector<2000x512xf32>
    %eq3A = arith.constant 0 : i32
    %eq3A_31 = arith.cmpi eq, %arg0, %eq3A : i32
    %convert_element_type3A = arith.extui %eq3A_31 : i1 to i32
    %cond3A = arith.constant 0 : i32
    %cond3A_32 = arith.cmpi ne, %convert_element_type3A, %cond3A : i32
    scf.if %cond3A_32 {
      %broadcast_in_dim3A_40 = arith.constant 0.000000e+00 : f32
      %broadcast_in_dim3A_41 = vector.broadcast %broadcast_in_dim3A_40 : f32 to vector<1x512xf32>
      %swap3A_42 = arith.constant 0 : index
      %swap3A_43 = arith.constant 0 : index
      %swap3A_44 = vector.load %arg5[%swap3A_42, %swap3A_43] : memref<1x512xf32, #tpu.memory_space<vmem>>, vector<1x512xf32>
      tpu.vector_store %arg5[%swap3A_42, %swap3A_43], %broadcast_in_dim3A_41 {strides = array<i32>} : memref<1x512xf32, #tpu.memory_space<vmem>>, vector<1x512xf32>,
    } else {
    }
    %get3A_33 = arith.constant 0 : index
    %get3A_34 = arith.constant 0 : index
    %get3A_35 = vector.load %arg5[%get3A_33, %get3A_34] : memref<1x512xf32, #tpu.memory_space<vmem>>, vector<1x512xf32>
    %reduce_sum3A = arith.constant dense<0.000000e+00> : vector<512xf32>
    %reduce_sum3A_36 = vector.multi_reduction <add>, %max3A_30, %reduce_sum3A [0] : vector<2000x512xf32> to vector<512xf32>
    %broadcast_in_dim3A = vector.shape_cast %reduce_sum3A_36 : vector<512xf32> to vector<1x512xf32>
    %add3A_37 = arith.addf %get3A_35, %broadcast_in_dim3A : vector<1x512xf32>
    %swap3A = arith.constant 0 : index
    %swap3A_38 = arith.constant 0 : index
    %swap3A_39 = vector.load %arg5[%swap3A, %swap3A_38] : memref<1x512xf32, #tpu.memory_space<vmem>>, vector<1x512xf32>
    tpu.vector_store %arg5[%swap3A, %swap3A_38], %add3A_37 {strides = array<i32>} : memref<1x512xf32, #tpu.memory_space<vmem>>, vector<1x512xf32>,
    return
  }
  func.func @transform_0(%arg0: i32) -> (i32, i32) {
    %c0_i32 = arith.constant 0 : i32
    %c0_i32_0 = arith.constant 0 : i32
    return %arg0, %c0_i32 : i32, i32
  }
  func.func @transform_1(%arg0: i32) -> (i32, i32) {
    %c0_i32 = arith.constant 0 : i32
    %c0_i32_0 = arith.constant 0 : i32
    %c0_i32_1 = arith.constant 0 : i32
    return %c0_i32, %c0_i32_0 : i32, i32
  }
  func.func @transform_2(%arg0: i32) -> (i32, i32) {
    %c0_i32 = arith.constant 0 : i32
    %c0_i32_0 = arith.constant 0 : i32
    %c0_i32_1 = arith.constant 0 : i32
    return %c0_i32, %c0_i32_0 : i32, i32
  }
  func.func @transform_3(%arg0: i32) -> (i32, i32) {
    %c0_i32 = arith.constant 0 : i32
    %c0_i32_0 = arith.constant 0 : i32
    %c0_i32_1 = arith.constant 0 : i32
    return %c0_i32, %c0_i32_0 : i32, i32
  }
  func.func @transform_4(%arg0: i32) -> (i32, i32) {
    %c0_i32 = arith.constant 0 : i32
    %c0_i32_0 = arith.constant 0 : i32
    %c0_i32_1 = arith.constant 0 : i32
    return %c0_i32, %c0_i32_0 : i32, i32
  }
}

module attributes {stable_mosaic.version = 14 : i64} {
  func.func @kern(%arg0: memref<1x256xf32, #tpu.memory_space<vmem>>, %arg1: memref<256x128xf32, #tpu.memory_space<vmem>>, %arg2: memref<4x512xf32, #tpu.memory_space<vmem>>, %arg3: memref<4x512x128xf32, #tpu.memory_space<vmem>>, %arg4: memref<5x128xf32, #tpu.memory_space<vmem>>, %arg5: memref<1x128xf32, #tpu.memory_space<vmem>>) attributes {dimension_semantics = [], scalar_prefetch = 0 : i64, scratch_operands = 0 : i64, tpu.core_type = #tpu.core_type<tc>} {
    %get3A = arith.constant 0 : index
    %get3A_0 = arith.constant 0 : index
    %get3A_1 = vector.load %arg0[%get3A, %get3A_0] : memref<1x256xf32, #tpu.memory_space<vmem>>, vector<1x256xf32>
    %get3A_2 = arith.constant 0 : index
    %get3A_3 = arith.constant 0 : index
    %get3A_4 = vector.load %arg1[%get3A_2, %get3A_3] : memref<256x128xf32, #tpu.memory_space<vmem>>, vector<256x128xf32>
    %dot_general3A = arith.constant dense<0.000000e+00> : vector<1x128xf32>
    %dot_general3A_5 = tpu.matmul %get3A_1, %get3A_4, %dot_general3A {dimension_numbers = #tpu.dot_dimension_numbers<[1], [0], [0], [1], [0, 0, 1, 1], [], []>, transpose_lhs_hint = false} : vector<1x256xf32>, vector<256x128xf32>, vector<1x128xf32> -> vector<1x128xf32>
    %get3A_6 = arith.constant 0 : index
    %get3A_7 = arith.constant 0 : index
    %get3A_8 = vector.load %arg2[%get3A_6, %get3A_7] : memref<4x512xf32, #tpu.memory_space<vmem>>, vector<1x512xf32>
    %get3A_9 = arith.constant 0 : index
    %get3A_10 = arith.constant 0 : index
    %get3A_11 = arith.constant 0 : index
    %get3A_12 = vector.load %arg3[%get3A_9, %get3A_10, %get3A_11] : memref<4x512x128xf32, #tpu.memory_space<vmem>>, vector<1x512x128xf32>
    %get3A_13 = vector.shape_cast %get3A_12 : vector<1x512x128xf32> to vector<512x128xf32>
    %dot_general3A_14 = arith.constant dense<0.000000e+00> : vector<1x128xf32>
    %dot_general3A_15 = tpu.matmul %get3A_8, %get3A_13, %dot_general3A_14 {dimension_numbers = #tpu.dot_dimension_numbers<[1], [0], [0], [1], [0, 0, 1, 1], [], []>, transpose_lhs_hint = false} : vector<1x512xf32>, vector<512x128xf32>, vector<1x128xf32> -> vector<1x128xf32>
    %add3A = arith.addf %dot_general3A_5, %dot_general3A_15 : vector<1x128xf32>
    %get3A_16 = arith.constant 1 : index
    %get3A_17 = arith.constant 0 : index
    %get3A_18 = vector.load %arg2[%get3A_16, %get3A_17] : memref<4x512xf32, #tpu.memory_space<vmem>>, vector<1x512xf32>
    %get3A_19 = arith.constant 1 : index
    %get3A_20 = arith.constant 0 : index
    %get3A_21 = arith.constant 0 : index
    %get3A_22 = vector.load %arg3[%get3A_19, %get3A_20, %get3A_21] : memref<4x512x128xf32, #tpu.memory_space<vmem>>, vector<1x512x128xf32>
    %get3A_23 = vector.shape_cast %get3A_22 : vector<1x512x128xf32> to vector<512x128xf32>
    %dot_general3A_24 = arith.constant dense<0.000000e+00> : vector<1x128xf32>
    %dot_general3A_25 = tpu.matmul %get3A_18, %get3A_23, %dot_general3A_24 {dimension_numbers = #tpu.dot_dimension_numbers<[1], [0], [0], [1], [0, 0, 1, 1], [], []>, transpose_lhs_hint = false} : vector<1x512xf32>, vector<512x128xf32>, vector<1x128xf32> -> vector<1x128xf32>
    %add3A_26 = arith.addf %add3A, %dot_general3A_25 : vector<1x128xf32>
    %get3A_27 = arith.constant 2 : index
    %get3A_28 = arith.constant 0 : index
    %get3A_29 = vector.load %arg2[%get3A_27, %get3A_28] : memref<4x512xf32, #tpu.memory_space<vmem>>, vector<1x512xf32>
    %get3A_30 = arith.constant 2 : index
    %get3A_31 = arith.constant 0 : index
    %get3A_32 = arith.constant 0 : index
    %get3A_33 = vector.load %arg3[%get3A_30, %get3A_31, %get3A_32] : memref<4x512x128xf32, #tpu.memory_space<vmem>>, vector<1x512x128xf32>
    %get3A_34 = vector.shape_cast %get3A_33 : vector<1x512x128xf32> to vector<512x128xf32>
    %dot_general3A_35 = arith.constant dense<0.000000e+00> : vector<1x128xf32>
    %dot_general3A_36 = tpu.matmul %get3A_29, %get3A_34, %dot_general3A_35 {dimension_numbers = #tpu.dot_dimension_numbers<[1], [0], [0], [1], [0, 0, 1, 1], [], []>, transpose_lhs_hint = false} : vector<1x512xf32>, vector<512x128xf32>, vector<1x128xf32> -> vector<1x128xf32>
    %add3A_37 = arith.addf %add3A_26, %dot_general3A_36 : vector<1x128xf32>
    %get3A_38 = arith.constant 3 : index
    %get3A_39 = arith.constant 0 : index
    %get3A_40 = vector.load %arg2[%get3A_38, %get3A_39] : memref<4x512xf32, #tpu.memory_space<vmem>>, vector<1x512xf32>
    %get3A_41 = arith.constant 3 : index
    %get3A_42 = arith.constant 0 : index
    %get3A_43 = arith.constant 0 : index
    %get3A_44 = vector.load %arg3[%get3A_41, %get3A_42, %get3A_43] : memref<4x512x128xf32, #tpu.memory_space<vmem>>, vector<1x512x128xf32>
    %get3A_45 = vector.shape_cast %get3A_44 : vector<1x512x128xf32> to vector<512x128xf32>
    %dot_general3A_46 = arith.constant dense<0.000000e+00> : vector<1x128xf32>
    %dot_general3A_47 = tpu.matmul %get3A_40, %get3A_45, %dot_general3A_46 {dimension_numbers = #tpu.dot_dimension_numbers<[1], [0], [0], [1], [0, 0, 1, 1], [], []>, transpose_lhs_hint = false} : vector<1x512xf32>, vector<512x128xf32>, vector<1x128xf32> -> vector<1x128xf32>
    %add3A_48 = arith.addf %add3A_37, %dot_general3A_47 : vector<1x128xf32>
    %get3A_49 = arith.constant 0 : index
    %get3A_50 = arith.constant 0 : index
    %get3A_51 = vector.load %arg4[%get3A_49, %get3A_50] : memref<5x128xf32, #tpu.memory_space<vmem>>, vector<5x128xf32>
    %reduce_sum3A = arith.constant dense<0.000000e+00> : vector<128xf32>
    %reduce_sum3A_52 = vector.multi_reduction <add>, %get3A_51, %reduce_sum3A [0] : vector<5x128xf32> to vector<128xf32>
    %broadcast_in_dim3A = vector.shape_cast %reduce_sum3A_52 : vector<128xf32> to vector<1x128xf32>
    %add3A_53 = arith.addf %add3A_48, %broadcast_in_dim3A : vector<1x128xf32>
    %swap3A = arith.constant 0 : index
    %swap3A_54 = arith.constant 0 : index
    %swap3A_55 = vector.load %arg5[%swap3A, %swap3A_54] : memref<1x128xf32, #tpu.memory_space<vmem>>, vector<1x128xf32>
    tpu.vector_store %arg5[%swap3A, %swap3A_54], %add3A_53 {strides = array<i32>} : memref<1x128xf32, #tpu.memory_space<vmem>>, vector<1x128xf32>,
    return
  }
}

</mosaic_0001>

<sc_bundles>
// kernel: kernel.20.cloned.1.call-start
scs
__scs_entry_jumppad:
0x0: {  	(pc) =	sbr.rel $0x88, $3  }
0x1: {  	(tag) =	ssettag $0x0;
	lr =	simm.s32 $0x1  }
0x2: {  	[smem:$0x3F75] =	sst lr;
	_ =	strace $0xD0000000  }
0x3: {  	_ = 	snop  }
0x4: {  	_ = 	snop  }
0x5: {  	_ = 	snop  }
0x6: {  	_ = 	snop  }
0x7: {  	_ = 	snop  }
__scs_overlays_trampoline_lowered:
0x8: {  	[smem:$0x3F84] =	sst s0  }
0x9: {  	[smem:$0x3F85] =	sst s1  }
0xa: {  	[smem:$0x3F86] =	sst s2  }
0xb: {  	[smem:$0x3F87] =	sst s3  }
0xc: {  	[smem:$0x3F88] =	sst s4  }
0xd: {  	[smem:$0x3F89] =	sst s5  }
0xe: {  	[smem:$0x3F8A] =	sst s6  }
0xf: {  	[smem:$0x3F8B] =	sst s7  }
0x10: {  	[smem:$0x3F8C] =	sst s8  }
0x11: {  	[smem:$0x3F8D] =	sst s9;
	s0 =	simm.s32 @!p0 $0x0  }
0x12: {  	s1 =	sld [smem:$0x3F73];
	s0 =	simm.s32 @p0 $0x1  }
0x13: {  	[smem:$0x3F8E] =	sst s0;
	s0 =	simm.s32 @!p1 $0x0  }
0x14: {  	s2 =	sld [smem:$0x3F72];
	s0 =	simm.s32 @p1 $0x1  }
0x15: {  	[smem:$0x3F8F] =	sst s0;
	s0 =	simm.s32 @!p2 $0x0  }
0x16: {  	s3 =	sld [smem:$0x3FDB];
	s0 =	simm.s32 @p2 $0x1  }
0x17: {  	s4 =	simm.s32 $0x1BF5;
	[smem:$0x3F91] =	sst s0  }
0x18: {  	s0 =	sld [smem:$0x3F74];
	_ =	swait.ge [sflag:s4], $0x0  }
0x19: {  	s7 =	sld [smem:$0x3F75]  }
0x1a: {  	s8 =	sadd.s32 $0xFFFFE003, lr  }
0x1b: {  	s9 =	sadd.s32 $0xFFFFFEF7, lr;
	s5 =	simm.s32 $0xFFFFFFFF;
	p2 =	slt.u32 s8, $0xFFFFF086  }
0x1c: {  	p1 =	slt.u32 s9, $0xF7A;
	s5 =	simm.s32 @!p2 $0x0  }
0x1d: {  	s5 =	simm.s32 @p1 $0x1;
	p0 =	seq.s32 s7, s2  }
0x1e: {  	s7 =	smul.u32 @!p0 $0xF7A, s2;
	p2 =	seq.s32 @!p0 s5, $0x0  }
0x1f: {  	s9 =	smul.u32 $0xF7A, s1;
	s8 =	simm.s32 @!p0 $0x1BF5;
	p2 =	por !p2, p0  }
0x20: {  	[sflag:s8] =	ssyncset.s32 @!p0 $0xFFFFF086;
	s6 =	sadd.s32 @!p0 s3, s7;
	s7 =	simm.s32 @!p0 $0x108  }
0x21: {  	s3 =	sadd.s32 s3, s9;
	s6 =	sadd.s32 @!p0 $0x88, s6;
	s7 =	simm.s32 @p2 $0x1082  }
0x22: {  	[simem:s7], [sflag:s8] =	dma.local @!p0 [hbm:s6], $0xF7A  }
0x23: {  	s9 =	sor.u32 $0xD0000000, s2;
	s6 =	simm.s32 $0x108;
	_ =	swait.ge @!p0 [sflag:s8], $0x0  }
0x24: {  	s3 =	sadd.s32 $0x88, s3;
	s6 =	simm.s32 @!p1 $0x1082;
	[sflag:s4] =	ssyncset.s32 $0xFFFFF086  }
0x25: {  	[simem:s6], [sflag:s4] =	dma.local [hbm:s3], $0xF7A  }
0x26: {  	[smem:$0x3F75] =	sst s1;
	(tag) =	ssettag s2;
	_ =	strace s9  }
0x27: {  	s1 =	sld [smem:$0x3F85]  }
0x28: {  	s2 =	sld [smem:$0x3F86]  }
0x29: {  	s4 =	sld [smem:$0x3F88]  }
0x2a: {  	p0 =	seq.s32 s5, $0x0;
	s5 =	sld [smem:$0x3F89]  }
0x2b: {  	s6 =	sld [smem:$0x3F8A]  }
0x2c: {  	s7 =	sld [smem:$0x3F8B]  }
0x2d: {  	s3 =	simm.s32 $0x108;
	s8 =	sld [smem:$0x3F8C]  }
0x2e: {  	s3 =	simm.s32 @!p0 $0x1082;
	s9 =	sld [smem:$0x3F8D]  }
0x2f: {  	lr =	sadd.s32 s0, s3;
	s0 =	sld [smem:$0x3F84]  }
0x30: {  	s3 =	sld [smem:$0x3F87]  }
0x31: {  	[smem:$0x3F90] =	sst s10  }
0x32: {  	s10 =	sld [smem:$0x3F8E];
	_ =	sdelay $0x3  }
0x33: {  	p0 =	seq.s32 s10, $0x1;
	s10 =	sld [smem:$0x3F90];
	_ =	sdelay $0x3  }
0x34: {  	[smem:$0x3F90] =	sst s10  }
0x35: {  	s10 =	sld [smem:$0x3F8F];
	_ =	sdelay $0x3  }
0x36: {  	p1 =	seq.s32 s10, $0x1;
	s10 =	sld [smem:$0x3F90];
	_ =	sdelay $0x3  }
0x37: {  	[smem:$0x3F90] =	sst s10  }
0x38: {  	s10 =	sld [smem:$0x3F91]  }
0x39: {  	_ = 	snop;
	(pc) =	sbr.ind lr, $3  }
0x3a: {  	_ = 	snop  }
0x3b: {  	_ = 	snop  }
0x3c: {  	p2 =	seq.s32 s10, $0x1;
	s10 =	sld [smem:$0x3F90]  }
0x3d: {  	_ =	shalt  }
0x3e: {  	_ =	shalt  }
0x3f: {  	_ =	shalt  }
0x40: {  	_ =	shalt  }
0x41: {  	_ =	shalt  }
0x42: {  	_ =	shalt  }
0x43: {  	_ =	shalt  }
0x44: {  	_ =	shalt  }
0x45: {  	_ =	shalt  }
0x46: {  	_ =	shalt  }
0x47: {  	_ =	shalt  }
0x48: {  	_ =	shalt  }
0x49: {  	_ =	shalt  }
0x4a: {  	_ =	shalt  }
0x4b: {  	_ =	shalt  }
0x4c: {  	_ =	shalt  }
0x4d: {  	_ =	shalt  }
0x4e: {  	_ =	shalt  }
0x4f: {  	_ =	shalt  }
0x50: {  	_ =	shalt  }
0x51: {  	_ =	shalt  }
0x52: {  	_ =	shalt  }
0x53: {  	_ =	shalt  }
0x54: {  	_ =	shalt  }
0x55: {  	_ =	shalt  }
0x56: {  	_ =	shalt  }
0x57: {  	_ =	shalt  }
0x58: {  	_ =	shalt  }
0x59: {  	_ =	shalt  }
0x5a: {  	_ =	shalt  }
0x5b: {  	_ =	shalt  }
0x5c: {  	_ =	shalt  }
0x5d: {  	_ =	shalt  }
0x5e: {  	_ =	shalt  }
0x5f: {  	_ =	shalt  }
0x60: {  	_ =	shalt  }
0x61: {  	_ =	shalt  }
0x62: {  	_ =	shalt  }
0x63: {  	_ =	shalt  }
0x64: {  	_ =	shalt  }
0x65: {  	_ =	shalt  }
0x66: {  	_ =	shalt  }
0x67: {  	_ =	shalt  }
0x68: {  	_ =	shalt  }
0x69: {  	_ =	shalt  }
0x6a: {  	_ =	shalt  }
0x6b: {  	_ =	shalt  }
0x6c: {  	_ =	shalt  }
0x6d: {  	_ =	shalt  }
0x6e: {  	_ =	shalt  }
0x6f: {  	_ =	shalt  }
0x70: {  	_ =	shalt  }
0x71: {  	_ =	shalt  }
0x72: {  	_ =	shalt  }
0x73: {  	_ =	shalt  }
0x74: {  	_ =	shalt  }
0x75: {  	_ =	shalt  }
0x76: {  	_ =	shalt  }
0x77: {  	_ =	shalt  }
0x78: {  	_ =	shalt  }
0x79: {  	_ =	shalt  }
0x7a: {  	_ =	shalt  }
0x7b: {  	_ =	shalt  }
0x7c: {  	_ =	shalt  }
0x7d: {  	_ =	shalt  }
0x7e: {  	_ =	shalt  }
0x7f: {  	_ =	shalt  }
0x80: {  	_ =	shalt  }
0x81: {  	_ =	shalt  }
0x82: {  	_ =	shalt  }
0x83: {  	_ =	shalt  }
0x84: {  	_ =	shalt  }
0x85: {  	_ =	shalt  }
0x86: {  	_ =	shalt  }
0x87: {  	_ =	shalt  }
.Lfunc_end0:
.L_simem_size_0:
called_computation_lowered:
.L_overlay_start_0:
0x88: {  	s2 =	sld [smem:$0x3FD9]  }
0x89: {  	s3 =	sld [smem:$0x3FFE];
	_ =	sdelay $0x1  }
0x8a: {  	s1 =	srdreg.scid  }
0x8b: {  	s0 =	sand.u32 $0x1, s1  }
0x8c: {  	s16 =	sshll.u32 s0, $0xA;
	s2 =	sadd.s32 s3, s2  }
0x8d: {  	s2 =	sadd.s32 s2, s16  }
0x8e: {  	[smem:$0x3F9C] =	sst s2  }
0x8f: {  	_ = 	snop  }
0x90: {  	(tm) =	ssettm $0x1  }
0x91: {  	s17 =	sld [smem:$0x3FFB];
	_ =	sdelay $0x3  }
0x92: {  	_ =	strace s17  }
0x93: {  	s2 =	sld [smem:$0x3FFC];
	_ =	sdelay $0x3  }
0x94: {  	_ =	strace s2  }
0x95: {  	s2 =	sld [smem:$0x3FFD];
	_ =	sdelay $0x3  }
0x96: {  	_ =	strace s2  }
0x97: {  	_ =	strace $0x8FFFFFFF  }
0x98: {  	s18 =	sld [smem:$0x3FDB];
	_ =	sdelay $0x1  }
0x99: {  	s19 =	simm.s32 $_scs_section_size  }
0x9a: {  	s4 =	simm.s32 $_size__tile_overlayer_lowered;
	s5 =	simm.s32 $_tile_overlayer_lowered  }
0x9b: {  	s22 =	simm.s32 $0x1BFF;
	s21 =	sshll.u32 s5, $0x1;
	s2 =	sadd.s32 s19, s18  }
0x9c: {  	s6 =	simm.s32 $0x0;
	s20 =	sshll.u32 s4, $0x1;
	s4 =	sadd.s32 s21, s2  }
0x9d: {  	[timem:s6], [sflag:s22] =	dma.local [hbm:s4], s20  }
0x9e: {  	_ =	swait.ge [sflag:s22], s20  }
0x9f: {  	s3 =	ssub.s32 $0x0, s20;
	[sflag:s22] =	ssyncset.done $0x0  }
0xa0: {  	[sflag:s22] =	ssyncadd.s32 s3;
	_ =	sdelay $0x1  }
0xa1: {  	s23 =	simm.s32 $0x1B8B  }
0xa2: {  	_ =	swait.ge [sflag:s23], $0x1  }
0xa3: {  	[sflag:s23] =	ssyncset.done $0x0  }
0xa4: {  	s25 =	simm.s32 $0x1B8E;
	s24 =	sld [smem:$0x3FFE];
	[sflag:s23] =	ssyncadd.s32 $0xFFFFFFFF  }
0xa5: {  	s26 =	simm.s32 $execute0_lowered;
	[smem:$0x3FD2] =	sst s25  }
0xa6: {  	s4 =	sshll.u32 s26, $0x1;
	_ =	strace $0x80000046;
	[dreg:$0x1] =	wrdreg $0xFFFFFFFF  }
0xa7: {  	s28 =	simm.s32 $_size_execute0_lowered;
	s2 =	sadd.s32 s2, s4;
	[dreg:$0x0] =	wrdreg $0x0  }
0xa8: {  	s4 =	sshll.u32 s28, $0x1;
	[dreg:$0x2] =	wrdreg s2  }
0xa9: {  	[dreg:$0x3] =	wrdreg s4  }
0xaa: {  	[dreg:$0x4] =	wrdreg $0xC0  }
0xab: {  	_ =	task [dreg:s6], $0x5FFFF  }
0xac: {  	[dreg:$0x1] =	wrdreg $0xFFFFFFFF  }
0xad: {  	[dreg:$0x0] =	wrdreg $0x60  }
0xae: {  	[dreg:$0x2] =	wrdreg s24  }
0xaf: {  	[dreg:$0x3] =	wrdreg $0xAF800  }
0xb0: {  	[dreg:$0x4] =	wrdreg $0x9  }
0xb1: {  	_ =	task.clear_ibuf [dreg:s6], $0x5FFFF;
	_ =	strace $0x90000046  }
0xb2: {  	s29 =	simm.s32 $0x9;
	_ =	strace $0x80000048  }
0xb3: {  	_ =	swait.ge [sflag:s29], $0x1  }
0xb4: {  	[sflag:s29] =	ssyncadd.s32 $0xFFFFFFFF  }
0xb5: {  	_ =	strace $0x90000048  }
0xb6: {  	_ =	sfence  }
0xb7: {  	s30 =	sld [smem:$0x0];
	_ =	sdelay $0x2  }
0xb8: {  	s31 =	sshll.u32 s1, $0xD;
	s1 =	sshrl.u32 s1, $0x2  }
0xb9: {  	s3 =	sand.u32 $0x4000, s31;
	s1 =	sadd.s32 s1, s30  }
0xba: {  	s0 =	sor.u32 s3, s0;
	s1 =	sshll.u32 s1, $0x11  }
0xbb: {  	s0 =	sor.u32 s1, s0  }
0xbc: {  	s0 =	sadd.s32 $0x8F2B, s0  }
0xbd: {  	[sflag:s0] =	ssyncadd.remote.s32 $0x1  }
0xbe: {  	_ =	sfence.sel $0xFFFF  }
0xbf: {  	[dreg:$0x0] =	wrdreg $0xFFFFFFFF;
	(pc) =	sbr.abs _section_cstart, $3  }
0xc0: {  	[dreg:$0x1] =	wrdreg $0xFFFFFFFF  }
0xc1: {  	_ =	task.clear_ibuf [dreg:s6], $0x2FFFF;
	_ =	strace $0x9FFFFFFF  }
0xc2: {  	(tm) =	ssettm $0x7FFFFFFF  }
0xc3: {  	_ =	shalt  }
tec
execute0_lowered:
.L_overlay_start_1:
0x0: {  	(tag) =	ssettag $0x1  }
0x1: {  	s6 =	rddreg [dreg:$0x0]  }
0x2: {  	s2 =	rddreg [dreg:$0x1]  }
0x3: {  	s0 =	rddreg [dreg:$0x2];
	s1 =	stileid.u32  }
0x4: {  	s4 =	srdreg.scid;
	s3 =	simm.s32 $0x0;
	s14 =	simm.s32 $0x60  }
0x5: {  	s15 =	simm.s32 $0x4F80;
	s16 =	simm.s32 $0x1;
	s17 =	simm.s32 $0x7F80  }
0x6: {  	s18 =	simm.s32 $0x2;
	s19 =	simm.s32 $0x4F20;
	s21 =	simm.s32 $0x2760  }
0x7: {  	s22 =	simm.s32 $0x0;
	s20 =	sand.u32 $0x1, s4;
	s8 =	smul.u32 $0x13880, s1  }
0x8: {  	[smem:$0x7FF] =	sst s3;
	s4 =	sadd.s32 $0xAC00, s6;
	s9 =	smul.u32 $0x4F8, s1  }
0x9: {  	s5 =	sadd.s32 $0x62E00, s6;
	s31 =	sshll.u32 s1, $0x6;
	s7 =	smul.u32 $0x138800, s20  }
0xa: {  	_ =	strace $0x80000047;
	s10 =	ssub.s32 $0x2, s20;
	v0 =	vmov s20;
	s20 =	simm.s32 $0x2700  }
0xb: {  	s9 =	sadd.s32 s9, s6;
	s11 =	sshrl.u32 s10, $0x1;
	s7 =	sadd.s32 s8, s7  }
0xc: {  	s13 =	sadd.s32 s8, s2;
	s10 =	ssub.s32 s10, s11;
	s7 =	sshrl.u32 s7, $0x3  }
0xd: {  	s11 =	simm.s32 $0x27C0;
	s13 =	sshrl.u32 s13, $0x3;
	s12 =	sadd.s32 s7, s6  }
0xe: {  	s6 =	sadd.s32 $0x58E00, s9;
	s7 =	sadd.s32 $0x5DE00, s9;
	s9 =	smax.u32 s10, $0x1  }
0xf: {  	s10 =	simm.s32 $0x3;
	s8 =	sadd.s32 $0x65600, s12;
	s12 =	sor.u32 $0x1C03, s31  }
.LBB2_1:
0x10: {  	[tilespmem:s3], [sflag:$0x3] =	stream.linear.gather [hbm4b:s6+s3], $0x27C0, $0x38;
	[tilespmem:$0x1EB80] =	vst v63  }
0x11: {  	_ =	swait.ge [sflag:s10], $0x27C0  }
0x12: {  	[sflag:s10] =	ssyncset.done $0x0  }
0x13: {  	[sflag:s10] =	ssyncadd.s32 $0xFFFFD840  }
0x14: {  	[tilespmem:s11], [sflag:$0x3] =	stream.linear.gather [hbm4b:s7+s3], $0x27C0, $0x38;
	[tilespmem:$0x1EB80] =	vst v63  }
0x15: {  	_ =	swait.ge [sflag:s10], $0x27C0  }
0x16: {  	[sflag:s10] =	ssyncset.done $0x0  }
0x17: {  	s23 =	simm.s32 $0x0;
	[sflag:s10] =	ssyncadd.s32 $0xFFFFD840  }
0x18: {  	v5 =	vld [tilespmem:s23+$0x27C0]  }
0x19: {  	v4 =	vld [tilespmem:s23+$0x27D0]  }
0x1a: {  	v3 =	vld [tilespmem:s23+$0x27E0]  }
0x1b: {  	v2 =	vld [tilespmem:s23+$0x27F0]  }
0x1c: {  	s24 =	simm.s32 $0x180;
	v1 =	vld [tilespmem:s23+$0x2800]  }
.LBB2_2:
0x1d: {  	p0 =	sne.s32 s24, $0x9D80;
	v5 =	vshll.u32 v5, $0x1;
	v6 =	vld [tilespmem:s23+$0x2810]  }
0x1e: {  	v5 =	vor.u32 v0, v5;
	v4 =	vshll.u32 v4, $0x1  }
0x1f: {  	s25 =	sshra.s32 s24, $0x2;
	[tilespmem:s23+$0x27C0] =	vst v5;
	v4 =	vor.u32 v0, v4;
	v3 =	vshll.u32 v3, $0x1  }
.Ltmp0:
0x20: {  	v5 =	vld [tilespmem:s25+$0x27C0];
	[tilespmem:s23+$0x27D0] =	vst v4;
	v3 =	vor.u32 v0, v3;
	v2 =	vshll.u32 v2, $0x1;
	(pc) =	sbr.rel @p0 .LBB2_2-.Ltmp0, $4  }
0x21: {  	v4 =	vld [tilespmem:s25+$0x27D0];
	[tilespmem:s23+$0x27E0] =	vst v3;
	v2 =	vor.u32 v0, v2;
	v1 =	vshll.u32 v1, $0x1  }
0x22: {  	v3 =	vld [tilespmem:s25+$0x27E0];
	[tilespmem:s23+$0x27F0] =	vst v2;
	v1 =	vor.u32 v0, v1;
	v6 =	vshll.u32 v6, $0x1  }
0x23: {  	v2 =	vld [tilespmem:s25+$0x27F0];
	[tilespmem:s23+$0x2800] =	vst v1;
	v6 =	vor.u32 v0, v6  }
0x24: {  	s24 =	sadd.s32 $0x180, s24;
	v1 =	vld [tilespmem:s25+$0x2800];
	[tilespmem:s23+$0x2810] =	vst v6;
	s23 =	smov.u32 s25  }
0x25: {  	v5 =	vshll.u32 v5, $0x1;
	v6 =	vld [tilespmem:s23+$0x2810]  }
0x26: {  	v5 =	vor.u32 v0, v5;
	v4 =	vshll.u32 v4, $0x1  }
0x27: {  	[tilespmem:s23+$0x27C0] =	vst v5;
	v4 =	vor.u32 v0, v4;
	v3 =	vshll.u32 v3, $0x1  }
0x28: {  	[tilespmem:s23+$0x27D0] =	vst v4;
	v3 =	vor.u32 v0, v3;
	v2 =	vshll.u32 v2, $0x1  }
0x29: {  	[tilespmem:s23+$0x27E0] =	vst v3;
	v2 =	vor.u32 v0, v2;
	v1 =	vshll.u32 v1, $0x1  }
0x2a: {  	[tilespmem:s23+$0x27F0] =	vst v2;
	v1 =	vor.u32 v0, v1;
	v2 =	vshll.u32 v6, $0x1  }
0x2b: {  	[tilespmem:s23+$0x2800] =	vst v1;
	v1 =	vor.u32 v0, v2  }
0x2c: {  	[tilespmem:s23+$0x2810] =	vst v1  }
0x2d: {  	[spmem:s13], [sflag:s12] =	dma.local [hbm:s5], $0x2710  }
0x2e: {  	_ =	swait.ge [sflag:s10], $0x2710  }
0x2f: {  	[sflag:s10] =	ssyncset.done $0x0  }
0x30: {  	[sflag:s10] =	ssyncadd.s32 $0xFFFFD8F0  }
0x31: {  	[bflag:$0x0] =	sbarrier.arrive $0xFFFF  }
0x32: {  	[tilespmem:s15], [sflag:$0x1] =	stream.indirect.gather [hbm4b:s4+s14], $0x80, s11, s14, $0xb8;
	[tilespmem:$0x1EB80] =	vst v63  }
0x33: {  	_ =	swait.ge [sflag:s16], $0x3000  }
0x34: {  	[sflag:s16] =	ssyncset.done $0x0  }
0x35: {  	s28 =	simm.s32 $0x2820;
	[sflag:s16] =	ssyncadd.s32 $0xFFFFD000  }
0x36: {  	[tilespmem:s17], [sflag:$0x2] =	stream.indirect.gather [hbm4b:s4+s14], $0x80, s28, s14, $0xb8;
	[tilespmem:$0x1EB80] =	vst v63  }
0x37: {  	s29 =	simm.s32 $0x0  }
0x38: {  	[spmem:s2] =	stream.indirect.scatter.add.f32 [tilespmem:s15], [sflag:$0x3], $0x80, s29, s14, $0xb8;
	[tilespmem:$0x1EB80] =	vst v63  }
0x39: {  	_ =	swait.ge [sflag:s10], $0x3000  }
0x3a: {  	[sflag:s10] =	ssyncset.done $0x0  }
0x3b: {  	[sflag:s10] =	ssyncadd.s32 $0xFFFFD000  }
0x3c: {  	_ =	swait.ge [sflag:s18], $0x3000  }
0x3d: {  	[sflag:s18] =	ssyncset.done $0x0  }
0x3e: {  	s30 =	simm.s32 $0x2880;
	[sflag:s18] =	ssyncadd.s32 $0xFFFFD000  }
0x3f: {  	[tilespmem:s15], [sflag:$0x1] =	stream.indirect.gather [hbm4b:s4+s14], $0x80, s30, s14, $0xb8;
	[tilespmem:$0x1EB80] =	vst v63  }
0x40: {  	s31 =	simm.s32 $0x60  }
0x41: {  	[spmem:s2] =	stream.indirect.scatter.add.f32 [tilespmem:s17], [sflag:$0x3], $0x80, s31, s14, $0xb8;
	[tilespmem:$0x1EB80] =	vst v63  }
0x42: {  	_ =	swait.ge [sflag:s10], $0x3000  }
0x43: {  	s23 =	simm.s32 $0x300;
	[sflag:s10] =	ssyncset.done $0x0  }
.LBB2_4:
0x44: {  	p0 =	sne.s32 s23, $0x9900  }
0x45: {  	[sflag:s10] =	ssyncadd.s32 $0xFFFFD000;
	s24 =	smov.u32 s23;
	s23 =	sadd.s32 $0x300, s23  }
0x46: {  	_ = 	snop  }
0x47: {  	_ =	swait.ge [sflag:s16], $0x3000  }
0x48: {  	s24 =	sshra.s32 s24, $0x2;
	[sflag:s16] =	ssyncset.done $0x0  }
0x49: {  	s25 =	sadd.s32 $0x2820, s24;
	[sflag:s16] =	ssyncadd.s32 $0xFFFFD000  }
0x4a: {  	[tilespmem:s17], [sflag:$0x2] =	stream.indirect.gather [hbm4b:s4+s14], $0x80, s25, s14, $0xb8;
	[tilespmem:$0x1EB80] =	vst v63  }
0x4b: {  	_ = 	snop  }
0x4c: {  	[spmem:s2] =	stream.indirect.scatter.add.f32 [tilespmem:s15], [sflag:$0x3], $0x80, s24, s14, $0xb8;
	[tilespmem:$0x1EB80] =	vst v63  }
0x4d: {  	_ =	swait.ge [sflag:s10], $0x3000  }
0x4e: {  	[sflag:s10] =	ssyncset.done $0x0  }
0x4f: {  	[sflag:s10] =	ssyncadd.s32 $0xFFFFD000  }
0x50: {  	_ =	swait.ge [sflag:s18], $0x3000  }
0x51: {  	[sflag:s18] =	ssyncset.done $0x0  }
0x52: {  	s25 =	sadd.s32 $0x2880, s24;
	[sflag:s18] =	ssyncadd.s32 $0xFFFFD000  }
0x53: {  	[tilespmem:s15], [sflag:$0x1] =	stream.indirect.gather [hbm4b:s4+s14], $0x80, s25, s14, $0xb8;
	[tilespmem:$0x1EB80] =	vst v63  }
.Ltmp1:
0x54: {  	_ = 	snop;
	(pc) =	sbr.rel @p0 .LBB2_4-.Ltmp1, $4  }
0x55: {  	s24 =	sadd.s32 $0x60, s24  }
0x56: {  	[spmem:s2] =	stream.indirect.scatter.add.f32 [tilespmem:s17], [sflag:$0x3], $0x80, s24, s14, $0xb8;
	[tilespmem:$0x1EB80] =	vst v63  }
0x57: {  	_ =	swait.ge [sflag:s10], $0x3000  }
0x58: {  	[sflag:s10] =	ssyncset.done $0x0  }
0x59: {  	[sflag:s10] =	ssyncadd.s32 $0xFFFFD000  }
0x5a: {  	_ =	swait.ge [sflag:s16], $0x3000  }
0x5b: {  	[sflag:s16] =	ssyncset.done $0x0  }
0x5c: {  	[sflag:s16] =	ssyncadd.s32 $0xFFFFD000  }
0x5d: {  	[tilespmem:s17], [sflag:$0x2] =	stream.indirect.gather [hbm4b:s4+s14], $0x80, s19, s14, $0xb8;
	[tilespmem:$0x1EB80] =	vst v63  }
0x5e: {  	_ = 	snop  }
0x5f: {  	[spmem:s2] =	stream.indirect.scatter.add.f32 [tilespmem:s15], [sflag:$0x3], $0x80, s20, s14, $0xb8;
	[tilespmem:$0x1EB80] =	vst v63  }
0x60: {  	_ =	swait.ge [sflag:s10], $0x3000  }
0x61: {  	[sflag:s10] =	ssyncset.done $0x0  }
0x62: {  	[sflag:s10] =	ssyncadd.s32 $0xFFFFD000  }
0x63: {  	_ =	swait.ge [sflag:s18], $0x3000  }
0x64: {  	[sflag:s18] =	ssyncset.done $0x0  }
0x65: {  	[sflag:s18] =	ssyncadd.s32 $0xFFFFD000  }
0x66: {  	[spmem:s2] =	stream.indirect.scatter.add.f32 [tilespmem:s17], [sflag:$0x3], $0x80, s21, s14, $0xb8;
	[tilespmem:$0x1EB80] =	vst v63  }
0x67: {  	_ =	swait.ge [sflag:s10], $0x3000  }
0x68: {  	s22 =	sadd.s32 $0x1, s22;
	[sflag:s10] =	ssyncset.done $0x0  }
0x69: {  	p0 =	sne.s32 s22, s9;
	[sflag:s10] =	ssyncadd.s32 $0xFFFFD000  }
.Ltmp2:
0x6a: {  	[bflag:$0x0] =	sbarrier.arrive $0xFFFF;
	(pc) =	sbr.rel @p0 .LBB2_1-.Ltmp2, $4  }
0x6b: {  	[hbm:s8], [sflag:s12] =	dma.local [spmem:s13], $0x2710  }
0x6c: {  	_ =	swait.ge [sflag:s10], $0x2710  }
0x6d: {  	[sflag:s10] =	ssyncset.done $0x0  }
0x6e: {  	[sflag:s10] =	ssyncadd.s32 $0xFFFFD8F0  }
0x6f: {  	_ =	sfence.sel $0x180000  }
0x70: {  	[bflag:$0x0] =	sbarrier.arrive $0xFFFF  }
0x71: {  	p0 =	sne.s32 s1, $0x0;
	_ =	strace $0x90000047  }
0x72: {  	s0 =	sadd.s32 @!p0 $0x100000, s0;
	[bflag:$0x2] =	sbarrier.arrive $0xFFFF  }
0x73: {  	[sflag:s0] =	ssyncadd.tile.s32 @!p0 $0x1;
	_ =	shalt  }
.Lfunc_end2:
_tile_overlayer_lowered:
.L_overlay_start_2:
0x74: {  	(tag) =	ssettag $0x2  }
0x75: {  	s0 =	rddreg [dreg:$0x0];
	s2 =	stileid.u32  }
0x76: {  	s1 =	rddreg [dreg:$0x1];
	p0 =	sne.s32 s2, $0x0  }
0x77: {  	s3 =	rddreg [dreg:$0x2];
	[bflag:$0x3] =	sbarrier.arrive $0xFFFF;
	s2 =	simm.s32 @!p0 $0x1C03  }
0x78: {  	[timem:s3], [sflag:s2] =	dma.local @!p0 [hbm:s0], s1  }
0x79: {  	s0 =	simm.s32 @!p0 $0x3  }
0x7a: {  	_ =	swait.ge @!p0 [sflag:s0], s1  }
0x7b: {  	s1 =	ssub.s32 @!p0 $0x0, s1;
	[sflag:s0] =	ssyncset.done @!p0 $0x0  }
0x7c: {  	[sflag:s0] =	ssyncadd.s32 @!p0 s1  }
0x7d: {  	[bflag:$0x3] =	sbarrier.arrive $0xFFFF  }
0x7e: {  	_ =	shalt  }

// kernel: kernel.23.cloned.1.call-start
scs
__scs_entry_jumppad:
0x0: {  	(pc) =	sbr.rel $0x88, $3  }
0x1: {  	(tag) =	ssettag $0x0;
	lr =	simm.s32 $0x1  }
0x2: {  	[smem:$0x3F75] =	sst lr;
	_ =	strace $0xD0000000  }
0x3: {  	_ = 	snop  }
0x4: {  	_ = 	snop  }
0x5: {  	_ = 	snop  }
0x6: {  	_ = 	snop  }
0x7: {  	_ = 	snop  }
__scs_overlays_trampoline_lowered:
0x8: {  	[smem:$0x3F84] =	sst s0  }
0x9: {  	[smem:$0x3F85] =	sst s1  }
0xa: {  	[smem:$0x3F86] =	sst s2  }
0xb: {  	[smem:$0x3F87] =	sst s3  }
0xc: {  	[smem:$0x3F88] =	sst s4  }
0xd: {  	[smem:$0x3F89] =	sst s5  }
0xe: {  	[smem:$0x3F8A] =	sst s6  }
0xf: {  	[smem:$0x3F8B] =	sst s7  }
0x10: {  	[smem:$0x3F8C] =	sst s8  }
0x11: {  	[smem:$0x3F8D] =	sst s9;
	s0 =	simm.s32 @!p0 $0x0  }
0x12: {  	s1 =	sld [smem:$0x3F73];
	s0 =	simm.s32 @p0 $0x1  }
0x13: {  	[smem:$0x3F8E] =	sst s0;
	s0 =	simm.s32 @!p1 $0x0  }
0x14: {  	s2 =	sld [smem:$0x3F72];
	s0 =	simm.s32 @p1 $0x1  }
0x15: {  	[smem:$0x3F8F] =	sst s0;
	s0 =	simm.s32 @!p2 $0x0  }
0x16: {  	s3 =	sld [smem:$0x3FDB];
	s0 =	simm.s32 @p2 $0x1  }
0x17: {  	s4 =	simm.s32 $0x1BF5;
	[smem:$0x3F91] =	sst s0  }
0x18: {  	s0 =	sld [smem:$0x3F74];
	_ =	swait.ge [sflag:s4], $0x0  }
0x19: {  	s7 =	sld [smem:$0x3F75]  }
0x1a: {  	s8 =	sadd.s32 $0xFFFFE003, lr  }
0x1b: {  	s9 =	sadd.s32 $0xFFFFFEF7, lr;
	s5 =	simm.s32 $0xFFFFFFFF;
	p2 =	slt.u32 s8, $0xFFFFF086  }
0x1c: {  	p1 =	slt.u32 s9, $0xF7A;
	s5 =	simm.s32 @!p2 $0x0  }
0x1d: {  	s5 =	simm.s32 @p1 $0x1;
	p0 =	seq.s32 s7, s2  }
0x1e: {  	s7 =	smul.u32 @!p0 $0xF7A, s2;
	p2 =	seq.s32 @!p0 s5, $0x0  }
0x1f: {  	s9 =	smul.u32 $0xF7A, s1;
	s8 =	simm.s32 @!p0 $0x1BF5;
	p2 =	por !p2, p0  }
0x20: {  	[sflag:s8] =	ssyncset.s32 @!p0 $0xFFFFF086;
	s6 =	sadd.s32 @!p0 s3, s7;
	s7 =	simm.s32 @!p0 $0x108  }
0x21: {  	s3 =	sadd.s32 s3, s9;
	s6 =	sadd.s32 @!p0 $0x88, s6;
	s7 =	simm.s32 @p2 $0x1082  }
0x22: {  	[simem:s7], [sflag:s8] =	dma.local @!p0 [hbm:s6], $0xF7A  }
0x23: {  	s9 =	sor.u32 $0xD0000000, s2;
	s6 =	simm.s32 $0x108;
	_ =	swait.ge @!p0 [sflag:s8], $0x0  }
0x24: {  	s3 =	sadd.s32 $0x88, s3;
	s6 =	simm.s32 @!p1 $0x1082;
	[sflag:s4] =	ssyncset.s32 $0xFFFFF086  }
0x25: {  	[simem:s6], [sflag:s4] =	dma.local [hbm:s3], $0xF7A  }
0x26: {  	[smem:$0x3F75] =	sst s1;
	(tag) =	ssettag s2;
	_ =	strace s9  }
0x27: {  	s1 =	sld [smem:$0x3F85]  }
0x28: {  	s2 =	sld [smem:$0x3F86]  }
0x29: {  	s4 =	sld [smem:$0x3F88]  }
0x2a: {  	p0 =	seq.s32 s5, $0x0;
	s5 =	sld [smem:$0x3F89]  }
0x2b: {  	s6 =	sld [smem:$0x3F8A]  }
0x2c: {  	s7 =	sld [smem:$0x3F8B]  }
0x2d: {  	s3 =	simm.s32 $0x108;
	s8 =	sld [smem:$0x3F8C]  }
0x2e: {  	s3 =	simm.s32 @!p0 $0x1082;
	s9 =	sld [smem:$0x3F8D]  }
0x2f: {  	lr =	sadd.s32 s0, s3;
	s0 =	sld [smem:$0x3F84]  }
0x30: {  	s3 =	sld [smem:$0x3F87]  }
0x31: {  	[smem:$0x3F90] =	sst s10  }
0x32: {  	s10 =	sld [smem:$0x3F8E];
	_ =	sdelay $0x3  }
0x33: {  	p0 =	seq.s32 s10, $0x1;
	s10 =	sld [smem:$0x3F90];
	_ =	sdelay $0x3  }
0x34: {  	[smem:$0x3F90] =	sst s10  }
0x35: {  	s10 =	sld [smem:$0x3F8F];
	_ =	sdelay $0x3  }
0x36: {  	p1 =	seq.s32 s10, $0x1;
	s10 =	sld [smem:$0x3F90];
	_ =	sdelay $0x3  }
0x37: {  	[smem:$0x3F90] =	sst s10  }
0x38: {  	s10 =	sld [smem:$0x3F91]  }
0x39: {  	_ = 	snop;
	(pc) =	sbr.ind lr, $3  }
0x3a: {  	_ = 	snop  }
0x3b: {  	_ = 	snop  }
0x3c: {  	p2 =	seq.s32 s10, $0x1;
	s10 =	sld [smem:$0x3F90]  }
0x3d: {  	_ =	shalt  }
0x3e: {  	_ =	shalt  }
0x3f: {  	_ =	shalt  }
0x40: {  	_ =	shalt  }
0x41: {  	_ =	shalt  }
0x42: {  	_ =	shalt  }
0x43: {  	_ =	shalt  }
0x44: {  	_ =	shalt  }
0x45: {  	_ =	shalt  }
0x46: {  	_ =	shalt  }
0x47: {  	_ =	shalt  }
0x48: {  	_ =	shalt  }
0x49: {  	_ =	shalt  }
0x4a: {  	_ =	shalt  }
0x4b: {  	_ =	shalt  }
0x4c: {  	_ =	shalt  }
0x4d: {  	_ =	shalt  }
0x4e: {  	_ =	shalt  }
0x4f: {  	_ =	shalt  }
0x50: {  	_ =	shalt  }
0x51: {  	_ =	shalt  }
0x52: {  	_ =	shalt  }
0x53: {  	_ =	shalt  }
0x54: {  	_ =	shalt  }
0x55: {  	_ =	shalt  }
0x56: {  	_ =	shalt  }
0x57: {  	_ =	shalt  }
0x58: {  	_ =	shalt  }
0x59: {  	_ =	shalt  }
0x5a: {  	_ =	shalt  }
0x5b: {  	_ =	shalt  }
0x5c: {  	_ =	shalt  }
0x5d: {  	_ =	shalt  }
0x5e: {  	_ =	shalt  }
0x5f: {  	_ =	shalt  }
0x60: {  	_ =	shalt  }
0x61: {  	_ =	shalt  }
0x62: {  	_ =	shalt  }
0x63: {  	_ =	shalt  }
0x64: {  	_ =	shalt  }
0x65: {  	_ =	shalt  }
0x66: {  	_ =	shalt  }
0x67: {  	_ =	shalt  }
0x68: {  	_ =	shalt  }
0x69: {  	_ =	shalt  }
0x6a: {  	_ =	shalt  }
0x6b: {  	_ =	shalt  }
0x6c: {  	_ =	shalt  }
0x6d: {  	_ =	shalt  }
0x6e: {  	_ =	shalt  }
0x6f: {  	_ =	shalt  }
0x70: {  	_ =	shalt  }
0x71: {  	_ =	shalt  }
0x72: {  	_ =	shalt  }
0x73: {  	_ =	shalt  }
0x74: {  	_ =	shalt  }
0x75: {  	_ =	shalt  }
0x76: {  	_ =	shalt  }
0x77: {  	_ =	shalt  }
0x78: {  	_ =	shalt  }
0x79: {  	_ =	shalt  }
0x7a: {  	_ =	shalt  }
0x7b: {  	_ =	shalt  }
0x7c: {  	_ =	shalt  }
0x7d: {  	_ =	shalt  }
0x7e: {  	_ =	shalt  }
0x7f: {  	_ =	shalt  }
0x80: {  	_ =	shalt  }
0x81: {  	_ =	shalt  }
0x82: {  	_ =	shalt  }
0x83: {  	_ =	shalt  }
0x84: {  	_ =	shalt  }
0x85: {  	_ =	shalt  }
0x86: {  	_ =	shalt  }
0x87: {  	_ =	shalt  }
.Lfunc_end0:
.L_simem_size_0:
called_computation.1_lowered:
.L_overlay_start_0:
0x88: {  	s2 =	sld [smem:$0x3FD9]  }
0x89: {  	s3 =	sld [smem:$0x3FFE];
	_ =	sdelay $0x1  }
0x8a: {  	s1 =	srdreg.scid  }
0x8b: {  	s0 =	sand.u32 $0x1, s1  }
0x8c: {  	s16 =	sshll.u32 s0, $0xA;
	s2 =	sadd.s32 s3, s2  }
0x8d: {  	s2 =	sadd.s32 s2, s16  }
0x8e: {  	[smem:$0x3F9C] =	sst s2  }
0x8f: {  	_ = 	snop  }
0x90: {  	(tm) =	ssettm $0x1  }
0x91: {  	s17 =	sld [smem:$0x3FFB];
	_ =	sdelay $0x3  }
0x92: {  	_ =	strace s17  }
0x93: {  	s2 =	sld [smem:$0x3FFC];
	_ =	sdelay $0x3  }
0x94: {  	_ =	strace s2  }
0x95: {  	s2 =	sld [smem:$0x3FFD];
	_ =	sdelay $0x3  }
0x96: {  	_ =	strace s2  }
0x97: {  	_ =	strace $0x8FFFFFFF  }
0x98: {  	s18 =	sld [smem:$0x3FDB];
	_ =	sdelay $0x1  }
0x99: {  	s19 =	simm.s32 $_scs_section_size  }
0x9a: {  	s4 =	simm.s32 $_size__tile_overlayer_lowered;
	s5 =	simm.s32 $_tile_overlayer_lowered  }
0x9b: {  	s22 =	simm.s32 $0x1BFF;
	s21 =	sshll.u32 s5, $0x1;
	s2 =	sadd.s32 s19, s18  }
0x9c: {  	s6 =	simm.s32 $0x0;
	s20 =	sshll.u32 s4, $0x1;
	s4 =	sadd.s32 s21, s2  }
0x9d: {  	[timem:s6], [sflag:s22] =	dma.local [hbm:s4], s20  }
0x9e: {  	_ =	swait.ge [sflag:s22], s20  }
0x9f: {  	s3 =	ssub.s32 $0x0, s20;
	[sflag:s22] =	ssyncset.done $0x0  }
0xa0: {  	[sflag:s22] =	ssyncadd.s32 s3;
	_ =	sdelay $0x1  }
0xa1: {  	s23 =	simm.s32 $0x1B8B  }
0xa2: {  	_ =	swait.ge [sflag:s23], $0x1  }
0xa3: {  	[sflag:s23] =	ssyncset.done $0x0  }
0xa4: {  	s25 =	simm.s32 $0x1B8E;
	s24 =	sld [smem:$0x3FFE];
	[sflag:s23] =	ssyncadd.s32 $0xFFFFFFFF  }
0xa5: {  	s26 =	simm.s32 $execute0_lowered;
	[smem:$0x3FD2] =	sst s25  }
0xa6: {  	s4 =	sshll.u32 s26, $0x1;
	_ =	strace $0x80000049;
	[dreg:$0x1] =	wrdreg $0xFFFFFFFF  }
0xa7: {  	s28 =	simm.s32 $_size_execute0_lowered;
	s2 =	sadd.s32 s2, s4;
	[dreg:$0x0] =	wrdreg $0x0  }
0xa8: {  	s4 =	sshll.u32 s28, $0x1;
	[dreg:$0x2] =	wrdreg s2  }
0xa9: {  	[dreg:$0x3] =	wrdreg s4  }
0xaa: {  	[dreg:$0x4] =	wrdreg $0xC0  }
0xab: {  	_ =	task [dreg:s6], $0x5FFFF  }
0xac: {  	[dreg:$0x1] =	wrdreg $0xFFFFFFFF  }
0xad: {  	[dreg:$0x0] =	wrdreg $0x60  }
0xae: {  	[dreg:$0x2] =	wrdreg s24  }
0xaf: {  	[dreg:$0x3] =	wrdreg $0xAF800  }
0xb0: {  	[dreg:$0x4] =	wrdreg $0x9  }
0xb1: {  	_ =	task.clear_ibuf [dreg:s6], $0x5FFFF;
	_ =	strace $0x90000049  }
0xb2: {  	s29 =	simm.s32 $0x9;
	_ =	strace $0x8000004B  }
0xb3: {  	_ =	swait.ge [sflag:s29], $0x1  }
0xb4: {  	[sflag:s29] =	ssyncadd.s32 $0xFFFFFFFF  }
0xb5: {  	_ =	strace $0x9000004B  }
0xb6: {  	_ =	sfence  }
0xb7: {  	s30 =	sld [smem:$0x0];
	_ =	sdelay $0x2  }
0xb8: {  	s31 =	sshll.u32 s1, $0xD;
	s1 =	sshrl.u32 s1, $0x2  }
0xb9: {  	s3 =	sand.u32 $0x4000, s31;
	s1 =	sadd.s32 s1, s30  }
0xba: {  	s0 =	sor.u32 s3, s0;
	s1 =	sshll.u32 s1, $0x11  }
0xbb: {  	s0 =	sor.u32 s1, s0  }
0xbc: {  	s0 =	sadd.s32 $0x8F2B, s0  }
0xbd: {  	[sflag:s0] =	ssyncadd.remote.s32 $0x1  }
0xbe: {  	_ =	sfence.sel $0xFFFF  }
0xbf: {  	[dreg:$0x0] =	wrdreg $0xFFFFFFFF;
	(pc) =	sbr.abs _section_cstart, $3  }
0xc0: {  	[dreg:$0x1] =	wrdreg $0xFFFFFFFF  }
0xc1: {  	_ =	task.clear_ibuf [dreg:s6], $0x2FFFF;
	_ =	strace $0x9FFFFFFF  }
0xc2: {  	(tm) =	ssettm $0x7FFFFFFF  }
0xc3: {  	_ =	shalt  }
tec
execute0_lowered:
.L_overlay_start_1:
0x0: {  	(tag) =	ssettag $0x1  }
0x1: {  	s6 =	rddreg [dreg:$0x0]  }
0x2: {  	s2 =	rddreg [dreg:$0x1]  }
0x3: {  	s0 =	rddreg [dreg:$0x2]  }
0x4: {  	s1 =	stileid.u32;
	s4 =	srdreg.scid;
	s3 =	simm.s32 $0x0  }
0x5: {  	s15 =	simm.s32 $0x60;
	s16 =	simm.s32 $0x4F80;
	s17 =	simm.s32 $0x1  }
0x6: {  	s18 =	simm.s32 $0x7F80;
	s19 =	simm.s32 $0x2;
	s20 =	simm.s32 $0x4F20  }
0x7: {  	s22 =	simm.s32 $0x2760;
	s23 =	simm.s32 $0x0;
	s9 =	smul.u32 $0x13880, s1  }
0x8: {  	s8 =	sand.u32 $0x1, s4;
	[smem:$0x7FF] =	sst s3;
	s7 =	smul.u32 $0x4F8, s1  }
0x9: {  	s4 =	sadd.s32 $0x101A00, s6;
	s13 =	sshll.u32 s1, $0x6;
	s5 =	smul.u32 $0x271000, s8  }
0xa: {  	_ =	strace $0x8000004A;
	s11 =	ssub.s32 $0x2, s8;
	s21 =	sshll.u32 s8, $0x1  }
0xb: {  	s13 =	sor.u32 $0x1C03, s13;
	s12 =	sshrl.u32 s11, $0x1;
	s7 =	sadd.s32 s7, s6  }
0xc: {  	s14 =	sadd.s32 s9, s2;
	v0 =	vmov s21;
	s21 =	simm.s32 $0x2700;
	s10 =	sadd.s32 s9, s5  }
0xd: {  	s5 =	sadd.s32 $0x62E00, s6;
	s11 =	ssub.s32 s11, s12;
	s10 =	sshrl.u32 s10, $0x3  }
0xe: {  	s12 =	simm.s32 $0x27C0;
	s14 =	sshrl.u32 s14, $0x3;
	s10 =	sadd.s32 s10, s6  }
0xf: {  	s6 =	sadd.s32 $0x58E00, s7;
	s7 =	sadd.s32 $0x5DE00, s7;
	s8 =	sadd.s32 $0x19DE00, s10  }
0x10: {  	s9 =	sadd.s32 $0x1C4F00, s10;
	s10 =	smax.u32 s11, $0x1;
	s11 =	simm.s32 $0x3  }
.LBB2_1:
0x11: {  	[tilespmem:s3], [sflag:$0x3] =	stream.linear.gather [hbm4b:s6+s3], $0x27C0, $0x38;
	[tilespmem:$0x1EB80] =	vst v63  }
0x12: {  	_ =	swait.ge [sflag:s11], $0x27C0  }
0x13: {  	[sflag:s11] =	ssyncset.done $0x0  }
0x14: {  	[sflag:s11] =	ssyncadd.s32 $0xFFFFD840  }
0x15: {  	[tilespmem:s12], [sflag:$0x3] =	stream.linear.gather [hbm4b:s7+s3], $0x27C0, $0x38;
	[tilespmem:$0x1EB80] =	vst v63  }
0x16: {  	_ =	swait.ge [sflag:s11], $0x27C0  }
0x17: {  	[sflag:s11] =	ssyncset.done $0x0  }
0x18: {  	s24 =	simm.s32 $0x0;
	[sflag:s11] =	ssyncadd.s32 $0xFFFFD840  }
0x19: {  	v5 =	vld [tilespmem:s24+$0x27C0]  }
0x1a: {  	v4 =	vld [tilespmem:s24+$0x27D0]  }
0x1b: {  	v3 =	vld [tilespmem:s24+$0x27E0]  }
0x1c: {  	v2 =	vld [tilespmem:s24+$0x27F0]  }
0x1d: {  	s25 =	simm.s32 $0x180;
	v1 =	vld [tilespmem:s24+$0x2800]  }
.LBB2_2:
0x1e: {  	p0 =	sne.s32 s25, $0x9D80;
	v5 =	vshll.u32 v5, $0x2;
	v6 =	vld [tilespmem:s24+$0x2810]  }
0x1f: {  	v5 =	vor.u32 v0, v5;
	v4 =	vshll.u32 v4, $0x2  }
0x20: {  	s26 =	sshra.s32 s25, $0x2;
	[tilespmem:s24+$0x27C0] =	vst v5;
	v4 =	vor.u32 v0, v4;
	v3 =	vshll.u32 v3, $0x2  }
.Ltmp0:
0x21: {  	v5 =	vld [tilespmem:s26+$0x27C0];
	[tilespmem:s24+$0x27D0] =	vst v4;
	v3 =	vor.u32 v0, v3;
	v2 =	vshll.u32 v2, $0x2;
	(pc) =	sbr.rel @p0 .LBB2_2-.Ltmp0, $4  }
0x22: {  	v4 =	vld [tilespmem:s26+$0x27D0];
	[tilespmem:s24+$0x27E0] =	vst v3;
	v2 =	vor.u32 v0, v2;
	v1 =	vshll.u32 v1, $0x2  }
0x23: {  	v3 =	vld [tilespmem:s26+$0x27E0];
	[tilespmem:s24+$0x27F0] =	vst v2;
	v1 =	vor.u32 v0, v1;
	v6 =	vshll.u32 v6, $0x2  }
0x24: {  	v2 =	vld [tilespmem:s26+$0x27F0];
	[tilespmem:s24+$0x2800] =	vst v1;
	v6 =	vor.u32 v0, v6  }
0x25: {  	s25 =	sadd.s32 $0x180, s25;
	v1 =	vld [tilespmem:s26+$0x2800];
	[tilespmem:s24+$0x2810] =	vst v6;
	s24 =	smov.u32 s26  }
0x26: {  	v5 =	vshll.u32 v5, $0x2;
	v6 =	vld [tilespmem:s24+$0x2810]  }
0x27: {  	v5 =	vor.u32 v0, v5;
	v4 =	vshll.u32 v4, $0x2  }
0x28: {  	[tilespmem:s24+$0x27C0] =	vst v5;
	v4 =	vor.u32 v0, v4;
	v3 =	vshll.u32 v3, $0x2  }
0x29: {  	[tilespmem:s24+$0x27D0] =	vst v4;
	v3 =	vor.u32 v0, v3;
	v2 =	vshll.u32 v2, $0x2  }
0x2a: {  	[tilespmem:s24+$0x27E0] =	vst v3;
	v2 =	vor.u32 v0, v2;
	v1 =	vshll.u32 v1, $0x2  }
0x2b: {  	[tilespmem:s24+$0x27F0] =	vst v2;
	v1 =	vor.u32 v0, v1;
	v2 =	vshll.u32 v6, $0x2  }
0x2c: {  	[tilespmem:s24+$0x2800] =	vst v1;
	v1 =	vor.u32 v0, v2  }
0x2d: {  	[tilespmem:s24+$0x2810] =	vst v1  }
0x2e: {  	[spmem:s14], [sflag:s13] =	dma.local [hbm:s5], $0x2710  }
0x2f: {  	_ =	swait.ge [sflag:s11], $0x2710  }
0x30: {  	[sflag:s11] =	ssyncset.done $0x0  }
0x31: {  	[sflag:s11] =	ssyncadd.s32 $0xFFFFD8F0  }
0x32: {  	[bflag:$0x0] =	sbarrier.arrive $0xFFFF  }
0x33: {  	[tilespmem:s16], [sflag:$0x1] =	stream.indirect.gather [hbm4b:s4+s15], $0x80, s12, s15, $0xb8;
	[tilespmem:$0x1EB80] =	vst v63  }
0x34: {  	_ =	swait.ge [sflag:s17], $0x3000  }
0x35: {  	[sflag:s17] =	ssyncset.done $0x0  }
0x36: {  	s28 =	simm.s32 $0x2820;
	[sflag:s17] =	ssyncadd.s32 $0xFFFFD000  }
0x37: {  	[tilespmem:s18], [sflag:$0x2] =	stream.indirect.gather [hbm4b:s4+s15], $0x80, s28, s15, $0xb8;
	[tilespmem:$0x1EB80] =	vst v63  }
0x38: {  	s29 =	simm.s32 $0x0  }
0x39: {  	[spmem:s2] =	stream.indirect.scatter.add.f32 [tilespmem:s16], [sflag:$0x3], $0x80, s29, s15, $0xb8;
	[tilespmem:$0x1EB80] =	vst v63  }
0x3a: {  	_ =	swait.ge [sflag:s11], $0x3000  }
0x3b: {  	[sflag:s11] =	ssyncset.done $0x0  }
0x3c: {  	[sflag:s11] =	ssyncadd.s32 $0xFFFFD000  }
0x3d: {  	_ =	swait.ge [sflag:s19], $0x3000  }
0x3e: {  	[sflag:s19] =	ssyncset.done $0x0  }
0x3f: {  	s30 =	simm.s32 $0x2880;
	[sflag:s19] =	ssyncadd.s32 $0xFFFFD000  }
0x40: {  	[tilespmem:s16], [sflag:$0x1] =	stream.indirect.gather [hbm4b:s4+s15], $0x80, s30, s15, $0xb8;
	[tilespmem:$0x1EB80] =	vst v63  }
0x41: {  	s31 =	simm.s32 $0x60  }
0x42: {  	[spmem:s2] =	stream.indirect.scatter.add.f32 [tilespmem:s18], [sflag:$0x3], $0x80, s31, s15, $0xb8;
	[tilespmem:$0x1EB80] =	vst v63  }
0x43: {  	_ =	swait.ge [sflag:s11], $0x3000  }
0x44: {  	s24 =	simm.s32 $0x300;
	[sflag:s11] =	ssyncset.done $0x0  }
.LBB2_4:
0x45: {  	p0 =	sne.s32 s24, $0x9900  }
0x46: {  	[sflag:s11] =	ssyncadd.s32 $0xFFFFD000;
	s25 =	smov.u32 s24;
	s24 =	sadd.s32 $0x300, s24  }
0x47: {  	_ = 	snop  }
0x48: {  	_ =	swait.ge [sflag:s17], $0x3000  }
0x49: {  	s25 =	sshra.s32 s25, $0x2;
	[sflag:s17] =	ssyncset.done $0x0  }
0x4a: {  	s26 =	sadd.s32 $0x2820, s25;
	[sflag:s17] =	ssyncadd.s32 $0xFFFFD000  }
0x4b: {  	[tilespmem:s18], [sflag:$0x2] =	stream.indirect.gather [hbm4b:s4+s15], $0x80, s26, s15, $0xb8;
	[tilespmem:$0x1EB80] =	vst v63  }
0x4c: {  	_ = 	snop  }
0x4d: {  	[spmem:s2] =	stream.indirect.scatter.add.f32 [tilespmem:s16], [sflag:$0x3], $0x80, s25, s15, $0xb8;
	[tilespmem:$0x1EB80] =	vst v63  }
0x4e: {  	_ =	swait.ge [sflag:s11], $0x3000  }
0x4f: {  	[sflag:s11] =	ssyncset.done $0x0  }
0x50: {  	[sflag:s11] =	ssyncadd.s32 $0xFFFFD000  }
0x51: {  	_ =	swait.ge [sflag:s19], $0x3000  }
0x52: {  	[sflag:s19] =	ssyncset.done $0x0  }
0x53: {  	s26 =	sadd.s32 $0x2880, s25;
	[sflag:s19] =	ssyncadd.s32 $0xFFFFD000  }
0x54: {  	[tilespmem:s16], [sflag:$0x1] =	stream.indirect.gather [hbm4b:s4+s15], $0x80, s26, s15, $0xb8;
	[tilespmem:$0x1EB80] =	vst v63  }
.Ltmp1:
0x55: {  	_ = 	snop;
	(pc) =	sbr.rel @p0 .LBB2_4-.Ltmp1, $4  }
0x56: {  	s25 =	sadd.s32 $0x60, s25  }
0x57: {  	[spmem:s2] =	stream.indirect.scatter.add.f32 [tilespmem:s18], [sflag:$0x3], $0x80, s25, s15, $0xb8;
	[tilespmem:$0x1EB80] =	vst v63  }
0x58: {  	_ =	swait.ge [sflag:s11], $0x3000  }
0x59: {  	[sflag:s11] =	ssyncset.done $0x0  }
0x5a: {  	[sflag:s11] =	ssyncadd.s32 $0xFFFFD000  }
0x5b: {  	_ =	swait.ge [sflag:s17], $0x3000  }
0x5c: {  	[sflag:s17] =	ssyncset.done $0x0  }
0x5d: {  	[sflag:s17] =	ssyncadd.s32 $0xFFFFD000  }
0x5e: {  	[tilespmem:s18], [sflag:$0x2] =	stream.indirect.gather [hbm4b:s4+s15], $0x80, s20, s15, $0xb8;
	[tilespmem:$0x1EB80] =	vst v63  }
0x5f: {  	_ = 	snop  }
0x60: {  	[spmem:s2] =	stream.indirect.scatter.add.f32 [tilespmem:s16], [sflag:$0x3], $0x80, s21, s15, $0xb8;
	[tilespmem:$0x1EB80] =	vst v63  }
0x61: {  	_ =	swait.ge [sflag:s11], $0x3000  }
0x62: {  	[sflag:s11] =	ssyncset.done $0x0  }
0x63: {  	[sflag:s11] =	ssyncadd.s32 $0xFFFFD000  }
0x64: {  	_ =	swait.ge [sflag:s19], $0x3000  }
0x65: {  	[sflag:s19] =	ssyncset.done $0x0  }
0x66: {  	[sflag:s19] =	ssyncadd.s32 $0xFFFFD000  }
0x67: {  	[spmem:s2] =	stream.indirect.scatter.add.f32 [tilespmem:s18], [sflag:$0x3], $0x80, s22, s15, $0xb8;
	[tilespmem:$0x1EB80] =	vst v63  }
0x68: {  	_ =	swait.ge [sflag:s11], $0x3000  }
0x69: {  	[sflag:s11] =	ssyncset.done $0x0  }
0x6a: {  	[sflag:s11] =	ssyncadd.s32 $0xFFFFD000  }
0x6b: {  	[bflag:$0x0] =	sbarrier.arrive $0xFFFF  }
0x6c: {  	[hbm:s8], [sflag:s13] =	dma.local [spmem:s14], $0x2710  }
0x6d: {  	_ =	swait.ge [sflag:s11], $0x2710  }
0x6e: {  	[sflag:s11] =	ssyncset.done $0x0  }
0x6f: {  	s24 =	simm.s32 $0x0;
	[sflag:s11] =	ssyncadd.s32 $0xFFFFD8F0  }
0x70: {  	v5 =	vld [tilespmem:s24+$0x27C0]  }
0x71: {  	v4 =	vld [tilespmem:s24+$0x27D0]  }
0x72: {  	v3 =	vld [tilespmem:s24+$0x27E0]  }
0x73: {  	v2 =	vld [tilespmem:s24+$0x27F0]  }
0x74: {  	s25 =	simm.s32 $0x180;
	v1 =	vld [tilespmem:s24+$0x2800]  }
.LBB2_6:
0x75: {  	p0 =	sne.s32 s25, $0x9D80;
	v5 =	vadd.s32 $0x1, v5;
	v6 =	vld [tilespmem:s24+$0x2810]  }
0x76: {  	s26 =	sshra.s32 s25, $0x2;
	[tilespmem:s24+$0x27C0] =	vst v5;
	v4 =	vadd.s32 $0x1, v4  }
.Ltmp2:
0x77: {  	v5 =	vld [tilespmem:s26+$0x27C0];
	[tilespmem:s24+$0x27D0] =	vst v4;
	v3 =	vadd.s32 $0x1, v3;
	(pc) =	sbr.rel @p0 .LBB2_6-.Ltmp2, $4  }
0x78: {  	v4 =	vld [tilespmem:s26+$0x27D0];
	[tilespmem:s24+$0x27E0] =	vst v3;
	v2 =	vadd.s32 $0x1, v2  }
0x79: {  	v3 =	vld [tilespmem:s26+$0x27E0];
	[tilespmem:s24+$0x27F0] =	vst v2;
	v1 =	vadd.s32 $0x1, v1  }
0x7a: {  	v2 =	vld [tilespmem:s26+$0x27F0];
	[tilespmem:s24+$0x2800] =	vst v1;
	v6 =	vadd.s32 $0x1, v6  }
0x7b: {  	s25 =	sadd.s32 $0x180, s25;
	v1 =	vld [tilespmem:s26+$0x2800];
	[tilespmem:s24+$0x2810] =	vst v6;
	s24 =	smov.u32 s26  }
0x7c: {  	v5 =	vadd.s32 $0x1, v5;
	v6 =	vld [tilespmem:s24+$0x2810]  }
0x7d: {  	[tilespmem:s24+$0x27C0] =	vst v5;
	v4 =	vadd.s32 $0x1, v4  }
0x7e: {  	[tilespmem:s24+$0x27D0] =	vst v4;
	v3 =	vadd.s32 $0x1, v3  }
0x7f: {  	[tilespmem:s24+$0x27E0] =	vst v3;
	v2 =	vadd.s32 $0x1, v2  }
0x80: {  	[tilespmem:s24+$0x27F0] =	vst v2;
	v1 =	vadd.s32 $0x1, v1  }
0x81: {  	[tilespmem:s24+$0x2800] =	vst v1;
	v1 =	vadd.s32 $0x1, v6  }
0x82: {  	[tilespmem:s24+$0x2810] =	vst v1  }
0x83: {  	[spmem:s14], [sflag:s13] =	dma.local [hbm:s5], $0x2710  }
0x84: {  	_ =	swait.ge [sflag:s11], $0x2710  }
0x85: {  	[sflag:s11] =	ssyncset.done $0x0  }
0x86: {  	[sflag:s11] =	ssyncadd.s32 $0xFFFFD8F0  }
0x87: {  	[bflag:$0x0] =	sbarrier.arrive $0xFFFF  }
0x88: {  	[tilespmem:s16], [sflag:$0x1] =	stream.indirect.gather [hbm4b:s4+s15], $0x80, s12, s15, $0xb8;
	[tilespmem:$0x1EB80] =	vst v63  }
0x89: {  	_ =	swait.ge [sflag:s17], $0x3000  }
0x8a: {  	[sflag:s17] =	ssyncset.done $0x0  }
0x8b: {  	s28 =	simm.s32 $0x2820;
	[sflag:s17] =	ssyncadd.s32 $0xFFFFD000  }
0x8c: {  	[tilespmem:s18], [sflag:$0x2] =	stream.indirect.gather [hbm4b:s4+s15], $0x80, s28, s15, $0xb8;
	[tilespmem:$0x1EB80] =	vst v63  }
0x8d: {  	s29 =	simm.s32 $0x0  }
0x8e: {  	[spmem:s2] =	stream.indirect.scatter.add.f32 [tilespmem:s16], [sflag:$0x3], $0x80, s29, s15, $0xb8;
	[tilespmem:$0x1EB80] =	vst v63  }
0x8f: {  	_ =	swait.ge [sflag:s11], $0x3000  }
0x90: {  	[sflag:s11] =	ssyncset.done $0x0  }
0x91: {  	[sflag:s11] =	ssyncadd.s32 $0xFFFFD000  }
0x92: {  	_ =	swait.ge [sflag:s19], $0x3000  }
0x93: {  	[sflag:s19] =	ssyncset.done $0x0  }
0x94: {  	s30 =	simm.s32 $0x2880;
	[sflag:s19] =	ssyncadd.s32 $0xFFFFD000  }
0x95: {  	[tilespmem:s16], [sflag:$0x1] =	stream.indirect.gather [hbm4b:s4+s15], $0x80, s30, s15, $0xb8;
	[tilespmem:$0x1EB80] =	vst v63  }
0x96: {  	s31 =	simm.s32 $0x60  }
0x97: {  	[spmem:s2] =	stream.indirect.scatter.add.f32 [tilespmem:s18], [sflag:$0x3], $0x80, s31, s15, $0xb8;
	[tilespmem:$0x1EB80] =	vst v63  }
0x98: {  	_ =	swait.ge [sflag:s11], $0x3000  }
0x99: {  	s24 =	simm.s32 $0x300;
	[sflag:s11] =	ssyncset.done $0x0  }
.LBB2_8:
0x9a: {  	p0 =	sne.s32 s24, $0x9900  }
0x9b: {  	[sflag:s11] =	ssyncadd.s32 $0xFFFFD000;
	s25 =	smov.u32 s24;
	s24 =	sadd.s32 $0x300, s24  }
0x9c: {  	_ = 	snop  }
0x9d: {  	_ =	swait.ge [sflag:s17], $0x3000  }
0x9e: {  	s25 =	sshra.s32 s25, $0x2;
	[sflag:s17] =	ssyncset.done $0x0  }
0x9f: {  	s26 =	sadd.s32 $0x2820, s25;
	[sflag:s17] =	ssyncadd.s32 $0xFFFFD000  }
0xa0: {  	[tilespmem:s18], [sflag:$0x2] =	stream.indirect.gather [hbm4b:s4+s15], $0x80, s26, s15, $0xb8;
	[tilespmem:$0x1EB80] =	vst v63  }
0xa1: {  	_ = 	snop  }
0xa2: {  	[spmem:s2] =	stream.indirect.scatter.add.f32 [tilespmem:s16], [sflag:$0x3], $0x80, s25, s15, $0xb8;
	[tilespmem:$0x1EB80] =	vst v63  }
0xa3: {  	_ =	swait.ge [sflag:s11], $0x3000  }
0xa4: {  	[sflag:s11] =	ssyncset.done $0x0  }
0xa5: {  	[sflag:s11] =	ssyncadd.s32 $0xFFFFD000  }
0xa6: {  	_ =	swait.ge [sflag:s19], $0x3000  }
0xa7: {  	[sflag:s19] =	ssyncset.done $0x0  }
0xa8: {  	s26 =	sadd.s32 $0x2880, s25;
	[sflag:s19] =	ssyncadd.s32 $0xFFFFD000  }
0xa9: {  	[tilespmem:s16], [sflag:$0x1] =	stream.indirect.gather [hbm4b:s4+s15], $0x80, s26, s15, $0xb8;
	[tilespmem:$0x1EB80] =	vst v63  }
.Ltmp3:
0xaa: {  	_ = 	snop;
	(pc) =	sbr.rel @p0 .LBB2_8-.Ltmp3, $4  }
0xab: {  	s25 =	sadd.s32 $0x60, s25  }
0xac: {  	[spmem:s2] =	stream.indirect.scatter.add.f32 [tilespmem:s18], [sflag:$0x3], $0x80, s25, s15, $0xb8;
	[tilespmem:$0x1EB80] =	vst v63  }
0xad: {  	_ =	swait.ge [sflag:s11], $0x3000  }
0xae: {  	[sflag:s11] =	ssyncset.done $0x0  }
0xaf: {  	[sflag:s11] =	ssyncadd.s32 $0xFFFFD000  }
0xb0: {  	_ =	swait.ge [sflag:s17], $0x3000  }
0xb1: {  	[sflag:s17] =	ssyncset.done $0x0  }
0xb2: {  	[sflag:s17] =	ssyncadd.s32 $0xFFFFD000  }
0xb3: {  	[tilespmem:s18], [sflag:$0x2] =	stream.indirect.gather [hbm4b:s4+s15], $0x80, s20, s15, $0xb8;
	[tilespmem:$0x1EB80] =	vst v63  }
0xb4: {  	_ = 	snop  }
0xb5: {  	[spmem:s2] =	stream.indirect.scatter.add.f32 [tilespmem:s16], [sflag:$0x3], $0x80, s21, s15, $0xb8;
	[tilespmem:$0x1EB80] =	vst v63  }
0xb6: {  	_ =	swait.ge [sflag:s11], $0x3000  }
0xb7: {  	[sflag:s11] =	ssyncset.done $0x0  }
0xb8: {  	[sflag:s11] =	ssyncadd.s32 $0xFFFFD000  }
0xb9: {  	_ =	swait.ge [sflag:s19], $0x3000  }
0xba: {  	[sflag:s19] =	ssyncset.done $0x0  }
0xbb: {  	[sflag:s19] =	ssyncadd.s32 $0xFFFFD000  }
0xbc: {  	[spmem:s2] =	stream.indirect.scatter.add.f32 [tilespmem:s18], [sflag:$0x3], $0x80, s22, s15, $0xb8;
	[tilespmem:$0x1EB80] =	vst v63  }
0xbd: {  	_ =	swait.ge [sflag:s11], $0x3000  }
0xbe: {  	s23 =	sadd.s32 $0x1, s23;
	[sflag:s11] =	ssyncset.done $0x0  }
0xbf: {  	p0 =	sne.s32 s23, s10;
	[sflag:s11] =	ssyncadd.s32 $0xFFFFD000  }
.Ltmp4:
0xc0: {  	[bflag:$0x0] =	sbarrier.arrive $0xFFFF;
	(pc) =	sbr.rel @p0 .LBB2_1-.Ltmp4, $4  }
0xc1: {  	[hbm:s9], [sflag:s13] =	dma.local [spmem:s14], $0x2710  }
0xc2: {  	_ =	swait.ge [sflag:s11], $0x2710  }
0xc3: {  	[sflag:s11] =	ssyncset.done $0x0  }
0xc4: {  	[sflag:s11] =	ssyncadd.s32 $0xFFFFD8F0  }
0xc5: {  	_ =	sfence.sel $0x180000  }
0xc6: {  	[bflag:$0x0] =	sbarrier.arrive $0xFFFF  }
0xc7: {  	p0 =	sne.s32 s1, $0x0;
	_ =	strace $0x9000004A  }
0xc8: {  	s0 =	sadd.s32 @!p0 $0x100000, s0;
	[bflag:$0x2] =	sbarrier.arrive $0xFFFF  }
0xc9: {  	[sflag:s0] =	ssyncadd.tile.s32 @!p0 $0x1;
	_ =	shalt  }
.Lfunc_end2:
_tile_overlayer_lowered:
.L_overlay_start_2:
0xca: {  	(tag) =	ssettag $0x2  }
0xcb: {  	s0 =	rddreg [dreg:$0x0];
	s2 =	stileid.u32  }
0xcc: {  	s1 =	rddreg [dreg:$0x1];
	p0 =	sne.s32 s2, $0x0  }
0xcd: {  	s3 =	rddreg [dreg:$0x2];
	[bflag:$0x3] =	sbarrier.arrive $0xFFFF;
	s2 =	simm.s32 @!p0 $0x1C03  }
0xce: {  	[timem:s3], [sflag:s2] =	dma.local @!p0 [hbm:s0], s1  }
0xcf: {  	s0 =	simm.s32 @!p0 $0x3  }
0xd0: {  	_ =	swait.ge @!p0 [sflag:s0], s1  }
0xd1: {  	s1 =	ssub.s32 @!p0 $0x0, s1;
	[sflag:s0] =	ssyncset.done @!p0 $0x0  }
0xd2: {  	[sflag:s0] =	ssyncadd.s32 @!p0 s1  }
0xd3: {  	[bflag:$0x3] =	sbarrier.arrive $0xFFFF  }
0xd4: {  	_ =	shalt  }

// kernel: kernel.26.cloned.1.call-start
scs
__scs_entry_jumppad:
0x0: {  	(pc) =	sbr.rel $0x88, $3  }
0x1: {  	(tag) =	ssettag $0x0;
	lr =	simm.s32 $0x1  }
0x2: {  	[smem:$0x3F75] =	sst lr;
	_ =	strace $0xD0000000  }
0x3: {  	_ = 	snop  }
0x4: {  	_ = 	snop  }
0x5: {  	_ = 	snop  }
0x6: {  	_ = 	snop  }
0x7: {  	_ = 	snop  }
__scs_overlays_trampoline_lowered:
0x8: {  	[smem:$0x3F84] =	sst s0  }
0x9: {  	[smem:$0x3F85] =	sst s1  }
0xa: {  	[smem:$0x3F86] =	sst s2  }
0xb: {  	[smem:$0x3F87] =	sst s3  }
0xc: {  	[smem:$0x3F88] =	sst s4  }
0xd: {  	[smem:$0x3F89] =	sst s5  }
0xe: {  	[smem:$0x3F8A] =	sst s6  }
0xf: {  	[smem:$0x3F8B] =	sst s7  }
0x10: {  	[smem:$0x3F8C] =	sst s8  }
0x11: {  	[smem:$0x3F8D] =	sst s9;
	s0 =	simm.s32 @!p0 $0x0  }
0x12: {  	s1 =	sld [smem:$0x3F73];
	s0 =	simm.s32 @p0 $0x1  }
0x13: {  	[smem:$0x3F8E] =	sst s0;
	s0 =	simm.s32 @!p1 $0x0  }
0x14: {  	s2 =	sld [smem:$0x3F72];
	s0 =	simm.s32 @p1 $0x1  }
0x15: {  	[smem:$0x3F8F] =	sst s0;
	s0 =	simm.s32 @!p2 $0x0  }
0x16: {  	s3 =	sld [smem:$0x3FDB];
	s0 =	simm.s32 @p2 $0x1  }
0x17: {  	s4 =	simm.s32 $0x1BF5;
	[smem:$0x3F91] =	sst s0  }
0x18: {  	s0 =	sld [smem:$0x3F74];
	_ =	swait.ge [sflag:s4], $0x0  }
0x19: {  	s7 =	sld [smem:$0x3F75]  }
0x1a: {  	s8 =	sadd.s32 $0xFFFFE003, lr  }
0x1b: {  	s9 =	sadd.s32 $0xFFFFFEF7, lr;
	s5 =	simm.s32 $0xFFFFFFFF;
	p2 =	slt.u32 s8, $0xFFFFF086  }
0x1c: {  	p1 =	slt.u32 s9, $0xF7A;
	s5 =	simm.s32 @!p2 $0x0  }
0x1d: {  	s5 =	simm.s32 @p1 $0x1;
	p0 =	seq.s32 s7, s2  }
0x1e: {  	s7 =	smul.u32 @!p0 $0xF7A, s2;
	p2 =	seq.s32 @!p0 s5, $0x0  }
0x1f: {  	s9 =	smul.u32 $0xF7A, s1;
	s8 =	simm.s32 @!p0 $0x1BF5;
	p2 =	por !p2, p0  }
0x20: {  	[sflag:s8] =	ssyncset.s32 @!p0 $0xFFFFF086;
	s6 =	sadd.s32 @!p0 s3, s7;
	s7 =	simm.s32 @!p0 $0x108  }
0x21: {  	s3 =	sadd.s32 s3, s9;
	s6 =	sadd.s32 @!p0 $0x88, s6;
	s7 =	simm.s32 @p2 $0x1082  }
0x22: {  	[simem:s7], [sflag:s8] =	dma.local @!p0 [hbm:s6], $0xF7A  }
0x23: {  	s9 =	sor.u32 $0xD0000000, s2;
	s6 =	simm.s32 $0x108;
	_ =	swait.ge @!p0 [sflag:s8], $0x0  }
0x24: {  	s3 =	sadd.s32 $0x88, s3;
	s6 =	simm.s32 @!p1 $0x1082;
	[sflag:s4] =	ssyncset.s32 $0xFFFFF086  }
0x25: {  	[simem:s6], [sflag:s4] =	dma.local [hbm:s3], $0xF7A  }
0x26: {  	[smem:$0x3F75] =	sst s1;
	(tag) =	ssettag s2;
	_ =	strace s9  }
0x27: {  	s1 =	sld [smem:$0x3F85]  }
0x28: {  	s2 =	sld [smem:$0x3F86]  }
0x29: {  	s4 =	sld [smem:$0x3F88]  }
0x2a: {  	p0 =	seq.s32 s5, $0x0;
	s5 =	sld [smem:$0x3F89]  }
0x2b: {  	s6 =	sld [smem:$0x3F8A]  }
0x2c: {  	s7 =	sld [smem:$0x3F8B]  }
0x2d: {  	s3 =	simm.s32 $0x108;
	s8 =	sld [smem:$0x3F8C]  }
0x2e: {  	s3 =	simm.s32 @!p0 $0x1082;
	s9 =	sld [smem:$0x3F8D]  }
0x2f: {  	lr =	sadd.s32 s0, s3;
	s0 =	sld [smem:$0x3F84]  }
0x30: {  	s3 =	sld [smem:$0x3F87]  }
0x31: {  	[smem:$0x3F90] =	sst s10  }
0x32: {  	s10 =	sld [smem:$0x3F8E];
	_ =	sdelay $0x3  }
0x33: {  	p0 =	seq.s32 s10, $0x1;
	s10 =	sld [smem:$0x3F90];
	_ =	sdelay $0x3  }
0x34: {  	[smem:$0x3F90] =	sst s10  }
0x35: {  	s10 =	sld [smem:$0x3F8F];
	_ =	sdelay $0x3  }
0x36: {  	p1 =	seq.s32 s10, $0x1;
	s10 =	sld [smem:$0x3F90];
	_ =	sdelay $0x3  }
0x37: {  	[smem:$0x3F90] =	sst s10  }
0x38: {  	s10 =	sld [smem:$0x3F91]  }
0x39: {  	_ = 	snop;
	(pc) =	sbr.ind lr, $3  }
0x3a: {  	_ = 	snop  }
0x3b: {  	_ = 	snop  }
0x3c: {  	p2 =	seq.s32 s10, $0x1;
	s10 =	sld [smem:$0x3F90]  }
0x3d: {  	_ =	shalt  }
0x3e: {  	_ =	shalt  }
0x3f: {  	_ =	shalt  }
0x40: {  	_ =	shalt  }
0x41: {  	_ =	shalt  }
0x42: {  	_ =	shalt  }
0x43: {  	_ =	shalt  }
0x44: {  	_ =	shalt  }
0x45: {  	_ =	shalt  }
0x46: {  	_ =	shalt  }
0x47: {  	_ =	shalt  }
0x48: {  	_ =	shalt  }
0x49: {  	_ =	shalt  }
0x4a: {  	_ =	shalt  }
0x4b: {  	_ =	shalt  }
0x4c: {  	_ =	shalt  }
0x4d: {  	_ =	shalt  }
0x4e: {  	_ =	shalt  }
0x4f: {  	_ =	shalt  }
0x50: {  	_ =	shalt  }
0x51: {  	_ =	shalt  }
0x52: {  	_ =	shalt  }
0x53: {  	_ =	shalt  }
0x54: {  	_ =	shalt  }
0x55: {  	_ =	shalt  }
0x56: {  	_ =	shalt  }
0x57: {  	_ =	shalt  }
0x58: {  	_ =	shalt  }
0x59: {  	_ =	shalt  }
0x5a: {  	_ =	shalt  }
0x5b: {  	_ =	shalt  }
0x5c: {  	_ =	shalt  }
0x5d: {  	_ =	shalt  }
0x5e: {  	_ =	shalt  }
0x5f: {  	_ =	shalt  }
0x60: {  	_ =	shalt  }
0x61: {  	_ =	shalt  }
0x62: {  	_ =	shalt  }
0x63: {  	_ =	shalt  }
0x64: {  	_ =	shalt  }
0x65: {  	_ =	shalt  }
0x66: {  	_ =	shalt  }
0x67: {  	_ =	shalt  }
0x68: {  	_ =	shalt  }
0x69: {  	_ =	shalt  }
0x6a: {  	_ =	shalt  }
0x6b: {  	_ =	shalt  }
0x6c: {  	_ =	shalt  }
0x6d: {  	_ =	shalt  }
0x6e: {  	_ =	shalt  }
0x6f: {  	_ =	shalt  }
0x70: {  	_ =	shalt  }
0x71: {  	_ =	shalt  }
0x72: {  	_ =	shalt  }
0x73: {  	_ =	shalt  }
0x74: {  	_ =	shalt  }
0x75: {  	_ =	shalt  }
0x76: {  	_ =	shalt  }
0x77: {  	_ =	shalt  }
0x78: {  	_ =	shalt  }
0x79: {  	_ =	shalt  }
0x7a: {  	_ =	shalt  }
0x7b: {  	_ =	shalt  }
0x7c: {  	_ =	shalt  }
0x7d: {  	_ =	shalt  }
0x7e: {  	_ =	shalt  }
0x7f: {  	_ =	shalt  }
0x80: {  	_ =	shalt  }
0x81: {  	_ =	shalt  }
0x82: {  	_ =	shalt  }
0x83: {  	_ =	shalt  }
0x84: {  	_ =	shalt  }
0x85: {  	_ =	shalt  }
0x86: {  	_ =	shalt  }
0x87: {  	_ =	shalt  }
.Lfunc_end0:
.L_simem_size_0:
called_computation.2_lowered:
.L_overlay_start_0:
0x88: {  	s2 =	sld [smem:$0x3FD9]  }
0x89: {  	s3 =	sld [smem:$0x3FFE];
	_ =	sdelay $0x1  }
0x8a: {  	s1 =	srdreg.scid  }
0x8b: {  	s0 =	sand.u32 $0x1, s1  }
0x8c: {  	s16 =	sshll.u32 s0, $0xA;
	s2 =	sadd.s32 s3, s2  }
0x8d: {  	s2 =	sadd.s32 s2, s16  }
0x8e: {  	[smem:$0x3F9C] =	sst s2  }
0x8f: {  	_ = 	snop  }
0x90: {  	(tm) =	ssettm $0x1  }
0x91: {  	s17 =	sld [smem:$0x3FFB];
	_ =	sdelay $0x3  }
0x92: {  	_ =	strace s17  }
0x93: {  	s2 =	sld [smem:$0x3FFC];
	_ =	sdelay $0x3  }
0x94: {  	_ =	strace s2  }
0x95: {  	s2 =	sld [smem:$0x3FFD];
	_ =	sdelay $0x3  }
0x96: {  	_ =	strace s2  }
0x97: {  	_ =	strace $0x8FFFFFFF  }
0x98: {  	s18 =	sld [smem:$0x3FDB];
	_ =	sdelay $0x1  }
0x99: {  	s19 =	simm.s32 $_scs_section_size  }
0x9a: {  	s4 =	simm.s32 $_size__tile_overlayer_lowered;
	s5 =	simm.s32 $_tile_overlayer_lowered  }
0x9b: {  	s22 =	simm.s32 $0x1BFF;
	s21 =	sshll.u32 s5, $0x1;
	s2 =	sadd.s32 s19, s18  }
0x9c: {  	s6 =	simm.s32 $0x0;
	s20 =	sshll.u32 s4, $0x1;
	s4 =	sadd.s32 s21, s2  }
0x9d: {  	[timem:s6], [sflag:s22] =	dma.local [hbm:s4], s20  }
0x9e: {  	_ =	swait.ge [sflag:s22], s20  }
0x9f: {  	s3 =	ssub.s32 $0x0, s20;
	[sflag:s22] =	ssyncset.done $0x0  }
0xa0: {  	[sflag:s22] =	ssyncadd.s32 s3;
	_ =	sdelay $0x1  }
0xa1: {  	s23 =	simm.s32 $0x1B8B  }
0xa2: {  	_ =	swait.ge [sflag:s23], $0x1  }
0xa3: {  	[sflag:s23] =	ssyncset.done $0x0  }
0xa4: {  	s25 =	simm.s32 $0x1B8E;
	s24 =	sld [smem:$0x3FFE];
	[sflag:s23] =	ssyncadd.s32 $0xFFFFFFFF  }
0xa5: {  	s26 =	simm.s32 $execute0_lowered;
	[smem:$0x3FD2] =	sst s25  }
0xa6: {  	s4 =	sshll.u32 s26, $0x1;
	_ =	strace $0x8000004C;
	[dreg:$0x1] =	wrdreg $0xFFFFFFFF  }
0xa7: {  	s28 =	simm.s32 $_size_execute0_lowered;
	s2 =	sadd.s32 s2, s4;
	[dreg:$0x0] =	wrdreg $0x0  }
0xa8: {  	s4 =	sshll.u32 s28, $0x1;
	[dreg:$0x2] =	wrdreg s2  }
0xa9: {  	[dreg:$0x3] =	wrdreg s4  }
0xaa: {  	[dreg:$0x4] =	wrdreg $0xC0  }
0xab: {  	_ =	task [dreg:s6], $0x5FFFF  }
0xac: {  	[dreg:$0x1] =	wrdreg $0xFFFFFFFF  }
0xad: {  	[dreg:$0x0] =	wrdreg $0x60  }
0xae: {  	[dreg:$0x2] =	wrdreg s24  }
0xaf: {  	[dreg:$0x3] =	wrdreg $0xAF800  }
0xb0: {  	[dreg:$0x4] =	wrdreg $0x9  }
0xb1: {  	_ =	task.clear_ibuf [dreg:s6], $0x5FFFF;
	_ =	strace $0x9000004C  }
0xb2: {  	s29 =	simm.s32 $0x9;
	_ =	strace $0x8000004E  }
0xb3: {  	_ =	swait.ge [sflag:s29], $0x1  }
0xb4: {  	[sflag:s29] =	ssyncadd.s32 $0xFFFFFFFF  }
0xb5: {  	_ =	strace $0x9000004E  }
0xb6: {  	_ =	sfence  }
0xb7: {  	s30 =	sld [smem:$0x0];
	_ =	sdelay $0x2  }
0xb8: {  	s31 =	sshll.u32 s1, $0xD;
	s1 =	sshrl.u32 s1, $0x2  }
0xb9: {  	s3 =	sand.u32 $0x4000, s31;
	s1 =	sadd.s32 s1, s30  }
0xba: {  	s0 =	sor.u32 s3, s0;
	s1 =	sshll.u32 s1, $0x11  }
0xbb: {  	s0 =	sor.u32 s1, s0  }
0xbc: {  	s0 =	sadd.s32 $0x8F2B, s0  }
0xbd: {  	[sflag:s0] =	ssyncadd.remote.s32 $0x1  }
0xbe: {  	_ =	sfence.sel $0xFFFF  }
0xbf: {  	[dreg:$0x0] =	wrdreg $0xFFFFFFFF;
	(pc) =	sbr.abs _section_cstart, $3  }
0xc0: {  	[dreg:$0x1] =	wrdreg $0xFFFFFFFF  }
0xc1: {  	_ =	task.clear_ibuf [dreg:s6], $0x2FFFF;
	_ =	strace $0x9FFFFFFF  }
0xc2: {  	(tm) =	ssettm $0x7FFFFFFF  }
0xc3: {  	_ =	shalt  }
tec
execute0_lowered:
.L_overlay_start_1:
0x0: {  	(tag) =	ssettag $0x1  }
0x1: {  	s6 =	rddreg [dreg:$0x0]  }
0x2: {  	s2 =	rddreg [dreg:$0x1]  }
0x3: {  	s0 =	rddreg [dreg:$0x2]  }
0x4: {  	s1 =	stileid.u32;
	s4 =	srdreg.scid;
	s3 =	simm.s32 $0x0  }
0x5: {  	s15 =	simm.s32 $0x60;
	s16 =	simm.s32 $0x4F80;
	s17 =	simm.s32 $0x1  }
0x6: {  	s18 =	simm.s32 $0x7F80;
	s19 =	simm.s32 $0x2;
	s20 =	simm.s32 $0x4F20  }
0x7: {  	s22 =	simm.s32 $0x2760;
	s23 =	simm.s32 $0x0;
	s9 =	smul.u32 $0x13880, s1  }
0x8: {  	s8 =	sand.u32 $0x1, s4;
	[smem:$0x7FF] =	sst s3;
	s7 =	smul.u32 $0x4F8, s1  }
0x9: {  	s4 =	sadd.s32 $0x101A00, s6;
	s13 =	sshll.u32 s1, $0x6;
	s5 =	smul.u32 $0x271000, s8  }
0xa: {  	_ =	strace $0x8000004D;
	s11 =	ssub.s32 $0x2, s8;
	s21 =	sshll.u32 s8, $0x1  }
0xb: {  	s13 =	sor.u32 $0x1C03, s13;
	s12 =	sshrl.u32 s11, $0x1;
	s7 =	sadd.s32 s7, s6  }
0xc: {  	s14 =	sadd.s32 s9, s2;
	v0 =	vmov s21;
	s21 =	simm.s32 $0x2700;
	s10 =	sadd.s32 s9, s5  }
0xd: {  	s5 =	sadd.s32 $0x62E00, s6;
	s11 =	ssub.s32 s11, s12;
	s10 =	sshrl.u32 s10, $0x3  }
0xe: {  	s12 =	simm.s32 $0x27C0;
	s14 =	sshrl.u32 s14, $0x3;
	s10 =	sadd.s32 s10, s6  }
0xf: {  	s6 =	sadd.s32 $0x58E00, s7;
	s7 =	sadd.s32 $0x5DE00, s7;
	s8 =	sadd.s32 $0x19DE00, s10  }
0x10: {  	s9 =	sadd.s32 $0x1C4F00, s10;
	s10 =	smax.u32 s11, $0x1;
	s11 =	simm.s32 $0x3  }
.LBB2_1:
0x11: {  	[tilespmem:s3], [sflag:$0x3] =	stream.linear.gather [hbm4b:s6+s3], $0x27C0, $0x38;
	[tilespmem:$0x1EB80] =	vst v63  }
0x12: {  	_ =	swait.ge [sflag:s11], $0x27C0  }
0x13: {  	[sflag:s11] =	ssyncset.done $0x0  }
0x14: {  	[sflag:s11] =	ssyncadd.s32 $0xFFFFD840  }
0x15: {  	[tilespmem:s12], [sflag:$0x3] =	stream.linear.gather [hbm4b:s7+s3], $0x27C0, $0x38;
	[tilespmem:$0x1EB80] =	vst v63  }
0x16: {  	_ =	swait.ge [sflag:s11], $0x27C0  }
0x17: {  	[sflag:s11] =	ssyncset.done $0x0  }
0x18: {  	s24 =	simm.s32 $0x0;
	[sflag:s11] =	ssyncadd.s32 $0xFFFFD840  }
0x19: {  	v5 =	vld [tilespmem:s24+$0x27C0]  }
0x1a: {  	v4 =	vld [tilespmem:s24+$0x27D0]  }
0x1b: {  	v3 =	vld [tilespmem:s24+$0x27E0]  }
0x1c: {  	v2 =	vld [tilespmem:s24+$0x27F0]  }
0x1d: {  	s25 =	simm.s32 $0x180;
	v1 =	vld [tilespmem:s24+$0x2800]  }
.LBB2_2:
0x1e: {  	p0 =	sne.s32 s25, $0x9D80;
	v5 =	vshll.u32 v5, $0x2;
	v6 =	vld [tilespmem:s24+$0x2810]  }
0x1f: {  	v5 =	vor.u32 v0, v5;
	v4 =	vshll.u32 v4, $0x2  }
0x20: {  	s26 =	sshra.s32 s25, $0x2;
	[tilespmem:s24+$0x27C0] =	vst v5;
	v4 =	vor.u32 v0, v4;
	v3 =	vshll.u32 v3, $0x2  }
.Ltmp0:
0x21: {  	v5 =	vld [tilespmem:s26+$0x27C0];
	[tilespmem:s24+$0x27D0] =	vst v4;
	v3 =	vor.u32 v0, v3;
	v2 =	vshll.u32 v2, $0x2;
	(pc) =	sbr.rel @p0 .LBB2_2-.Ltmp0, $4  }
0x22: {  	v4 =	vld [tilespmem:s26+$0x27D0];
	[tilespmem:s24+$0x27E0] =	vst v3;
	v2 =	vor.u32 v0, v2;
	v1 =	vshll.u32 v1, $0x2  }
0x23: {  	v3 =	vld [tilespmem:s26+$0x27E0];
	[tilespmem:s24+$0x27F0] =	vst v2;
	v1 =	vor.u32 v0, v1;
	v6 =	vshll.u32 v6, $0x2  }
0x24: {  	v2 =	vld [tilespmem:s26+$0x27F0];
	[tilespmem:s24+$0x2800] =	vst v1;
	v6 =	vor.u32 v0, v6  }
0x25: {  	s25 =	sadd.s32 $0x180, s25;
	v1 =	vld [tilespmem:s26+$0x2800];
	[tilespmem:s24+$0x2810] =	vst v6;
	s24 =	smov.u32 s26  }
0x26: {  	v5 =	vshll.u32 v5, $0x2;
	v6 =	vld [tilespmem:s24+$0x2810]  }
0x27: {  	v5 =	vor.u32 v0, v5;
	v4 =	vshll.u32 v4, $0x2  }
0x28: {  	[tilespmem:s24+$0x27C0] =	vst v5;
	v4 =	vor.u32 v0, v4;
	v3 =	vshll.u32 v3, $0x2  }
0x29: {  	[tilespmem:s24+$0x27D0] =	vst v4;
	v3 =	vor.u32 v0, v3;
	v2 =	vshll.u32 v2, $0x2  }
0x2a: {  	[tilespmem:s24+$0x27E0] =	vst v3;
	v2 =	vor.u32 v0, v2;
	v1 =	vshll.u32 v1, $0x2  }
0x2b: {  	[tilespmem:s24+$0x27F0] =	vst v2;
	v1 =	vor.u32 v0, v1;
	v2 =	vshll.u32 v6, $0x2  }
0x2c: {  	[tilespmem:s24+$0x2800] =	vst v1;
	v1 =	vor.u32 v0, v2  }
0x2d: {  	[tilespmem:s24+$0x2810] =	vst v1  }
0x2e: {  	[spmem:s14], [sflag:s13] =	dma.local [hbm:s5], $0x2710  }
0x2f: {  	_ =	swait.ge [sflag:s11], $0x2710  }
0x30: {  	[sflag:s11] =	ssyncset.done $0x0  }
0x31: {  	[sflag:s11] =	ssyncadd.s32 $0xFFFFD8F0  }
0x32: {  	[bflag:$0x0] =	sbarrier.arrive $0xFFFF  }
0x33: {  	[tilespmem:s16], [sflag:$0x1] =	stream.indirect.gather [hbm4b:s4+s15], $0x80, s12, s15, $0xb8;
	[tilespmem:$0x1EB80] =	vst v63  }
0x34: {  	_ =	swait.ge [sflag:s17], $0x3000  }
0x35: {  	[sflag:s17] =	ssyncset.done $0x0  }
0x36: {  	s28 =	simm.s32 $0x2820;
	[sflag:s17] =	ssyncadd.s32 $0xFFFFD000  }
0x37: {  	[tilespmem:s18], [sflag:$0x2] =	stream.indirect.gather [hbm4b:s4+s15], $0x80, s28, s15, $0xb8;
	[tilespmem:$0x1EB80] =	vst v63  }
0x38: {  	s29 =	simm.s32 $0x0  }
0x39: {  	[spmem:s2] =	stream.indirect.scatter.add.f32 [tilespmem:s16], [sflag:$0x3], $0x80, s29, s15, $0xb8;
	[tilespmem:$0x1EB80] =	vst v63  }
0x3a: {  	_ =	swait.ge [sflag:s11], $0x3000  }
0x3b: {  	[sflag:s11] =	ssyncset.done $0x0  }
0x3c: {  	[sflag:s11] =	ssyncadd.s32 $0xFFFFD000  }
0x3d: {  	_ =	swait.ge [sflag:s19], $0x3000  }
0x3e: {  	[sflag:s19] =	ssyncset.done $0x0  }
0x3f: {  	s30 =	simm.s32 $0x2880;
	[sflag:s19] =	ssyncadd.s32 $0xFFFFD000  }
0x40: {  	[tilespmem:s16], [sflag:$0x1] =	stream.indirect.gather [hbm4b:s4+s15], $0x80, s30, s15, $0xb8;
	[tilespmem:$0x1EB80] =	vst v63  }
0x41: {  	s31 =	simm.s32 $0x60  }
0x42: {  	[spmem:s2] =	stream.indirect.scatter.add.f32 [tilespmem:s18], [sflag:$0x3], $0x80, s31, s15, $0xb8;
	[tilespmem:$0x1EB80] =	vst v63  }
0x43: {  	_ =	swait.ge [sflag:s11], $0x3000  }
0x44: {  	s24 =	simm.s32 $0x300;
	[sflag:s11] =	ssyncset.done $0x0  }
.LBB2_4:
0x45: {  	p0 =	sne.s32 s24, $0x9900  }
0x46: {  	[sflag:s11] =	ssyncadd.s32 $0xFFFFD000;
	s25 =	smov.u32 s24;
	s24 =	sadd.s32 $0x300, s24  }
0x47: {  	_ = 	snop  }
0x48: {  	_ =	swait.ge [sflag:s17], $0x3000  }
0x49: {  	s25 =	sshra.s32 s25, $0x2;
	[sflag:s17] =	ssyncset.done $0x0  }
0x4a: {  	s26 =	sadd.s32 $0x2820, s25;
	[sflag:s17] =	ssyncadd.s32 $0xFFFFD000  }
0x4b: {  	[tilespmem:s18], [sflag:$0x2] =	stream.indirect.gather [hbm4b:s4+s15], $0x80, s26, s15, $0xb8;
	[tilespmem:$0x1EB80] =	vst v63  }
0x4c: {  	_ = 	snop  }
0x4d: {  	[spmem:s2] =	stream.indirect.scatter.add.f32 [tilespmem:s16], [sflag:$0x3], $0x80, s25, s15, $0xb8;
	[tilespmem:$0x1EB80] =	vst v63  }
0x4e: {  	_ =	swait.ge [sflag:s11], $0x3000  }
0x4f: {  	[sflag:s11] =	ssyncset.done $0x0  }
0x50: {  	[sflag:s11] =	ssyncadd.s32 $0xFFFFD000  }
0x51: {  	_ =	swait.ge [sflag:s19], $0x3000  }
0x52: {  	[sflag:s19] =	ssyncset.done $0x0  }
0x53: {  	s26 =	sadd.s32 $0x2880, s25;
	[sflag:s19] =	ssyncadd.s32 $0xFFFFD000  }
0x54: {  	[tilespmem:s16], [sflag:$0x1] =	stream.indirect.gather [hbm4b:s4+s15], $0x80, s26, s15, $0xb8;
	[tilespmem:$0x1EB80] =	vst v63  }
.Ltmp1:
0x55: {  	_ = 	snop;
	(pc) =	sbr.rel @p0 .LBB2_4-.Ltmp1, $4  }
0x56: {  	s25 =	sadd.s32 $0x60, s25  }
0x57: {  	[spmem:s2] =	stream.indirect.scatter.add.f32 [tilespmem:s18], [sflag:$0x3], $0x80, s25, s15, $0xb8;
	[tilespmem:$0x1EB80] =	vst v63  }
0x58: {  	_ =	swait.ge [sflag:s11], $0x3000  }
0x59: {  	[sflag:s11] =	ssyncset.done $0x0  }
0x5a: {  	[sflag:s11] =	ssyncadd.s32 $0xFFFFD000  }
0x5b: {  	_ =	swait.ge [sflag:s17], $0x3000  }
0x5c: {  	[sflag:s17] =	ssyncset.done $0x0  }
0x5d: {  	[sflag:s17] =	ssyncadd.s32 $0xFFFFD000  }
0x5e: {  	[tilespmem:s18], [sflag:$0x2] =	stream.indirect.gather [hbm4b:s4+s15], $0x80, s20, s15, $0xb8;
	[tilespmem:$0x1EB80] =	vst v63  }
0x5f: {  	_ = 	snop  }
0x60: {  	[spmem:s2] =	stream.indirect.scatter.add.f32 [tilespmem:s16], [sflag:$0x3], $0x80, s21, s15, $0xb8;
	[tilespmem:$0x1EB80] =	vst v63  }
0x61: {  	_ =	swait.ge [sflag:s11], $0x3000  }
0x62: {  	[sflag:s11] =	ssyncset.done $0x0  }
0x63: {  	[sflag:s11] =	ssyncadd.s32 $0xFFFFD000  }
0x64: {  	_ =	swait.ge [sflag:s19], $0x3000  }
0x65: {  	[sflag:s19] =	ssyncset.done $0x0  }
0x66: {  	[sflag:s19] =	ssyncadd.s32 $0xFFFFD000  }
0x67: {  	[spmem:s2] =	stream.indirect.scatter.add.f32 [tilespmem:s18], [sflag:$0x3], $0x80, s22, s15, $0xb8;
	[tilespmem:$0x1EB80] =	vst v63  }
0x68: {  	_ =	swait.ge [sflag:s11], $0x3000  }
0x69: {  	[sflag:s11] =	ssyncset.done $0x0  }
0x6a: {  	[sflag:s11] =	ssyncadd.s32 $0xFFFFD000  }
0x6b: {  	[bflag:$0x0] =	sbarrier.arrive $0xFFFF  }
0x6c: {  	[hbm:s8], [sflag:s13] =	dma.local [spmem:s14], $0x2710  }
0x6d: {  	_ =	swait.ge [sflag:s11], $0x2710  }
0x6e: {  	[sflag:s11] =	ssyncset.done $0x0  }
0x6f: {  	s24 =	simm.s32 $0x0;
	[sflag:s11] =	ssyncadd.s32 $0xFFFFD8F0  }
0x70: {  	v5 =	vld [tilespmem:s24+$0x27C0]  }
0x71: {  	v4 =	vld [tilespmem:s24+$0x27D0]  }
0x72: {  	v3 =	vld [tilespmem:s24+$0x27E0]  }
0x73: {  	v2 =	vld [tilespmem:s24+$0x27F0]  }
0x74: {  	s25 =	simm.s32 $0x180;
	v1 =	vld [tilespmem:s24+$0x2800]  }
.LBB2_6:
0x75: {  	p0 =	sne.s32 s25, $0x9D80;
	v5 =	vadd.s32 $0x1, v5;
	v6 =	vld [tilespmem:s24+$0x2810]  }
0x76: {  	s26 =	sshra.s32 s25, $0x2;
	[tilespmem:s24+$0x27C0] =	vst v5;
	v4 =	vadd.s32 $0x1, v4  }
.Ltmp2:
0x77: {  	v5 =	vld [tilespmem:s26+$0x27C0];
	[tilespmem:s24+$0x27D0] =	vst v4;
	v3 =	vadd.s32 $0x1, v3;
	(pc) =	sbr.rel @p0 .LBB2_6-.Ltmp2, $4  }
0x78: {  	v4 =	vld [tilespmem:s26+$0x27D0];
	[tilespmem:s24+$0x27E0] =	vst v3;
	v2 =	vadd.s32 $0x1, v2  }
0x79: {  	v3 =	vld [tilespmem:s26+$0x27E0];
	[tilespmem:s24+$0x27F0] =	vst v2;
	v1 =	vadd.s32 $0x1, v1  }
0x7a: {  	v2 =	vld [tilespmem:s26+$0x27F0];
	[tilespmem:s24+$0x2800] =	vst v1;
	v6 =	vadd.s32 $0x1, v6  }
0x7b: {  	s25 =	sadd.s32 $0x180, s25;
	v1 =	vld [tilespmem:s26+$0x2800];
	[tilespmem:s24+$0x2810] =	vst v6;
	s24 =	smov.u32 s26  }
0x7c: {  	v5 =	vadd.s32 $0x1, v5;
	v6 =	vld [tilespmem:s24+$0x2810]  }
0x7d: {  	[tilespmem:s24+$0x27C0] =	vst v5;
	v4 =	vadd.s32 $0x1, v4  }
0x7e: {  	[tilespmem:s24+$0x27D0] =	vst v4;
	v3 =	vadd.s32 $0x1, v3  }
0x7f: {  	[tilespmem:s24+$0x27E0] =	vst v3;
	v2 =	vadd.s32 $0x1, v2  }
0x80: {  	[tilespmem:s24+$0x27F0] =	vst v2;
	v1 =	vadd.s32 $0x1, v1  }
0x81: {  	[tilespmem:s24+$0x2800] =	vst v1;
	v1 =	vadd.s32 $0x1, v6  }
0x82: {  	[tilespmem:s24+$0x2810] =	vst v1  }
0x83: {  	[spmem:s14], [sflag:s13] =	dma.local [hbm:s5], $0x2710  }
0x84: {  	_ =	swait.ge [sflag:s11], $0x2710  }
0x85: {  	[sflag:s11] =	ssyncset.done $0x0  }
0x86: {  	[sflag:s11] =	ssyncadd.s32 $0xFFFFD8F0  }
0x87: {  	[bflag:$0x0] =	sbarrier.arrive $0xFFFF  }
0x88: {  	[tilespmem:s16], [sflag:$0x1] =	stream.indirect.gather [hbm4b:s4+s15], $0x80, s12, s15, $0xb8;
	[tilespmem:$0x1EB80] =	vst v63  }
0x89: {  	_ =	swait.ge [sflag:s17], $0x3000  }
0x8a: {  	[sflag:s17] =	ssyncset.done $0x0  }
0x8b: {  	s28 =	simm.s32 $0x2820;
	[sflag:s17] =	ssyncadd.s32 $0xFFFFD000  }
0x8c: {  	[tilespmem:s18], [sflag:$0x2] =	stream.indirect.gather [hbm4b:s4+s15], $0x80, s28, s15, $0xb8;
	[tilespmem:$0x1EB80] =	vst v63  }
0x8d: {  	s29 =	simm.s32 $0x0  }
0x8e: {  	[spmem:s2] =	stream.indirect.scatter.add.f32 [tilespmem:s16], [sflag:$0x3], $0x80, s29, s15, $0xb8;
	[tilespmem:$0x1EB80] =	vst v63  }
0x8f: {  	_ =	swait.ge [sflag:s11], $0x3000  }
0x90: {  	[sflag:s11] =	ssyncset.done $0x0  }
0x91: {  	[sflag:s11] =	ssyncadd.s32 $0xFFFFD000  }
0x92: {  	_ =	swait.ge [sflag:s19], $0x3000  }
0x93: {  	[sflag:s19] =	ssyncset.done $0x0  }
0x94: {  	s30 =	simm.s32 $0x2880;
	[sflag:s19] =	ssyncadd.s32 $0xFFFFD000  }
0x95: {  	[tilespmem:s16], [sflag:$0x1] =	stream.indirect.gather [hbm4b:s4+s15], $0x80, s30, s15, $0xb8;
	[tilespmem:$0x1EB80] =	vst v63  }
0x96: {  	s31 =	simm.s32 $0x60  }
0x97: {  	[spmem:s2] =	stream.indirect.scatter.add.f32 [tilespmem:s18], [sflag:$0x3], $0x80, s31, s15, $0xb8;
	[tilespmem:$0x1EB80] =	vst v63  }
0x98: {  	_ =	swait.ge [sflag:s11], $0x3000  }
0x99: {  	s24 =	simm.s32 $0x300;
	[sflag:s11] =	ssyncset.done $0x0  }
.LBB2_8:
0x9a: {  	p0 =	sne.s32 s24, $0x9900  }
0x9b: {  	[sflag:s11] =	ssyncadd.s32 $0xFFFFD000;
	s25 =	smov.u32 s24;
	s24 =	sadd.s32 $0x300, s24  }
0x9c: {  	_ = 	snop  }
0x9d: {  	_ =	swait.ge [sflag:s17], $0x3000  }
0x9e: {  	s25 =	sshra.s32 s25, $0x2;
	[sflag:s17] =	ssyncset.done $0x0  }
0x9f: {  	s26 =	sadd.s32 $0x2820, s25;
	[sflag:s17] =	ssyncadd.s32 $0xFFFFD000  }
0xa0: {  	[tilespmem:s18], [sflag:$0x2] =	stream.indirect.gather [hbm4b:s4+s15], $0x80, s26, s15, $0xb8;
	[tilespmem:$0x1EB80] =	vst v63  }
0xa1: {  	_ = 	snop  }
0xa2: {  	[spmem:s2] =	stream.indirect.scatter.add.f32 [tilespmem:s16], [sflag:$0x3], $0x80, s25, s15, $0xb8;
	[tilespmem:$0x1EB80] =	vst v63  }
0xa3: {  	_ =	swait.ge [sflag:s11], $0x3000  }
0xa4: {  	[sflag:s11] =	ssyncset.done $0x0  }
0xa5: {  	[sflag:s11] =	ssyncadd.s32 $0xFFFFD000  }
0xa6: {  	_ =	swait.ge [sflag:s19], $0x3000  }
0xa7: {  	[sflag:s19] =	ssyncset.done $0x0  }
0xa8: {  	s26 =	sadd.s32 $0x2880, s25;
	[sflag:s19] =	ssyncadd.s32 $0xFFFFD000  }
0xa9: {  	[tilespmem:s16], [sflag:$0x1] =	stream.indirect.gather [hbm4b:s4+s15], $0x80, s26, s15, $0xb8;
	[tilespmem:$0x1EB80] =	vst v63  }
.Ltmp3:
0xaa: {  	_ = 	snop;
	(pc) =	sbr.rel @p0 .LBB2_8-.Ltmp3, $4  }
0xab: {  	s25 =	sadd.s32 $0x60, s25  }
0xac: {  	[spmem:s2] =	stream.indirect.scatter.add.f32 [tilespmem:s18], [sflag:$0x3], $0x80, s25, s15, $0xb8;
	[tilespmem:$0x1EB80] =	vst v63  }
0xad: {  	_ =	swait.ge [sflag:s11], $0x3000  }
0xae: {  	[sflag:s11] =	ssyncset.done $0x0  }
0xaf: {  	[sflag:s11] =	ssyncadd.s32 $0xFFFFD000  }
0xb0: {  	_ =	swait.ge [sflag:s17], $0x3000  }
0xb1: {  	[sflag:s17] =	ssyncset.done $0x0  }
0xb2: {  	[sflag:s17] =	ssyncadd.s32 $0xFFFFD000  }
0xb3: {  	[tilespmem:s18], [sflag:$0x2] =	stream.indirect.gather [hbm4b:s4+s15], $0x80, s20, s15, $0xb8;
	[tilespmem:$0x1EB80] =	vst v63  }
0xb4: {  	_ = 	snop  }
0xb5: {  	[spmem:s2] =	stream.indirect.scatter.add.f32 [tilespmem:s16], [sflag:$0x3], $0x80, s21, s15, $0xb8;
	[tilespmem:$0x1EB80] =	vst v63  }
0xb6: {  	_ =	swait.ge [sflag:s11], $0x3000  }
0xb7: {  	[sflag:s11] =	ssyncset.done $0x0  }
0xb8: {  	[sflag:s11] =	ssyncadd.s32 $0xFFFFD000  }
0xb9: {  	_ =	swait.ge [sflag:s19], $0x3000  }
0xba: {  	[sflag:s19] =	ssyncset.done $0x0  }
0xbb: {  	[sflag:s19] =	ssyncadd.s32 $0xFFFFD000  }
0xbc: {  	[spmem:s2] =	stream.indirect.scatter.add.f32 [tilespmem:s18], [sflag:$0x3], $0x80, s22, s15, $0xb8;
	[tilespmem:$0x1EB80] =	vst v63  }
0xbd: {  	_ =	swait.ge [sflag:s11], $0x3000  }
0xbe: {  	s23 =	sadd.s32 $0x1, s23;
	[sflag:s11] =	ssyncset.done $0x0  }
0xbf: {  	p0 =	sne.s32 s23, s10;
	[sflag:s11] =	ssyncadd.s32 $0xFFFFD000  }
.Ltmp4:
0xc0: {  	[bflag:$0x0] =	sbarrier.arrive $0xFFFF;
	(pc) =	sbr.rel @p0 .LBB2_1-.Ltmp4, $4  }
0xc1: {  	[hbm:s9], [sflag:s13] =	dma.local [spmem:s14], $0x2710  }
0xc2: {  	_ =	swait.ge [sflag:s11], $0x2710  }
0xc3: {  	[sflag:s11] =	ssyncset.done $0x0  }
0xc4: {  	[sflag:s11] =	ssyncadd.s32 $0xFFFFD8F0  }
0xc5: {  	_ =	sfence.sel $0x180000  }
0xc6: {  	[bflag:$0x0] =	sbarrier.arrive $0xFFFF  }
0xc7: {  	p0 =	sne.s32 s1, $0x0;
	_ =	strace $0x9000004D  }
0xc8: {  	s0 =	sadd.s32 @!p0 $0x100000, s0;
	[bflag:$0x2] =	sbarrier.arrive $0xFFFF  }
0xc9: {  	[sflag:s0] =	ssyncadd.tile.s32 @!p0 $0x1;
	_ =	shalt  }
.Lfunc_end2:
_tile_overlayer_lowered:
.L_overlay_start_2:
0xca: {  	(tag) =	ssettag $0x2  }
0xcb: {  	s0 =	rddreg [dreg:$0x0];
	s2 =	stileid.u32  }
0xcc: {  	s1 =	rddreg [dreg:$0x1];
	p0 =	sne.s32 s2, $0x0  }
0xcd: {  	s3 =	rddreg [dreg:$0x2];
	[bflag:$0x3] =	sbarrier.arrive $0xFFFF;
	s2 =	simm.s32 @!p0 $0x1C03  }
0xce: {  	[timem:s3], [sflag:s2] =	dma.local @!p0 [hbm:s0], s1  }
0xcf: {  	s0 =	simm.s32 @!p0 $0x3  }
0xd0: {  	_ =	swait.ge @!p0 [sflag:s0], s1  }
0xd1: {  	s1 =	ssub.s32 @!p0 $0x0, s1;
	[sflag:s0] =	ssyncset.done @!p0 $0x0  }
0xd2: {  	[sflag:s0] =	ssyncadd.s32 @!p0 s1  }
0xd3: {  	[bflag:$0x3] =	sbarrier.arrive $0xFFFF  }
0xd4: {  	_ =	shalt  }

// kernel: kernel.29.cloned.1.call-start
scs
__scs_entry_jumppad:
0x0: {  	(pc) =	sbr.rel $0x88, $3  }
0x1: {  	(tag) =	ssettag $0x0;
	lr =	simm.s32 $0x1  }
0x2: {  	[smem:$0x3F75] =	sst lr;
	_ =	strace $0xD0000000  }
0x3: {  	_ = 	snop  }
0x4: {  	_ = 	snop  }
0x5: {  	_ = 	snop  }
0x6: {  	_ = 	snop  }
0x7: {  	_ = 	snop  }
__scs_overlays_trampoline_lowered:
0x8: {  	[smem:$0x3F84] =	sst s0  }
0x9: {  	[smem:$0x3F85] =	sst s1  }
0xa: {  	[smem:$0x3F86] =	sst s2  }
0xb: {  	[smem:$0x3F87] =	sst s3  }
0xc: {  	[smem:$0x3F88] =	sst s4  }
0xd: {  	[smem:$0x3F89] =	sst s5  }
0xe: {  	[smem:$0x3F8A] =	sst s6  }
0xf: {  	[smem:$0x3F8B] =	sst s7  }
0x10: {  	[smem:$0x3F8C] =	sst s8  }
0x11: {  	[smem:$0x3F8D] =	sst s9;
	s0 =	simm.s32 @!p0 $0x0  }
0x12: {  	s1 =	sld [smem:$0x3F73];
	s0 =	simm.s32 @p0 $0x1  }
0x13: {  	[smem:$0x3F8E] =	sst s0;
	s0 =	simm.s32 @!p1 $0x0  }
0x14: {  	s2 =	sld [smem:$0x3F72];
	s0 =	simm.s32 @p1 $0x1  }
0x15: {  	[smem:$0x3F8F] =	sst s0;
	s0 =	simm.s32 @!p2 $0x0  }
0x16: {  	s3 =	sld [smem:$0x3FDB];
	s0 =	simm.s32 @p2 $0x1  }
0x17: {  	s4 =	simm.s32 $0x1BF5;
	[smem:$0x3F91] =	sst s0  }
0x18: {  	s0 =	sld [smem:$0x3F74];
	_ =	swait.ge [sflag:s4], $0x0  }
0x19: {  	s7 =	sld [smem:$0x3F75]  }
0x1a: {  	s8 =	sadd.s32 $0xFFFFE003, lr  }
0x1b: {  	s9 =	sadd.s32 $0xFFFFFEF7, lr;
	s5 =	simm.s32 $0xFFFFFFFF;
	p2 =	slt.u32 s8, $0xFFFFF086  }
0x1c: {  	p1 =	slt.u32 s9, $0xF7A;
	s5 =	simm.s32 @!p2 $0x0  }
0x1d: {  	s5 =	simm.s32 @p1 $0x1;
	p0 =	seq.s32 s7, s2  }
0x1e: {  	s7 =	smul.u32 @!p0 $0xF7A, s2;
	p2 =	seq.s32 @!p0 s5, $0x0  }
0x1f: {  	s9 =	smul.u32 $0xF7A, s1;
	s8 =	simm.s32 @!p0 $0x1BF5;
	p2 =	por !p2, p0  }
0x20: {  	[sflag:s8] =	ssyncset.s32 @!p0 $0xFFFFF086;
	s6 =	sadd.s32 @!p0 s3, s7;
	s7 =	simm.s32 @!p0 $0x108  }
0x21: {  	s3 =	sadd.s32 s3, s9;
	s6 =	sadd.s32 @!p0 $0x88, s6;
	s7 =	simm.s32 @p2 $0x1082  }
0x22: {  	[simem:s7], [sflag:s8] =	dma.local @!p0 [hbm:s6], $0xF7A  }
0x23: {  	s9 =	sor.u32 $0xD0000000, s2;
	s6 =	simm.s32 $0x108;
	_ =	swait.ge @!p0 [sflag:s8], $0x0  }
0x24: {  	s3 =	sadd.s32 $0x88, s3;
	s6 =	simm.s32 @!p1 $0x1082;
	[sflag:s4] =	ssyncset.s32 $0xFFFFF086  }
0x25: {  	[simem:s6], [sflag:s4] =	dma.local [hbm:s3], $0xF7A  }
0x26: {  	[smem:$0x3F75] =	sst s1;
	(tag) =	ssettag s2;
	_ =	strace s9  }
0x27: {  	s1 =	sld [smem:$0x3F85]  }
0x28: {  	s2 =	sld [smem:$0x3F86]  }
0x29: {  	s4 =	sld [smem:$0x3F88]  }
0x2a: {  	p0 =	seq.s32 s5, $0x0;
	s5 =	sld [smem:$0x3F89]  }
0x2b: {  	s6 =	sld [smem:$0x3F8A]  }
0x2c: {  	s7 =	sld [smem:$0x3F8B]  }
0x2d: {  	s3 =	simm.s32 $0x108;
	s8 =	sld [smem:$0x3F8C]  }
0x2e: {  	s3 =	simm.s32 @!p0 $0x1082;
	s9 =	sld [smem:$0x3F8D]  }
0x2f: {  	lr =	sadd.s32 s0, s3;
	s0 =	sld [smem:$0x3F84]  }
0x30: {  	s3 =	sld [smem:$0x3F87]  }
0x31: {  	[smem:$0x3F90] =	sst s10  }
0x32: {  	s10 =	sld [smem:$0x3F8E];
	_ =	sdelay $0x3  }
0x33: {  	p0 =	seq.s32 s10, $0x1;
	s10 =	sld [smem:$0x3F90];
	_ =	sdelay $0x3  }
0x34: {  	[smem:$0x3F90] =	sst s10  }
0x35: {  	s10 =	sld [smem:$0x3F8F];
	_ =	sdelay $0x3  }
0x36: {  	p1 =	seq.s32 s10, $0x1;
	s10 =	sld [smem:$0x3F90];
	_ =	sdelay $0x3  }
0x37: {  	[smem:$0x3F90] =	sst s10  }
0x38: {  	s10 =	sld [smem:$0x3F91]  }
0x39: {  	_ = 	snop;
	(pc) =	sbr.ind lr, $3  }
0x3a: {  	_ = 	snop  }
0x3b: {  	_ = 	snop  }
0x3c: {  	p2 =	seq.s32 s10, $0x1;
	s10 =	sld [smem:$0x3F90]  }
0x3d: {  	_ =	shalt  }
0x3e: {  	_ =	shalt  }
0x3f: {  	_ =	shalt  }
0x40: {  	_ =	shalt  }
0x41: {  	_ =	shalt  }
0x42: {  	_ =	shalt  }
0x43: {  	_ =	shalt  }
0x44: {  	_ =	shalt  }
0x45: {  	_ =	shalt  }
0x46: {  	_ =	shalt  }
0x47: {  	_ =	shalt  }
0x48: {  	_ =	shalt  }
0x49: {  	_ =	shalt  }
0x4a: {  	_ =	shalt  }
0x4b: {  	_ =	shalt  }
0x4c: {  	_ =	shalt  }
0x4d: {  	_ =	shalt  }
0x4e: {  	_ =	shalt  }
0x4f: {  	_ =	shalt  }
0x50: {  	_ =	shalt  }
0x51: {  	_ =	shalt  }
0x52: {  	_ =	shalt  }
0x53: {  	_ =	shalt  }
0x54: {  	_ =	shalt  }
0x55: {  	_ =	shalt  }
0x56: {  	_ =	shalt  }
0x57: {  	_ =	shalt  }
0x58: {  	_ =	shalt  }
0x59: {  	_ =	shalt  }
0x5a: {  	_ =	shalt  }
0x5b: {  	_ =	shalt  }
0x5c: {  	_ =	shalt  }
0x5d: {  	_ =	shalt  }
0x5e: {  	_ =	shalt  }
0x5f: {  	_ =	shalt  }
0x60: {  	_ =	shalt  }
0x61: {  	_ =	shalt  }
0x62: {  	_ =	shalt  }
0x63: {  	_ =	shalt  }
0x64: {  	_ =	shalt  }
0x65: {  	_ =	shalt  }
0x66: {  	_ =	shalt  }
0x67: {  	_ =	shalt  }
0x68: {  	_ =	shalt  }
0x69: {  	_ =	shalt  }
0x6a: {  	_ =	shalt  }
0x6b: {  	_ =	shalt  }
0x6c: {  	_ =	shalt  }
0x6d: {  	_ =	shalt  }
0x6e: {  	_ =	shalt  }
0x6f: {  	_ =	shalt  }
0x70: {  	_ =	shalt  }
0x71: {  	_ =	shalt  }
0x72: {  	_ =	shalt  }
0x73: {  	_ =	shalt  }
0x74: {  	_ =	shalt  }
0x75: {  	_ =	shalt  }
0x76: {  	_ =	shalt  }
0x77: {  	_ =	shalt  }
0x78: {  	_ =	shalt  }
0x79: {  	_ =	shalt  }
0x7a: {  	_ =	shalt  }
0x7b: {  	_ =	shalt  }
0x7c: {  	_ =	shalt  }
0x7d: {  	_ =	shalt  }
0x7e: {  	_ =	shalt  }
0x7f: {  	_ =	shalt  }
0x80: {  	_ =	shalt  }
0x81: {  	_ =	shalt  }
0x82: {  	_ =	shalt  }
0x83: {  	_ =	shalt  }
0x84: {  	_ =	shalt  }
0x85: {  	_ =	shalt  }
0x86: {  	_ =	shalt  }
0x87: {  	_ =	shalt  }
.Lfunc_end0:
.L_simem_size_0:
called_computation.3_lowered:
.L_overlay_start_0:
0x88: {  	s2 =	sld [smem:$0x3FD9]  }
0x89: {  	s3 =	sld [smem:$0x3FFE];
	_ =	sdelay $0x1  }
0x8a: {  	s1 =	srdreg.scid  }
0x8b: {  	s0 =	sand.u32 $0x1, s1  }
0x8c: {  	s16 =	sshll.u32 s0, $0xA;
	s2 =	sadd.s32 s3, s2  }
0x8d: {  	s2 =	sadd.s32 s2, s16  }
0x8e: {  	[smem:$0x3F9C] =	sst s2  }
0x8f: {  	_ = 	snop  }
0x90: {  	(tm) =	ssettm $0x1  }
0x91: {  	s17 =	sld [smem:$0x3FFB];
	_ =	sdelay $0x3  }
0x92: {  	_ =	strace s17  }
0x93: {  	s2 =	sld [smem:$0x3FFC];
	_ =	sdelay $0x3  }
0x94: {  	_ =	strace s2  }
0x95: {  	s2 =	sld [smem:$0x3FFD];
	_ =	sdelay $0x3  }
0x96: {  	_ =	strace s2  }
0x97: {  	_ =	strace $0x8FFFFFFF  }
0x98: {  	s18 =	sld [smem:$0x3FDB];
	_ =	sdelay $0x1  }
0x99: {  	s19 =	simm.s32 $_scs_section_size  }
0x9a: {  	s4 =	simm.s32 $_size__tile_overlayer_lowered;
	s5 =	simm.s32 $_tile_overlayer_lowered  }
0x9b: {  	s22 =	simm.s32 $0x1BFF;
	s21 =	sshll.u32 s5, $0x1;
	s2 =	sadd.s32 s19, s18  }
0x9c: {  	s6 =	simm.s32 $0x0;
	s20 =	sshll.u32 s4, $0x1;
	s4 =	sadd.s32 s21, s2  }
0x9d: {  	[timem:s6], [sflag:s22] =	dma.local [hbm:s4], s20  }
0x9e: {  	_ =	swait.ge [sflag:s22], s20  }
0x9f: {  	s3 =	ssub.s32 $0x0, s20;
	[sflag:s22] =	ssyncset.done $0x0  }
0xa0: {  	[sflag:s22] =	ssyncadd.s32 s3;
	_ =	sdelay $0x1  }
0xa1: {  	s23 =	simm.s32 $0x1B8B  }
0xa2: {  	_ =	swait.ge [sflag:s23], $0x1  }
0xa3: {  	[sflag:s23] =	ssyncset.done $0x0  }
0xa4: {  	s25 =	simm.s32 $0x1B8E;
	s24 =	sld [smem:$0x3FFE];
	[sflag:s23] =	ssyncadd.s32 $0xFFFFFFFF  }
0xa5: {  	s26 =	simm.s32 $execute0_lowered;
	[smem:$0x3FD2] =	sst s25  }
0xa6: {  	s4 =	sshll.u32 s26, $0x1;
	_ =	strace $0x8000004F;
	[dreg:$0x1] =	wrdreg $0xFFFFFFFF  }
0xa7: {  	s28 =	simm.s32 $_size_execute0_lowered;
	s2 =	sadd.s32 s2, s4;
	[dreg:$0x0] =	wrdreg $0x0  }
0xa8: {  	s4 =	sshll.u32 s28, $0x1;
	[dreg:$0x2] =	wrdreg s2  }
0xa9: {  	[dreg:$0x3] =	wrdreg s4  }
0xaa: {  	[dreg:$0x4] =	wrdreg $0xC0  }
0xab: {  	_ =	task [dreg:s6], $0x5FFFF  }
0xac: {  	[dreg:$0x1] =	wrdreg $0xFFFFFFFF  }
0xad: {  	[dreg:$0x0] =	wrdreg $0x60  }
0xae: {  	[dreg:$0x2] =	wrdreg s24  }
0xaf: {  	[dreg:$0x3] =	wrdreg $0xAF800  }
0xb0: {  	[dreg:$0x4] =	wrdreg $0x9  }
0xb1: {  	_ =	task.clear_ibuf [dreg:s6], $0x5FFFF;
	_ =	strace $0x9000004F  }
0xb2: {  	s29 =	simm.s32 $0x9;
	_ =	strace $0x80000051  }
0xb3: {  	_ =	swait.ge [sflag:s29], $0x1  }
0xb4: {  	[sflag:s29] =	ssyncadd.s32 $0xFFFFFFFF  }
0xb5: {  	_ =	strace $0x90000051  }
0xb6: {  	_ =	sfence  }
0xb7: {  	s30 =	sld [smem:$0x0];
	_ =	sdelay $0x2  }
0xb8: {  	s31 =	sshll.u32 s1, $0xD;
	s1 =	sshrl.u32 s1, $0x2  }
0xb9: {  	s3 =	sand.u32 $0x4000, s31;
	s1 =	sadd.s32 s1, s30  }
0xba: {  	s0 =	sor.u32 s3, s0;
	s1 =	sshll.u32 s1, $0x11  }
0xbb: {  	s0 =	sor.u32 s1, s0  }
0xbc: {  	s0 =	sadd.s32 $0x8F2B, s0  }
0xbd: {  	[sflag:s0] =	ssyncadd.remote.s32 $0x1  }
0xbe: {  	_ =	sfence.sel $0xFFFF  }
0xbf: {  	[dreg:$0x0] =	wrdreg $0xFFFFFFFF;
	(pc) =	sbr.abs _section_cstart, $3  }
0xc0: {  	[dreg:$0x1] =	wrdreg $0xFFFFFFFF  }
0xc1: {  	_ =	task.clear_ibuf [dreg:s6], $0x2FFFF;
	_ =	strace $0x9FFFFFFF  }
0xc2: {  	(tm) =	ssettm $0x7FFFFFFF  }
0xc3: {  	_ =	shalt  }
tec
execute0_lowered:
.L_overlay_start_1:
0x0: {  	(tag) =	ssettag $0x1  }
0x1: {  	s6 =	rddreg [dreg:$0x0]  }
0x2: {  	s2 =	rddreg [dreg:$0x1]  }
0x3: {  	s0 =	rddreg [dreg:$0x2]  }
0x4: {  	s1 =	stileid.u32;
	s4 =	srdreg.scid;
	s3 =	simm.s32 $0x0  }
0x5: {  	s15 =	simm.s32 $0x60;
	s16 =	simm.s32 $0x4F80;
	s17 =	simm.s32 $0x1  }
0x6: {  	s18 =	simm.s32 $0x7F80;
	s19 =	simm.s32 $0x2;
	s20 =	simm.s32 $0x4F20  }
0x7: {  	s22 =	simm.s32 $0x2760;
	s23 =	simm.s32 $0x0;
	s9 =	smul.u32 $0x13880, s1  }
0x8: {  	s8 =	sand.u32 $0x1, s4;
	[smem:$0x7FF] =	sst s3;
	s7 =	smul.u32 $0x4F8, s1  }
0x9: {  	s4 =	sadd.s32 $0x101A00, s6;
	s13 =	sshll.u32 s1, $0x6;
	s5 =	smul.u32 $0x271000, s8  }
0xa: {  	_ =	strace $0x80000050;
	s11 =	ssub.s32 $0x2, s8;
	s21 =	sshll.u32 s8, $0x1  }
0xb: {  	s13 =	sor.u32 $0x1C03, s13;
	s12 =	sshrl.u32 s11, $0x1;
	s7 =	sadd.s32 s7, s6  }
0xc: {  	s14 =	sadd.s32 s9, s2;
	v0 =	vmov s21;
	s21 =	simm.s32 $0x2700;
	s10 =	sadd.s32 s9, s5  }
0xd: {  	s5 =	sadd.s32 $0x62E00, s6;
	s11 =	ssub.s32 s11, s12;
	s10 =	sshrl.u32 s10, $0x3  }
0xe: {  	s12 =	simm.s32 $0x27C0;
	s14 =	sshrl.u32 s14, $0x3;
	s10 =	sadd.s32 s10, s6  }
0xf: {  	s6 =	sadd.s32 $0x58E00, s7;
	s7 =	sadd.s32 $0x5DE00, s7;
	s8 =	sadd.s32 $0x19DE00, s10  }
0x10: {  	s9 =	sadd.s32 $0x1C4F00, s10;
	s10 =	smax.u32 s11, $0x1;
	s11 =	simm.s32 $0x3  }
.LBB2_1:
0x11: {  	[tilespmem:s3], [sflag:$0x3] =	stream.linear.gather [hbm4b:s6+s3], $0x27C0, $0x38;
	[tilespmem:$0x1EB80] =	vst v63  }
0x12: {  	_ =	swait.ge [sflag:s11], $0x27C0  }
0x13: {  	[sflag:s11] =	ssyncset.done $0x0  }
0x14: {  	[sflag:s11] =	ssyncadd.s32 $0xFFFFD840  }
0x15: {  	[tilespmem:s12], [sflag:$0x3] =	stream.linear.gather [hbm4b:s7+s3], $0x27C0, $0x38;
	[tilespmem:$0x1EB80] =	vst v63  }
0x16: {  	_ =	swait.ge [sflag:s11], $0x27C0  }
0x17: {  	[sflag:s11] =	ssyncset.done $0x0  }
0x18: {  	s24 =	simm.s32 $0x0;
	[sflag:s11] =	ssyncadd.s32 $0xFFFFD840  }
0x19: {  	v5 =	vld [tilespmem:s24+$0x27C0]  }
0x1a: {  	v4 =	vld [tilespmem:s24+$0x27D0]  }
0x1b: {  	v3 =	vld [tilespmem:s24+$0x27E0]  }
0x1c: {  	v2 =	vld [tilespmem:s24+$0x27F0]  }
0x1d: {  	s25 =	simm.s32 $0x180;
	v1 =	vld [tilespmem:s24+$0x2800]  }
.LBB2_2:
0x1e: {  	p0 =	sne.s32 s25, $0x9D80;
	v5 =	vshll.u32 v5, $0x2;
	v6 =	vld [tilespmem:s24+$0x2810]  }
0x1f: {  	v5 =	vor.u32 v0, v5;
	v4 =	vshll.u32 v4, $0x2  }
0x20: {  	s26 =	sshra.s32 s25, $0x2;
	[tilespmem:s24+$0x27C0] =	vst v5;
	v4 =	vor.u32 v0, v4;
	v3 =	vshll.u32 v3, $0x2  }
.Ltmp0:
0x21: {  	v5 =	vld [tilespmem:s26+$0x27C0];
	[tilespmem:s24+$0x27D0] =	vst v4;
	v3 =	vor.u32 v0, v3;
	v2 =	vshll.u32 v2, $0x2;
	(pc) =	sbr.rel @p0 .LBB2_2-.Ltmp0, $4  }
0x22: {  	v4 =	vld [tilespmem:s26+$0x27D0];
	[tilespmem:s24+$0x27E0] =	vst v3;
	v2 =	vor.u32 v0, v2;
	v1 =	vshll.u32 v1, $0x2  }
0x23: {  	v3 =	vld [tilespmem:s26+$0x27E0];
	[tilespmem:s24+$0x27F0] =	vst v2;
	v1 =	vor.u32 v0, v1;
	v6 =	vshll.u32 v6, $0x2  }
0x24: {  	v2 =	vld [tilespmem:s26+$0x27F0];
	[tilespmem:s24+$0x2800] =	vst v1;
	v6 =	vor.u32 v0, v6  }
0x25: {  	s25 =	sadd.s32 $0x180, s25;
	v1 =	vld [tilespmem:s26+$0x2800];
	[tilespmem:s24+$0x2810] =	vst v6;
	s24 =	smov.u32 s26  }
0x26: {  	v5 =	vshll.u32 v5, $0x2;
	v6 =	vld [tilespmem:s24+$0x2810]  }
0x27: {  	v5 =	vor.u32 v0, v5;
	v4 =	vshll.u32 v4, $0x2  }
0x28: {  	[tilespmem:s24+$0x27C0] =	vst v5;
	v4 =	vor.u32 v0, v4;
	v3 =	vshll.u32 v3, $0x2  }
0x29: {  	[tilespmem:s24+$0x27D0] =	vst v4;
	v3 =	vor.u32 v0, v3;
	v2 =	vshll.u32 v2, $0x2  }
0x2a: {  	[tilespmem:s24+$0x27E0] =	vst v3;
	v2 =	vor.u32 v0, v2;
	v1 =	vshll.u32 v1, $0x2  }
0x2b: {  	[tilespmem:s24+$0x27F0] =	vst v2;
	v1 =	vor.u32 v0, v1;
	v2 =	vshll.u32 v6, $0x2  }
0x2c: {  	[tilespmem:s24+$0x2800] =	vst v1;
	v1 =	vor.u32 v0, v2  }
0x2d: {  	[tilespmem:s24+$0x2810] =	vst v1  }
0x2e: {  	[spmem:s14], [sflag:s13] =	dma.local [hbm:s5], $0x2710  }
0x2f: {  	_ =	swait.ge [sflag:s11], $0x2710  }
0x30: {  	[sflag:s11] =	ssyncset.done $0x0  }
0x31: {  	[sflag:s11] =	ssyncadd.s32 $0xFFFFD8F0  }
0x32: {  	[bflag:$0x0] =	sbarrier.arrive $0xFFFF  }
0x33: {  	[tilespmem:s16], [sflag:$0x1] =	stream.indirect.gather [hbm4b:s4+s15], $0x80, s12, s15, $0xb8;
	[tilespmem:$0x1EB80] =	vst v63  }
0x34: {  	_ =	swait.ge [sflag:s17], $0x3000  }
0x35: {  	[sflag:s17] =	ssyncset.done $0x0  }
0x36: {  	s28 =	simm.s32 $0x2820;
	[sflag:s17] =	ssyncadd.s32 $0xFFFFD000  }
0x37: {  	[tilespmem:s18], [sflag:$0x2] =	stream.indirect.gather [hbm4b:s4+s15], $0x80, s28, s15, $0xb8;
	[tilespmem:$0x1EB80] =	vst v63  }
0x38: {  	s29 =	simm.s32 $0x0  }
0x39: {  	[spmem:s2] =	stream.indirect.scatter.add.f32 [tilespmem:s16], [sflag:$0x3], $0x80, s29, s15, $0xb8;
	[tilespmem:$0x1EB80] =	vst v63  }
0x3a: {  	_ =	swait.ge [sflag:s11], $0x3000  }
0x3b: {  	[sflag:s11] =	ssyncset.done $0x0  }
0x3c: {  	[sflag:s11] =	ssyncadd.s32 $0xFFFFD000  }
0x3d: {  	_ =	swait.ge [sflag:s19], $0x3000  }
0x3e: {  	[sflag:s19] =	ssyncset.done $0x0  }
0x3f: {  	s30 =	simm.s32 $0x2880;
	[sflag:s19] =	ssyncadd.s32 $0xFFFFD000  }
0x40: {  	[tilespmem:s16], [sflag:$0x1] =	stream.indirect.gather [hbm4b:s4+s15], $0x80, s30, s15, $0xb8;
	[tilespmem:$0x1EB80] =	vst v63  }
0x41: {  	s31 =	simm.s32 $0x60  }
0x42: {  	[spmem:s2] =	stream.indirect.scatter.add.f32 [tilespmem:s18], [sflag:$0x3], $0x80, s31, s15, $0xb8;
	[tilespmem:$0x1EB80] =	vst v63  }
0x43: {  	_ =	swait.ge [sflag:s11], $0x3000  }
0x44: {  	s24 =	simm.s32 $0x300;
	[sflag:s11] =	ssyncset.done $0x0  }
.LBB2_4:
0x45: {  	p0 =	sne.s32 s24, $0x9900  }
0x46: {  	[sflag:s11] =	ssyncadd.s32 $0xFFFFD000;
	s25 =	smov.u32 s24;
	s24 =	sadd.s32 $0x300, s24  }
0x47: {  	_ = 	snop  }
0x48: {  	_ =	swait.ge [sflag:s17], $0x3000  }
0x49: {  	s25 =	sshra.s32 s25, $0x2;
	[sflag:s17] =	ssyncset.done $0x0  }
0x4a: {  	s26 =	sadd.s32 $0x2820, s25;
	[sflag:s17] =	ssyncadd.s32 $0xFFFFD000  }
0x4b: {  	[tilespmem:s18], [sflag:$0x2] =	stream.indirect.gather [hbm4b:s4+s15], $0x80, s26, s15, $0xb8;
	[tilespmem:$0x1EB80] =	vst v63  }
0x4c: {  	_ = 	snop  }
0x4d: {  	[spmem:s2] =	stream.indirect.scatter.add.f32 [tilespmem:s16], [sflag:$0x3], $0x80, s25, s15, $0xb8;
	[tilespmem:$0x1EB80] =	vst v63  }
0x4e: {  	_ =	swait.ge [sflag:s11], $0x3000  }
0x4f: {  	[sflag:s11] =	ssyncset.done $0x0  }
0x50: {  	[sflag:s11] =	ssyncadd.s32 $0xFFFFD000  }
0x51: {  	_ =	swait.ge [sflag:s19], $0x3000  }
0x52: {  	[sflag:s19] =	ssyncset.done $0x0  }
0x53: {  	s26 =	sadd.s32 $0x2880, s25;
	[sflag:s19] =	ssyncadd.s32 $0xFFFFD000  }
0x54: {  	[tilespmem:s16], [sflag:$0x1] =	stream.indirect.gather [hbm4b:s4+s15], $0x80, s26, s15, $0xb8;
	[tilespmem:$0x1EB80] =	vst v63  }
.Ltmp1:
0x55: {  	_ = 	snop;
	(pc) =	sbr.rel @p0 .LBB2_4-.Ltmp1, $4  }
0x56: {  	s25 =	sadd.s32 $0x60, s25  }
0x57: {  	[spmem:s2] =	stream.indirect.scatter.add.f32 [tilespmem:s18], [sflag:$0x3], $0x80, s25, s15, $0xb8;
	[tilespmem:$0x1EB80] =	vst v63  }
0x58: {  	_ =	swait.ge [sflag:s11], $0x3000  }
0x59: {  	[sflag:s11] =	ssyncset.done $0x0  }
0x5a: {  	[sflag:s11] =	ssyncadd.s32 $0xFFFFD000  }
0x5b: {  	_ =	swait.ge [sflag:s17], $0x3000  }
0x5c: {  	[sflag:s17] =	ssyncset.done $0x0  }
0x5d: {  	[sflag:s17] =	ssyncadd.s32 $0xFFFFD000  }
0x5e: {  	[tilespmem:s18], [sflag:$0x2] =	stream.indirect.gather [hbm4b:s4+s15], $0x80, s20, s15, $0xb8;
	[tilespmem:$0x1EB80] =	vst v63  }
0x5f: {  	_ = 	snop  }
0x60: {  	[spmem:s2] =	stream.indirect.scatter.add.f32 [tilespmem:s16], [sflag:$0x3], $0x80, s21, s15, $0xb8;
	[tilespmem:$0x1EB80] =	vst v63  }
0x61: {  	_ =	swait.ge [sflag:s11], $0x3000  }
0x62: {  	[sflag:s11] =	ssyncset.done $0x0  }
0x63: {  	[sflag:s11] =	ssyncadd.s32 $0xFFFFD000  }
0x64: {  	_ =	swait.ge [sflag:s19], $0x3000  }
0x65: {  	[sflag:s19] =	ssyncset.done $0x0  }
0x66: {  	[sflag:s19] =	ssyncadd.s32 $0xFFFFD000  }
0x67: {  	[spmem:s2] =	stream.indirect.scatter.add.f32 [tilespmem:s18], [sflag:$0x3], $0x80, s22, s15, $0xb8;
	[tilespmem:$0x1EB80] =	vst v63  }
0x68: {  	_ =	swait.ge [sflag:s11], $0x3000  }
0x69: {  	[sflag:s11] =	ssyncset.done $0x0  }
0x6a: {  	[sflag:s11] =	ssyncadd.s32 $0xFFFFD000  }
0x6b: {  	[bflag:$0x0] =	sbarrier.arrive $0xFFFF  }
0x6c: {  	[hbm:s8], [sflag:s13] =	dma.local [spmem:s14], $0x2710  }
0x6d: {  	_ =	swait.ge [sflag:s11], $0x2710  }
0x6e: {  	[sflag:s11] =	ssyncset.done $0x0  }
0x6f: {  	s24 =	simm.s32 $0x0;
	[sflag:s11] =	ssyncadd.s32 $0xFFFFD8F0  }
0x70: {  	v5 =	vld [tilespmem:s24+$0x27C0]  }
0x71: {  	v4 =	vld [tilespmem:s24+$0x27D0]  }
0x72: {  	v3 =	vld [tilespmem:s24+$0x27E0]  }
0x73: {  	v2 =	vld [tilespmem:s24+$0x27F0]  }
0x74: {  	s25 =	simm.s32 $0x180;
	v1 =	vld [tilespmem:s24+$0x2800]  }
.LBB2_6:
0x75: {  	p0 =	sne.s32 s25, $0x9D80;
	v5 =	vadd.s32 $0x1, v5;
	v6 =	vld [tilespmem:s24+$0x2810]  }
0x76: {  	s26 =	sshra.s32 s25, $0x2;
	[tilespmem:s24+$0x27C0] =	vst v5;
	v4 =	vadd.s32 $0x1, v4  }
.Ltmp2:
0x77: {  	v5 =	vld [tilespmem:s26+$0x27C0];
	[tilespmem:s24+$0x27D0] =	vst v4;
	v3 =	vadd.s32 $0x1, v3;
	(pc) =	sbr.rel @p0 .LBB2_6-.Ltmp2, $4  }
0x78: {  	v4 =	vld [tilespmem:s26+$0x27D0];
	[tilespmem:s24+$0x27E0] =	vst v3;
	v2 =	vadd.s32 $0x1, v2  }
0x79: {  	v3 =	vld [tilespmem:s26+$0x27E0];
	[tilespmem:s24+$0x27F0] =	vst v2;
	v1 =	vadd.s32 $0x1, v1  }
0x7a: {  	v2 =	vld [tilespmem:s26+$0x27F0];
	[tilespmem:s24+$0x2800] =	vst v1;
	v6 =	vadd.s32 $0x1, v6  }
0x7b: {  	s25 =	sadd.s32 $0x180, s25;
	v1 =	vld [tilespmem:s26+$0x2800];
	[tilespmem:s24+$0x2810] =	vst v6;
	s24 =	smov.u32 s26  }
0x7c: {  	v5 =	vadd.s32 $0x1, v5;
	v6 =	vld [tilespmem:s24+$0x2810]  }
0x7d: {  	[tilespmem:s24+$0x27C0] =	vst v5;
	v4 =	vadd.s32 $0x1, v4  }
0x7e: {  	[tilespmem:s24+$0x27D0] =	vst v4;
	v3 =	vadd.s32 $0x1, v3  }
0x7f: {  	[tilespmem:s24+$0x27E0] =	vst v3;
	v2 =	vadd.s32 $0x1, v2  }
0x80: {  	[tilespmem:s24+$0x27F0] =	vst v2;
	v1 =	vadd.s32 $0x1, v1  }
0x81: {  	[tilespmem:s24+$0x2800] =	vst v1;
	v1 =	vadd.s32 $0x1, v6  }
0x82: {  	[tilespmem:s24+$0x2810] =	vst v1  }
0x83: {  	[spmem:s14], [sflag:s13] =	dma.local [hbm:s5], $0x2710  }
0x84: {  	_ =	swait.ge [sflag:s11], $0x2710  }
0x85: {  	[sflag:s11] =	ssyncset.done $0x0  }
0x86: {  	[sflag:s11] =	ssyncadd.s32 $0xFFFFD8F0  }
0x87: {  	[bflag:$0x0] =	sbarrier.arrive $0xFFFF  }
0x88: {  	[tilespmem:s16], [sflag:$0x1] =	stream.indirect.gather [hbm4b:s4+s15], $0x80, s12, s15, $0xb8;
	[tilespmem:$0x1EB80] =	vst v63  }
0x89: {  	_ =	swait.ge [sflag:s17], $0x3000  }
0x8a: {  	[sflag:s17] =	ssyncset.done $0x0  }
0x8b: {  	s28 =	simm.s32 $0x2820;
	[sflag:s17] =	ssyncadd.s32 $0xFFFFD000  }
0x8c: {  	[tilespmem:s18], [sflag:$0x2] =	stream.indirect.gather [hbm4b:s4+s15], $0x80, s28, s15, $0xb8;
	[tilespmem:$0x1EB80] =	vst v63  }
0x8d: {  	s29 =	simm.s32 $0x0  }
0x8e: {  	[spmem:s2] =	stream.indirect.scatter.add.f32 [tilespmem:s16], [sflag:$0x3], $0x80, s29, s15, $0xb8;
	[tilespmem:$0x1EB80] =	vst v63  }
0x8f: {  	_ =	swait.ge [sflag:s11], $0x3000  }
0x90: {  	[sflag:s11] =	ssyncset.done $0x0  }
0x91: {  	[sflag:s11] =	ssyncadd.s32 $0xFFFFD000  }
0x92: {  	_ =	swait.ge [sflag:s19], $0x3000  }
0x93: {  	[sflag:s19] =	ssyncset.done $0x0  }
0x94: {  	s30 =	simm.s32 $0x2880;
	[sflag:s19] =	ssyncadd.s32 $0xFFFFD000  }
0x95: {  	[tilespmem:s16], [sflag:$0x1] =	stream.indirect.gather [hbm4b:s4+s15], $0x80, s30, s15, $0xb8;
	[tilespmem:$0x1EB80] =	vst v63  }
0x96: {  	s31 =	simm.s32 $0x60  }
0x97: {  	[spmem:s2] =	stream.indirect.scatter.add.f32 [tilespmem:s18], [sflag:$0x3], $0x80, s31, s15, $0xb8;
	[tilespmem:$0x1EB80] =	vst v63  }
0x98: {  	_ =	swait.ge [sflag:s11], $0x3000  }
0x99: {  	s24 =	simm.s32 $0x300;
	[sflag:s11] =	ssyncset.done $0x0  }
.LBB2_8:
0x9a: {  	p0 =	sne.s32 s24, $0x9900  }
0x9b: {  	[sflag:s11] =	ssyncadd.s32 $0xFFFFD000;
	s25 =	smov.u32 s24;
	s24 =	sadd.s32 $0x300, s24  }
0x9c: {  	_ = 	snop  }
0x9d: {  	_ =	swait.ge [sflag:s17], $0x3000  }
0x9e: {  	s25 =	sshra.s32 s25, $0x2;
	[sflag:s17] =	ssyncset.done $0x0  }
0x9f: {  	s26 =	sadd.s32 $0x2820, s25;
	[sflag:s17] =	ssyncadd.s32 $0xFFFFD000  }
0xa0: {  	[tilespmem:s18], [sflag:$0x2] =	stream.indirect.gather [hbm4b:s4+s15], $0x80, s26, s15, $0xb8;
	[tilespmem:$0x1EB80] =	vst v63  }
0xa1: {  	_ = 	snop  }
0xa2: {  	[spmem:s2] =	stream.indirect.scatter.add.f32 [tilespmem:s16], [sflag:$0x3], $0x80, s25, s15, $0xb8;
	[tilespmem:$0x1EB80] =	vst v63  }
0xa3: {  	_ =	swait.ge [sflag:s11], $0x3000  }
0xa4: {  	[sflag:s11] =	ssyncset.done $0x0  }
0xa5: {  	[sflag:s11] =	ssyncadd.s32 $0xFFFFD000  }
0xa6: {  	_ =	swait.ge [sflag:s19], $0x3000  }
0xa7: {  	[sflag:s19] =	ssyncset.done $0x0  }
0xa8: {  	s26 =	sadd.s32 $0x2880, s25;
	[sflag:s19] =	ssyncadd.s32 $0xFFFFD000  }
0xa9: {  	[tilespmem:s16], [sflag:$0x1] =	stream.indirect.gather [hbm4b:s4+s15], $0x80, s26, s15, $0xb8;
	[tilespmem:$0x1EB80] =	vst v63  }
.Ltmp3:
0xaa: {  	_ = 	snop;
	(pc) =	sbr.rel @p0 .LBB2_8-.Ltmp3, $4  }
0xab: {  	s25 =	sadd.s32 $0x60, s25  }
0xac: {  	[spmem:s2] =	stream.indirect.scatter.add.f32 [tilespmem:s18], [sflag:$0x3], $0x80, s25, s15, $0xb8;
	[tilespmem:$0x1EB80] =	vst v63  }
0xad: {  	_ =	swait.ge [sflag:s11], $0x3000  }
0xae: {  	[sflag:s11] =	ssyncset.done $0x0  }
0xaf: {  	[sflag:s11] =	ssyncadd.s32 $0xFFFFD000  }
0xb0: {  	_ =	swait.ge [sflag:s17], $0x3000  }
0xb1: {  	[sflag:s17] =	ssyncset.done $0x0  }
0xb2: {  	[sflag:s17] =	ssyncadd.s32 $0xFFFFD000  }
0xb3: {  	[tilespmem:s18], [sflag:$0x2] =	stream.indirect.gather [hbm4b:s4+s15], $0x80, s20, s15, $0xb8;
	[tilespmem:$0x1EB80] =	vst v63  }
0xb4: {  	_ = 	snop  }
0xb5: {  	[spmem:s2] =	stream.indirect.scatter.add.f32 [tilespmem:s16], [sflag:$0x3], $0x80, s21, s15, $0xb8;
	[tilespmem:$0x1EB80] =	vst v63  }
0xb6: {  	_ =	swait.ge [sflag:s11], $0x3000  }
0xb7: {  	[sflag:s11] =	ssyncset.done $0x0  }
0xb8: {  	[sflag:s11] =	ssyncadd.s32 $0xFFFFD000  }
0xb9: {  	_ =	swait.ge [sflag:s19], $0x3000  }
0xba: {  	[sflag:s19] =	ssyncset.done $0x0  }
0xbb: {  	[sflag:s19] =	ssyncadd.s32 $0xFFFFD000  }
0xbc: {  	[spmem:s2] =	stream.indirect.scatter.add.f32 [tilespmem:s18], [sflag:$0x3], $0x80, s22, s15, $0xb8;
	[tilespmem:$0x1EB80] =	vst v63  }
0xbd: {  	_ =	swait.ge [sflag:s11], $0x3000  }
0xbe: {  	s23 =	sadd.s32 $0x1, s23;
	[sflag:s11] =	ssyncset.done $0x0  }
0xbf: {  	p0 =	sne.s32 s23, s10;
	[sflag:s11] =	ssyncadd.s32 $0xFFFFD000  }
.Ltmp4:
0xc0: {  	[bflag:$0x0] =	sbarrier.arrive $0xFFFF;
	(pc) =	sbr.rel @p0 .LBB2_1-.Ltmp4, $4  }
0xc1: {  	[hbm:s9], [sflag:s13] =	dma.local [spmem:s14], $0x2710  }
0xc2: {  	_ =	swait.ge [sflag:s11], $0x2710  }
0xc3: {  	[sflag:s11] =	ssyncset.done $0x0  }
0xc4: {  	[sflag:s11] =	ssyncadd.s32 $0xFFFFD8F0  }
0xc5: {  	_ =	sfence.sel $0x180000  }
0xc6: {  	[bflag:$0x0] =	sbarrier.arrive $0xFFFF  }
0xc7: {  	p0 =	sne.s32 s1, $0x0;
	_ =	strace $0x90000050  }
0xc8: {  	s0 =	sadd.s32 @!p0 $0x100000, s0;
	[bflag:$0x2] =	sbarrier.arrive $0xFFFF  }
0xc9: {  	[sflag:s0] =	ssyncadd.tile.s32 @!p0 $0x1;
	_ =	shalt  }
.Lfunc_end2:
_tile_overlayer_lowered:
.L_overlay_start_2:
0xca: {  	(tag) =	ssettag $0x2  }
0xcb: {  	s0 =	rddreg [dreg:$0x0];
	s2 =	stileid.u32  }
0xcc: {  	s1 =	rddreg [dreg:$0x1];
	p0 =	sne.s32 s2, $0x0  }
0xcd: {  	s3 =	rddreg [dreg:$0x2];
	[bflag:$0x3] =	sbarrier.arrive $0xFFFF;
	s2 =	simm.s32 @!p0 $0x1C03  }
0xce: {  	[timem:s3], [sflag:s2] =	dma.local @!p0 [hbm:s0], s1  }
0xcf: {  	s0 =	simm.s32 @!p0 $0x3  }
0xd0: {  	_ =	swait.ge @!p0 [sflag:s0], s1  }
0xd1: {  	s1 =	ssub.s32 @!p0 $0x0, s1;
	[sflag:s0] =	ssyncset.done @!p0 $0x0  }
0xd2: {  	[sflag:s0] =	ssyncadd.s32 @!p0 s1  }
0xd3: {  	[bflag:$0x3] =	sbarrier.arrive $0xFFFF  }
0xd4: {  	_ =	shalt  }

</sc_bundles>
